<compile_context>
chip_gen: v7x
topology: tpu7x:2x2x1
jax: 0.10.2.dev20260603
libtpu: 0.0.44.dev20260713+nightly
codegen_flags: <defaults>
</compile_context>

<pallas_src>
import functools

import jax
import jax.numpy as jnp
from jax import lax
from jax.experimental import pallas as pl
from jax.experimental.pallas import tpu as pltpu
from jax.experimental.pallas import tpu_sc as plsc

N = 10000
E = 320000
D_IN = 128
HEAD = 32

NUM_SC = 2
TILES = 16
CHUNK = 512
NCHUNKS = E // CHUNK
NOPS = 39
NBUF = 4
NMAIN = 36
N_PAD = 10240
RPT = N_PAD // TILES

BN = 1000


def _sc_scatter_body(z0t, z1t, adj0r, adj1r, out, srcg, dstg, rows, acc,
                     gs0, gs1, gs2, gs3, ss0, ss1, ss2, ss3):
    gsems = [gs0, gs1, gs2, gs3]
    ssems = [ss0, ss1, ss2, ss3]
    cid = lax.axis_index("c")
    sid = lax.axis_index("s")

    zvec = jnp.zeros((16,), jnp.float32)

    def _memset(r, carry):
        rows[0, r, pl.ds(0, 16)] = zvec
        rows[0, r, pl.ds(16, 16)] = zvec
        return carry

    lax.fori_loop(0, CHUNK, _memset, 0, unroll=False)
    pltpu.sync_copy(rows.at[0, pl.ds(0, CHUNK)],
                    acc.at[pl.ds(sid * RPT, CHUNK)])
    pltpu.sync_copy(rows.at[0, pl.ds(0, RPT - CHUNK)],
                    acc.at[pl.ds(sid * RPT + CHUNK, RPT - CHUNK)])

    def stage(adjr):
        pltpu.sync_copy(adjr.at[0, pl.ds(sid * NOPS, NOPS)],
                        srcg.at[pl.ds(0, NOPS)])
        pltpu.sync_copy(adjr.at[1, pl.ds(sid * NOPS, NOPS)],
                        dstg.at[pl.ds(0, NOPS)])

        @pl.when(sid == 0)
        def _():
            pltpu.sync_copy(adjr.at[0, pl.ds(NCHUNKS - 1, 1)],
                            srcg.at[pl.ds(NOPS, 1)])
            pltpu.sync_copy(adjr.at[1, pl.ds(NCHUNKS - 1, 1)],
                            dstg.at[pl.ds(NOPS, 1)])

    @pl.when(cid == 0)
    def _():
        stage(adj0r)

    @pl.when(cid == 1)
    def _():
        stage(adj1r)

    plsc.subcore_barrier()

    def pipeline(ztab):
        def gather_start(k, b):
            pltpu.async_copy(ztab.at[srcg.at[k]], rows.at[b], gsems[b])

        def gather_wait(k, b):
            pltpu.make_async_copy(ztab.at[srcg.at[k]], rows.at[b],
                                  gsems[b]).wait()

        def scatter_start(k, b):
            pltpu.async_copy(rows.at[b], acc.at[dstg.at[k]], ssems[b],
                             add=True)

        def scatter_wait(k, b):
            pltpu.make_async_copy(rows.at[b], acc.at[dstg.at[k]],
                                  ssems[b]).wait()

        for b in range(NBUF):
            gather_start(b, b)

        def body(i, carry):
            k = i * NBUF
            for b in range(NBUF):
                gather_wait(k + b, b)
                scatter_start(k + b, b)
            for b in range(NBUF):
                @pl.when(k + b + NBUF < NOPS)
                def _():
                    scatter_wait(k + b, b)
                    gather_start(k + b + NBUF, b)
            return carry

        lax.fori_loop(0, NMAIN // NBUF, body, 0, unroll=False)
        for b in range(NOPS - NMAIN):
            gather_wait(NMAIN + b, b)
            scatter_start(NMAIN + b, b)
        scatter_wait(NMAIN - 1, NBUF - 1)
        for b in range(NOPS - NMAIN):
            scatter_wait(NMAIN + b, b)

        @pl.when(sid == 0)
        def _():
            gather_start(NOPS, NBUF - 1)
            gather_wait(NOPS, NBUF - 1)
            scatter_start(NOPS, NBUF - 1)
            scatter_wait(NOPS, NBUF - 1)

    @pl.when(cid == 0)
    def _():
        pipeline(z0t)

    @pl.when(cid == 1)
    def _():
        pipeline(z1t)

    plsc.subcore_barrier()

    pltpu.sync_copy(acc.at[pl.ds(sid * RPT, RPT)],
                    out.at[pl.ds(cid * N_PAD + sid * RPT, RPT)])


_sc_scatter = functools.partial(
    pl.kernel,
    out_type=jax.ShapeDtypeStruct((NUM_SC * N_PAD, HEAD), jnp.float32),
    mesh=plsc.VectorSubcoreMesh(core_axis_name="c", subcore_axis_name="s"),
    scratch_types=[
        pltpu.VMEM((NOPS + 1, CHUNK), jnp.int32),
        pltpu.VMEM((NOPS + 1, CHUNK), jnp.int32),
        pltpu.VMEM((NBUF, CHUNK, HEAD), jnp.float32),
        pltpu.VMEM_SHARED((N_PAD, HEAD), jnp.float32),
        pltpu.SemaphoreType.DMA,
        pltpu.SemaphoreType.DMA,
        pltpu.SemaphoreType.DMA,
        pltpu.SemaphoreType.DMA,
        pltpu.SemaphoreType.DMA,
        pltpu.SemaphoreType.DMA,
        pltpu.SemaphoreType.DMA,
        pltpu.SemaphoreType.DMA,
    ],
    compiler_params=pltpu.CompilerParams(use_tc_tiling_on_sc=False),
)(_sc_scatter_body)


def _mm_in_body(x_ref, w_ref, o0_ref, o1_ref):
    z = jnp.dot(x_ref[...], w_ref[...], preferred_element_type=jnp.float32)
    o0_ref[...] = z[:, :HEAD]
    o1_ref[...] = z[:, HEAD:]


def _layer0_matmul(x, wcat):
    return pl.pallas_call(
        _mm_in_body,
        grid=(N // BN,),
        in_specs=[
            pl.BlockSpec((BN, D_IN), lambda i: (i, 0)),
            pl.BlockSpec((D_IN, 2 * HEAD), lambda i: (0, 0)),
        ],
        out_specs=[
            pl.BlockSpec((BN, HEAD), lambda i: (i, 0)),
            pl.BlockSpec((BN, HEAD), lambda i: (i, 0)),
        ],
        out_shape=[
            jax.ShapeDtypeStruct((N_PAD, HEAD), jnp.float32),
            jax.ShapeDtypeStruct((N_PAD, HEAD), jnp.float32),
        ],
    )(x, wcat)


def _mid_body(agg_ref, b0_ref, b1_ref, w0_ref, w1_ref, h_ref, z0_ref,
              z1_ref):
    h0 = jax.nn.relu(agg_ref[0] + b0_ref[...])
    h1 = jax.nn.relu(agg_ref[1] + b1_ref[...])
    hb = jnp.concatenate([h0, h1], axis=1)
    h_ref[...] = hb
    z0_ref[...] = jnp.dot(hb, w0_ref[...], preferred_element_type=jnp.float32)
    z1_ref[...] = jnp.dot(hb, w1_ref[...], preferred_element_type=jnp.float32)


def _layer_mid(agg, b00, b01, W10, W11):
    return pl.pallas_call(
        _mid_body,
        grid=(N // BN,),
        in_specs=[
            pl.BlockSpec((2, BN, HEAD), lambda i: (0, i, 0)),
            pl.BlockSpec((1, HEAD), lambda i: (0, 0)),
            pl.BlockSpec((1, HEAD), lambda i: (0, 0)),
            pl.BlockSpec((2 * HEAD, HEAD), lambda i: (0, 0)),
            pl.BlockSpec((2 * HEAD, HEAD), lambda i: (0, 0)),
        ],
        out_specs=[
            pl.BlockSpec((BN, 2 * HEAD), lambda i: (i, 0)),
            pl.BlockSpec((BN, HEAD), lambda i: (i, 0)),
            pl.BlockSpec((BN, HEAD), lambda i: (i, 0)),
        ],
        out_shape=[
            jax.ShapeDtypeStruct((N, 2 * HEAD), jnp.float32),
            jax.ShapeDtypeStruct((N_PAD, HEAD), jnp.float32),
            jax.ShapeDtypeStruct((N_PAD, HEAD), jnp.float32),
        ],
    )(agg, b00, b01, W10, W11)


def _final_body(agg_ref, h1_ref, b0_ref, b1_ref, o_ref):
    h0 = jax.nn.relu(agg_ref[0] + b0_ref[...])
    h1 = jax.nn.relu(agg_ref[1] + b1_ref[...])
    o_ref[...] = jnp.concatenate([h1_ref[...], h0, h1], axis=1)


def _layer_final(agg, h1, b10, b11):
    return pl.pallas_call(
        _final_body,
        grid=(N // BN,),
        in_specs=[
            pl.BlockSpec((2, BN, HEAD), lambda i: (0, i, 0)),
            pl.BlockSpec((BN, 2 * HEAD), lambda i: (i, 0)),
            pl.BlockSpec((1, HEAD), lambda i: (0, 0)),
            pl.BlockSpec((1, HEAD), lambda i: (0, 0)),
        ],
        out_specs=pl.BlockSpec((BN, 4 * HEAD), lambda i: (i, 0)),
        out_shape=jax.ShapeDtypeStruct((N, 4 * HEAD), jnp.float32),
    )(agg, h1, b10, b11)


def kernel(x, adj0, adj1, W00, b00, W01, b01, W10, b10, W11, b11):
    adj0r = adj0.reshape(2, NCHUNKS, CHUNK)
    adj1r = adj1.reshape(2, NCHUNKS, CHUNK)

    z00, z01 = _layer0_matmul(x, jnp.concatenate([W00, W01], axis=1))
    agg0 = _sc_scatter(z00, z01, adj0r, adj1r)
    h1, z10, z11 = _layer_mid(agg0.reshape(NUM_SC, N_PAD, HEAD),
                              b00.reshape(1, HEAD), b01.reshape(1, HEAD),
                              W10, W11)
    agg1 = _sc_scatter(z10, z11, adj0r, adj1r)
    return _layer_final(agg1.reshape(NUM_SC, N_PAD, HEAD), h1,
                        b10.reshape(1, HEAD), b11.reshape(1, HEAD))

# --- scband reference (transcript-rebuilt; emitter-appended) ---
"""Pipeline reference for scband-graph-nn-56959856279568 (READ-ONLY COPY).

The authoritative reference and input builder live on the scoring server;
editing this copy changes nothing except your own understanding.
"""

import jax, jax.numpy as jnp
import numpy as np
from jax.ops import segment_sum

N = 10000
E = 320000
D_IN = 128
HEAD = 32          # out_size=128, enhance -> 128//num_layers=64 per layer; //num_graphs=2 -> 32 per head
NUM_LAYERS = 2
NUM_GRAPHS = 2
LAYER_IN = [128, 64]  # layer0 in_size, layer1 in = num_graphs*HEAD = 64


def setup_inputs(seed: int = 0) -> dict:
    key = jax.random.key(seed)
    ks = jax.random.split(key, 16)
    x = jax.random.normal(ks[0], (N, D_IN), dtype=jnp.float32)
    adj0 = jax.random.randint(ks[1], (2, E), 0, N, dtype=jnp.int32)
    adj1 = jax.random.randint(ks[2], (2, E), 0, N, dtype=jnp.int32)
    params = {}
    k = 3
    for i in range(NUM_LAYERS):
        fan_in = LAYER_IN[i]
        for j in range(NUM_GRAPHS):
            params[f"W{i}{j}"] = jax.random.normal(ks[k], (fan_in, HEAD), dtype=jnp.float32) * (1.0 / np.sqrt(fan_in)); k += 1
            params[f"b{i}{j}"] = jnp.zeros((HEAD,), dtype=jnp.float32)
    out = {"x": x, "adj0": adj0, "adj1": adj1}
    out.update(params)
    return out


def _gcn_block(h, edge_index, W, b):
    # message passing: gather source features, scatter-add into destination nodes, then linear
    src = edge_index[0]
    dst = edge_index[1]
    msgs = jnp.take(h, src, axis=0)              # gather [E, d]
    agg = segment_sum(msgs, dst, num_segments=N) # scatter-add [N, d]
    return agg @ W + b


def reference(x, adj0, adj1, W00, b00, W01, b01, W10, b10, W11, b11):
    adjs = (adj0, adj1)
    Ws = [[W00, W01], [W10, W11]]
    bs = [[b00, b01], [b10, b11]]
    res = []
    h = x
    for i in range(NUM_LAYERS):
        outs = [jax.nn.relu(_gcn_block(h, adjs[j], Ws[i][j], bs[i][j])) for j in range(NUM_GRAPHS)]
        # dropout p=0.0 (eval) -> identity
        h = jnp.concatenate(outs, axis=-1)
        res.append(h)
    # enhance=True -> concat all layer outputs
    return jnp.concatenate(res, axis=-1)

if __name__ == "__main__":
    import jax
    _d = setup_inputs()
    print(jax.jit(kernel)(*tuple(_d.values())))

</pallas_src>

<mosaic_0001>
#map = affine_map<(d0, d1) -> (0, 0)>
#map1 = affine_map<(d0, d1) -> (0, 0, 0)>
module attributes {stable_mosaic.version = 14 : i64} {
  func.func @_sc_scatter_body(%arg0: i32, %arg1: i32, %arg2: memref<10240x32xf32, #tpu.memory_space<hbm>>, %arg3: memref<10240x32xf32, #tpu.memory_space<hbm>>, %arg4: memref<2x625x512xi32, #tpu.memory_space<hbm>>, %arg5: memref<2x625x512xi32, #tpu.memory_space<hbm>>, %arg6: memref<20480x32xf32, #tpu.memory_space<hbm>>, %arg7: memref<40x512xi32, #tpu.memory_space<vmem>>, %arg8: memref<40x512xi32, #tpu.memory_space<vmem>>, %arg9: memref<4x512x32xf32, #tpu.memory_space<vmem>>, %arg10: memref<10240x32xf32, #tpu.memory_space<vmem_shared>>, %arg11: memref<!tpu.dma_semaphore, #tpu.memory_space<semaphore_mem>>, %arg12: memref<!tpu.dma_semaphore, #tpu.memory_space<semaphore_mem>>, %arg13: memref<!tpu.dma_semaphore, #tpu.memory_space<semaphore_mem>>, %arg14: memref<!tpu.dma_semaphore, #tpu.memory_space<semaphore_mem>>, %arg15: memref<!tpu.dma_semaphore, #tpu.memory_space<semaphore_mem>>, %arg16: memref<!tpu.dma_semaphore, #tpu.memory_space<semaphore_mem>>, %arg17: memref<!tpu.dma_semaphore, #tpu.memory_space<semaphore_mem>>, %arg18: memref<!tpu.dma_semaphore, #tpu.memory_space<semaphore_mem>>) attributes {dimension_semantics = [#tpu.dimension_semantics<core_parallel>, #tpu.dimension_semantics<subcore_parallel>], iteration_bounds = array<i64: 2, 16>, scalar_prefetch = 0 : i64, scratch_operands = 12 : i64, tpu.core_type = #tpu.core_type<sc_vector_subcore>, window_params = [{transform_indices = #map}, {transform_indices = #map}, {transform_indices = #map1}, {transform_indices = #map1}, {transform_indices = #map}]} {
    %broadcast_in_dim3A = arith.constant 0.000000e+00 : f32
    %broadcast_in_dim3A_0 = vector.broadcast %broadcast_in_dim3A : f32 to vector<16xf32>
    %scan3A = arith.constant 0 : i32
    %scan3A_1 = arith.constant 0 : i32
    %scan3A_2 = arith.constant 512 : i32
    %scan3A_3 = arith.addi %scan3A_1, %scan3A_2 : i32
    %scan3A_4 = arith.constant 1 : i32
    scf.for %scan3A_36 = %scan3A_1 to %scan3A_3 step %scan3A_4  : i32 {
      %swap3A = arith.constant 0 : i32
      %swap3A_37 = arith.index_cast %swap3A : i32 to index
      %swap3A_38 = arith.index_cast %scan3A_36 : i32 to index
      %swap3A_39 = arith.constant 0 : index
      %swap3A_40 = tpu.vector_load %arg9[%swap3A_37, %swap3A_38, %swap3A_39] {strides = array<i32>} : memref<4x512x32xf32, #tpu.memory_space<vmem>>, vector<1x1x16xf32>,
      %swap3A_41 = vector.shape_cast %swap3A_40 : vector<1x1x16xf32> to vector<16xf32>
      %swap3A_42 = vector.shape_cast %broadcast_in_dim3A_0 : vector<16xf32> to vector<1x1x16xf32>
      tpu.vector_store %arg9[%swap3A_37, %swap3A_38, %swap3A_39], %swap3A_42 {strides = array<i32>} : memref<4x512x32xf32, #tpu.memory_space<vmem>>, vector<1x1x16xf32>,
      %swap3A_43 = arith.constant 0 : i32
      %swap3A_44 = arith.index_cast %swap3A_43 : i32 to index
      %swap3A_45 = arith.index_cast %scan3A_36 : i32 to index
      %swap3A_46 = arith.constant 16 : index
      %swap3A_47 = tpu.vector_load %arg9[%swap3A_44, %swap3A_45, %swap3A_46] {strides = array<i32>} : memref<4x512x32xf32, #tpu.memory_space<vmem>>, vector<1x1x16xf32>,
      %swap3A_48 = vector.shape_cast %swap3A_47 : vector<1x1x16xf32> to vector<16xf32>
      %swap3A_49 = vector.shape_cast %broadcast_in_dim3A_0 : vector<16xf32> to vector<1x1x16xf32>
      tpu.vector_store %arg9[%swap3A_44, %swap3A_45, %swap3A_46], %swap3A_49 {strides = array<i32>} : memref<4x512x32xf32, #tpu.memory_space<vmem>>, vector<1x1x16xf32>,
    }
    %scan3A_5 = arith.constant 512 : i32
    %mul3A = arith.constant 640 : i32
    %mul3A_6 = arith.muli %arg1, %mul3A : i32
    %run_scoped3A = arith.constant 0 : i32
    "tpu.region"() ({
      %run_scoped3A_36 = tpu.sem_alloc : memref<!tpu.dma_semaphore, #tpu.memory_space<semaphore_mem>>
      %dma_start3A = arith.constant 0 : i32
      %dma_start3A_37 = arith.constant 0 : i32
      %dma_start3A_38 = tpu.memref_slice %arg9[%run_scoped3A, %dma_start3A, %dma_start3A_37] : memref<4x512x32xf32, #tpu.memory_space<vmem>> -> memref<1x512x32xf32, #tpu.memory_space<vmem>>
      %dma_start3A_39 = tpu.memref_squeeze %dma_start3A_38 : memref<1x512x32xf32, #tpu.memory_space<vmem>> -> memref<512x32xf32, #tpu.memory_space<vmem>>
      %dma_start3A_40 = arith.constant 0 : i32
      %dma_start3A_41 = tpu.memref_slice %arg10[%mul3A_6, %dma_start3A_40] : memref<10240x32xf32, #tpu.memory_space<vmem_shared>> -> memref<512x32xf32, #tpu.memory_space<vmem_shared>>
      %dma_start3A_42 = arith.constant 0 : i32
      %dma_start3A_43 = tpu.memref_slice %arg10[%mul3A_6, %dma_start3A_42] : memref<10240x32xf32, #tpu.memory_space<vmem_shared>> -> memref<512x32xf32, #tpu.memory_space<vmem_shared>>
      %dma_start3A_44 = arith.constant 0 : i32
      %dma_start3A_45 = arith.constant 0 : i32
      %dma_start3A_46 = tpu.memref_slice %arg9[%run_scoped3A, %dma_start3A_44, %dma_start3A_45] : memref<4x512x32xf32, #tpu.memory_space<vmem>> -> memref<1x512x32xf32, #tpu.memory_space<vmem>>
      %dma_start3A_47 = tpu.memref_squeeze %dma_start3A_46 : memref<1x512x32xf32, #tpu.memory_space<vmem>> -> memref<512x32xf32, #tpu.memory_space<vmem>>
      tpu.enqueue_dma source(%dma_start3A_47 : memref<512x32xf32, #tpu.memory_space<vmem>>) target(%dma_start3A_43 : memref<512x32xf32, #tpu.memory_space<vmem_shared>>) target_semaphore(%run_scoped3A_36 : memref<!tpu.dma_semaphore, #tpu.memory_space<semaphore_mem>>)
      %dma_wait3A = arith.constant 0 : i32
      %dma_wait3A_48 = arith.constant 0 : i32
      %dma_wait3A_49 = tpu.memref_slice %arg9[%run_scoped3A, %dma_wait3A, %dma_wait3A_48] : memref<4x512x32xf32, #tpu.memory_space<vmem>> -> memref<1x512x32xf32, #tpu.memory_space<vmem>>
      %dma_wait3A_50 = tpu.memref_squeeze %dma_wait3A_49 : memref<1x512x32xf32, #tpu.memory_space<vmem>> -> memref<512x32xf32, #tpu.memory_space<vmem>>
      %dma_wait3A_51 = arith.constant 0 : i32
      %dma_wait3A_52 = tpu.memref_slice %arg10[%mul3A_6, %dma_wait3A_51] : memref<10240x32xf32, #tpu.memory_space<vmem_shared>> -> memref<512x32xf32, #tpu.memory_space<vmem_shared>>
      %dma_wait3A_53 = arith.constant 0 : i32
      %dma_wait3A_54 = tpu.memref_slice %arg10[%mul3A_6, %dma_wait3A_53] : memref<10240x32xf32, #tpu.memory_space<vmem_shared>> -> memref<512x32xf32, #tpu.memory_space<vmem_shared>>
      %dma_wait3A_55 = arith.constant 0 : i32
      %dma_wait3A_56 = arith.constant 0 : i32
      %dma_wait3A_57 = tpu.memref_slice %arg9[%run_scoped3A, %dma_wait3A_55, %dma_wait3A_56] : memref<4x512x32xf32, #tpu.memory_space<vmem>> -> memref<1x512x32xf32, #tpu.memory_space<vmem>>
      %dma_wait3A_58 = tpu.memref_squeeze %dma_wait3A_57 : memref<1x512x32xf32, #tpu.memory_space<vmem>> -> memref<512x32xf32, #tpu.memory_space<vmem>>
      tpu.wait_dma2 semaphore(%run_scoped3A_36 : memref<!tpu.dma_semaphore, #tpu.memory_space<semaphore_mem>>) src(%dma_wait3A_58 : memref<512x32xf32, #tpu.memory_space<vmem>>) dst(%dma_wait3A_54 : memref<512x32xf32, #tpu.memory_space<vmem_shared>>)
      tpu.yield
    }) : () -> ()
    %mul3A_7 = arith.constant 640 : i32
    %mul3A_8 = arith.muli %arg1, %mul3A_7 : i32
    %add3A = arith.constant 512 : i32
    %add3A_9 = arith.addi %mul3A_8, %add3A : i32
    %run_scoped3A_10 = arith.constant 0 : i32
    "tpu.region"() ({
      %run_scoped3A_36 = tpu.sem_alloc : memref<!tpu.dma_semaphore, #tpu.memory_space<semaphore_mem>>
      %dma_start3A = arith.constant 0 : i32
      %dma_start3A_37 = arith.constant 0 : i32
      %dma_start3A_38 = tpu.memref_slice %arg9[%run_scoped3A_10, %dma_start3A, %dma_start3A_37] : memref<4x512x32xf32, #tpu.memory_space<vmem>> -> memref<1x128x32xf32, #tpu.memory_space<vmem>>
      %dma_start3A_39 = tpu.memref_squeeze %dma_start3A_38 : memref<1x128x32xf32, #tpu.memory_space<vmem>> -> memref<128x32xf32, #tpu.memory_space<vmem>>
      %dma_start3A_40 = arith.constant 0 : i32
      %dma_start3A_41 = tpu.memref_slice %arg10[%add3A_9, %dma_start3A_40] : memref<10240x32xf32, #tpu.memory_space<vmem_shared>> -> memref<128x32xf32, #tpu.memory_space<vmem_shared>>
      %dma_start3A_42 = arith.constant 0 : i32
      %dma_start3A_43 = tpu.memref_slice %arg10[%add3A_9, %dma_start3A_42] : memref<10240x32xf32, #tpu.memory_space<vmem_shared>> -> memref<128x32xf32, #tpu.memory_space<vmem_shared>>
      %dma_start3A_44 = arith.constant 0 : i32
      %dma_start3A_45 = arith.constant 0 : i32
      %dma_start3A_46 = tpu.memref_slice %arg9[%run_scoped3A_10, %dma_start3A_44, %dma_start3A_45] : memref<4x512x32xf32, #tpu.memory_space<vmem>> -> memref<1x128x32xf32, #tpu.memory_space<vmem>>
      %dma_start3A_47 = tpu.memref_squeeze %dma_start3A_46 : memref<1x128x32xf32, #tpu.memory_space<vmem>> -> memref<128x32xf32, #tpu.memory_space<vmem>>
      tpu.enqueue_dma source(%dma_start3A_47 : memref<128x32xf32, #tpu.memory_space<vmem>>) target(%dma_start3A_43 : memref<128x32xf32, #tpu.memory_space<vmem_shared>>) target_semaphore(%run_scoped3A_36 : memref<!tpu.dma_semaphore, #tpu.memory_space<semaphore_mem>>)
      %dma_wait3A = arith.constant 0 : i32
      %dma_wait3A_48 = arith.constant 0 : i32
      %dma_wait3A_49 = tpu.memref_slice %arg9[%run_scoped3A_10, %dma_wait3A, %dma_wait3A_48] : memref<4x512x32xf32, #tpu.memory_space<vmem>> -> memref<1x128x32xf32, #tpu.memory_space<vmem>>
      %dma_wait3A_50 = tpu.memref_squeeze %dma_wait3A_49 : memref<1x128x32xf32, #tpu.memory_space<vmem>> -> memref<128x32xf32, #tpu.memory_space<vmem>>
      %dma_wait3A_51 = arith.constant 0 : i32
      %dma_wait3A_52 = tpu.memref_slice %arg10[%add3A_9, %dma_wait3A_51] : memref<10240x32xf32, #tpu.memory_space<vmem_shared>> -> memref<128x32xf32, #tpu.memory_space<vmem_shared>>
      %dma_wait3A_53 = arith.constant 0 : i32
      %dma_wait3A_54 = tpu.memref_slice %arg10[%add3A_9, %dma_wait3A_53] : memref<10240x32xf32, #tpu.memory_space<vmem_shared>> -> memref<128x32xf32, #tpu.memory_space<vmem_shared>>
      %dma_wait3A_55 = arith.constant 0 : i32
      %dma_wait3A_56 = arith.constant 0 : i32
      %dma_wait3A_57 = tpu.memref_slice %arg9[%run_scoped3A_10, %dma_wait3A_55, %dma_wait3A_56] : memref<4x512x32xf32, #tpu.memory_space<vmem>> -> memref<1x128x32xf32, #tpu.memory_space<vmem>>
      %dma_wait3A_58 = tpu.memref_squeeze %dma_wait3A_57 : memref<1x128x32xf32, #tpu.memory_space<vmem>> -> memref<128x32xf32, #tpu.memory_space<vmem>>
      tpu.wait_dma2 semaphore(%run_scoped3A_36 : memref<!tpu.dma_semaphore, #tpu.memory_space<semaphore_mem>>) src(%dma_wait3A_58 : memref<128x32xf32, #tpu.memory_space<vmem>>) dst(%dma_wait3A_54 : memref<128x32xf32, #tpu.memory_space<vmem_shared>>)
      tpu.yield
    }) : () -> ()
    %eq3A = arith.constant 0 : i32
    %eq3A_11 = arith.cmpi eq, %arg0, %eq3A : i32
    %convert_element_type3A = arith.extui %eq3A_11 : i1 to i32
    %cond3A = arith.constant 0 : i32
    %cond3A_12 = arith.cmpi ne, %convert_element_type3A, %cond3A : i32
    scf.if %cond3A_12 {
      %mul3A_36 = arith.constant 39 : i32
      %mul3A_37 = arith.muli %arg1, %mul3A_36 : i32
      %run_scoped3A_38 = arith.constant 0 : i32
      "tpu.region"() ({
        %run_scoped3A_47 = tpu.sem_alloc : memref<!tpu.dma_semaphore, #tpu.memory_space<semaphore_mem>>
        %dma_start3A = arith.constant 0 : i32
        %dma_start3A_48 = arith.constant 0 : i32
        %dma_start3A_49 = tpu.memref_slice %arg7[%dma_start3A, %dma_start3A_48] : memref<40x512xi32, #tpu.memory_space<vmem>> -> memref<39x512xi32, #tpu.memory_space<vmem>>
        %dma_start3A_50 = arith.constant 0 : i32
        %dma_start3A_51 = tpu.memref_slice %arg4[%run_scoped3A_38, %mul3A_37, %dma_start3A_50] : memref<2x625x512xi32, #tpu.memory_space<hbm>> -> memref<1x39x512xi32, #tpu.memory_space<hbm>>
        %dma_start3A_52 = tpu.memref_squeeze %dma_start3A_51 : memref<1x39x512xi32, #tpu.memory_space<hbm>> -> memref<39x512xi32, #tpu.memory_space<hbm>>
        %dma_start3A_53 = arith.constant 0 : i32
        %dma_start3A_54 = arith.constant 0 : i32
        %dma_start3A_55 = tpu.memref_slice %arg7[%dma_start3A_53, %dma_start3A_54] : memref<40x512xi32, #tpu.memory_space<vmem>> -> memref<39x512xi32, #tpu.memory_space<vmem>>
        %dma_start3A_56 = arith.constant 0 : i32
        %dma_start3A_57 = tpu.memref_slice %arg4[%run_scoped3A_38, %mul3A_37, %dma_start3A_56] : memref<2x625x512xi32, #tpu.memory_space<hbm>> -> memref<1x39x512xi32, #tpu.memory_space<hbm>>
        %dma_start3A_58 = tpu.memref_squeeze %dma_start3A_57 : memref<1x39x512xi32, #tpu.memory_space<hbm>> -> memref<39x512xi32, #tpu.memory_space<hbm>>
        tpu.enqueue_dma source(%dma_start3A_58 : memref<39x512xi32, #tpu.memory_space<hbm>>) target(%dma_start3A_55 : memref<39x512xi32, #tpu.memory_space<vmem>>) target_semaphore(%run_scoped3A_47 : memref<!tpu.dma_semaphore, #tpu.memory_space<semaphore_mem>>)
        %dma_wait3A = arith.constant 0 : i32
        %dma_wait3A_59 = arith.constant 0 : i32
        %dma_wait3A_60 = tpu.memref_slice %arg7[%dma_wait3A, %dma_wait3A_59] : memref<40x512xi32, #tpu.memory_space<vmem>> -> memref<39x512xi32, #tpu.memory_space<vmem>>
        %dma_wait3A_61 = arith.constant 0 : i32
        %dma_wait3A_62 = tpu.memref_slice %arg4[%run_scoped3A_38, %mul3A_37, %dma_wait3A_61] : memref<2x625x512xi32, #tpu.memory_space<hbm>> -> memref<1x39x512xi32, #tpu.memory_space<hbm>>
        %dma_wait3A_63 = tpu.memref_squeeze %dma_wait3A_62 : memref<1x39x512xi32, #tpu.memory_space<hbm>> -> memref<39x512xi32, #tpu.memory_space<hbm>>
        %dma_wait3A_64 = arith.constant 0 : i32
        %dma_wait3A_65 = arith.constant 0 : i32
        %dma_wait3A_66 = tpu.memref_slice %arg7[%dma_wait3A_64, %dma_wait3A_65] : memref<40x512xi32, #tpu.memory_space<vmem>> -> memref<39x512xi32, #tpu.memory_space<vmem>>
        %dma_wait3A_67 = arith.constant 0 : i32
        %dma_wait3A_68 = tpu.memref_slice %arg4[%run_scoped3A_38, %mul3A_37, %dma_wait3A_67] : memref<2x625x512xi32, #tpu.memory_space<hbm>> -> memref<1x39x512xi32, #tpu.memory_space<hbm>>
        %dma_wait3A_69 = tpu.memref_squeeze %dma_wait3A_68 : memref<1x39x512xi32, #tpu.memory_space<hbm>> -> memref<39x512xi32, #tpu.memory_space<hbm>>
        tpu.wait_dma2 semaphore(%run_scoped3A_47 : memref<!tpu.dma_semaphore, #tpu.memory_space<semaphore_mem>>) src(%dma_wait3A_69 : memref<39x512xi32, #tpu.memory_space<hbm>>) dst(%dma_wait3A_66 : memref<39x512xi32, #tpu.memory_space<vmem>>)
        tpu.yield
      }) : () -> ()
      %mul3A_39 = arith.constant 39 : i32
      %mul3A_40 = arith.muli %arg1, %mul3A_39 : i32
      %run_scoped3A_41 = arith.constant 1 : i32
      "tpu.region"() ({
        %run_scoped3A_47 = tpu.sem_alloc : memref<!tpu.dma_semaphore, #tpu.memory_space<semaphore_mem>>
        %dma_start3A = arith.constant 0 : i32
        %dma_start3A_48 = arith.constant 0 : i32
        %dma_start3A_49 = tpu.memref_slice %arg8[%dma_start3A, %dma_start3A_48] : memref<40x512xi32, #tpu.memory_space<vmem>> -> memref<39x512xi32, #tpu.memory_space<vmem>>
        %dma_start3A_50 = arith.constant 0 : i32
        %dma_start3A_51 = tpu.memref_slice %arg4[%run_scoped3A_41, %mul3A_40, %dma_start3A_50] : memref<2x625x512xi32, #tpu.memory_space<hbm>> -> memref<1x39x512xi32, #tpu.memory_space<hbm>>
        %dma_start3A_52 = tpu.memref_squeeze %dma_start3A_51 : memref<1x39x512xi32, #tpu.memory_space<hbm>> -> memref<39x512xi32, #tpu.memory_space<hbm>>
        %dma_start3A_53 = arith.constant 0 : i32
        %dma_start3A_54 = arith.constant 0 : i32
        %dma_start3A_55 = tpu.memref_slice %arg8[%dma_start3A_53, %dma_start3A_54] : memref<40x512xi32, #tpu.memory_space<vmem>> -> memref<39x512xi32, #tpu.memory_space<vmem>>
        %dma_start3A_56 = arith.constant 0 : i32
        %dma_start3A_57 = tpu.memref_slice %arg4[%run_scoped3A_41, %mul3A_40, %dma_start3A_56] : memref<2x625x512xi32, #tpu.memory_space<hbm>> -> memref<1x39x512xi32, #tpu.memory_space<hbm>>
        %dma_start3A_58 = tpu.memref_squeeze %dma_start3A_57 : memref<1x39x512xi32, #tpu.memory_space<hbm>> -> memref<39x512xi32, #tpu.memory_space<hbm>>
        tpu.enqueue_dma source(%dma_start3A_58 : memref<39x512xi32, #tpu.memory_space<hbm>>) target(%dma_start3A_55 : memref<39x512xi32, #tpu.memory_space<vmem>>) target_semaphore(%run_scoped3A_47 : memref<!tpu.dma_semaphore, #tpu.memory_space<semaphore_mem>>)
        %dma_wait3A = arith.constant 0 : i32
        %dma_wait3A_59 = arith.constant 0 : i32
        %dma_wait3A_60 = tpu.memref_slice %arg8[%dma_wait3A, %dma_wait3A_59] : memref<40x512xi32, #tpu.memory_space<vmem>> -> memref<39x512xi32, #tpu.memory_space<vmem>>
        %dma_wait3A_61 = arith.constant 0 : i32
        %dma_wait3A_62 = tpu.memref_slice %arg4[%run_scoped3A_41, %mul3A_40, %dma_wait3A_61] : memref<2x625x512xi32, #tpu.memory_space<hbm>> -> memref<1x39x512xi32, #tpu.memory_space<hbm>>
        %dma_wait3A_63 = tpu.memref_squeeze %dma_wait3A_62 : memref<1x39x512xi32, #tpu.memory_space<hbm>> -> memref<39x512xi32, #tpu.memory_space<hbm>>
        %dma_wait3A_64 = arith.constant 0 : i32
        %dma_wait3A_65 = arith.constant 0 : i32
        %dma_wait3A_66 = tpu.memref_slice %arg8[%dma_wait3A_64, %dma_wait3A_65] : memref<40x512xi32, #tpu.memory_space<vmem>> -> memref<39x512xi32, #tpu.memory_space<vmem>>
        %dma_wait3A_67 = arith.constant 0 : i32
        %dma_wait3A_68 = tpu.memref_slice %arg4[%run_scoped3A_41, %mul3A_40, %dma_wait3A_67] : memref<2x625x512xi32, #tpu.memory_space<hbm>> -> memref<1x39x512xi32, #tpu.memory_space<hbm>>
        %dma_wait3A_69 = tpu.memref_squeeze %dma_wait3A_68 : memref<1x39x512xi32, #tpu.memory_space<hbm>> -> memref<39x512xi32, #tpu.memory_space<hbm>>
        tpu.wait_dma2 semaphore(%run_scoped3A_47 : memref<!tpu.dma_semaphore, #tpu.memory_space<semaphore_mem>>) src(%dma_wait3A_69 : memref<39x512xi32, #tpu.memory_space<hbm>>) dst(%dma_wait3A_66 : memref<39x512xi32, #tpu.memory_space<vmem>>)
        tpu.yield
      }) : () -> ()
      %eq3A_42 = arith.constant 0 : i32
      %eq3A_43 = arith.cmpi eq, %arg1, %eq3A_42 : i32
      %convert_element_type3A_44 = arith.extui %eq3A_43 : i1 to i32
      %cond3A_45 = arith.constant 0 : i32
      %cond3A_46 = arith.cmpi ne, %convert_element_type3A_44, %cond3A_45 : i32
      scf.if %cond3A_46 {
        %run_scoped3A_47 = arith.constant 0 : i32
        "tpu.region"() ({
          %run_scoped3A_49 = tpu.sem_alloc : memref<!tpu.dma_semaphore, #tpu.memory_space<semaphore_mem>>
          %dma_start3A = arith.constant 39 : i32
          %dma_start3A_50 = arith.constant 0 : i32
          %dma_start3A_51 = tpu.memref_slice %arg7[%dma_start3A, %dma_start3A_50] : memref<40x512xi32, #tpu.memory_space<vmem>> -> memref<1x512xi32, #tpu.memory_space<vmem>>
          %dma_start3A_52 = arith.constant 624 : i32
          %dma_start3A_53 = arith.constant 0 : i32
          %dma_start3A_54 = tpu.memref_slice %arg4[%run_scoped3A_47, %dma_start3A_52, %dma_start3A_53] : memref<2x625x512xi32, #tpu.memory_space<hbm>> -> memref<1x1x512xi32, #tpu.memory_space<hbm>>
          %dma_start3A_55 = tpu.memref_squeeze %dma_start3A_54 : memref<1x1x512xi32, #tpu.memory_space<hbm>> -> memref<1x512xi32, #tpu.memory_space<hbm>>
          %dma_start3A_56 = arith.constant 39 : i32
          %dma_start3A_57 = arith.constant 0 : i32
          %dma_start3A_58 = tpu.memref_slice %arg7[%dma_start3A_56, %dma_start3A_57] : memref<40x512xi32, #tpu.memory_space<vmem>> -> memref<1x512xi32, #tpu.memory_space<vmem>>
          %dma_start3A_59 = arith.constant 624 : i32
          %dma_start3A_60 = arith.constant 0 : i32
          %dma_start3A_61 = tpu.memref_slice %arg4[%run_scoped3A_47, %dma_start3A_59, %dma_start3A_60] : memref<2x625x512xi32, #tpu.memory_space<hbm>> -> memref<1x1x512xi32, #tpu.memory_space<hbm>>
          %dma_start3A_62 = tpu.memref_squeeze %dma_start3A_61 : memref<1x1x512xi32, #tpu.memory_space<hbm>> -> memref<1x512xi32, #tpu.memory_space<hbm>>
          tpu.enqueue_dma source(%dma_start3A_62 : memref<1x512xi32, #tpu.memory_space<hbm>>) target(%dma_start3A_58 : memref<1x512xi32, #tpu.memory_space<vmem>>) target_semaphore(%run_scoped3A_49 : memref<!tpu.dma_semaphore, #tpu.memory_space<semaphore_mem>>)
          %dma_wait3A = arith.constant 39 : i32
          %dma_wait3A_63 = arith.constant 0 : i32
          %dma_wait3A_64 = tpu.memref_slice %arg7[%dma_wait3A, %dma_wait3A_63] : memref<40x512xi32, #tpu.memory_space<vmem>> -> memref<1x512xi32, #tpu.memory_space<vmem>>
          %dma_wait3A_65 = arith.constant 624 : i32
          %dma_wait3A_66 = arith.constant 0 : i32
          %dma_wait3A_67 = tpu.memref_slice %arg4[%run_scoped3A_47, %dma_wait3A_65, %dma_wait3A_66] : memref<2x625x512xi32, #tpu.memory_space<hbm>> -> memref<1x1x512xi32, #tpu.memory_space<hbm>>
          %dma_wait3A_68 = tpu.memref_squeeze %dma_wait3A_67 : memref<1x1x512xi32, #tpu.memory_space<hbm>> -> memref<1x512xi32, #tpu.memory_space<hbm>>
          %dma_wait3A_69 = arith.constant 39 : i32
          %dma_wait3A_70 = arith.constant 0 : i32
          %dma_wait3A_71 = tpu.memref_slice %arg7[%dma_wait3A_69, %dma_wait3A_70] : memref<40x512xi32, #tpu.memory_space<vmem>> -> memref<1x512xi32, #tpu.memory_space<vmem>>
          %dma_wait3A_72 = arith.constant 624 : i32
          %dma_wait3A_73 = arith.constant 0 : i32
          %dma_wait3A_74 = tpu.memref_slice %arg4[%run_scoped3A_47, %dma_wait3A_72, %dma_wait3A_73] : memref<2x625x512xi32, #tpu.memory_space<hbm>> -> memref<1x1x512xi32, #tpu.memory_space<hbm>>
          %dma_wait3A_75 = tpu.memref_squeeze %dma_wait3A_74 : memref<1x1x512xi32, #tpu.memory_space<hbm>> -> memref<1x512xi32, #tpu.memory_space<hbm>>
          tpu.wait_dma2 semaphore(%run_scoped3A_49 : memref<!tpu.dma_semaphore, #tpu.memory_space<semaphore_mem>>) src(%dma_wait3A_75 : memref<1x512xi32, #tpu.memory_space<hbm>>) dst(%dma_wait3A_71 : memref<1x512xi32, #tpu.memory_space<vmem>>)
          tpu.yield
        }) : () -> ()
        %run_scoped3A_48 = arith.constant 1 : i32
        "tpu.region"() ({
          %run_scoped3A_49 = tpu.sem_alloc : memref<!tpu.dma_semaphore, #tpu.memory_space<semaphore_mem>>
          %dma_start3A = arith.constant 39 : i32
          %dma_start3A_50 = arith.constant 0 : i32
          %dma_start3A_51 = tpu.memref_slice %arg8[%dma_start3A, %dma_start3A_50] : memref<40x512xi32, #tpu.memory_space<vmem>> -> memref<1x512xi32, #tpu.memory_space<vmem>>
          %dma_start3A_52 = arith.constant 624 : i32
          %dma_start3A_53 = arith.constant 0 : i32
          %dma_start3A_54 = tpu.memref_slice %arg4[%run_scoped3A_48, %dma_start3A_52, %dma_start3A_53] : memref<2x625x512xi32, #tpu.memory_space<hbm>> -> memref<1x1x512xi32, #tpu.memory_space<hbm>>
          %dma_start3A_55 = tpu.memref_squeeze %dma_start3A_54 : memref<1x1x512xi32, #tpu.memory_space<hbm>> -> memref<1x512xi32, #tpu.memory_space<hbm>>
          %dma_start3A_56 = arith.constant 39 : i32
          %dma_start3A_57 = arith.constant 0 : i32
          %dma_start3A_58 = tpu.memref_slice %arg8[%dma_start3A_56, %dma_start3A_57] : memref<40x512xi32, #tpu.memory_space<vmem>> -> memref<1x512xi32, #tpu.memory_space<vmem>>
          %dma_start3A_59 = arith.constant 624 : i32
          %dma_start3A_60 = arith.constant 0 : i32
          %dma_start3A_61 = tpu.memref_slice %arg4[%run_scoped3A_48, %dma_start3A_59, %dma_start3A_60] : memref<2x625x512xi32, #tpu.memory_space<hbm>> -> memref<1x1x512xi32, #tpu.memory_space<hbm>>
          %dma_start3A_62 = tpu.memref_squeeze %dma_start3A_61 : memref<1x1x512xi32, #tpu.memory_space<hbm>> -> memref<1x512xi32, #tpu.memory_space<hbm>>
          tpu.enqueue_dma source(%dma_start3A_62 : memref<1x512xi32, #tpu.memory_space<hbm>>) target(%dma_start3A_58 : memref<1x512xi32, #tpu.memory_space<vmem>>) target_semaphore(%run_scoped3A_49 : memref<!tpu.dma_semaphore, #tpu.memory_space<semaphore_mem>>)
          %dma_wait3A = arith.constant 39 : i32
          %dma_wait3A_63 = arith.constant 0 : i32
          %dma_wait3A_64 = tpu.memref_slice %arg8[%dma_wait3A, %dma_wait3A_63] : memref<40x512xi32, #tpu.memory_space<vmem>> -> memref<1x512xi32, #tpu.memory_space<vmem>>
          %dma_wait3A_65 = arith.constant 624 : i32
          %dma_wait3A_66 = arith.constant 0 : i32
          %dma_wait3A_67 = tpu.memref_slice %arg4[%run_scoped3A_48, %dma_wait3A_65, %dma_wait3A_66] : memref<2x625x512xi32, #tpu.memory_space<hbm>> -> memref<1x1x512xi32, #tpu.memory_space<hbm>>
          %dma_wait3A_68 = tpu.memref_squeeze %dma_wait3A_67 : memref<1x1x512xi32, #tpu.memory_space<hbm>> -> memref<1x512xi32, #tpu.memory_space<hbm>>
          %dma_wait3A_69 = arith.constant 39 : i32
          %dma_wait3A_70 = arith.constant 0 : i32
          %dma_wait3A_71 = tpu.memref_slice %arg8[%dma_wait3A_69, %dma_wait3A_70] : memref<40x512xi32, #tpu.memory_space<vmem>> -> memref<1x512xi32, #tpu.memory_space<vmem>>
          %dma_wait3A_72 = arith.constant 624 : i32
          %dma_wait3A_73 = arith.constant 0 : i32
          %dma_wait3A_74 = tpu.memref_slice %arg4[%run_scoped3A_48, %dma_wait3A_72, %dma_wait3A_73] : memref<2x625x512xi32, #tpu.memory_space<hbm>> -> memref<1x1x512xi32, #tpu.memory_space<hbm>>
          %dma_wait3A_75 = tpu.memref_squeeze %dma_wait3A_74 : memref<1x1x512xi32, #tpu.memory_space<hbm>> -> memref<1x512xi32, #tpu.memory_space<hbm>>
          tpu.wait_dma2 semaphore(%run_scoped3A_49 : memref<!tpu.dma_semaphore, #tpu.memory_space<semaphore_mem>>) src(%dma_wait3A_75 : memref<1x512xi32, #tpu.memory_space<hbm>>) dst(%dma_wait3A_71 : memref<1x512xi32, #tpu.memory_space<vmem>>)
          tpu.yield
        }) : () -> ()
      } else {
      }
    } else {
    }
    %eq3A_13 = arith.constant 1 : i32
    %eq3A_14 = arith.cmpi eq, %arg0, %eq3A_13 : i32
    %convert_element_type3A_15 = arith.extui %eq3A_14 : i1 to i32
    %cond3A_16 = arith.constant 0 : i32
    %cond3A_17 = arith.cmpi ne, %convert_element_type3A_15, %cond3A_16 : i32
    scf.if %cond3A_17 {
      %mul3A_36 = arith.constant 39 : i32
      %mul3A_37 = arith.muli %arg1, %mul3A_36 : i32
      %run_scoped3A_38 = arith.constant 0 : i32
      "tpu.region"() ({
        %run_scoped3A_47 = tpu.sem_alloc : memref<!tpu.dma_semaphore, #tpu.memory_space<semaphore_mem>>
        %dma_start3A = arith.constant 0 : i32
        %dma_start3A_48 = arith.constant 0 : i32
        %dma_start3A_49 = tpu.memref_slice %arg7[%dma_start3A, %dma_start3A_48] : memref<40x512xi32, #tpu.memory_space<vmem>> -> memref<39x512xi32, #tpu.memory_space<vmem>>
        %dma_start3A_50 = arith.constant 0 : i32
        %dma_start3A_51 = tpu.memref_slice %arg5[%run_scoped3A_38, %mul3A_37, %dma_start3A_50] : memref<2x625x512xi32, #tpu.memory_space<hbm>> -> memref<1x39x512xi32, #tpu.memory_space<hbm>>
        %dma_start3A_52 = tpu.memref_squeeze %dma_start3A_51 : memref<1x39x512xi32, #tpu.memory_space<hbm>> -> memref<39x512xi32, #tpu.memory_space<hbm>>
        %dma_start3A_53 = arith.constant 0 : i32
        %dma_start3A_54 = arith.constant 0 : i32
        %dma_start3A_55 = tpu.memref_slice %arg7[%dma_start3A_53, %dma_start3A_54] : memref<40x512xi32, #tpu.memory_space<vmem>> -> memref<39x512xi32, #tpu.memory_space<vmem>>
        %dma_start3A_56 = arith.constant 0 : i32
        %dma_start3A_57 = tpu.memref_slice %arg5[%run_scoped3A_38, %mul3A_37, %dma_start3A_56] : memref<2x625x512xi32, #tpu.memory_space<hbm>> -> memref<1x39x512xi32, #tpu.memory_space<hbm>>
        %dma_start3A_58 = tpu.memref_squeeze %dma_start3A_57 : memref<1x39x512xi32, #tpu.memory_space<hbm>> -> memref<39x512xi32, #tpu.memory_space<hbm>>
        tpu.enqueue_dma source(%dma_start3A_58 : memref<39x512xi32, #tpu.memory_space<hbm>>) target(%dma_start3A_55 : memref<39x512xi32, #tpu.memory_space<vmem>>) target_semaphore(%run_scoped3A_47 : memref<!tpu.dma_semaphore, #tpu.memory_space<semaphore_mem>>)
        %dma_wait3A = arith.constant 0 : i32
        %dma_wait3A_59 = arith.constant 0 : i32
        %dma_wait3A_60 = tpu.memref_slice %arg7[%dma_wait3A, %dma_wait3A_59] : memref<40x512xi32, #tpu.memory_space<vmem>> -> memref<39x512xi32, #tpu.memory_space<vmem>>
        %dma_wait3A_61 = arith.constant 0 : i32
        %dma_wait3A_62 = tpu.memref_slice %arg5[%run_scoped3A_38, %mul3A_37, %dma_wait3A_61] : memref<2x625x512xi32, #tpu.memory_space<hbm>> -> memref<1x39x512xi32, #tpu.memory_space<hbm>>
        %dma_wait3A_63 = tpu.memref_squeeze %dma_wait3A_62 : memref<1x39x512xi32, #tpu.memory_space<hbm>> -> memref<39x512xi32, #tpu.memory_space<hbm>>
        %dma_wait3A_64 = arith.constant 0 : i32
        %dma_wait3A_65 = arith.constant 0 : i32
        %dma_wait3A_66 = tpu.memref_slice %arg7[%dma_wait3A_64, %dma_wait3A_65] : memref<40x512xi32, #tpu.memory_space<vmem>> -> memref<39x512xi32, #tpu.memory_space<vmem>>
        %dma_wait3A_67 = arith.constant 0 : i32
        %dma_wait3A_68 = tpu.memref_slice %arg5[%run_scoped3A_38, %mul3A_37, %dma_wait3A_67] : memref<2x625x512xi32, #tpu.memory_space<hbm>> -> memref<1x39x512xi32, #tpu.memory_space<hbm>>
        %dma_wait3A_69 = tpu.memref_squeeze %dma_wait3A_68 : memref<1x39x512xi32, #tpu.memory_space<hbm>> -> memref<39x512xi32, #tpu.memory_space<hbm>>
        tpu.wait_dma2 semaphore(%run_scoped3A_47 : memref<!tpu.dma_semaphore, #tpu.memory_space<semaphore_mem>>) src(%dma_wait3A_69 : memref<39x512xi32, #tpu.memory_space<hbm>>) dst(%dma_wait3A_66 : memref<39x512xi32, #tpu.memory_space<vmem>>)
        tpu.yield
      }) : () -> ()
      %mul3A_39 = arith.constant 39 : i32
      %mul3A_40 = arith.muli %arg1, %mul3A_39 : i32
      %run_scoped3A_41 = arith.constant 1 : i32
      "tpu.region"() ({
        %run_scoped3A_47 = tpu.sem_alloc : memref<!tpu.dma_semaphore, #tpu.memory_space<semaphore_mem>>
        %dma_start3A = arith.constant 0 : i32
        %dma_start3A_48 = arith.constant 0 : i32
        %dma_start3A_49 = tpu.memref_slice %arg8[%dma_start3A, %dma_start3A_48] : memref<40x512xi32, #tpu.memory_space<vmem>> -> memref<39x512xi32, #tpu.memory_space<vmem>>
        %dma_start3A_50 = arith.constant 0 : i32
        %dma_start3A_51 = tpu.memref_slice %arg5[%run_scoped3A_41, %mul3A_40, %dma_start3A_50] : memref<2x625x512xi32, #tpu.memory_space<hbm>> -> memref<1x39x512xi32, #tpu.memory_space<hbm>>
        %dma_start3A_52 = tpu.memref_squeeze %dma_start3A_51 : memref<1x39x512xi32, #tpu.memory_space<hbm>> -> memref<39x512xi32, #tpu.memory_space<hbm>>
        %dma_start3A_53 = arith.constant 0 : i32
        %dma_start3A_54 = arith.constant 0 : i32
        %dma_start3A_55 = tpu.memref_slice %arg8[%dma_start3A_53, %dma_start3A_54] : memref<40x512xi32, #tpu.memory_space<vmem>> -> memref<39x512xi32, #tpu.memory_space<vmem>>
        %dma_start3A_56 = arith.constant 0 : i32
        %dma_start3A_57 = tpu.memref_slice %arg5[%run_scoped3A_41, %mul3A_40, %dma_start3A_56] : memref<2x625x512xi32, #tpu.memory_space<hbm>> -> memref<1x39x512xi32, #tpu.memory_space<hbm>>
        %dma_start3A_58 = tpu.memref_squeeze %dma_start3A_57 : memref<1x39x512xi32, #tpu.memory_space<hbm>> -> memref<39x512xi32, #tpu.memory_space<hbm>>
        tpu.enqueue_dma source(%dma_start3A_58 : memref<39x512xi32, #tpu.memory_space<hbm>>) target(%dma_start3A_55 : memref<39x512xi32, #tpu.memory_space<vmem>>) target_semaphore(%run_scoped3A_47 : memref<!tpu.dma_semaphore, #tpu.memory_space<semaphore_mem>>)
        %dma_wait3A = arith.constant 0 : i32
        %dma_wait3A_59 = arith.constant 0 : i32
        %dma_wait3A_60 = tpu.memref_slice %arg8[%dma_wait3A, %dma_wait3A_59] : memref<40x512xi32, #tpu.memory_space<vmem>> -> memref<39x512xi32, #tpu.memory_space<vmem>>
        %dma_wait3A_61 = arith.constant 0 : i32
        %dma_wait3A_62 = tpu.memref_slice %arg5[%run_scoped3A_41, %mul3A_40, %dma_wait3A_61] : memref<2x625x512xi32, #tpu.memory_space<hbm>> -> memref<1x39x512xi32, #tpu.memory_space<hbm>>
        %dma_wait3A_63 = tpu.memref_squeeze %dma_wait3A_62 : memref<1x39x512xi32, #tpu.memory_space<hbm>> -> memref<39x512xi32, #tpu.memory_space<hbm>>
        %dma_wait3A_64 = arith.constant 0 : i32
        %dma_wait3A_65 = arith.constant 0 : i32
        %dma_wait3A_66 = tpu.memref_slice %arg8[%dma_wait3A_64, %dma_wait3A_65] : memref<40x512xi32, #tpu.memory_space<vmem>> -> memref<39x512xi32, #tpu.memory_space<vmem>>
        %dma_wait3A_67 = arith.constant 0 : i32
        %dma_wait3A_68 = tpu.memref_slice %arg5[%run_scoped3A_41, %mul3A_40, %dma_wait3A_67] : memref<2x625x512xi32, #tpu.memory_space<hbm>> -> memref<1x39x512xi32, #tpu.memory_space<hbm>>
        %dma_wait3A_69 = tpu.memref_squeeze %dma_wait3A_68 : memref<1x39x512xi32, #tpu.memory_space<hbm>> -> memref<39x512xi32, #tpu.memory_space<hbm>>
        tpu.wait_dma2 semaphore(%run_scoped3A_47 : memref<!tpu.dma_semaphore, #tpu.memory_space<semaphore_mem>>) src(%dma_wait3A_69 : memref<39x512xi32, #tpu.memory_space<hbm>>) dst(%dma_wait3A_66 : memref<39x512xi32, #tpu.memory_space<vmem>>)
        tpu.yield
      }) : () -> ()
      %eq3A_42 = arith.constant 0 : i32
      %eq3A_43 = arith.cmpi eq, %arg1, %eq3A_42 : i32
      %convert_element_type3A_44 = arith.extui %eq3A_43 : i1 to i32
      %cond3A_45 = arith.constant 0 : i32
      %cond3A_46 = arith.cmpi ne, %convert_element_type3A_44, %cond3A_45 : i32
      scf.if %cond3A_46 {
        %run_scoped3A_47 = arith.constant 0 : i32
        "tpu.region"() ({
          %run_scoped3A_49 = tpu.sem_alloc : memref<!tpu.dma_semaphore, #tpu.memory_space<semaphore_mem>>
          %dma_start3A = arith.constant 39 : i32
          %dma_start3A_50 = arith.constant 0 : i32
          %dma_start3A_51 = tpu.memref_slice %arg7[%dma_start3A, %dma_start3A_50] : memref<40x512xi32, #tpu.memory_space<vmem>> -> memref<1x512xi32, #tpu.memory_space<vmem>>
          %dma_start3A_52 = arith.constant 624 : i32
          %dma_start3A_53 = arith.constant 0 : i32
          %dma_start3A_54 = tpu.memref_slice %arg5[%run_scoped3A_47, %dma_start3A_52, %dma_start3A_53] : memref<2x625x512xi32, #tpu.memory_space<hbm>> -> memref<1x1x512xi32, #tpu.memory_space<hbm>>
          %dma_start3A_55 = tpu.memref_squeeze %dma_start3A_54 : memref<1x1x512xi32, #tpu.memory_space<hbm>> -> memref<1x512xi32, #tpu.memory_space<hbm>>
          %dma_start3A_56 = arith.constant 39 : i32
          %dma_start3A_57 = arith.constant 0 : i32
          %dma_start3A_58 = tpu.memref_slice %arg7[%dma_start3A_56, %dma_start3A_57] : memref<40x512xi32, #tpu.memory_space<vmem>> -> memref<1x512xi32, #tpu.memory_space<vmem>>
          %dma_start3A_59 = arith.constant 624 : i32
          %dma_start3A_60 = arith.constant 0 : i32
          %dma_start3A_61 = tpu.memref_slice %arg5[%run_scoped3A_47, %dma_start3A_59, %dma_start3A_60] : memref<2x625x512xi32, #tpu.memory_space<hbm>> -> memref<1x1x512xi32, #tpu.memory_space<hbm>>
          %dma_start3A_62 = tpu.memref_squeeze %dma_start3A_61 : memref<1x1x512xi32, #tpu.memory_space<hbm>> -> memref<1x512xi32, #tpu.memory_space<hbm>>
          tpu.enqueue_dma source(%dma_start3A_62 : memref<1x512xi32, #tpu.memory_space<hbm>>) target(%dma_start3A_58 : memref<1x512xi32, #tpu.memory_space<vmem>>) target_semaphore(%run_scoped3A_49 : memref<!tpu.dma_semaphore, #tpu.memory_space<semaphore_mem>>)
          %dma_wait3A = arith.constant 39 : i32
          %dma_wait3A_63 = arith.constant 0 : i32
          %dma_wait3A_64 = tpu.memref_slice %arg7[%dma_wait3A, %dma_wait3A_63] : memref<40x512xi32, #tpu.memory_space<vmem>> -> memref<1x512xi32, #tpu.memory_space<vmem>>
          %dma_wait3A_65 = arith.constant 624 : i32
          %dma_wait3A_66 = arith.constant 0 : i32
          %dma_wait3A_67 = tpu.memref_slice %arg5[%run_scoped3A_47, %dma_wait3A_65, %dma_wait3A_66] : memref<2x625x512xi32, #tpu.memory_space<hbm>> -> memref<1x1x512xi32, #tpu.memory_space<hbm>>
          %dma_wait3A_68 = tpu.memref_squeeze %dma_wait3A_67 : memref<1x1x512xi32, #tpu.memory_space<hbm>> -> memref<1x512xi32, #tpu.memory_space<hbm>>
          %dma_wait3A_69 = arith.constant 39 : i32
          %dma_wait3A_70 = arith.constant 0 : i32
          %dma_wait3A_71 = tpu.memref_slice %arg7[%dma_wait3A_69, %dma_wait3A_70] : memref<40x512xi32, #tpu.memory_space<vmem>> -> memref<1x512xi32, #tpu.memory_space<vmem>>
          %dma_wait3A_72 = arith.constant 624 : i32
          %dma_wait3A_73 = arith.constant 0 : i32
          %dma_wait3A_74 = tpu.memref_slice %arg5[%run_scoped3A_47, %dma_wait3A_72, %dma_wait3A_73] : memref<2x625x512xi32, #tpu.memory_space<hbm>> -> memref<1x1x512xi32, #tpu.memory_space<hbm>>
          %dma_wait3A_75 = tpu.memref_squeeze %dma_wait3A_74 : memref<1x1x512xi32, #tpu.memory_space<hbm>> -> memref<1x512xi32, #tpu.memory_space<hbm>>
          tpu.wait_dma2 semaphore(%run_scoped3A_49 : memref<!tpu.dma_semaphore, #tpu.memory_space<semaphore_mem>>) src(%dma_wait3A_75 : memref<1x512xi32, #tpu.memory_space<hbm>>) dst(%dma_wait3A_71 : memref<1x512xi32, #tpu.memory_space<vmem>>)
          tpu.yield
        }) : () -> ()
        %run_scoped3A_48 = arith.constant 1 : i32
        "tpu.region"() ({
          %run_scoped3A_49 = tpu.sem_alloc : memref<!tpu.dma_semaphore, #tpu.memory_space<semaphore_mem>>
          %dma_start3A = arith.constant 39 : i32
          %dma_start3A_50 = arith.constant 0 : i32
          %dma_start3A_51 = tpu.memref_slice %arg8[%dma_start3A, %dma_start3A_50] : memref<40x512xi32, #tpu.memory_space<vmem>> -> memref<1x512xi32, #tpu.memory_space<vmem>>
          %dma_start3A_52 = arith.constant 624 : i32
          %dma_start3A_53 = arith.constant 0 : i32
          %dma_start3A_54 = tpu.memref_slice %arg5[%run_scoped3A_48, %dma_start3A_52, %dma_start3A_53] : memref<2x625x512xi32, #tpu.memory_space<hbm>> -> memref<1x1x512xi32, #tpu.memory_space<hbm>>
          %dma_start3A_55 = tpu.memref_squeeze %dma_start3A_54 : memref<1x1x512xi32, #tpu.memory_space<hbm>> -> memref<1x512xi32, #tpu.memory_space<hbm>>
          %dma_start3A_56 = arith.constant 39 : i32
          %dma_start3A_57 = arith.constant 0 : i32
          %dma_start3A_58 = tpu.memref_slice %arg8[%dma_start3A_56, %dma_start3A_57] : memref<40x512xi32, #tpu.memory_space<vmem>> -> memref<1x512xi32, #tpu.memory_space<vmem>>
          %dma_start3A_59 = arith.constant 624 : i32
          %dma_start3A_60 = arith.constant 0 : i32
          %dma_start3A_61 = tpu.memref_slice %arg5[%run_scoped3A_48, %dma_start3A_59, %dma_start3A_60] : memref<2x625x512xi32, #tpu.memory_space<hbm>> -> memref<1x1x512xi32, #tpu.memory_space<hbm>>
          %dma_start3A_62 = tpu.memref_squeeze %dma_start3A_61 : memref<1x1x512xi32, #tpu.memory_space<hbm>> -> memref<1x512xi32, #tpu.memory_space<hbm>>
          tpu.enqueue_dma source(%dma_start3A_62 : memref<1x512xi32, #tpu.memory_space<hbm>>) target(%dma_start3A_58 : memref<1x512xi32, #tpu.memory_space<vmem>>) target_semaphore(%run_scoped3A_49 : memref<!tpu.dma_semaphore, #tpu.memory_space<semaphore_mem>>)
          %dma_wait3A = arith.constant 39 : i32
          %dma_wait3A_63 = arith.constant 0 : i32
          %dma_wait3A_64 = tpu.memref_slice %arg8[%dma_wait3A, %dma_wait3A_63] : memref<40x512xi32, #tpu.memory_space<vmem>> -> memref<1x512xi32, #tpu.memory_space<vmem>>
          %dma_wait3A_65 = arith.constant 624 : i32
          %dma_wait3A_66 = arith.constant 0 : i32
          %dma_wait3A_67 = tpu.memref_slice %arg5[%run_scoped3A_48, %dma_wait3A_65, %dma_wait3A_66] : memref<2x625x512xi32, #tpu.memory_space<hbm>> -> memref<1x1x512xi32, #tpu.memory_space<hbm>>
          %dma_wait3A_68 = tpu.memref_squeeze %dma_wait3A_67 : memref<1x1x512xi32, #tpu.memory_space<hbm>> -> memref<1x512xi32, #tpu.memory_space<hbm>>
          %dma_wait3A_69 = arith.constant 39 : i32
          %dma_wait3A_70 = arith.constant 0 : i32
          %dma_wait3A_71 = tpu.memref_slice %arg8[%dma_wait3A_69, %dma_wait3A_70] : memref<40x512xi32, #tpu.memory_space<vmem>> -> memref<1x512xi32, #tpu.memory_space<vmem>>
          %dma_wait3A_72 = arith.constant 624 : i32
          %dma_wait3A_73 = arith.constant 0 : i32
          %dma_wait3A_74 = tpu.memref_slice %arg5[%run_scoped3A_48, %dma_wait3A_72, %dma_wait3A_73] : memref<2x625x512xi32, #tpu.memory_space<hbm>> -> memref<1x1x512xi32, #tpu.memory_space<hbm>>
          %dma_wait3A_75 = tpu.memref_squeeze %dma_wait3A_74 : memref<1x1x512xi32, #tpu.memory_space<hbm>> -> memref<1x512xi32, #tpu.memory_space<hbm>>
          tpu.wait_dma2 semaphore(%run_scoped3A_49 : memref<!tpu.dma_semaphore, #tpu.memory_space<semaphore_mem>>) src(%dma_wait3A_75 : memref<1x512xi32, #tpu.memory_space<hbm>>) dst(%dma_wait3A_71 : memref<1x512xi32, #tpu.memory_space<vmem>>)
          tpu.yield
        }) : () -> ()
      } else {
      }
    } else {
    }
    %barrier3A = arith.constant 0 : index
    tpu.barrier barrier_id(%barrier3A)
    %eq3A_18 = arith.constant 0 : i32
    %eq3A_19 = arith.cmpi eq, %arg0, %eq3A_18 : i32
    %convert_element_type3A_20 = arith.extui %eq3A_19 : i1 to i32
    %cond3A_21 = arith.constant 0 : i32
    %cond3A_22 = arith.cmpi ne, %convert_element_type3A_20, %cond3A_21 : i32
    scf.if %cond3A_22 {
      %dma_start3A = arith.constant 0 : i32
      %dma_start3A_36 = arith.constant 0 : i32
      %dma_start3A_37 = arith.constant 0 : i32
      %dma_start3A_38 = arith.constant 0 : i32
      %dma_start3A_39 = tpu.memref_slice %arg9[%dma_start3A_36, %dma_start3A_37, %dma_start3A_38] : memref<4x512x32xf32, #tpu.memory_space<vmem>> -> memref<1x512x32xf32, #tpu.memory_space<vmem>>
      %dma_start3A_40 = tpu.memref_squeeze %dma_start3A_39 : memref<1x512x32xf32, #tpu.memory_space<vmem>> -> memref<512x32xf32, #tpu.memory_space<vmem>>
      %dma_start3A_41 = arith.constant 0 : i32
      %dma_start3A_42 = tpu.memref_slice %arg7[%dma_start3A, %dma_start3A_41] : memref<40x512xi32, #tpu.memory_space<vmem>> -> memref<1x512xi32, #tpu.memory_space<vmem>>
      %dma_start3A_43 = tpu.memref_squeeze %dma_start3A_42 : memref<1x512xi32, #tpu.memory_space<vmem>> -> memref<512xi32, #tpu.memory_space<vmem>>
      %dma_start3A_44 = arith.constant 0 : i32
      %dma_start3A_45 = arith.constant 0 : i32
      %dma_start3A_46 = tpu.memref_slice %arg2[%dma_start3A_44, %dma_start3A_45] : memref<10240x32xf32, #tpu.memory_space<hbm>> -> memref<10240x32xf32, #tpu.memory_space<hbm>>
      tpu.enqueue_indirect_dma source(%dma_start3A_46 : memref<10240x32xf32, #tpu.memory_space<hbm>>) target(%dma_start3A_40 : memref<512x32xf32, #tpu.memory_space<vmem>>) offsets(%dma_start3A_43 : memref<512xi32, #tpu.memory_space<vmem>>) semaphore(%arg11 : memref<!tpu.dma_semaphore, #tpu.memory_space<semaphore_mem>>)
      %dma_start3A_47 = arith.constant 1 : i32
      %dma_start3A_48 = arith.constant 1 : i32
      %dma_start3A_49 = arith.constant 0 : i32
      %dma_start3A_50 = arith.constant 0 : i32
      %dma_start3A_51 = tpu.memref_slice %arg9[%dma_start3A_48, %dma_start3A_49, %dma_start3A_50] : memref<4x512x32xf32, #tpu.memory_space<vmem>> -> memref<1x512x32xf32, #tpu.memory_space<vmem>>
      %dma_start3A_52 = tpu.memref_squeeze %dma_start3A_51 : memref<1x512x32xf32, #tpu.memory_space<vmem>> -> memref<512x32xf32, #tpu.memory_space<vmem>>
      %dma_start3A_53 = arith.constant 0 : i32
      %dma_start3A_54 = tpu.memref_slice %arg7[%dma_start3A_47, %dma_start3A_53] : memref<40x512xi32, #tpu.memory_space<vmem>> -> memref<1x512xi32, #tpu.memory_space<vmem>>
      %dma_start3A_55 = tpu.memref_squeeze %dma_start3A_54 : memref<1x512xi32, #tpu.memory_space<vmem>> -> memref<512xi32, #tpu.memory_space<vmem>>
      %dma_start3A_56 = arith.constant 0 : i32
      %dma_start3A_57 = arith.constant 0 : i32
      %dma_start3A_58 = tpu.memref_slice %arg2[%dma_start3A_56, %dma_start3A_57] : memref<10240x32xf32, #tpu.memory_space<hbm>> -> memref<10240x32xf32, #tpu.memory_space<hbm>>
      tpu.enqueue_indirect_dma source(%dma_start3A_58 : memref<10240x32xf32, #tpu.memory_space<hbm>>) target(%dma_start3A_52 : memref<512x32xf32, #tpu.memory_space<vmem>>) offsets(%dma_start3A_55 : memref<512xi32, #tpu.memory_space<vmem>>) semaphore(%arg12 : memref<!tpu.dma_semaphore, #tpu.memory_space<semaphore_mem>>)
      %dma_start3A_59 = arith.constant 2 : i32
      %dma_start3A_60 = arith.constant 2 : i32
      %dma_start3A_61 = arith.constant 0 : i32
      %dma_start3A_62 = arith.constant 0 : i32
      %dma_start3A_63 = tpu.memref_slice %arg9[%dma_start3A_60, %dma_start3A_61, %dma_start3A_62] : memref<4x512x32xf32, #tpu.memory_space<vmem>> -> memref<1x512x32xf32, #tpu.memory_space<vmem>>
      %dma_start3A_64 = tpu.memref_squeeze %dma_start3A_63 : memref<1x512x32xf32, #tpu.memory_space<vmem>> -> memref<512x32xf32, #tpu.memory_space<vmem>>
      %dma_start3A_65 = arith.constant 0 : i32
      %dma_start3A_66 = tpu.memref_slice %arg7[%dma_start3A_59, %dma_start3A_65] : memref<40x512xi32, #tpu.memory_space<vmem>> -> memref<1x512xi32, #tpu.memory_space<vmem>>
      %dma_start3A_67 = tpu.memref_squeeze %dma_start3A_66 : memref<1x512xi32, #tpu.memory_space<vmem>> -> memref<512xi32, #tpu.memory_space<vmem>>
      %dma_start3A_68 = arith.constant 0 : i32
      %dma_start3A_69 = arith.constant 0 : i32
      %dma_start3A_70 = tpu.memref_slice %arg2[%dma_start3A_68, %dma_start3A_69] : memref<10240x32xf32, #tpu.memory_space<hbm>> -> memref<10240x32xf32, #tpu.memory_space<hbm>>
      tpu.enqueue_indirect_dma source(%dma_start3A_70 : memref<10240x32xf32, #tpu.memory_space<hbm>>) target(%dma_start3A_64 : memref<512x32xf32, #tpu.memory_space<vmem>>) offsets(%dma_start3A_67 : memref<512xi32, #tpu.memory_space<vmem>>) semaphore(%arg13 : memref<!tpu.dma_semaphore, #tpu.memory_space<semaphore_mem>>)
      %dma_start3A_71 = arith.constant 3 : i32
      %dma_start3A_72 = arith.constant 3 : i32
      %dma_start3A_73 = arith.constant 0 : i32
      %dma_start3A_74 = arith.constant 0 : i32
      %dma_start3A_75 = tpu.memref_slice %arg9[%dma_start3A_72, %dma_start3A_73, %dma_start3A_74] : memref<4x512x32xf32, #tpu.memory_space<vmem>> -> memref<1x512x32xf32, #tpu.memory_space<vmem>>
      %dma_start3A_76 = tpu.memref_squeeze %dma_start3A_75 : memref<1x512x32xf32, #tpu.memory_space<vmem>> -> memref<512x32xf32, #tpu.memory_space<vmem>>
      %dma_start3A_77 = arith.constant 0 : i32
      %dma_start3A_78 = tpu.memref_slice %arg7[%dma_start3A_71, %dma_start3A_77] : memref<40x512xi32, #tpu.memory_space<vmem>> -> memref<1x512xi32, #tpu.memory_space<vmem>>
      %dma_start3A_79 = tpu.memref_squeeze %dma_start3A_78 : memref<1x512xi32, #tpu.memory_space<vmem>> -> memref<512xi32, #tpu.memory_space<vmem>>
      %dma_start3A_80 = arith.constant 0 : i32
      %dma_start3A_81 = arith.constant 0 : i32
      %dma_start3A_82 = tpu.memref_slice %arg2[%dma_start3A_80, %dma_start3A_81] : memref<10240x32xf32, #tpu.memory_space<hbm>> -> memref<10240x32xf32, #tpu.memory_space<hbm>>
      tpu.enqueue_indirect_dma source(%dma_start3A_82 : memref<10240x32xf32, #tpu.memory_space<hbm>>) target(%dma_start3A_76 : memref<512x32xf32, #tpu.memory_space<vmem>>) offsets(%dma_start3A_79 : memref<512xi32, #tpu.memory_space<vmem>>) semaphore(%arg14 : memref<!tpu.dma_semaphore, #tpu.memory_space<semaphore_mem>>)
      %scan3A_83 = arith.constant 0 : i32
      %scan3A_84 = arith.constant 0 : i32
      %scan3A_85 = arith.constant 9 : i32
      %scan3A_86 = arith.addi %scan3A_84, %scan3A_85 : i32
      %scan3A_87 = arith.constant 1 : i32
      scf.for %scan3A_213 = %scan3A_84 to %scan3A_86 step %scan3A_87  : i32 {
        %mul3A_214 = arith.constant 4 : i32
        %mul3A_215 = arith.muli %scan3A_213, %mul3A_214 : i32
        %add3A_216 = arith.constant 0 : i32
        %add3A_217 = arith.addi %mul3A_215, %add3A_216 : i32
        %dma_wait3A_218 = arith.constant 0 : i32
        %dma_wait3A_219 = arith.constant 0 : i32
        %dma_wait3A_220 = arith.constant 0 : i32
        %dma_wait3A_221 = tpu.memref_slice %arg9[%dma_wait3A_218, %dma_wait3A_219, %dma_wait3A_220] : memref<4x512x32xf32, #tpu.memory_space<vmem>> -> memref<1x512x32xf32, #tpu.memory_space<vmem>>
        %dma_wait3A_222 = tpu.memref_squeeze %dma_wait3A_221 : memref<1x512x32xf32, #tpu.memory_space<vmem>> -> memref<512x32xf32, #tpu.memory_space<vmem>>
        %dma_wait3A_223 = arith.constant 0 : i32
        %dma_wait3A_224 = tpu.memref_slice %arg7[%add3A_217, %dma_wait3A_223] : memref<40x512xi32, #tpu.memory_space<vmem>> -> memref<1x512xi32, #tpu.memory_space<vmem>>
        %dma_wait3A_225 = tpu.memref_squeeze %dma_wait3A_224 : memref<1x512xi32, #tpu.memory_space<vmem>> -> memref<512xi32, #tpu.memory_space<vmem>>
        %dma_wait3A_226 = arith.constant 0 : i32
        %dma_wait3A_227 = arith.constant 0 : i32
        %dma_wait3A_228 = tpu.memref_slice %arg2[%dma_wait3A_226, %dma_wait3A_227] : memref<10240x32xf32, #tpu.memory_space<hbm>> -> memref<10240x32xf32, #tpu.memory_space<hbm>>
        tpu.wait_indirect_dma semaphore(%arg11 : memref<!tpu.dma_semaphore, #tpu.memory_space<semaphore_mem>>) src(%dma_wait3A_228 : memref<10240x32xf32, #tpu.memory_space<hbm>>) dst(%dma_wait3A_222 : memref<512x32xf32, #tpu.memory_space<vmem>>)
        %add3A_229 = arith.constant 0 : i32
        %add3A_230 = arith.addi %mul3A_215, %add3A_229 : i32
        %dma_start3A_231 = arith.constant 0 : i32
        %dma_start3A_232 = arith.constant 0 : i32
        %dma_start3A_233 = arith.constant 0 : i32
        %dma_start3A_234 = tpu.memref_slice %arg9[%dma_start3A_231, %dma_start3A_232, %dma_start3A_233] : memref<4x512x32xf32, #tpu.memory_space<vmem>> -> memref<1x512x32xf32, #tpu.memory_space<vmem>>
        %dma_start3A_235 = tpu.memref_squeeze %dma_start3A_234 : memref<1x512x32xf32, #tpu.memory_space<vmem>> -> memref<512x32xf32, #tpu.memory_space<vmem>>
        %dma_start3A_236 = arith.constant 0 : i32
        %dma_start3A_237 = tpu.memref_slice %arg8[%add3A_230, %dma_start3A_236] : memref<40x512xi32, #tpu.memory_space<vmem>> -> memref<1x512xi32, #tpu.memory_space<vmem>>
        %dma_start3A_238 = tpu.memref_squeeze %dma_start3A_237 : memref<1x512xi32, #tpu.memory_space<vmem>> -> memref<512xi32, #tpu.memory_space<vmem>>
        %dma_start3A_239 = arith.constant 0 : i32
        %dma_start3A_240 = arith.constant 0 : i32
        %dma_start3A_241 = tpu.memref_slice %arg10[%dma_start3A_239, %dma_start3A_240] : memref<10240x32xf32, #tpu.memory_space<vmem_shared>> -> memref<10240x32xf32, #tpu.memory_space<vmem_shared>>
        tpu.enqueue_indirect_dma source(%dma_start3A_235 : memref<512x32xf32, #tpu.memory_space<vmem>>) target(%dma_start3A_241 : memref<10240x32xf32, #tpu.memory_space<vmem_shared>>) offsets(%dma_start3A_238 : memref<512xi32, #tpu.memory_space<vmem>>) semaphore(%arg15 : memref<!tpu.dma_semaphore, #tpu.memory_space<semaphore_mem>>) {add = true}
        %add3A_242 = arith.constant 1 : i32
        %add3A_243 = arith.addi %mul3A_215, %add3A_242 : i32
        %dma_wait3A_244 = arith.constant 1 : i32
        %dma_wait3A_245 = arith.constant 0 : i32
        %dma_wait3A_246 = arith.constant 0 : i32
        %dma_wait3A_247 = tpu.memref_slice %arg9[%dma_wait3A_244, %dma_wait3A_245, %dma_wait3A_246] : memref<4x512x32xf32, #tpu.memory_space<vmem>> -> memref<1x512x32xf32, #tpu.memory_space<vmem>>
        %dma_wait3A_248 = tpu.memref_squeeze %dma_wait3A_247 : memref<1x512x32xf32, #tpu.memory_space<vmem>> -> memref<512x32xf32, #tpu.memory_space<vmem>>
        %dma_wait3A_249 = arith.constant 0 : i32
        %dma_wait3A_250 = tpu.memref_slice %arg7[%add3A_243, %dma_wait3A_249] : memref<40x512xi32, #tpu.memory_space<vmem>> -> memref<1x512xi32, #tpu.memory_space<vmem>>
        %dma_wait3A_251 = tpu.memref_squeeze %dma_wait3A_250 : memref<1x512xi32, #tpu.memory_space<vmem>> -> memref<512xi32, #tpu.memory_space<vmem>>
        %dma_wait3A_252 = arith.constant 0 : i32
        %dma_wait3A_253 = arith.constant 0 : i32
        %dma_wait3A_254 = tpu.memref_slice %arg2[%dma_wait3A_252, %dma_wait3A_253] : memref<10240x32xf32, #tpu.memory_space<hbm>> -> memref<10240x32xf32, #tpu.memory_space<hbm>>
        tpu.wait_indirect_dma semaphore(%arg12 : memref<!tpu.dma_semaphore, #tpu.memory_space<semaphore_mem>>) src(%dma_wait3A_254 : memref<10240x32xf32, #tpu.memory_space<hbm>>) dst(%dma_wait3A_248 : memref<512x32xf32, #tpu.memory_space<vmem>>)
        %add3A_255 = arith.constant 1 : i32
        %add3A_256 = arith.addi %mul3A_215, %add3A_255 : i32
        %dma_start3A_257 = arith.constant 1 : i32
        %dma_start3A_258 = arith.constant 0 : i32
        %dma_start3A_259 = arith.constant 0 : i32
        %dma_start3A_260 = tpu.memref_slice %arg9[%dma_start3A_257, %dma_start3A_258, %dma_start3A_259] : memref<4x512x32xf32, #tpu.memory_space<vmem>> -> memref<1x512x32xf32, #tpu.memory_space<vmem>>
        %dma_start3A_261 = tpu.memref_squeeze %dma_start3A_260 : memref<1x512x32xf32, #tpu.memory_space<vmem>> -> memref<512x32xf32, #tpu.memory_space<vmem>>
        %dma_start3A_262 = arith.constant 0 : i32
        %dma_start3A_263 = tpu.memref_slice %arg8[%add3A_256, %dma_start3A_262] : memref<40x512xi32, #tpu.memory_space<vmem>> -> memref<1x512xi32, #tpu.memory_space<vmem>>
        %dma_start3A_264 = tpu.memref_squeeze %dma_start3A_263 : memref<1x512xi32, #tpu.memory_space<vmem>> -> memref<512xi32, #tpu.memory_space<vmem>>
        %dma_start3A_265 = arith.constant 0 : i32
        %dma_start3A_266 = arith.constant 0 : i32
        %dma_start3A_267 = tpu.memref_slice %arg10[%dma_start3A_265, %dma_start3A_266] : memref<10240x32xf32, #tpu.memory_space<vmem_shared>> -> memref<10240x32xf32, #tpu.memory_space<vmem_shared>>
        tpu.enqueue_indirect_dma source(%dma_start3A_261 : memref<512x32xf32, #tpu.memory_space<vmem>>) target(%dma_start3A_267 : memref<10240x32xf32, #tpu.memory_space<vmem_shared>>) offsets(%dma_start3A_264 : memref<512xi32, #tpu.memory_space<vmem>>) semaphore(%arg16 : memref<!tpu.dma_semaphore, #tpu.memory_space<semaphore_mem>>) {add = true}
        %add3A_268 = arith.constant 2 : i32
        %add3A_269 = arith.addi %mul3A_215, %add3A_268 : i32
        %dma_wait3A_270 = arith.constant 2 : i32
        %dma_wait3A_271 = arith.constant 0 : i32
        %dma_wait3A_272 = arith.constant 0 : i32
        %dma_wait3A_273 = tpu.memref_slice %arg9[%dma_wait3A_270, %dma_wait3A_271, %dma_wait3A_272] : memref<4x512x32xf32, #tpu.memory_space<vmem>> -> memref<1x512x32xf32, #tpu.memory_space<vmem>>
        %dma_wait3A_274 = tpu.memref_squeeze %dma_wait3A_273 : memref<1x512x32xf32, #tpu.memory_space<vmem>> -> memref<512x32xf32, #tpu.memory_space<vmem>>
        %dma_wait3A_275 = arith.constant 0 : i32
        %dma_wait3A_276 = tpu.memref_slice %arg7[%add3A_269, %dma_wait3A_275] : memref<40x512xi32, #tpu.memory_space<vmem>> -> memref<1x512xi32, #tpu.memory_space<vmem>>
        %dma_wait3A_277 = tpu.memref_squeeze %dma_wait3A_276 : memref<1x512xi32, #tpu.memory_space<vmem>> -> memref<512xi32, #tpu.memory_space<vmem>>
        %dma_wait3A_278 = arith.constant 0 : i32
        %dma_wait3A_279 = arith.constant 0 : i32
        %dma_wait3A_280 = tpu.memref_slice %arg2[%dma_wait3A_278, %dma_wait3A_279] : memref<10240x32xf32, #tpu.memory_space<hbm>> -> memref<10240x32xf32, #tpu.memory_space<hbm>>
        tpu.wait_indirect_dma semaphore(%arg13 : memref<!tpu.dma_semaphore, #tpu.memory_space<semaphore_mem>>) src(%dma_wait3A_280 : memref<10240x32xf32, #tpu.memory_space<hbm>>) dst(%dma_wait3A_274 : memref<512x32xf32, #tpu.memory_space<vmem>>)
        %add3A_281 = arith.constant 2 : i32
        %add3A_282 = arith.addi %mul3A_215, %add3A_281 : i32
        %dma_start3A_283 = arith.constant 2 : i32
        %dma_start3A_284 = arith.constant 0 : i32
        %dma_start3A_285 = arith.constant 0 : i32
        %dma_start3A_286 = tpu.memref_slice %arg9[%dma_start3A_283, %dma_start3A_284, %dma_start3A_285] : memref<4x512x32xf32, #tpu.memory_space<vmem>> -> memref<1x512x32xf32, #tpu.memory_space<vmem>>
        %dma_start3A_287 = tpu.memref_squeeze %dma_start3A_286 : memref<1x512x32xf32, #tpu.memory_space<vmem>> -> memref<512x32xf32, #tpu.memory_space<vmem>>
        %dma_start3A_288 = arith.constant 0 : i32
        %dma_start3A_289 = tpu.memref_slice %arg8[%add3A_282, %dma_start3A_288] : memref<40x512xi32, #tpu.memory_space<vmem>> -> memref<1x512xi32, #tpu.memory_space<vmem>>
        %dma_start3A_290 = tpu.memref_squeeze %dma_start3A_289 : memref<1x512xi32, #tpu.memory_space<vmem>> -> memref<512xi32, #tpu.memory_space<vmem>>
        %dma_start3A_291 = arith.constant 0 : i32
        %dma_start3A_292 = arith.constant 0 : i32
        %dma_start3A_293 = tpu.memref_slice %arg10[%dma_start3A_291, %dma_start3A_292] : memref<10240x32xf32, #tpu.memory_space<vmem_shared>> -> memref<10240x32xf32, #tpu.memory_space<vmem_shared>>
        tpu.enqueue_indirect_dma source(%dma_start3A_287 : memref<512x32xf32, #tpu.memory_space<vmem>>) target(%dma_start3A_293 : memref<10240x32xf32, #tpu.memory_space<vmem_shared>>) offsets(%dma_start3A_290 : memref<512xi32, #tpu.memory_space<vmem>>) semaphore(%arg17 : memref<!tpu.dma_semaphore, #tpu.memory_space<semaphore_mem>>) {add = true}
        %add3A_294 = arith.constant 3 : i32
        %add3A_295 = arith.addi %mul3A_215, %add3A_294 : i32
        %dma_wait3A_296 = arith.constant 3 : i32
        %dma_wait3A_297 = arith.constant 0 : i32
        %dma_wait3A_298 = arith.constant 0 : i32
        %dma_wait3A_299 = tpu.memref_slice %arg9[%dma_wait3A_296, %dma_wait3A_297, %dma_wait3A_298] : memref<4x512x32xf32, #tpu.memory_space<vmem>> -> memref<1x512x32xf32, #tpu.memory_space<vmem>>
        %dma_wait3A_300 = tpu.memref_squeeze %dma_wait3A_299 : memref<1x512x32xf32, #tpu.memory_space<vmem>> -> memref<512x32xf32, #tpu.memory_space<vmem>>
        %dma_wait3A_301 = arith.constant 0 : i32
        %dma_wait3A_302 = tpu.memref_slice %arg7[%add3A_295, %dma_wait3A_301] : memref<40x512xi32, #tpu.memory_space<vmem>> -> memref<1x512xi32, #tpu.memory_space<vmem>>
        %dma_wait3A_303 = tpu.memref_squeeze %dma_wait3A_302 : memref<1x512xi32, #tpu.memory_space<vmem>> -> memref<512xi32, #tpu.memory_space<vmem>>
        %dma_wait3A_304 = arith.constant 0 : i32
        %dma_wait3A_305 = arith.constant 0 : i32
        %dma_wait3A_306 = tpu.memref_slice %arg2[%dma_wait3A_304, %dma_wait3A_305] : memref<10240x32xf32, #tpu.memory_space<hbm>> -> memref<10240x32xf32, #tpu.memory_space<hbm>>
        tpu.wait_indirect_dma semaphore(%arg14 : memref<!tpu.dma_semaphore, #tpu.memory_space<semaphore_mem>>) src(%dma_wait3A_306 : memref<10240x32xf32, #tpu.memory_space<hbm>>) dst(%dma_wait3A_300 : memref<512x32xf32, #tpu.memory_space<vmem>>)
        %add3A_307 = arith.constant 3 : i32
        %add3A_308 = arith.addi %mul3A_215, %add3A_307 : i32
        %dma_start3A_309 = arith.constant 3 : i32
        %dma_start3A_310 = arith.constant 0 : i32
        %dma_start3A_311 = arith.constant 0 : i32
        %dma_start3A_312 = tpu.memref_slice %arg9[%dma_start3A_309, %dma_start3A_310, %dma_start3A_311] : memref<4x512x32xf32, #tpu.memory_space<vmem>> -> memref<1x512x32xf32, #tpu.memory_space<vmem>>
        %dma_start3A_313 = tpu.memref_squeeze %dma_start3A_312 : memref<1x512x32xf32, #tpu.memory_space<vmem>> -> memref<512x32xf32, #tpu.memory_space<vmem>>
        %dma_start3A_314 = arith.constant 0 : i32
        %dma_start3A_315 = tpu.memref_slice %arg8[%add3A_308, %dma_start3A_314] : memref<40x512xi32, #tpu.memory_space<vmem>> -> memref<1x512xi32, #tpu.memory_space<vmem>>
        %dma_start3A_316 = tpu.memref_squeeze %dma_start3A_315 : memref<1x512xi32, #tpu.memory_space<vmem>> -> memref<512xi32, #tpu.memory_space<vmem>>
        %dma_start3A_317 = arith.constant 0 : i32
        %dma_start3A_318 = arith.constant 0 : i32
        %dma_start3A_319 = tpu.memref_slice %arg10[%dma_start3A_317, %dma_start3A_318] : memref<10240x32xf32, #tpu.memory_space<vmem_shared>> -> memref<10240x32xf32, #tpu.memory_space<vmem_shared>>
        tpu.enqueue_indirect_dma source(%dma_start3A_313 : memref<512x32xf32, #tpu.memory_space<vmem>>) target(%dma_start3A_319 : memref<10240x32xf32, #tpu.memory_space<vmem_shared>>) offsets(%dma_start3A_316 : memref<512xi32, #tpu.memory_space<vmem>>) semaphore(%arg18 : memref<!tpu.dma_semaphore, #tpu.memory_space<semaphore_mem>>) {add = true}
        %add3A_320 = arith.constant 0 : i32
        %add3A_321 = arith.addi %mul3A_215, %add3A_320 : i32
        %add3A_322 = arith.constant 4 : i32
        %add3A_323 = arith.addi %add3A_321, %add3A_322 : i32
        %lt3A = arith.constant 39 : i32
        %lt3A_324 = arith.cmpi slt, %add3A_323, %lt3A : i32
        %convert_element_type3A_325 = arith.extui %lt3A_324 : i1 to i32
        %cond3A_326 = arith.constant 0 : i32
        %cond3A_327 = arith.cmpi ne, %convert_element_type3A_325, %cond3A_326 : i32
        scf.if %cond3A_327 {
          %add3A_355 = arith.constant 0 : i32
          %add3A_356 = arith.addi %mul3A_215, %add3A_355 : i32
          %dma_wait3A_357 = arith.constant 0 : i32
          %dma_wait3A_358 = arith.constant 0 : i32
          %dma_wait3A_359 = arith.constant 0 : i32
          %dma_wait3A_360 = tpu.memref_slice %arg9[%dma_wait3A_357, %dma_wait3A_358, %dma_wait3A_359] : memref<4x512x32xf32, #tpu.memory_space<vmem>> -> memref<1x512x32xf32, #tpu.memory_space<vmem>>
          %dma_wait3A_361 = tpu.memref_squeeze %dma_wait3A_360 : memref<1x512x32xf32, #tpu.memory_space<vmem>> -> memref<512x32xf32, #tpu.memory_space<vmem>>
          %dma_wait3A_362 = arith.constant 0 : i32
          %dma_wait3A_363 = tpu.memref_slice %arg8[%add3A_356, %dma_wait3A_362] : memref<40x512xi32, #tpu.memory_space<vmem>> -> memref<1x512xi32, #tpu.memory_space<vmem>>
          %dma_wait3A_364 = tpu.memref_squeeze %dma_wait3A_363 : memref<1x512xi32, #tpu.memory_space<vmem>> -> memref<512xi32, #tpu.memory_space<vmem>>
          %dma_wait3A_365 = arith.constant 0 : i32
          %dma_wait3A_366 = arith.constant 0 : i32
          %dma_wait3A_367 = tpu.memref_slice %arg10[%dma_wait3A_365, %dma_wait3A_366] : memref<10240x32xf32, #tpu.memory_space<vmem_shared>> -> memref<10240x32xf32, #tpu.memory_space<vmem_shared>>
          tpu.wait_indirect_dma semaphore(%arg15 : memref<!tpu.dma_semaphore, #tpu.memory_space<semaphore_mem>>) src(%dma_wait3A_361 : memref<512x32xf32, #tpu.memory_space<vmem>>) dst(%dma_wait3A_367 : memref<10240x32xf32, #tpu.memory_space<vmem_shared>>)
          %add3A_368 = arith.constant 0 : i32
          %add3A_369 = arith.addi %mul3A_215, %add3A_368 : i32
          %add3A_370 = arith.constant 4 : i32
          %add3A_371 = arith.addi %add3A_369, %add3A_370 : i32
          %dma_start3A_372 = arith.constant 0 : i32
          %dma_start3A_373 = arith.constant 0 : i32
          %dma_start3A_374 = arith.constant 0 : i32
          %dma_start3A_375 = tpu.memref_slice %arg9[%dma_start3A_372, %dma_start3A_373, %dma_start3A_374] : memref<4x512x32xf32, #tpu.memory_space<vmem>> -> memref<1x512x32xf32, #tpu.memory_space<vmem>>
          %dma_start3A_376 = tpu.memref_squeeze %dma_start3A_375 : memref<1x512x32xf32, #tpu.memory_space<vmem>> -> memref<512x32xf32, #tpu.memory_space<vmem>>
          %dma_start3A_377 = arith.constant 0 : i32
          %dma_start3A_378 = tpu.memref_slice %arg7[%add3A_371, %dma_start3A_377] : memref<40x512xi32, #tpu.memory_space<vmem>> -> memref<1x512xi32, #tpu.memory_space<vmem>>
          %dma_start3A_379 = tpu.memref_squeeze %dma_start3A_378 : memref<1x512xi32, #tpu.memory_space<vmem>> -> memref<512xi32, #tpu.memory_space<vmem>>
          %dma_start3A_380 = arith.constant 0 : i32
          %dma_start3A_381 = arith.constant 0 : i32
          %dma_start3A_382 = tpu.memref_slice %arg2[%dma_start3A_380, %dma_start3A_381] : memref<10240x32xf32, #tpu.memory_space<hbm>> -> memref<10240x32xf32, #tpu.memory_space<hbm>>
          tpu.enqueue_indirect_dma source(%dma_start3A_382 : memref<10240x32xf32, #tpu.memory_space<hbm>>) target(%dma_start3A_376 : memref<512x32xf32, #tpu.memory_space<vmem>>) offsets(%dma_start3A_379 : memref<512xi32, #tpu.memory_space<vmem>>) semaphore(%arg11 : memref<!tpu.dma_semaphore, #tpu.memory_space<semaphore_mem>>)
        } else {
        }
        %add3A_328 = arith.constant 1 : i32
        %add3A_329 = arith.addi %mul3A_215, %add3A_328 : i32
        %add3A_330 = arith.constant 4 : i32
        %add3A_331 = arith.addi %add3A_329, %add3A_330 : i32
        %lt3A_332 = arith.constant 39 : i32
        %lt3A_333 = arith.cmpi slt, %add3A_331, %lt3A_332 : i32
        %convert_element_type3A_334 = arith.extui %lt3A_333 : i1 to i32
        %cond3A_335 = arith.constant 0 : i32
        %cond3A_336 = arith.cmpi ne, %convert_element_type3A_334, %cond3A_335 : i32
        scf.if %cond3A_336 {
          %add3A_355 = arith.constant 1 : i32
          %add3A_356 = arith.addi %mul3A_215, %add3A_355 : i32
          %dma_wait3A_357 = arith.constant 1 : i32
          %dma_wait3A_358 = arith.constant 0 : i32
          %dma_wait3A_359 = arith.constant 0 : i32
          %dma_wait3A_360 = tpu.memref_slice %arg9[%dma_wait3A_357, %dma_wait3A_358, %dma_wait3A_359] : memref<4x512x32xf32, #tpu.memory_space<vmem>> -> memref<1x512x32xf32, #tpu.memory_space<vmem>>
          %dma_wait3A_361 = tpu.memref_squeeze %dma_wait3A_360 : memref<1x512x32xf32, #tpu.memory_space<vmem>> -> memref<512x32xf32, #tpu.memory_space<vmem>>
          %dma_wait3A_362 = arith.constant 0 : i32
          %dma_wait3A_363 = tpu.memref_slice %arg8[%add3A_356, %dma_wait3A_362] : memref<40x512xi32, #tpu.memory_space<vmem>> -> memref<1x512xi32, #tpu.memory_space<vmem>>
          %dma_wait3A_364 = tpu.memref_squeeze %dma_wait3A_363 : memref<1x512xi32, #tpu.memory_space<vmem>> -> memref<512xi32, #tpu.memory_space<vmem>>
          %dma_wait3A_365 = arith.constant 0 : i32
          %dma_wait3A_366 = arith.constant 0 : i32
          %dma_wait3A_367 = tpu.memref_slice %arg10[%dma_wait3A_365, %dma_wait3A_366] : memref<10240x32xf32, #tpu.memory_space<vmem_shared>> -> memref<10240x32xf32, #tpu.memory_space<vmem_shared>>
          tpu.wait_indirect_dma semaphore(%arg16 : memref<!tpu.dma_semaphore, #tpu.memory_space<semaphore_mem>>) src(%dma_wait3A_361 : memref<512x32xf32, #tpu.memory_space<vmem>>) dst(%dma_wait3A_367 : memref<10240x32xf32, #tpu.memory_space<vmem_shared>>)
          %add3A_368 = arith.constant 1 : i32
          %add3A_369 = arith.addi %mul3A_215, %add3A_368 : i32
          %add3A_370 = arith.constant 4 : i32
          %add3A_371 = arith.addi %add3A_369, %add3A_370 : i32
          %dma_start3A_372 = arith.constant 1 : i32
          %dma_start3A_373 = arith.constant 0 : i32
          %dma_start3A_374 = arith.constant 0 : i32
          %dma_start3A_375 = tpu.memref_slice %arg9[%dma_start3A_372, %dma_start3A_373, %dma_start3A_374] : memref<4x512x32xf32, #tpu.memory_space<vmem>> -> memref<1x512x32xf32, #tpu.memory_space<vmem>>
          %dma_start3A_376 = tpu.memref_squeeze %dma_start3A_375 : memref<1x512x32xf32, #tpu.memory_space<vmem>> -> memref<512x32xf32, #tpu.memory_space<vmem>>
          %dma_start3A_377 = arith.constant 0 : i32
          %dma_start3A_378 = tpu.memref_slice %arg7[%add3A_371, %dma_start3A_377] : memref<40x512xi32, #tpu.memory_space<vmem>> -> memref<1x512xi32, #tpu.memory_space<vmem>>
          %dma_start3A_379 = tpu.memref_squeeze %dma_start3A_378 : memref<1x512xi32, #tpu.memory_space<vmem>> -> memref<512xi32, #tpu.memory_space<vmem>>
          %dma_start3A_380 = arith.constant 0 : i32
          %dma_start3A_381 = arith.constant 0 : i32
          %dma_start3A_382 = tpu.memref_slice %arg2[%dma_start3A_380, %dma_start3A_381] : memref<10240x32xf32, #tpu.memory_space<hbm>> -> memref<10240x32xf32, #tpu.memory_space<hbm>>
          tpu.enqueue_indirect_dma source(%dma_start3A_382 : memref<10240x32xf32, #tpu.memory_space<hbm>>) target(%dma_start3A_376 : memref<512x32xf32, #tpu.memory_space<vmem>>) offsets(%dma_start3A_379 : memref<512xi32, #tpu.memory_space<vmem>>) semaphore(%arg12 : memref<!tpu.dma_semaphore, #tpu.memory_space<semaphore_mem>>)
        } else {
        }
        %add3A_337 = arith.constant 2 : i32
        %add3A_338 = arith.addi %mul3A_215, %add3A_337 : i32
        %add3A_339 = arith.constant 4 : i32
        %add3A_340 = arith.addi %add3A_338, %add3A_339 : i32
        %lt3A_341 = arith.constant 39 : i32
        %lt3A_342 = arith.cmpi slt, %add3A_340, %lt3A_341 : i32
        %convert_element_type3A_343 = arith.extui %lt3A_342 : i1 to i32
        %cond3A_344 = arith.constant 0 : i32
        %cond3A_345 = arith.cmpi ne, %convert_element_type3A_343, %cond3A_344 : i32
        scf.if %cond3A_345 {
          %add3A_355 = arith.constant 2 : i32
          %add3A_356 = arith.addi %mul3A_215, %add3A_355 : i32
          %dma_wait3A_357 = arith.constant 2 : i32
          %dma_wait3A_358 = arith.constant 0 : i32
          %dma_wait3A_359 = arith.constant 0 : i32
          %dma_wait3A_360 = tpu.memref_slice %arg9[%dma_wait3A_357, %dma_wait3A_358, %dma_wait3A_359] : memref<4x512x32xf32, #tpu.memory_space<vmem>> -> memref<1x512x32xf32, #tpu.memory_space<vmem>>
          %dma_wait3A_361 = tpu.memref_squeeze %dma_wait3A_360 : memref<1x512x32xf32, #tpu.memory_space<vmem>> -> memref<512x32xf32, #tpu.memory_space<vmem>>
          %dma_wait3A_362 = arith.constant 0 : i32
          %dma_wait3A_363 = tpu.memref_slice %arg8[%add3A_356, %dma_wait3A_362] : memref<40x512xi32, #tpu.memory_space<vmem>> -> memref<1x512xi32, #tpu.memory_space<vmem>>
          %dma_wait3A_364 = tpu.memref_squeeze %dma_wait3A_363 : memref<1x512xi32, #tpu.memory_space<vmem>> -> memref<512xi32, #tpu.memory_space<vmem>>
          %dma_wait3A_365 = arith.constant 0 : i32
          %dma_wait3A_366 = arith.constant 0 : i32
          %dma_wait3A_367 = tpu.memref_slice %arg10[%dma_wait3A_365, %dma_wait3A_366] : memref<10240x32xf32, #tpu.memory_space<vmem_shared>> -> memref<10240x32xf32, #tpu.memory_space<vmem_shared>>
          tpu.wait_indirect_dma semaphore(%arg17 : memref<!tpu.dma_semaphore, #tpu.memory_space<semaphore_mem>>) src(%dma_wait3A_361 : memref<512x32xf32, #tpu.memory_space<vmem>>) dst(%dma_wait3A_367 : memref<10240x32xf32, #tpu.memory_space<vmem_shared>>)
          %add3A_368 = arith.constant 2 : i32
          %add3A_369 = arith.addi %mul3A_215, %add3A_368 : i32
          %add3A_370 = arith.constant 4 : i32
          %add3A_371 = arith.addi %add3A_369, %add3A_370 : i32
          %dma_start3A_372 = arith.constant 2 : i32
          %dma_start3A_373 = arith.constant 0 : i32
          %dma_start3A_374 = arith.constant 0 : i32
          %dma_start3A_375 = tpu.memref_slice %arg9[%dma_start3A_372, %dma_start3A_373, %dma_start3A_374] : memref<4x512x32xf32, #tpu.memory_space<vmem>> -> memref<1x512x32xf32, #tpu.memory_space<vmem>>
          %dma_start3A_376 = tpu.memref_squeeze %dma_start3A_375 : memref<1x512x32xf32, #tpu.memory_space<vmem>> -> memref<512x32xf32, #tpu.memory_space<vmem>>
          %dma_start3A_377 = arith.constant 0 : i32
          %dma_start3A_378 = tpu.memref_slice %arg7[%add3A_371, %dma_start3A_377] : memref<40x512xi32, #tpu.memory_space<vmem>> -> memref<1x512xi32, #tpu.memory_space<vmem>>
          %dma_start3A_379 = tpu.memref_squeeze %dma_start3A_378 : memref<1x512xi32, #tpu.memory_space<vmem>> -> memref<512xi32, #tpu.memory_space<vmem>>
          %dma_start3A_380 = arith.constant 0 : i32
          %dma_start3A_381 = arith.constant 0 : i32
          %dma_start3A_382 = tpu.memref_slice %arg2[%dma_start3A_380, %dma_start3A_381] : memref<10240x32xf32, #tpu.memory_space<hbm>> -> memref<10240x32xf32, #tpu.memory_space<hbm>>
          tpu.enqueue_indirect_dma source(%dma_start3A_382 : memref<10240x32xf32, #tpu.memory_space<hbm>>) target(%dma_start3A_376 : memref<512x32xf32, #tpu.memory_space<vmem>>) offsets(%dma_start3A_379 : memref<512xi32, #tpu.memory_space<vmem>>) semaphore(%arg13 : memref<!tpu.dma_semaphore, #tpu.memory_space<semaphore_mem>>)
        } else {
        }
        %add3A_346 = arith.constant 3 : i32
        %add3A_347 = arith.addi %mul3A_215, %add3A_346 : i32
        %add3A_348 = arith.constant 4 : i32
        %add3A_349 = arith.addi %add3A_347, %add3A_348 : i32
        %lt3A_350 = arith.constant 39 : i32
        %lt3A_351 = arith.cmpi slt, %add3A_349, %lt3A_350 : i32
        %convert_element_type3A_352 = arith.extui %lt3A_351 : i1 to i32
        %cond3A_353 = arith.constant 0 : i32
        %cond3A_354 = arith.cmpi ne, %convert_element_type3A_352, %cond3A_353 : i32
        scf.if %cond3A_354 {
          %add3A_355 = arith.constant 3 : i32
          %add3A_356 = arith.addi %mul3A_215, %add3A_355 : i32
          %dma_wait3A_357 = arith.constant 3 : i32
          %dma_wait3A_358 = arith.constant 0 : i32
          %dma_wait3A_359 = arith.constant 0 : i32
          %dma_wait3A_360 = tpu.memref_slice %arg9[%dma_wait3A_357, %dma_wait3A_358, %dma_wait3A_359] : memref<4x512x32xf32, #tpu.memory_space<vmem>> -> memref<1x512x32xf32, #tpu.memory_space<vmem>>
          %dma_wait3A_361 = tpu.memref_squeeze %dma_wait3A_360 : memref<1x512x32xf32, #tpu.memory_space<vmem>> -> memref<512x32xf32, #tpu.memory_space<vmem>>
          %dma_wait3A_362 = arith.constant 0 : i32
          %dma_wait3A_363 = tpu.memref_slice %arg8[%add3A_356, %dma_wait3A_362] : memref<40x512xi32, #tpu.memory_space<vmem>> -> memref<1x512xi32, #tpu.memory_space<vmem>>
          %dma_wait3A_364 = tpu.memref_squeeze %dma_wait3A_363 : memref<1x512xi32, #tpu.memory_space<vmem>> -> memref<512xi32, #tpu.memory_space<vmem>>
          %dma_wait3A_365 = arith.constant 0 : i32
          %dma_wait3A_366 = arith.constant 0 : i32
          %dma_wait3A_367 = tpu.memref_slice %arg10[%dma_wait3A_365, %dma_wait3A_366] : memref<10240x32xf32, #tpu.memory_space<vmem_shared>> -> memref<10240x32xf32, #tpu.memory_space<vmem_shared>>
          tpu.wait_indirect_dma semaphore(%arg18 : memref<!tpu.dma_semaphore, #tpu.memory_space<semaphore_mem>>) src(%dma_wait3A_361 : memref<512x32xf32, #tpu.memory_space<vmem>>) dst(%dma_wait3A_367 : memref<10240x32xf32, #tpu.memory_space<vmem_shared>>)
          %add3A_368 = arith.constant 3 : i32
          %add3A_369 = arith.addi %mul3A_215, %add3A_368 : i32
          %add3A_370 = arith.constant 4 : i32
          %add3A_371 = arith.addi %add3A_369, %add3A_370 : i32
          %dma_start3A_372 = arith.constant 3 : i32
          %dma_start3A_373 = arith.constant 0 : i32
          %dma_start3A_374 = arith.constant 0 : i32
          %dma_start3A_375 = tpu.memref_slice %arg9[%dma_start3A_372, %dma_start3A_373, %dma_start3A_374] : memref<4x512x32xf32, #tpu.memory_space<vmem>> -> memref<1x512x32xf32, #tpu.memory_space<vmem>>
          %dma_start3A_376 = tpu.memref_squeeze %dma_start3A_375 : memref<1x512x32xf32, #tpu.memory_space<vmem>> -> memref<512x32xf32, #tpu.memory_space<vmem>>
          %dma_start3A_377 = arith.constant 0 : i32
          %dma_start3A_378 = tpu.memref_slice %arg7[%add3A_371, %dma_start3A_377] : memref<40x512xi32, #tpu.memory_space<vmem>> -> memref<1x512xi32, #tpu.memory_space<vmem>>
          %dma_start3A_379 = tpu.memref_squeeze %dma_start3A_378 : memref<1x512xi32, #tpu.memory_space<vmem>> -> memref<512xi32, #tpu.memory_space<vmem>>
          %dma_start3A_380 = arith.constant 0 : i32
          %dma_start3A_381 = arith.constant 0 : i32
          %dma_start3A_382 = tpu.memref_slice %arg2[%dma_start3A_380, %dma_start3A_381] : memref<10240x32xf32, #tpu.memory_space<hbm>> -> memref<10240x32xf32, #tpu.memory_space<hbm>>
          tpu.enqueue_indirect_dma source(%dma_start3A_382 : memref<10240x32xf32, #tpu.memory_space<hbm>>) target(%dma_start3A_376 : memref<512x32xf32, #tpu.memory_space<vmem>>) offsets(%dma_start3A_379 : memref<512xi32, #tpu.memory_space<vmem>>) semaphore(%arg14 : memref<!tpu.dma_semaphore, #tpu.memory_space<semaphore_mem>>)
        } else {
        }
      }
      %scan3A_88 = arith.constant 9 : i32
      %dma_wait3A = arith.constant 36 : i32
      %dma_wait3A_89 = arith.constant 0 : i32
      %dma_wait3A_90 = arith.constant 0 : i32
      %dma_wait3A_91 = arith.constant 0 : i32
      %dma_wait3A_92 = tpu.memref_slice %arg9[%dma_wait3A_89, %dma_wait3A_90, %dma_wait3A_91] : memref<4x512x32xf32, #tpu.memory_space<vmem>> -> memref<1x512x32xf32, #tpu.memory_space<vmem>>
      %dma_wait3A_93 = tpu.memref_squeeze %dma_wait3A_92 : memref<1x512x32xf32, #tpu.memory_space<vmem>> -> memref<512x32xf32, #tpu.memory_space<vmem>>
      %dma_wait3A_94 = arith.constant 0 : i32
      %dma_wait3A_95 = tpu.memref_slice %arg7[%dma_wait3A, %dma_wait3A_94] : memref<40x512xi32, #tpu.memory_space<vmem>> -> memref<1x512xi32, #tpu.memory_space<vmem>>
      %dma_wait3A_96 = tpu.memref_squeeze %dma_wait3A_95 : memref<1x512xi32, #tpu.memory_space<vmem>> -> memref<512xi32, #tpu.memory_space<vmem>>
      %dma_wait3A_97 = arith.constant 0 : i32
      %dma_wait3A_98 = arith.constant 0 : i32
      %dma_wait3A_99 = tpu.memref_slice %arg2[%dma_wait3A_97, %dma_wait3A_98] : memref<10240x32xf32, #tpu.memory_space<hbm>> -> memref<10240x32xf32, #tpu.memory_space<hbm>>
      tpu.wait_indirect_dma semaphore(%arg11 : memref<!tpu.dma_semaphore, #tpu.memory_space<semaphore_mem>>) src(%dma_wait3A_99 : memref<10240x32xf32, #tpu.memory_space<hbm>>) dst(%dma_wait3A_93 : memref<512x32xf32, #tpu.memory_space<vmem>>)
      %dma_start3A_100 = arith.constant 0 : i32
      %dma_start3A_101 = arith.constant 36 : i32
      %dma_start3A_102 = arith.constant 0 : i32
      %dma_start3A_103 = arith.constant 0 : i32
      %dma_start3A_104 = tpu.memref_slice %arg9[%dma_start3A_100, %dma_start3A_102, %dma_start3A_103] : memref<4x512x32xf32, #tpu.memory_space<vmem>> -> memref<1x512x32xf32, #tpu.memory_space<vmem>>
      %dma_start3A_105 = tpu.memref_squeeze %dma_start3A_104 : memref<1x512x32xf32, #tpu.memory_space<vmem>> -> memref<512x32xf32, #tpu.memory_space<vmem>>
      %dma_start3A_106 = arith.constant 0 : i32
      %dma_start3A_107 = tpu.memref_slice %arg8[%dma_start3A_101, %dma_start3A_106] : memref<40x512xi32, #tpu.memory_space<vmem>> -> memref<1x512xi32, #tpu.memory_space<vmem>>
      %dma_start3A_108 = tpu.memref_squeeze %dma_start3A_107 : memref<1x512xi32, #tpu.memory_space<vmem>> -> memref<512xi32, #tpu.memory_space<vmem>>
      %dma_start3A_109 = arith.constant 0 : i32
      %dma_start3A_110 = arith.constant 0 : i32
      %dma_start3A_111 = tpu.memref_slice %arg10[%dma_start3A_109, %dma_start3A_110] : memref<10240x32xf32, #tpu.memory_space<vmem_shared>> -> memref<10240x32xf32, #tpu.memory_space<vmem_shared>>
      tpu.enqueue_indirect_dma source(%dma_start3A_105 : memref<512x32xf32, #tpu.memory_space<vmem>>) target(%dma_start3A_111 : memref<10240x32xf32, #tpu.memory_space<vmem_shared>>) offsets(%dma_start3A_108 : memref<512xi32, #tpu.memory_space<vmem>>) semaphore(%arg15 : memref<!tpu.dma_semaphore, #tpu.memory_space<semaphore_mem>>) {add = true}
      %dma_wait3A_112 = arith.constant 37 : i32
      %dma_wait3A_113 = arith.constant 1 : i32
      %dma_wait3A_114 = arith.constant 0 : i32
      %dma_wait3A_115 = arith.constant 0 : i32
      %dma_wait3A_116 = tpu.memref_slice %arg9[%dma_wait3A_113, %dma_wait3A_114, %dma_wait3A_115] : memref<4x512x32xf32, #tpu.memory_space<vmem>> -> memref<1x512x32xf32, #tpu.memory_space<vmem>>
      %dma_wait3A_117 = tpu.memref_squeeze %dma_wait3A_116 : memref<1x512x32xf32, #tpu.memory_space<vmem>> -> memref<512x32xf32, #tpu.memory_space<vmem>>
      %dma_wait3A_118 = arith.constant 0 : i32
      %dma_wait3A_119 = tpu.memref_slice %arg7[%dma_wait3A_112, %dma_wait3A_118] : memref<40x512xi32, #tpu.memory_space<vmem>> -> memref<1x512xi32, #tpu.memory_space<vmem>>
      %dma_wait3A_120 = tpu.memref_squeeze %dma_wait3A_119 : memref<1x512xi32, #tpu.memory_space<vmem>> -> memref<512xi32, #tpu.memory_space<vmem>>
      %dma_wait3A_121 = arith.constant 0 : i32
      %dma_wait3A_122 = arith.constant 0 : i32
      %dma_wait3A_123 = tpu.memref_slice %arg2[%dma_wait3A_121, %dma_wait3A_122] : memref<10240x32xf32, #tpu.memory_space<hbm>> -> memref<10240x32xf32, #tpu.memory_space<hbm>>
      tpu.wait_indirect_dma semaphore(%arg12 : memref<!tpu.dma_semaphore, #tpu.memory_space<semaphore_mem>>) src(%dma_wait3A_123 : memref<10240x32xf32, #tpu.memory_space<hbm>>) dst(%dma_wait3A_117 : memref<512x32xf32, #tpu.memory_space<vmem>>)
      %dma_start3A_124 = arith.constant 1 : i32
      %dma_start3A_125 = arith.constant 37 : i32
      %dma_start3A_126 = arith.constant 0 : i32
      %dma_start3A_127 = arith.constant 0 : i32
      %dma_start3A_128 = tpu.memref_slice %arg9[%dma_start3A_124, %dma_start3A_126, %dma_start3A_127] : memref<4x512x32xf32, #tpu.memory_space<vmem>> -> memref<1x512x32xf32, #tpu.memory_space<vmem>>
      %dma_start3A_129 = tpu.memref_squeeze %dma_start3A_128 : memref<1x512x32xf32, #tpu.memory_space<vmem>> -> memref<512x32xf32, #tpu.memory_space<vmem>>
      %dma_start3A_130 = arith.constant 0 : i32
      %dma_start3A_131 = tpu.memref_slice %arg8[%dma_start3A_125, %dma_start3A_130] : memref<40x512xi32, #tpu.memory_space<vmem>> -> memref<1x512xi32, #tpu.memory_space<vmem>>
      %dma_start3A_132 = tpu.memref_squeeze %dma_start3A_131 : memref<1x512xi32, #tpu.memory_space<vmem>> -> memref<512xi32, #tpu.memory_space<vmem>>
      %dma_start3A_133 = arith.constant 0 : i32
      %dma_start3A_134 = arith.constant 0 : i32
      %dma_start3A_135 = tpu.memref_slice %arg10[%dma_start3A_133, %dma_start3A_134] : memref<10240x32xf32, #tpu.memory_space<vmem_shared>> -> memref<10240x32xf32, #tpu.memory_space<vmem_shared>>
      tpu.enqueue_indirect_dma source(%dma_start3A_129 : memref<512x32xf32, #tpu.memory_space<vmem>>) target(%dma_start3A_135 : memref<10240x32xf32, #tpu.memory_space<vmem_shared>>) offsets(%dma_start3A_132 : memref<512xi32, #tpu.memory_space<vmem>>) semaphore(%arg16 : memref<!tpu.dma_semaphore, #tpu.memory_space<semaphore_mem>>) {add = true}
      %dma_wait3A_136 = arith.constant 38 : i32
      %dma_wait3A_137 = arith.constant 2 : i32
      %dma_wait3A_138 = arith.constant 0 : i32
      %dma_wait3A_139 = arith.constant 0 : i32
      %dma_wait3A_140 = tpu.memref_slice %arg9[%dma_wait3A_137, %dma_wait3A_138, %dma_wait3A_139] : memref<4x512x32xf32, #tpu.memory_space<vmem>> -> memref<1x512x32xf32, #tpu.memory_space<vmem>>
      %dma_wait3A_141 = tpu.memref_squeeze %dma_wait3A_140 : memref<1x512x32xf32, #tpu.memory_space<vmem>> -> memref<512x32xf32, #tpu.memory_space<vmem>>
      %dma_wait3A_142 = arith.constant 0 : i32
      %dma_wait3A_143 = tpu.memref_slice %arg7[%dma_wait3A_136, %dma_wait3A_142] : memref<40x512xi32, #tpu.memory_space<vmem>> -> memref<1x512xi32, #tpu.memory_space<vmem>>
      %dma_wait3A_144 = tpu.memref_squeeze %dma_wait3A_143 : memref<1x512xi32, #tpu.memory_space<vmem>> -> memref<512xi32, #tpu.memory_space<vmem>>
      %dma_wait3A_145 = arith.constant 0 : i32
      %dma_wait3A_146 = arith.constant 0 : i32
      %dma_wait3A_147 = tpu.memref_slice %arg2[%dma_wait3A_145, %dma_wait3A_146] : memref<10240x32xf32, #tpu.memory_space<hbm>> -> memref<10240x32xf32, #tpu.memory_space<hbm>>
      tpu.wait_indirect_dma semaphore(%arg13 : memref<!tpu.dma_semaphore, #tpu.memory_space<semaphore_mem>>) src(%dma_wait3A_147 : memref<10240x32xf32, #tpu.memory_space<hbm>>) dst(%dma_wait3A_141 : memref<512x32xf32, #tpu.memory_space<vmem>>)
      %dma_start3A_148 = arith.constant 2 : i32
      %dma_start3A_149 = arith.constant 38 : i32
      %dma_start3A_150 = arith.constant 0 : i32
      %dma_start3A_151 = arith.constant 0 : i32
      %dma_start3A_152 = tpu.memref_slice %arg9[%dma_start3A_148, %dma_start3A_150, %dma_start3A_151] : memref<4x512x32xf32, #tpu.memory_space<vmem>> -> memref<1x512x32xf32, #tpu.memory_space<vmem>>
      %dma_start3A_153 = tpu.memref_squeeze %dma_start3A_152 : memref<1x512x32xf32, #tpu.memory_space<vmem>> -> memref<512x32xf32, #tpu.memory_space<vmem>>
      %dma_start3A_154 = arith.constant 0 : i32
      %dma_start3A_155 = tpu.memref_slice %arg8[%dma_start3A_149, %dma_start3A_154] : memref<40x512xi32, #tpu.memory_space<vmem>> -> memref<1x512xi32, #tpu.memory_space<vmem>>
      %dma_start3A_156 = tpu.memref_squeeze %dma_start3A_155 : memref<1x512xi32, #tpu.memory_space<vmem>> -> memref<512xi32, #tpu.memory_space<vmem>>
      %dma_start3A_157 = arith.constant 0 : i32
      %dma_start3A_158 = arith.constant 0 : i32
      %dma_start3A_159 = tpu.memref_slice %arg10[%dma_start3A_157, %dma_start3A_158] : memref<10240x32xf32, #tpu.memory_space<vmem_shared>> -> memref<10240x32xf32, #tpu.memory_space<vmem_shared>>
      tpu.enqueue_indirect_dma source(%dma_start3A_153 : memref<512x32xf32, #tpu.memory_space<vmem>>) target(%dma_start3A_159 : memref<10240x32xf32, #tpu.memory_space<vmem_shared>>) offsets(%dma_start3A_156 : memref<512xi32, #tpu.memory_space<vmem>>) semaphore(%arg17 : memref<!tpu.dma_semaphore, #tpu.memory_space<semaphore_mem>>) {add = true}
      %dma_wait3A_160 = arith.constant 3 : i32
      %dma_wait3A_161 = arith.constant 35 : i32
      %dma_wait3A_162 = arith.constant 0 : i32
      %dma_wait3A_163 = arith.constant 0 : i32
      %dma_wait3A_164 = tpu.memref_slice %arg9[%dma_wait3A_160, %dma_wait3A_162, %dma_wait3A_163] : memref<4x512x32xf32, #tpu.memory_space<vmem>> -> memref<1x512x32xf32, #tpu.memory_space<vmem>>
      %dma_wait3A_165 = tpu.memref_squeeze %dma_wait3A_164 : memref<1x512x32xf32, #tpu.memory_space<vmem>> -> memref<512x32xf32, #tpu.memory_space<vmem>>
      %dma_wait3A_166 = arith.constant 0 : i32
      %dma_wait3A_167 = tpu.memref_slice %arg8[%dma_wait3A_161, %dma_wait3A_166] : memref<40x512xi32, #tpu.memory_space<vmem>> -> memref<1x512xi32, #tpu.memory_space<vmem>>
      %dma_wait3A_168 = tpu.memref_squeeze %dma_wait3A_167 : memref<1x512xi32, #tpu.memory_space<vmem>> -> memref<512xi32, #tpu.memory_space<vmem>>
      %dma_wait3A_169 = arith.constant 0 : i32
      %dma_wait3A_170 = arith.constant 0 : i32
      %dma_wait3A_171 = tpu.memref_slice %arg10[%dma_wait3A_169, %dma_wait3A_170] : memref<10240x32xf32, #tpu.memory_space<vmem_shared>> -> memref<10240x32xf32, #tpu.memory_space<vmem_shared>>
      tpu.wait_indirect_dma semaphore(%arg18 : memref<!tpu.dma_semaphore, #tpu.memory_space<semaphore_mem>>) src(%dma_wait3A_165 : memref<512x32xf32, #tpu.memory_space<vmem>>) dst(%dma_wait3A_171 : memref<10240x32xf32, #tpu.memory_space<vmem_shared>>)
      %dma_wait3A_172 = arith.constant 0 : i32
      %dma_wait3A_173 = arith.constant 36 : i32
      %dma_wait3A_174 = arith.constant 0 : i32
      %dma_wait3A_175 = arith.constant 0 : i32
      %dma_wait3A_176 = tpu.memref_slice %arg9[%dma_wait3A_172, %dma_wait3A_174, %dma_wait3A_175] : memref<4x512x32xf32, #tpu.memory_space<vmem>> -> memref<1x512x32xf32, #tpu.memory_space<vmem>>
      %dma_wait3A_177 = tpu.memref_squeeze %dma_wait3A_176 : memref<1x512x32xf32, #tpu.memory_space<vmem>> -> memref<512x32xf32, #tpu.memory_space<vmem>>
      %dma_wait3A_178 = arith.constant 0 : i32
      %dma_wait3A_179 = tpu.memref_slice %arg8[%dma_wait3A_173, %dma_wait3A_178] : memref<40x512xi32, #tpu.memory_space<vmem>> -> memref<1x512xi32, #tpu.memory_space<vmem>>
      %dma_wait3A_180 = tpu.memref_squeeze %dma_wait3A_179 : memref<1x512xi32, #tpu.memory_space<vmem>> -> memref<512xi32, #tpu.memory_space<vmem>>
      %dma_wait3A_181 = arith.constant 0 : i32
      %dma_wait3A_182 = arith.constant 0 : i32
      %dma_wait3A_183 = tpu.memref_slice %arg10[%dma_wait3A_181, %dma_wait3A_182] : memref<10240x32xf32, #tpu.memory_space<vmem_shared>> -> memref<10240x32xf32, #tpu.memory_space<vmem_shared>>
      tpu.wait_indirect_dma semaphore(%arg15 : memref<!tpu.dma_semaphore, #tpu.memory_space<semaphore_mem>>) src(%dma_wait3A_177 : memref<512x32xf32, #tpu.memory_space<vmem>>) dst(%dma_wait3A_183 : memref<10240x32xf32, #tpu.memory_space<vmem_shared>>)
      %dma_wait3A_184 = arith.constant 1 : i32
      %dma_wait3A_185 = arith.constant 37 : i32
      %dma_wait3A_186 = arith.constant 0 : i32
      %dma_wait3A_187 = arith.constant 0 : i32
      %dma_wait3A_188 = tpu.memref_slice %arg9[%dma_wait3A_184, %dma_wait3A_186, %dma_wait3A_187] : memref<4x512x32xf32, #tpu.memory_space<vmem>> -> memref<1x512x32xf32, #tpu.memory_space<vmem>>
      %dma_wait3A_189 = tpu.memref_squeeze %dma_wait3A_188 : memref<1x512x32xf32, #tpu.memory_space<vmem>> -> memref<512x32xf32, #tpu.memory_space<vmem>>
      %dma_wait3A_190 = arith.constant 0 : i32
      %dma_wait3A_191 = tpu.memref_slice %arg8[%dma_wait3A_185, %dma_wait3A_190] : memref<40x512xi32, #tpu.memory_space<vmem>> -> memref<1x512xi32, #tpu.memory_space<vmem>>
      %dma_wait3A_192 = tpu.memref_squeeze %dma_wait3A_191 : memref<1x512xi32, #tpu.memory_space<vmem>> -> memref<512xi32, #tpu.memory_space<vmem>>
      %dma_wait3A_193 = arith.constant 0 : i32
      %dma_wait3A_194 = arith.constant 0 : i32
      %dma_wait3A_195 = tpu.memref_slice %arg10[%dma_wait3A_193, %dma_wait3A_194] : memref<10240x32xf32, #tpu.memory_space<vmem_shared>> -> memref<10240x32xf32, #tpu.memory_space<vmem_shared>>
      tpu.wait_indirect_dma semaphore(%arg16 : memref<!tpu.dma_semaphore, #tpu.memory_space<semaphore_mem>>) src(%dma_wait3A_189 : memref<512x32xf32, #tpu.memory_space<vmem>>) dst(%dma_wait3A_195 : memref<10240x32xf32, #tpu.memory_space<vmem_shared>>)
      %dma_wait3A_196 = arith.constant 2 : i32
      %dma_wait3A_197 = arith.constant 38 : i32
      %dma_wait3A_198 = arith.constant 0 : i32
      %dma_wait3A_199 = arith.constant 0 : i32
      %dma_wait3A_200 = tpu.memref_slice %arg9[%dma_wait3A_196, %dma_wait3A_198, %dma_wait3A_199] : memref<4x512x32xf32, #tpu.memory_space<vmem>> -> memref<1x512x32xf32, #tpu.memory_space<vmem>>
      %dma_wait3A_201 = tpu.memref_squeeze %dma_wait3A_200 : memref<1x512x32xf32, #tpu.memory_space<vmem>> -> memref<512x32xf32, #tpu.memory_space<vmem>>
      %dma_wait3A_202 = arith.constant 0 : i32
      %dma_wait3A_203 = tpu.memref_slice %arg8[%dma_wait3A_197, %dma_wait3A_202] : memref<40x512xi32, #tpu.memory_space<vmem>> -> memref<1x512xi32, #tpu.memory_space<vmem>>
      %dma_wait3A_204 = tpu.memref_squeeze %dma_wait3A_203 : memref<1x512xi32, #tpu.memory_space<vmem>> -> memref<512xi32, #tpu.memory_space<vmem>>
      %dma_wait3A_205 = arith.constant 0 : i32
      %dma_wait3A_206 = arith.constant 0 : i32
      %dma_wait3A_207 = tpu.memref_slice %arg10[%dma_wait3A_205, %dma_wait3A_206] : memref<10240x32xf32, #tpu.memory_space<vmem_shared>> -> memref<10240x32xf32, #tpu.memory_space<vmem_shared>>
      tpu.wait_indirect_dma semaphore(%arg17 : memref<!tpu.dma_semaphore, #tpu.memory_space<semaphore_mem>>) src(%dma_wait3A_201 : memref<512x32xf32, #tpu.memory_space<vmem>>) dst(%dma_wait3A_207 : memref<10240x32xf32, #tpu.memory_space<vmem_shared>>)
      %eq3A_208 = arith.constant 0 : i32
      %eq3A_209 = arith.cmpi eq, %arg1, %eq3A_208 : i32
      %convert_element_type3A_210 = arith.extui %eq3A_209 : i1 to i32
      %cond3A_211 = arith.constant 0 : i32
      %cond3A_212 = arith.cmpi ne, %convert_element_type3A_210, %cond3A_211 : i32
      scf.if %cond3A_212 {
        %dma_start3A_213 = arith.constant 39 : i32
        %dma_start3A_214 = arith.constant 3 : i32
        %dma_start3A_215 = arith.constant 0 : i32
        %dma_start3A_216 = arith.constant 0 : i32
        %dma_start3A_217 = tpu.memref_slice %arg9[%dma_start3A_214, %dma_start3A_215, %dma_start3A_216] : memref<4x512x32xf32, #tpu.memory_space<vmem>> -> memref<1x512x32xf32, #tpu.memory_space<vmem>>
        %dma_start3A_218 = tpu.memref_squeeze %dma_start3A_217 : memref<1x512x32xf32, #tpu.memory_space<vmem>> -> memref<512x32xf32, #tpu.memory_space<vmem>>
        %dma_start3A_219 = arith.constant 0 : i32
        %dma_start3A_220 = tpu.memref_slice %arg7[%dma_start3A_213, %dma_start3A_219] : memref<40x512xi32, #tpu.memory_space<vmem>> -> memref<1x512xi32, #tpu.memory_space<vmem>>
        %dma_start3A_221 = tpu.memref_squeeze %dma_start3A_220 : memref<1x512xi32, #tpu.memory_space<vmem>> -> memref<512xi32, #tpu.memory_space<vmem>>
        %dma_start3A_222 = arith.constant 0 : i32
        %dma_start3A_223 = arith.constant 0 : i32
        %dma_start3A_224 = tpu.memref_slice %arg2[%dma_start3A_222, %dma_start3A_223] : memref<10240x32xf32, #tpu.memory_space<hbm>> -> memref<10240x32xf32, #tpu.memory_space<hbm>>
        tpu.enqueue_indirect_dma source(%dma_start3A_224 : memref<10240x32xf32, #tpu.memory_space<hbm>>) target(%dma_start3A_218 : memref<512x32xf32, #tpu.memory_space<vmem>>) offsets(%dma_start3A_221 : memref<512xi32, #tpu.memory_space<vmem>>) semaphore(%arg14 : memref<!tpu.dma_semaphore, #tpu.memory_space<semaphore_mem>>)
        %dma_wait3A_225 = arith.constant 39 : i32
        %dma_wait3A_226 = arith.constant 3 : i32
        %dma_wait3A_227 = arith.constant 0 : i32
        %dma_wait3A_228 = arith.constant 0 : i32
        %dma_wait3A_229 = tpu.memref_slice %arg9[%dma_wait3A_226, %dma_wait3A_227, %dma_wait3A_228] : memref<4x512x32xf32, #tpu.memory_space<vmem>> -> memref<1x512x32xf32, #tpu.memory_space<vmem>>
        %dma_wait3A_230 = tpu.memref_squeeze %dma_wait3A_229 : memref<1x512x32xf32, #tpu.memory_space<vmem>> -> memref<512x32xf32, #tpu.memory_space<vmem>>
        %dma_wait3A_231 = arith.constant 0 : i32
        %dma_wait3A_232 = tpu.memref_slice %arg7[%dma_wait3A_225, %dma_wait3A_231] : memref<40x512xi32, #tpu.memory_space<vmem>> -> memref<1x512xi32, #tpu.memory_space<vmem>>
        %dma_wait3A_233 = tpu.memref_squeeze %dma_wait3A_232 : memref<1x512xi32, #tpu.memory_space<vmem>> -> memref<512xi32, #tpu.memory_space<vmem>>
        %dma_wait3A_234 = arith.constant 0 : i32
        %dma_wait3A_235 = arith.constant 0 : i32
        %dma_wait3A_236 = tpu.memref_slice %arg2[%dma_wait3A_234, %dma_wait3A_235] : memref<10240x32xf32, #tpu.memory_space<hbm>> -> memref<10240x32xf32, #tpu.memory_space<hbm>>
        tpu.wait_indirect_dma semaphore(%arg14 : memref<!tpu.dma_semaphore, #tpu.memory_space<semaphore_mem>>) src(%dma_wait3A_236 : memref<10240x32xf32, #tpu.memory_space<hbm>>) dst(%dma_wait3A_230 : memref<512x32xf32, #tpu.memory_space<vmem>>)
        %dma_start3A_237 = arith.constant 3 : i32
        %dma_start3A_238 = arith.constant 39 : i32
        %dma_start3A_239 = arith.constant 0 : i32
        %dma_start3A_240 = arith.constant 0 : i32
        %dma_start3A_241 = tpu.memref_slice %arg9[%dma_start3A_237, %dma_start3A_239, %dma_start3A_240] : memref<4x512x32xf32, #tpu.memory_space<vmem>> -> memref<1x512x32xf32, #tpu.memory_space<vmem>>
        %dma_start3A_242 = tpu.memref_squeeze %dma_start3A_241 : memref<1x512x32xf32, #tpu.memory_space<vmem>> -> memref<512x32xf32, #tpu.memory_space<vmem>>
        %dma_start3A_243 = arith.constant 0 : i32
        %dma_start3A_244 = tpu.memref_slice %arg8[%dma_start3A_238, %dma_start3A_243] : memref<40x512xi32, #tpu.memory_space<vmem>> -> memref<1x512xi32, #tpu.memory_space<vmem>>
        %dma_start3A_245 = tpu.memref_squeeze %dma_start3A_244 : memref<1x512xi32, #tpu.memory_space<vmem>> -> memref<512xi32, #tpu.memory_space<vmem>>
        %dma_start3A_246 = arith.constant 0 : i32
        %dma_start3A_247 = arith.constant 0 : i32
        %dma_start3A_248 = tpu.memref_slice %arg10[%dma_start3A_246, %dma_start3A_247] : memref<10240x32xf32, #tpu.memory_space<vmem_shared>> -> memref<10240x32xf32, #tpu.memory_space<vmem_shared>>
        tpu.enqueue_indirect_dma source(%dma_start3A_242 : memref<512x32xf32, #tpu.memory_space<vmem>>) target(%dma_start3A_248 : memref<10240x32xf32, #tpu.memory_space<vmem_shared>>) offsets(%dma_start3A_245 : memref<512xi32, #tpu.memory_space<vmem>>) semaphore(%arg18 : memref<!tpu.dma_semaphore, #tpu.memory_space<semaphore_mem>>) {add = true}
        %dma_wait3A_249 = arith.constant 3 : i32
        %dma_wait3A_250 = arith.constant 39 : i32
        %dma_wait3A_251 = arith.constant 0 : i32
        %dma_wait3A_252 = arith.constant 0 : i32
        %dma_wait3A_253 = tpu.memref_slice %arg9[%dma_wait3A_249, %dma_wait3A_251, %dma_wait3A_252] : memref<4x512x32xf32, #tpu.memory_space<vmem>> -> memref<1x512x32xf32, #tpu.memory_space<vmem>>
        %dma_wait3A_254 = tpu.memref_squeeze %dma_wait3A_253 : memref<1x512x32xf32, #tpu.memory_space<vmem>> -> memref<512x32xf32, #tpu.memory_space<vmem>>
        %dma_wait3A_255 = arith.constant 0 : i32
        %dma_wait3A_256 = tpu.memref_slice %arg8[%dma_wait3A_250, %dma_wait3A_255] : memref<40x512xi32, #tpu.memory_space<vmem>> -> memref<1x512xi32, #tpu.memory_space<vmem>>
        %dma_wait3A_257 = tpu.memref_squeeze %dma_wait3A_256 : memref<1x512xi32, #tpu.memory_space<vmem>> -> memref<512xi32, #tpu.memory_space<vmem>>
        %dma_wait3A_258 = arith.constant 0 : i32
        %dma_wait3A_259 = arith.constant 0 : i32
        %dma_wait3A_260 = tpu.memref_slice %arg10[%dma_wait3A_258, %dma_wait3A_259] : memref<10240x32xf32, #tpu.memory_space<vmem_shared>> -> memref<10240x32xf32, #tpu.memory_space<vmem_shared>>
        tpu.wait_indirect_dma semaphore(%arg18 : memref<!tpu.dma_semaphore, #tpu.memory_space<semaphore_mem>>) src(%dma_wait3A_254 : memref<512x32xf32, #tpu.memory_space<vmem>>) dst(%dma_wait3A_260 : memref<10240x32xf32, #tpu.memory_space<vmem_shared>>)
      } else {
      }
    } else {
    }
    %eq3A_23 = arith.constant 1 : i32
    %eq3A_24 = arith.cmpi eq, %arg0, %eq3A_23 : i32
    %convert_element_type3A_25 = arith.extui %eq3A_24 : i1 to i32
    %cond3A_26 = arith.constant 0 : i32
    %cond3A_27 = arith.cmpi ne, %convert_element_type3A_25, %cond3A_26 : i32
    scf.if %cond3A_27 {
      %dma_start3A = arith.constant 0 : i32
      %dma_start3A_36 = arith.constant 0 : i32
      %dma_start3A_37 = arith.constant 0 : i32
      %dma_start3A_38 = arith.constant 0 : i32
      %dma_start3A_39 = tpu.memref_slice %arg9[%dma_start3A_36, %dma_start3A_37, %dma_start3A_38] : memref<4x512x32xf32, #tpu.memory_space<vmem>> -> memref<1x512x32xf32, #tpu.memory_space<vmem>>
      %dma_start3A_40 = tpu.memref_squeeze %dma_start3A_39 : memref<1x512x32xf32, #tpu.memory_space<vmem>> -> memref<512x32xf32, #tpu.memory_space<vmem>>
      %dma_start3A_41 = arith.constant 0 : i32
      %dma_start3A_42 = tpu.memref_slice %arg7[%dma_start3A, %dma_start3A_41] : memref<40x512xi32, #tpu.memory_space<vmem>> -> memref<1x512xi32, #tpu.memory_space<vmem>>
      %dma_start3A_43 = tpu.memref_squeeze %dma_start3A_42 : memref<1x512xi32, #tpu.memory_space<vmem>> -> memref<512xi32, #tpu.memory_space<vmem>>
      %dma_start3A_44 = arith.constant 0 : i32
      %dma_start3A_45 = arith.constant 0 : i32
      %dma_start3A_46 = tpu.memref_slice %arg3[%dma_start3A_44, %dma_start3A_45] : memref<10240x32xf32, #tpu.memory_space<hbm>> -> memref<10240x32xf32, #tpu.memory_space<hbm>>
      tpu.enqueue_indirect_dma source(%dma_start3A_46 : memref<10240x32xf32, #tpu.memory_space<hbm>>) target(%dma_start3A_40 : memref<512x32xf32, #tpu.memory_space<vmem>>) offsets(%dma_start3A_43 : memref<512xi32, #tpu.memory_space<vmem>>) semaphore(%arg11 : memref<!tpu.dma_semaphore, #tpu.memory_space<semaphore_mem>>)
      %dma_start3A_47 = arith.constant 1 : i32
      %dma_start3A_48 = arith.constant 1 : i32
      %dma_start3A_49 = arith.constant 0 : i32
      %dma_start3A_50 = arith.constant 0 : i32
      %dma_start3A_51 = tpu.memref_slice %arg9[%dma_start3A_48, %dma_start3A_49, %dma_start3A_50] : memref<4x512x32xf32, #tpu.memory_space<vmem>> -> memref<1x512x32xf32, #tpu.memory_space<vmem>>
      %dma_start3A_52 = tpu.memref_squeeze %dma_start3A_51 : memref<1x512x32xf32, #tpu.memory_space<vmem>> -> memref<512x32xf32, #tpu.memory_space<vmem>>
      %dma_start3A_53 = arith.constant 0 : i32
      %dma_start3A_54 = tpu.memref_slice %arg7[%dma_start3A_47, %dma_start3A_53] : memref<40x512xi32, #tpu.memory_space<vmem>> -> memref<1x512xi32, #tpu.memory_space<vmem>>
      %dma_start3A_55 = tpu.memref_squeeze %dma_start3A_54 : memref<1x512xi32, #tpu.memory_space<vmem>> -> memref<512xi32, #tpu.memory_space<vmem>>
      %dma_start3A_56 = arith.constant 0 : i32
      %dma_start3A_57 = arith.constant 0 : i32
      %dma_start3A_58 = tpu.memref_slice %arg3[%dma_start3A_56, %dma_start3A_57] : memref<10240x32xf32, #tpu.memory_space<hbm>> -> memref<10240x32xf32, #tpu.memory_space<hbm>>
      tpu.enqueue_indirect_dma source(%dma_start3A_58 : memref<10240x32xf32, #tpu.memory_space<hbm>>) target(%dma_start3A_52 : memref<512x32xf32, #tpu.memory_space<vmem>>) offsets(%dma_start3A_55 : memref<512xi32, #tpu.memory_space<vmem>>) semaphore(%arg12 : memref<!tpu.dma_semaphore, #tpu.memory_space<semaphore_mem>>)
      %dma_start3A_59 = arith.constant 2 : i32
      %dma_start3A_60 = arith.constant 2 : i32
      %dma_start3A_61 = arith.constant 0 : i32
      %dma_start3A_62 = arith.constant 0 : i32
      %dma_start3A_63 = tpu.memref_slice %arg9[%dma_start3A_60, %dma_start3A_61, %dma_start3A_62] : memref<4x512x32xf32, #tpu.memory_space<vmem>> -> memref<1x512x32xf32, #tpu.memory_space<vmem>>
      %dma_start3A_64 = tpu.memref_squeeze %dma_start3A_63 : memref<1x512x32xf32, #tpu.memory_space<vmem>> -> memref<512x32xf32, #tpu.memory_space<vmem>>
      %dma_start3A_65 = arith.constant 0 : i32
      %dma_start3A_66 = tpu.memref_slice %arg7[%dma_start3A_59, %dma_start3A_65] : memref<40x512xi32, #tpu.memory_space<vmem>> -> memref<1x512xi32, #tpu.memory_space<vmem>>
      %dma_start3A_67 = tpu.memref_squeeze %dma_start3A_66 : memref<1x512xi32, #tpu.memory_space<vmem>> -> memref<512xi32, #tpu.memory_space<vmem>>
      %dma_start3A_68 = arith.constant 0 : i32
      %dma_start3A_69 = arith.constant 0 : i32
      %dma_start3A_70 = tpu.memref_slice %arg3[%dma_start3A_68, %dma_start3A_69] : memref<10240x32xf32, #tpu.memory_space<hbm>> -> memref<10240x32xf32, #tpu.memory_space<hbm>>
      tpu.enqueue_indirect_dma source(%dma_start3A_70 : memref<10240x32xf32, #tpu.memory_space<hbm>>) target(%dma_start3A_64 : memref<512x32xf32, #tpu.memory_space<vmem>>) offsets(%dma_start3A_67 : memref<512xi32, #tpu.memory_space<vmem>>) semaphore(%arg13 : memref<!tpu.dma_semaphore, #tpu.memory_space<semaphore_mem>>)
      %dma_start3A_71 = arith.constant 3 : i32
      %dma_start3A_72 = arith.constant 3 : i32
      %dma_start3A_73 = arith.constant 0 : i32
      %dma_start3A_74 = arith.constant 0 : i32
      %dma_start3A_75 = tpu.memref_slice %arg9[%dma_start3A_72, %dma_start3A_73, %dma_start3A_74] : memref<4x512x32xf32, #tpu.memory_space<vmem>> -> memref<1x512x32xf32, #tpu.memory_space<vmem>>
      %dma_start3A_76 = tpu.memref_squeeze %dma_start3A_75 : memref<1x512x32xf32, #tpu.memory_space<vmem>> -> memref<512x32xf32, #tpu.memory_space<vmem>>
      %dma_start3A_77 = arith.constant 0 : i32
      %dma_start3A_78 = tpu.memref_slice %arg7[%dma_start3A_71, %dma_start3A_77] : memref<40x512xi32, #tpu.memory_space<vmem>> -> memref<1x512xi32, #tpu.memory_space<vmem>>
      %dma_start3A_79 = tpu.memref_squeeze %dma_start3A_78 : memref<1x512xi32, #tpu.memory_space<vmem>> -> memref<512xi32, #tpu.memory_space<vmem>>
      %dma_start3A_80 = arith.constant 0 : i32
      %dma_start3A_81 = arith.constant 0 : i32
      %dma_start3A_82 = tpu.memref_slice %arg3[%dma_start3A_80, %dma_start3A_81] : memref<10240x32xf32, #tpu.memory_space<hbm>> -> memref<10240x32xf32, #tpu.memory_space<hbm>>
      tpu.enqueue_indirect_dma source(%dma_start3A_82 : memref<10240x32xf32, #tpu.memory_space<hbm>>) target(%dma_start3A_76 : memref<512x32xf32, #tpu.memory_space<vmem>>) offsets(%dma_start3A_79 : memref<512xi32, #tpu.memory_space<vmem>>) semaphore(%arg14 : memref<!tpu.dma_semaphore, #tpu.memory_space<semaphore_mem>>)
      %scan3A_83 = arith.constant 0 : i32
      %scan3A_84 = arith.constant 0 : i32
      %scan3A_85 = arith.constant 9 : i32
      %scan3A_86 = arith.addi %scan3A_84, %scan3A_85 : i32
      %scan3A_87 = arith.constant 1 : i32
      scf.for %scan3A_213 = %scan3A_84 to %scan3A_86 step %scan3A_87  : i32 {
        %mul3A_214 = arith.constant 4 : i32
        %mul3A_215 = arith.muli %scan3A_213, %mul3A_214 : i32
        %add3A_216 = arith.constant 0 : i32
        %add3A_217 = arith.addi %mul3A_215, %add3A_216 : i32
        %dma_wait3A_218 = arith.constant 0 : i32
        %dma_wait3A_219 = arith.constant 0 : i32
        %dma_wait3A_220 = arith.constant 0 : i32
        %dma_wait3A_221 = tpu.memref_slice %arg9[%dma_wait3A_218, %dma_wait3A_219, %dma_wait3A_220] : memref<4x512x32xf32, #tpu.memory_space<vmem>> -> memref<1x512x32xf32, #tpu.memory_space<vmem>>
        %dma_wait3A_222 = tpu.memref_squeeze %dma_wait3A_221 : memref<1x512x32xf32, #tpu.memory_space<vmem>> -> memref<512x32xf32, #tpu.memory_space<vmem>>
        %dma_wait3A_223 = arith.constant 0 : i32
        %dma_wait3A_224 = tpu.memref_slice %arg7[%add3A_217, %dma_wait3A_223] : memref<40x512xi32, #tpu.memory_space<vmem>> -> memref<1x512xi32, #tpu.memory_space<vmem>>
        %dma_wait3A_225 = tpu.memref_squeeze %dma_wait3A_224 : memref<1x512xi32, #tpu.memory_space<vmem>> -> memref<512xi32, #tpu.memory_space<vmem>>
        %dma_wait3A_226 = arith.constant 0 : i32
        %dma_wait3A_227 = arith.constant 0 : i32
        %dma_wait3A_228 = tpu.memref_slice %arg3[%dma_wait3A_226, %dma_wait3A_227] : memref<10240x32xf32, #tpu.memory_space<hbm>> -> memref<10240x32xf32, #tpu.memory_space<hbm>>
        tpu.wait_indirect_dma semaphore(%arg11 : memref<!tpu.dma_semaphore, #tpu.memory_space<semaphore_mem>>) src(%dma_wait3A_228 : memref<10240x32xf32, #tpu.memory_space<hbm>>) dst(%dma_wait3A_222 : memref<512x32xf32, #tpu.memory_space<vmem>>)
        %add3A_229 = arith.constant 0 : i32
        %add3A_230 = arith.addi %mul3A_215, %add3A_229 : i32
        %dma_start3A_231 = arith.constant 0 : i32
        %dma_start3A_232 = arith.constant 0 : i32
        %dma_start3A_233 = arith.constant 0 : i32
        %dma_start3A_234 = tpu.memref_slice %arg9[%dma_start3A_231, %dma_start3A_232, %dma_start3A_233] : memref<4x512x32xf32, #tpu.memory_space<vmem>> -> memref<1x512x32xf32, #tpu.memory_space<vmem>>
        %dma_start3A_235 = tpu.memref_squeeze %dma_start3A_234 : memref<1x512x32xf32, #tpu.memory_space<vmem>> -> memref<512x32xf32, #tpu.memory_space<vmem>>
        %dma_start3A_236 = arith.constant 0 : i32
        %dma_start3A_237 = tpu.memref_slice %arg8[%add3A_230, %dma_start3A_236] : memref<40x512xi32, #tpu.memory_space<vmem>> -> memref<1x512xi32, #tpu.memory_space<vmem>>
        %dma_start3A_238 = tpu.memref_squeeze %dma_start3A_237 : memref<1x512xi32, #tpu.memory_space<vmem>> -> memref<512xi32, #tpu.memory_space<vmem>>
        %dma_start3A_239 = arith.constant 0 : i32
        %dma_start3A_240 = arith.constant 0 : i32
        %dma_start3A_241 = tpu.memref_slice %arg10[%dma_start3A_239, %dma_start3A_240] : memref<10240x32xf32, #tpu.memory_space<vmem_shared>> -> memref<10240x32xf32, #tpu.memory_space<vmem_shared>>
        tpu.enqueue_indirect_dma source(%dma_start3A_235 : memref<512x32xf32, #tpu.memory_space<vmem>>) target(%dma_start3A_241 : memref<10240x32xf32, #tpu.memory_space<vmem_shared>>) offsets(%dma_start3A_238 : memref<512xi32, #tpu.memory_space<vmem>>) semaphore(%arg15 : memref<!tpu.dma_semaphore, #tpu.memory_space<semaphore_mem>>) {add = true}
        %add3A_242 = arith.constant 1 : i32
        %add3A_243 = arith.addi %mul3A_215, %add3A_242 : i32
        %dma_wait3A_244 = arith.constant 1 : i32
        %dma_wait3A_245 = arith.constant 0 : i32
        %dma_wait3A_246 = arith.constant 0 : i32
        %dma_wait3A_247 = tpu.memref_slice %arg9[%dma_wait3A_244, %dma_wait3A_245, %dma_wait3A_246] : memref<4x512x32xf32, #tpu.memory_space<vmem>> -> memref<1x512x32xf32, #tpu.memory_space<vmem>>
        %dma_wait3A_248 = tpu.memref_squeeze %dma_wait3A_247 : memref<1x512x32xf32, #tpu.memory_space<vmem>> -> memref<512x32xf32, #tpu.memory_space<vmem>>
        %dma_wait3A_249 = arith.constant 0 : i32
        %dma_wait3A_250 = tpu.memref_slice %arg7[%add3A_243, %dma_wait3A_249] : memref<40x512xi32, #tpu.memory_space<vmem>> -> memref<1x512xi32, #tpu.memory_space<vmem>>
        %dma_wait3A_251 = tpu.memref_squeeze %dma_wait3A_250 : memref<1x512xi32, #tpu.memory_space<vmem>> -> memref<512xi32, #tpu.memory_space<vmem>>
        %dma_wait3A_252 = arith.constant 0 : i32
        %dma_wait3A_253 = arith.constant 0 : i32
        %dma_wait3A_254 = tpu.memref_slice %arg3[%dma_wait3A_252, %dma_wait3A_253] : memref<10240x32xf32, #tpu.memory_space<hbm>> -> memref<10240x32xf32, #tpu.memory_space<hbm>>
        tpu.wait_indirect_dma semaphore(%arg12 : memref<!tpu.dma_semaphore, #tpu.memory_space<semaphore_mem>>) src(%dma_wait3A_254 : memref<10240x32xf32, #tpu.memory_space<hbm>>) dst(%dma_wait3A_248 : memref<512x32xf32, #tpu.memory_space<vmem>>)
        %add3A_255 = arith.constant 1 : i32
        %add3A_256 = arith.addi %mul3A_215, %add3A_255 : i32
        %dma_start3A_257 = arith.constant 1 : i32
        %dma_start3A_258 = arith.constant 0 : i32
        %dma_start3A_259 = arith.constant 0 : i32
        %dma_start3A_260 = tpu.memref_slice %arg9[%dma_start3A_257, %dma_start3A_258, %dma_start3A_259] : memref<4x512x32xf32, #tpu.memory_space<vmem>> -> memref<1x512x32xf32, #tpu.memory_space<vmem>>
        %dma_start3A_261 = tpu.memref_squeeze %dma_start3A_260 : memref<1x512x32xf32, #tpu.memory_space<vmem>> -> memref<512x32xf32, #tpu.memory_space<vmem>>
        %dma_start3A_262 = arith.constant 0 : i32
        %dma_start3A_263 = tpu.memref_slice %arg8[%add3A_256, %dma_start3A_262] : memref<40x512xi32, #tpu.memory_space<vmem>> -> memref<1x512xi32, #tpu.memory_space<vmem>>
        %dma_start3A_264 = tpu.memref_squeeze %dma_start3A_263 : memref<1x512xi32, #tpu.memory_space<vmem>> -> memref<512xi32, #tpu.memory_space<vmem>>
        %dma_start3A_265 = arith.constant 0 : i32
        %dma_start3A_266 = arith.constant 0 : i32
        %dma_start3A_267 = tpu.memref_slice %arg10[%dma_start3A_265, %dma_start3A_266] : memref<10240x32xf32, #tpu.memory_space<vmem_shared>> -> memref<10240x32xf32, #tpu.memory_space<vmem_shared>>
        tpu.enqueue_indirect_dma source(%dma_start3A_261 : memref<512x32xf32, #tpu.memory_space<vmem>>) target(%dma_start3A_267 : memref<10240x32xf32, #tpu.memory_space<vmem_shared>>) offsets(%dma_start3A_264 : memref<512xi32, #tpu.memory_space<vmem>>) semaphore(%arg16 : memref<!tpu.dma_semaphore, #tpu.memory_space<semaphore_mem>>) {add = true}
        %add3A_268 = arith.constant 2 : i32
        %add3A_269 = arith.addi %mul3A_215, %add3A_268 : i32
        %dma_wait3A_270 = arith.constant 2 : i32
        %dma_wait3A_271 = arith.constant 0 : i32
        %dma_wait3A_272 = arith.constant 0 : i32
        %dma_wait3A_273 = tpu.memref_slice %arg9[%dma_wait3A_270, %dma_wait3A_271, %dma_wait3A_272] : memref<4x512x32xf32, #tpu.memory_space<vmem>> -> memref<1x512x32xf32, #tpu.memory_space<vmem>>
        %dma_wait3A_274 = tpu.memref_squeeze %dma_wait3A_273 : memref<1x512x32xf32, #tpu.memory_space<vmem>> -> memref<512x32xf32, #tpu.memory_space<vmem>>
        %dma_wait3A_275 = arith.constant 0 : i32
        %dma_wait3A_276 = tpu.memref_slice %arg7[%add3A_269, %dma_wait3A_275] : memref<40x512xi32, #tpu.memory_space<vmem>> -> memref<1x512xi32, #tpu.memory_space<vmem>>
        %dma_wait3A_277 = tpu.memref_squeeze %dma_wait3A_276 : memref<1x512xi32, #tpu.memory_space<vmem>> -> memref<512xi32, #tpu.memory_space<vmem>>
        %dma_wait3A_278 = arith.constant 0 : i32
        %dma_wait3A_279 = arith.constant 0 : i32
        %dma_wait3A_280 = tpu.memref_slice %arg3[%dma_wait3A_278, %dma_wait3A_279] : memref<10240x32xf32, #tpu.memory_space<hbm>> -> memref<10240x32xf32, #tpu.memory_space<hbm>>
        tpu.wait_indirect_dma semaphore(%arg13 : memref<!tpu.dma_semaphore, #tpu.memory_space<semaphore_mem>>) src(%dma_wait3A_280 : memref<10240x32xf32, #tpu.memory_space<hbm>>) dst(%dma_wait3A_274 : memref<512x32xf32, #tpu.memory_space<vmem>>)
        %add3A_281 = arith.constant 2 : i32
        %add3A_282 = arith.addi %mul3A_215, %add3A_281 : i32
        %dma_start3A_283 = arith.constant 2 : i32
        %dma_start3A_284 = arith.constant 0 : i32
        %dma_start3A_285 = arith.constant 0 : i32
        %dma_start3A_286 = tpu.memref_slice %arg9[%dma_start3A_283, %dma_start3A_284, %dma_start3A_285] : memref<4x512x32xf32, #tpu.memory_space<vmem>> -> memref<1x512x32xf32, #tpu.memory_space<vmem>>
        %dma_start3A_287 = tpu.memref_squeeze %dma_start3A_286 : memref<1x512x32xf32, #tpu.memory_space<vmem>> -> memref<512x32xf32, #tpu.memory_space<vmem>>
        %dma_start3A_288 = arith.constant 0 : i32
        %dma_start3A_289 = tpu.memref_slice %arg8[%add3A_282, %dma_start3A_288] : memref<40x512xi32, #tpu.memory_space<vmem>> -> memref<1x512xi32, #tpu.memory_space<vmem>>
        %dma_start3A_290 = tpu.memref_squeeze %dma_start3A_289 : memref<1x512xi32, #tpu.memory_space<vmem>> -> memref<512xi32, #tpu.memory_space<vmem>>
        %dma_start3A_291 = arith.constant 0 : i32
        %dma_start3A_292 = arith.constant 0 : i32
        %dma_start3A_293 = tpu.memref_slice %arg10[%dma_start3A_291, %dma_start3A_292] : memref<10240x32xf32, #tpu.memory_space<vmem_shared>> -> memref<10240x32xf32, #tpu.memory_space<vmem_shared>>
        tpu.enqueue_indirect_dma source(%dma_start3A_287 : memref<512x32xf32, #tpu.memory_space<vmem>>) target(%dma_start3A_293 : memref<10240x32xf32, #tpu.memory_space<vmem_shared>>) offsets(%dma_start3A_290 : memref<512xi32, #tpu.memory_space<vmem>>) semaphore(%arg17 : memref<!tpu.dma_semaphore, #tpu.memory_space<semaphore_mem>>) {add = true}
        %add3A_294 = arith.constant 3 : i32
        %add3A_295 = arith.addi %mul3A_215, %add3A_294 : i32
        %dma_wait3A_296 = arith.constant 3 : i32
        %dma_wait3A_297 = arith.constant 0 : i32
        %dma_wait3A_298 = arith.constant 0 : i32
        %dma_wait3A_299 = tpu.memref_slice %arg9[%dma_wait3A_296, %dma_wait3A_297, %dma_wait3A_298] : memref<4x512x32xf32, #tpu.memory_space<vmem>> -> memref<1x512x32xf32, #tpu.memory_space<vmem>>
        %dma_wait3A_300 = tpu.memref_squeeze %dma_wait3A_299 : memref<1x512x32xf32, #tpu.memory_space<vmem>> -> memref<512x32xf32, #tpu.memory_space<vmem>>
        %dma_wait3A_301 = arith.constant 0 : i32
        %dma_wait3A_302 = tpu.memref_slice %arg7[%add3A_295, %dma_wait3A_301] : memref<40x512xi32, #tpu.memory_space<vmem>> -> memref<1x512xi32, #tpu.memory_space<vmem>>
        %dma_wait3A_303 = tpu.memref_squeeze %dma_wait3A_302 : memref<1x512xi32, #tpu.memory_space<vmem>> -> memref<512xi32, #tpu.memory_space<vmem>>
        %dma_wait3A_304 = arith.constant 0 : i32
        %dma_wait3A_305 = arith.constant 0 : i32
        %dma_wait3A_306 = tpu.memref_slice %arg3[%dma_wait3A_304, %dma_wait3A_305] : memref<10240x32xf32, #tpu.memory_space<hbm>> -> memref<10240x32xf32, #tpu.memory_space<hbm>>
        tpu.wait_indirect_dma semaphore(%arg14 : memref<!tpu.dma_semaphore, #tpu.memory_space<semaphore_mem>>) src(%dma_wait3A_306 : memref<10240x32xf32, #tpu.memory_space<hbm>>) dst(%dma_wait3A_300 : memref<512x32xf32, #tpu.memory_space<vmem>>)
        %add3A_307 = arith.constant 3 : i32
        %add3A_308 = arith.addi %mul3A_215, %add3A_307 : i32
        %dma_start3A_309 = arith.constant 3 : i32
        %dma_start3A_310 = arith.constant 0 : i32
        %dma_start3A_311 = arith.constant 0 : i32
        %dma_start3A_312 = tpu.memref_slice %arg9[%dma_start3A_309, %dma_start3A_310, %dma_start3A_311] : memref<4x512x32xf32, #tpu.memory_space<vmem>> -> memref<1x512x32xf32, #tpu.memory_space<vmem>>
        %dma_start3A_313 = tpu.memref_squeeze %dma_start3A_312 : memref<1x512x32xf32, #tpu.memory_space<vmem>> -> memref<512x32xf32, #tpu.memory_space<vmem>>
        %dma_start3A_314 = arith.constant 0 : i32
        %dma_start3A_315 = tpu.memref_slice %arg8[%add3A_308, %dma_start3A_314] : memref<40x512xi32, #tpu.memory_space<vmem>> -> memref<1x512xi32, #tpu.memory_space<vmem>>
        %dma_start3A_316 = tpu.memref_squeeze %dma_start3A_315 : memref<1x512xi32, #tpu.memory_space<vmem>> -> memref<512xi32, #tpu.memory_space<vmem>>
        %dma_start3A_317 = arith.constant 0 : i32
        %dma_start3A_318 = arith.constant 0 : i32
        %dma_start3A_319 = tpu.memref_slice %arg10[%dma_start3A_317, %dma_start3A_318] : memref<10240x32xf32, #tpu.memory_space<vmem_shared>> -> memref<10240x32xf32, #tpu.memory_space<vmem_shared>>
        tpu.enqueue_indirect_dma source(%dma_start3A_313 : memref<512x32xf32, #tpu.memory_space<vmem>>) target(%dma_start3A_319 : memref<10240x32xf32, #tpu.memory_space<vmem_shared>>) offsets(%dma_start3A_316 : memref<512xi32, #tpu.memory_space<vmem>>) semaphore(%arg18 : memref<!tpu.dma_semaphore, #tpu.memory_space<semaphore_mem>>) {add = true}
        %add3A_320 = arith.constant 0 : i32
        %add3A_321 = arith.addi %mul3A_215, %add3A_320 : i32
        %add3A_322 = arith.constant 4 : i32
        %add3A_323 = arith.addi %add3A_321, %add3A_322 : i32
        %lt3A = arith.constant 39 : i32
        %lt3A_324 = arith.cmpi slt, %add3A_323, %lt3A : i32
        %convert_element_type3A_325 = arith.extui %lt3A_324 : i1 to i32
        %cond3A_326 = arith.constant 0 : i32
        %cond3A_327 = arith.cmpi ne, %convert_element_type3A_325, %cond3A_326 : i32
        scf.if %cond3A_327 {
          %add3A_355 = arith.constant 0 : i32
          %add3A_356 = arith.addi %mul3A_215, %add3A_355 : i32
          %dma_wait3A_357 = arith.constant 0 : i32
          %dma_wait3A_358 = arith.constant 0 : i32
          %dma_wait3A_359 = arith.constant 0 : i32
          %dma_wait3A_360 = tpu.memref_slice %arg9[%dma_wait3A_357, %dma_wait3A_358, %dma_wait3A_359] : memref<4x512x32xf32, #tpu.memory_space<vmem>> -> memref<1x512x32xf32, #tpu.memory_space<vmem>>
          %dma_wait3A_361 = tpu.memref_squeeze %dma_wait3A_360 : memref<1x512x32xf32, #tpu.memory_space<vmem>> -> memref<512x32xf32, #tpu.memory_space<vmem>>
          %dma_wait3A_362 = arith.constant 0 : i32
          %dma_wait3A_363 = tpu.memref_slice %arg8[%add3A_356, %dma_wait3A_362] : memref<40x512xi32, #tpu.memory_space<vmem>> -> memref<1x512xi32, #tpu.memory_space<vmem>>
          %dma_wait3A_364 = tpu.memref_squeeze %dma_wait3A_363 : memref<1x512xi32, #tpu.memory_space<vmem>> -> memref<512xi32, #tpu.memory_space<vmem>>
          %dma_wait3A_365 = arith.constant 0 : i32
          %dma_wait3A_366 = arith.constant 0 : i32
          %dma_wait3A_367 = tpu.memref_slice %arg10[%dma_wait3A_365, %dma_wait3A_366] : memref<10240x32xf32, #tpu.memory_space<vmem_shared>> -> memref<10240x32xf32, #tpu.memory_space<vmem_shared>>
          tpu.wait_indirect_dma semaphore(%arg15 : memref<!tpu.dma_semaphore, #tpu.memory_space<semaphore_mem>>) src(%dma_wait3A_361 : memref<512x32xf32, #tpu.memory_space<vmem>>) dst(%dma_wait3A_367 : memref<10240x32xf32, #tpu.memory_space<vmem_shared>>)
          %add3A_368 = arith.constant 0 : i32
          %add3A_369 = arith.addi %mul3A_215, %add3A_368 : i32
          %add3A_370 = arith.constant 4 : i32
          %add3A_371 = arith.addi %add3A_369, %add3A_370 : i32
          %dma_start3A_372 = arith.constant 0 : i32
          %dma_start3A_373 = arith.constant 0 : i32
          %dma_start3A_374 = arith.constant 0 : i32
          %dma_start3A_375 = tpu.memref_slice %arg9[%dma_start3A_372, %dma_start3A_373, %dma_start3A_374] : memref<4x512x32xf32, #tpu.memory_space<vmem>> -> memref<1x512x32xf32, #tpu.memory_space<vmem>>
          %dma_start3A_376 = tpu.memref_squeeze %dma_start3A_375 : memref<1x512x32xf32, #tpu.memory_space<vmem>> -> memref<512x32xf32, #tpu.memory_space<vmem>>
          %dma_start3A_377 = arith.constant 0 : i32
          %dma_start3A_378 = tpu.memref_slice %arg7[%add3A_371, %dma_start3A_377] : memref<40x512xi32, #tpu.memory_space<vmem>> -> memref<1x512xi32, #tpu.memory_space<vmem>>
          %dma_start3A_379 = tpu.memref_squeeze %dma_start3A_378 : memref<1x512xi32, #tpu.memory_space<vmem>> -> memref<512xi32, #tpu.memory_space<vmem>>
          %dma_start3A_380 = arith.constant 0 : i32
          %dma_start3A_381 = arith.constant 0 : i32
          %dma_start3A_382 = tpu.memref_slice %arg3[%dma_start3A_380, %dma_start3A_381] : memref<10240x32xf32, #tpu.memory_space<hbm>> -> memref<10240x32xf32, #tpu.memory_space<hbm>>
          tpu.enqueue_indirect_dma source(%dma_start3A_382 : memref<10240x32xf32, #tpu.memory_space<hbm>>) target(%dma_start3A_376 : memref<512x32xf32, #tpu.memory_space<vmem>>) offsets(%dma_start3A_379 : memref<512xi32, #tpu.memory_space<vmem>>) semaphore(%arg11 : memref<!tpu.dma_semaphore, #tpu.memory_space<semaphore_mem>>)
        } else {
        }
        %add3A_328 = arith.constant 1 : i32
        %add3A_329 = arith.addi %mul3A_215, %add3A_328 : i32
        %add3A_330 = arith.constant 4 : i32
        %add3A_331 = arith.addi %add3A_329, %add3A_330 : i32
        %lt3A_332 = arith.constant 39 : i32
        %lt3A_333 = arith.cmpi slt, %add3A_331, %lt3A_332 : i32
        %convert_element_type3A_334 = arith.extui %lt3A_333 : i1 to i32
        %cond3A_335 = arith.constant 0 : i32
        %cond3A_336 = arith.cmpi ne, %convert_element_type3A_334, %cond3A_335 : i32
        scf.if %cond3A_336 {
          %add3A_355 = arith.constant 1 : i32
          %add3A_356 = arith.addi %mul3A_215, %add3A_355 : i32
          %dma_wait3A_357 = arith.constant 1 : i32
          %dma_wait3A_358 = arith.constant 0 : i32
          %dma_wait3A_359 = arith.constant 0 : i32
          %dma_wait3A_360 = tpu.memref_slice %arg9[%dma_wait3A_357, %dma_wait3A_358, %dma_wait3A_359] : memref<4x512x32xf32, #tpu.memory_space<vmem>> -> memref<1x512x32xf32, #tpu.memory_space<vmem>>
          %dma_wait3A_361 = tpu.memref_squeeze %dma_wait3A_360 : memref<1x512x32xf32, #tpu.memory_space<vmem>> -> memref<512x32xf32, #tpu.memory_space<vmem>>
          %dma_wait3A_362 = arith.constant 0 : i32
          %dma_wait3A_363 = tpu.memref_slice %arg8[%add3A_356, %dma_wait3A_362] : memref<40x512xi32, #tpu.memory_space<vmem>> -> memref<1x512xi32, #tpu.memory_space<vmem>>
          %dma_wait3A_364 = tpu.memref_squeeze %dma_wait3A_363 : memref<1x512xi32, #tpu.memory_space<vmem>> -> memref<512xi32, #tpu.memory_space<vmem>>
          %dma_wait3A_365 = arith.constant 0 : i32
          %dma_wait3A_366 = arith.constant 0 : i32
          %dma_wait3A_367 = tpu.memref_slice %arg10[%dma_wait3A_365, %dma_wait3A_366] : memref<10240x32xf32, #tpu.memory_space<vmem_shared>> -> memref<10240x32xf32, #tpu.memory_space<vmem_shared>>
          tpu.wait_indirect_dma semaphore(%arg16 : memref<!tpu.dma_semaphore, #tpu.memory_space<semaphore_mem>>) src(%dma_wait3A_361 : memref<512x32xf32, #tpu.memory_space<vmem>>) dst(%dma_wait3A_367 : memref<10240x32xf32, #tpu.memory_space<vmem_shared>>)
          %add3A_368 = arith.constant 1 : i32
          %add3A_369 = arith.addi %mul3A_215, %add3A_368 : i32
          %add3A_370 = arith.constant 4 : i32
          %add3A_371 = arith.addi %add3A_369, %add3A_370 : i32
          %dma_start3A_372 = arith.constant 1 : i32
          %dma_start3A_373 = arith.constant 0 : i32
          %dma_start3A_374 = arith.constant 0 : i32
          %dma_start3A_375 = tpu.memref_slice %arg9[%dma_start3A_372, %dma_start3A_373, %dma_start3A_374] : memref<4x512x32xf32, #tpu.memory_space<vmem>> -> memref<1x512x32xf32, #tpu.memory_space<vmem>>
          %dma_start3A_376 = tpu.memref_squeeze %dma_start3A_375 : memref<1x512x32xf32, #tpu.memory_space<vmem>> -> memref<512x32xf32, #tpu.memory_space<vmem>>
          %dma_start3A_377 = arith.constant 0 : i32
          %dma_start3A_378 = tpu.memref_slice %arg7[%add3A_371, %dma_start3A_377] : memref<40x512xi32, #tpu.memory_space<vmem>> -> memref<1x512xi32, #tpu.memory_space<vmem>>
          %dma_start3A_379 = tpu.memref_squeeze %dma_start3A_378 : memref<1x512xi32, #tpu.memory_space<vmem>> -> memref<512xi32, #tpu.memory_space<vmem>>
          %dma_start3A_380 = arith.constant 0 : i32
          %dma_start3A_381 = arith.constant 0 : i32
          %dma_start3A_382 = tpu.memref_slice %arg3[%dma_start3A_380, %dma_start3A_381] : memref<10240x32xf32, #tpu.memory_space<hbm>> -> memref<10240x32xf32, #tpu.memory_space<hbm>>
          tpu.enqueue_indirect_dma source(%dma_start3A_382 : memref<10240x32xf32, #tpu.memory_space<hbm>>) target(%dma_start3A_376 : memref<512x32xf32, #tpu.memory_space<vmem>>) offsets(%dma_start3A_379 : memref<512xi32, #tpu.memory_space<vmem>>) semaphore(%arg12 : memref<!tpu.dma_semaphore, #tpu.memory_space<semaphore_mem>>)
        } else {
        }
        %add3A_337 = arith.constant 2 : i32
        %add3A_338 = arith.addi %mul3A_215, %add3A_337 : i32
        %add3A_339 = arith.constant 4 : i32
        %add3A_340 = arith.addi %add3A_338, %add3A_339 : i32
        %lt3A_341 = arith.constant 39 : i32
        %lt3A_342 = arith.cmpi slt, %add3A_340, %lt3A_341 : i32
        %convert_element_type3A_343 = arith.extui %lt3A_342 : i1 to i32
        %cond3A_344 = arith.constant 0 : i32
        %cond3A_345 = arith.cmpi ne, %convert_element_type3A_343, %cond3A_344 : i32
        scf.if %cond3A_345 {
          %add3A_355 = arith.constant 2 : i32
          %add3A_356 = arith.addi %mul3A_215, %add3A_355 : i32
          %dma_wait3A_357 = arith.constant 2 : i32
          %dma_wait3A_358 = arith.constant 0 : i32
          %dma_wait3A_359 = arith.constant 0 : i32
          %dma_wait3A_360 = tpu.memref_slice %arg9[%dma_wait3A_357, %dma_wait3A_358, %dma_wait3A_359] : memref<4x512x32xf32, #tpu.memory_space<vmem>> -> memref<1x512x32xf32, #tpu.memory_space<vmem>>
          %dma_wait3A_361 = tpu.memref_squeeze %dma_wait3A_360 : memref<1x512x32xf32, #tpu.memory_space<vmem>> -> memref<512x32xf32, #tpu.memory_space<vmem>>
          %dma_wait3A_362 = arith.constant 0 : i32
          %dma_wait3A_363 = tpu.memref_slice %arg8[%add3A_356, %dma_wait3A_362] : memref<40x512xi32, #tpu.memory_space<vmem>> -> memref<1x512xi32, #tpu.memory_space<vmem>>
          %dma_wait3A_364 = tpu.memref_squeeze %dma_wait3A_363 : memref<1x512xi32, #tpu.memory_space<vmem>> -> memref<512xi32, #tpu.memory_space<vmem>>
          %dma_wait3A_365 = arith.constant 0 : i32
          %dma_wait3A_366 = arith.constant 0 : i32
          %dma_wait3A_367 = tpu.memref_slice %arg10[%dma_wait3A_365, %dma_wait3A_366] : memref<10240x32xf32, #tpu.memory_space<vmem_shared>> -> memref<10240x32xf32, #tpu.memory_space<vmem_shared>>
          tpu.wait_indirect_dma semaphore(%arg17 : memref<!tpu.dma_semaphore, #tpu.memory_space<semaphore_mem>>) src(%dma_wait3A_361 : memref<512x32xf32, #tpu.memory_space<vmem>>) dst(%dma_wait3A_367 : memref<10240x32xf32, #tpu.memory_space<vmem_shared>>)
          %add3A_368 = arith.constant 2 : i32
          %add3A_369 = arith.addi %mul3A_215, %add3A_368 : i32
          %add3A_370 = arith.constant 4 : i32
          %add3A_371 = arith.addi %add3A_369, %add3A_370 : i32
          %dma_start3A_372 = arith.constant 2 : i32
          %dma_start3A_373 = arith.constant 0 : i32
          %dma_start3A_374 = arith.constant 0 : i32
          %dma_start3A_375 = tpu.memref_slice %arg9[%dma_start3A_372, %dma_start3A_373, %dma_start3A_374] : memref<4x512x32xf32, #tpu.memory_space<vmem>> -> memref<1x512x32xf32, #tpu.memory_space<vmem>>
          %dma_start3A_376 = tpu.memref_squeeze %dma_start3A_375 : memref<1x512x32xf32, #tpu.memory_space<vmem>> -> memref<512x32xf32, #tpu.memory_space<vmem>>
          %dma_start3A_377 = arith.constant 0 : i32
          %dma_start3A_378 = tpu.memref_slice %arg7[%add3A_371, %dma_start3A_377] : memref<40x512xi32, #tpu.memory_space<vmem>> -> memref<1x512xi32, #tpu.memory_space<vmem>>
          %dma_start3A_379 = tpu.memref_squeeze %dma_start3A_378 : memref<1x512xi32, #tpu.memory_space<vmem>> -> memref<512xi32, #tpu.memory_space<vmem>>
          %dma_start3A_380 = arith.constant 0 : i32
          %dma_start3A_381 = arith.constant 0 : i32
          %dma_start3A_382 = tpu.memref_slice %arg3[%dma_start3A_380, %dma_start3A_381] : memref<10240x32xf32, #tpu.memory_space<hbm>> -> memref<10240x32xf32, #tpu.memory_space<hbm>>
          tpu.enqueue_indirect_dma source(%dma_start3A_382 : memref<10240x32xf32, #tpu.memory_space<hbm>>) target(%dma_start3A_376 : memref<512x32xf32, #tpu.memory_space<vmem>>) offsets(%dma_start3A_379 : memref<512xi32, #tpu.memory_space<vmem>>) semaphore(%arg13 : memref<!tpu.dma_semaphore, #tpu.memory_space<semaphore_mem>>)
        } else {
        }
        %add3A_346 = arith.constant 3 : i32
        %add3A_347 = arith.addi %mul3A_215, %add3A_346 : i32
        %add3A_348 = arith.constant 4 : i32
        %add3A_349 = arith.addi %add3A_347, %add3A_348 : i32
        %lt3A_350 = arith.constant 39 : i32
        %lt3A_351 = arith.cmpi slt, %add3A_349, %lt3A_350 : i32
        %convert_element_type3A_352 = arith.extui %lt3A_351 : i1 to i32
        %cond3A_353 = arith.constant 0 : i32
        %cond3A_354 = arith.cmpi ne, %convert_element_type3A_352, %cond3A_353 : i32
        scf.if %cond3A_354 {
          %add3A_355 = arith.constant 3 : i32
          %add3A_356 = arith.addi %mul3A_215, %add3A_355 : i32
          %dma_wait3A_357 = arith.constant 3 : i32
          %dma_wait3A_358 = arith.constant 0 : i32
          %dma_wait3A_359 = arith.constant 0 : i32
          %dma_wait3A_360 = tpu.memref_slice %arg9[%dma_wait3A_357, %dma_wait3A_358, %dma_wait3A_359] : memref<4x512x32xf32, #tpu.memory_space<vmem>> -> memref<1x512x32xf32, #tpu.memory_space<vmem>>
          %dma_wait3A_361 = tpu.memref_squeeze %dma_wait3A_360 : memref<1x512x32xf32, #tpu.memory_space<vmem>> -> memref<512x32xf32, #tpu.memory_space<vmem>>
          %dma_wait3A_362 = arith.constant 0 : i32
          %dma_wait3A_363 = tpu.memref_slice %arg8[%add3A_356, %dma_wait3A_362] : memref<40x512xi32, #tpu.memory_space<vmem>> -> memref<1x512xi32, #tpu.memory_space<vmem>>
          %dma_wait3A_364 = tpu.memref_squeeze %dma_wait3A_363 : memref<1x512xi32, #tpu.memory_space<vmem>> -> memref<512xi32, #tpu.memory_space<vmem>>
          %dma_wait3A_365 = arith.constant 0 : i32
          %dma_wait3A_366 = arith.constant 0 : i32
          %dma_wait3A_367 = tpu.memref_slice %arg10[%dma_wait3A_365, %dma_wait3A_366] : memref<10240x32xf32, #tpu.memory_space<vmem_shared>> -> memref<10240x32xf32, #tpu.memory_space<vmem_shared>>
          tpu.wait_indirect_dma semaphore(%arg18 : memref<!tpu.dma_semaphore, #tpu.memory_space<semaphore_mem>>) src(%dma_wait3A_361 : memref<512x32xf32, #tpu.memory_space<vmem>>) dst(%dma_wait3A_367 : memref<10240x32xf32, #tpu.memory_space<vmem_shared>>)
          %add3A_368 = arith.constant 3 : i32
          %add3A_369 = arith.addi %mul3A_215, %add3A_368 : i32
          %add3A_370 = arith.constant 4 : i32
          %add3A_371 = arith.addi %add3A_369, %add3A_370 : i32
          %dma_start3A_372 = arith.constant 3 : i32
          %dma_start3A_373 = arith.constant 0 : i32
          %dma_start3A_374 = arith.constant 0 : i32
          %dma_start3A_375 = tpu.memref_slice %arg9[%dma_start3A_372, %dma_start3A_373, %dma_start3A_374] : memref<4x512x32xf32, #tpu.memory_space<vmem>> -> memref<1x512x32xf32, #tpu.memory_space<vmem>>
          %dma_start3A_376 = tpu.memref_squeeze %dma_start3A_375 : memref<1x512x32xf32, #tpu.memory_space<vmem>> -> memref<512x32xf32, #tpu.memory_space<vmem>>
          %dma_start3A_377 = arith.constant 0 : i32
          %dma_start3A_378 = tpu.memref_slice %arg7[%add3A_371, %dma_start3A_377] : memref<40x512xi32, #tpu.memory_space<vmem>> -> memref<1x512xi32, #tpu.memory_space<vmem>>
          %dma_start3A_379 = tpu.memref_squeeze %dma_start3A_378 : memref<1x512xi32, #tpu.memory_space<vmem>> -> memref<512xi32, #tpu.memory_space<vmem>>
          %dma_start3A_380 = arith.constant 0 : i32
          %dma_start3A_381 = arith.constant 0 : i32
          %dma_start3A_382 = tpu.memref_slice %arg3[%dma_start3A_380, %dma_start3A_381] : memref<10240x32xf32, #tpu.memory_space<hbm>> -> memref<10240x32xf32, #tpu.memory_space<hbm>>
          tpu.enqueue_indirect_dma source(%dma_start3A_382 : memref<10240x32xf32, #tpu.memory_space<hbm>>) target(%dma_start3A_376 : memref<512x32xf32, #tpu.memory_space<vmem>>) offsets(%dma_start3A_379 : memref<512xi32, #tpu.memory_space<vmem>>) semaphore(%arg14 : memref<!tpu.dma_semaphore, #tpu.memory_space<semaphore_mem>>)
        } else {
        }
      }
      %scan3A_88 = arith.constant 9 : i32
      %dma_wait3A = arith.constant 36 : i32
      %dma_wait3A_89 = arith.constant 0 : i32
      %dma_wait3A_90 = arith.constant 0 : i32
      %dma_wait3A_91 = arith.constant 0 : i32
      %dma_wait3A_92 = tpu.memref_slice %arg9[%dma_wait3A_89, %dma_wait3A_90, %dma_wait3A_91] : memref<4x512x32xf32, #tpu.memory_space<vmem>> -> memref<1x512x32xf32, #tpu.memory_space<vmem>>
      %dma_wait3A_93 = tpu.memref_squeeze %dma_wait3A_92 : memref<1x512x32xf32, #tpu.memory_space<vmem>> -> memref<512x32xf32, #tpu.memory_space<vmem>>
      %dma_wait3A_94 = arith.constant 0 : i32
      %dma_wait3A_95 = tpu.memref_slice %arg7[%dma_wait3A, %dma_wait3A_94] : memref<40x512xi32, #tpu.memory_space<vmem>> -> memref<1x512xi32, #tpu.memory_space<vmem>>
      %dma_wait3A_96 = tpu.memref_squeeze %dma_wait3A_95 : memref<1x512xi32, #tpu.memory_space<vmem>> -> memref<512xi32, #tpu.memory_space<vmem>>
      %dma_wait3A_97 = arith.constant 0 : i32
      %dma_wait3A_98 = arith.constant 0 : i32
      %dma_wait3A_99 = tpu.memref_slice %arg3[%dma_wait3A_97, %dma_wait3A_98] : memref<10240x32xf32, #tpu.memory_space<hbm>> -> memref<10240x32xf32, #tpu.memory_space<hbm>>
      tpu.wait_indirect_dma semaphore(%arg11 : memref<!tpu.dma_semaphore, #tpu.memory_space<semaphore_mem>>) src(%dma_wait3A_99 : memref<10240x32xf32, #tpu.memory_space<hbm>>) dst(%dma_wait3A_93 : memref<512x32xf32, #tpu.memory_space<vmem>>)
      %dma_start3A_100 = arith.constant 0 : i32
      %dma_start3A_101 = arith.constant 36 : i32
      %dma_start3A_102 = arith.constant 0 : i32
      %dma_start3A_103 = arith.constant 0 : i32
      %dma_start3A_104 = tpu.memref_slice %arg9[%dma_start3A_100, %dma_start3A_102, %dma_start3A_103] : memref<4x512x32xf32, #tpu.memory_space<vmem>> -> memref<1x512x32xf32, #tpu.memory_space<vmem>>
      %dma_start3A_105 = tpu.memref_squeeze %dma_start3A_104 : memref<1x512x32xf32, #tpu.memory_space<vmem>> -> memref<512x32xf32, #tpu.memory_space<vmem>>
      %dma_start3A_106 = arith.constant 0 : i32
      %dma_start3A_107 = tpu.memref_slice %arg8[%dma_start3A_101, %dma_start3A_106] : memref<40x512xi32, #tpu.memory_space<vmem>> -> memref<1x512xi32, #tpu.memory_space<vmem>>
      %dma_start3A_108 = tpu.memref_squeeze %dma_start3A_107 : memref<1x512xi32, #tpu.memory_space<vmem>> -> memref<512xi32, #tpu.memory_space<vmem>>
      %dma_start3A_109 = arith.constant 0 : i32
      %dma_start3A_110 = arith.constant 0 : i32
      %dma_start3A_111 = tpu.memref_slice %arg10[%dma_start3A_109, %dma_start3A_110] : memref<10240x32xf32, #tpu.memory_space<vmem_shared>> -> memref<10240x32xf32, #tpu.memory_space<vmem_shared>>
      tpu.enqueue_indirect_dma source(%dma_start3A_105 : memref<512x32xf32, #tpu.memory_space<vmem>>) target(%dma_start3A_111 : memref<10240x32xf32, #tpu.memory_space<vmem_shared>>) offsets(%dma_start3A_108 : memref<512xi32, #tpu.memory_space<vmem>>) semaphore(%arg15 : memref<!tpu.dma_semaphore, #tpu.memory_space<semaphore_mem>>) {add = true}
      %dma_wait3A_112 = arith.constant 37 : i32
      %dma_wait3A_113 = arith.constant 1 : i32
      %dma_wait3A_114 = arith.constant 0 : i32
      %dma_wait3A_115 = arith.constant 0 : i32
      %dma_wait3A_116 = tpu.memref_slice %arg9[%dma_wait3A_113, %dma_wait3A_114, %dma_wait3A_115] : memref<4x512x32xf32, #tpu.memory_space<vmem>> -> memref<1x512x32xf32, #tpu.memory_space<vmem>>
      %dma_wait3A_117 = tpu.memref_squeeze %dma_wait3A_116 : memref<1x512x32xf32, #tpu.memory_space<vmem>> -> memref<512x32xf32, #tpu.memory_space<vmem>>
      %dma_wait3A_118 = arith.constant 0 : i32
      %dma_wait3A_119 = tpu.memref_slice %arg7[%dma_wait3A_112, %dma_wait3A_118] : memref<40x512xi32, #tpu.memory_space<vmem>> -> memref<1x512xi32, #tpu.memory_space<vmem>>
      %dma_wait3A_120 = tpu.memref_squeeze %dma_wait3A_119 : memref<1x512xi32, #tpu.memory_space<vmem>> -> memref<512xi32, #tpu.memory_space<vmem>>
      %dma_wait3A_121 = arith.constant 0 : i32
      %dma_wait3A_122 = arith.constant 0 : i32
      %dma_wait3A_123 = tpu.memref_slice %arg3[%dma_wait3A_121, %dma_wait3A_122] : memref<10240x32xf32, #tpu.memory_space<hbm>> -> memref<10240x32xf32, #tpu.memory_space<hbm>>
      tpu.wait_indirect_dma semaphore(%arg12 : memref<!tpu.dma_semaphore, #tpu.memory_space<semaphore_mem>>) src(%dma_wait3A_123 : memref<10240x32xf32, #tpu.memory_space<hbm>>) dst(%dma_wait3A_117 : memref<512x32xf32, #tpu.memory_space<vmem>>)
      %dma_start3A_124 = arith.constant 1 : i32
      %dma_start3A_125 = arith.constant 37 : i32
      %dma_start3A_126 = arith.constant 0 : i32
      %dma_start3A_127 = arith.constant 0 : i32
      %dma_start3A_128 = tpu.memref_slice %arg9[%dma_start3A_124, %dma_start3A_126, %dma_start3A_127] : memref<4x512x32xf32, #tpu.memory_space<vmem>> -> memref<1x512x32xf32, #tpu.memory_space<vmem>>
      %dma_start3A_129 = tpu.memref_squeeze %dma_start3A_128 : memref<1x512x32xf32, #tpu.memory_space<vmem>> -> memref<512x32xf32, #tpu.memory_space<vmem>>
      %dma_start3A_130 = arith.constant 0 : i32
      %dma_start3A_131 = tpu.memref_slice %arg8[%dma_start3A_125, %dma_start3A_130] : memref<40x512xi32, #tpu.memory_space<vmem>> -> memref<1x512xi32, #tpu.memory_space<vmem>>
      %dma_start3A_132 = tpu.memref_squeeze %dma_start3A_131 : memref<1x512xi32, #tpu.memory_space<vmem>> -> memref<512xi32, #tpu.memory_space<vmem>>
      %dma_start3A_133 = arith.constant 0 : i32
      %dma_start3A_134 = arith.constant 0 : i32
      %dma_start3A_135 = tpu.memref_slice %arg10[%dma_start3A_133, %dma_start3A_134] : memref<10240x32xf32, #tpu.memory_space<vmem_shared>> -> memref<10240x32xf32, #tpu.memory_space<vmem_shared>>
      tpu.enqueue_indirect_dma source(%dma_start3A_129 : memref<512x32xf32, #tpu.memory_space<vmem>>) target(%dma_start3A_135 : memref<10240x32xf32, #tpu.memory_space<vmem_shared>>) offsets(%dma_start3A_132 : memref<512xi32, #tpu.memory_space<vmem>>) semaphore(%arg16 : memref<!tpu.dma_semaphore, #tpu.memory_space<semaphore_mem>>) {add = true}
      %dma_wait3A_136 = arith.constant 38 : i32
      %dma_wait3A_137 = arith.constant 2 : i32
      %dma_wait3A_138 = arith.constant 0 : i32
      %dma_wait3A_139 = arith.constant 0 : i32
      %dma_wait3A_140 = tpu.memref_slice %arg9[%dma_wait3A_137, %dma_wait3A_138, %dma_wait3A_139] : memref<4x512x32xf32, #tpu.memory_space<vmem>> -> memref<1x512x32xf32, #tpu.memory_space<vmem>>
      %dma_wait3A_141 = tpu.memref_squeeze %dma_wait3A_140 : memref<1x512x32xf32, #tpu.memory_space<vmem>> -> memref<512x32xf32, #tpu.memory_space<vmem>>
      %dma_wait3A_142 = arith.constant 0 : i32
      %dma_wait3A_143 = tpu.memref_slice %arg7[%dma_wait3A_136, %dma_wait3A_142] : memref<40x512xi32, #tpu.memory_space<vmem>> -> memref<1x512xi32, #tpu.memory_space<vmem>>
      %dma_wait3A_144 = tpu.memref_squeeze %dma_wait3A_143 : memref<1x512xi32, #tpu.memory_space<vmem>> -> memref<512xi32, #tpu.memory_space<vmem>>
      %dma_wait3A_145 = arith.constant 0 : i32
      %dma_wait3A_146 = arith.constant 0 : i32
      %dma_wait3A_147 = tpu.memref_slice %arg3[%dma_wait3A_145, %dma_wait3A_146] : memref<10240x32xf32, #tpu.memory_space<hbm>> -> memref<10240x32xf32, #tpu.memory_space<hbm>>
      tpu.wait_indirect_dma semaphore(%arg13 : memref<!tpu.dma_semaphore, #tpu.memory_space<semaphore_mem>>) src(%dma_wait3A_147 : memref<10240x32xf32, #tpu.memory_space<hbm>>) dst(%dma_wait3A_141 : memref<512x32xf32, #tpu.memory_space<vmem>>)
      %dma_start3A_148 = arith.constant 2 : i32
      %dma_start3A_149 = arith.constant 38 : i32
      %dma_start3A_150 = arith.constant 0 : i32
      %dma_start3A_151 = arith.constant 0 : i32
      %dma_start3A_152 = tpu.memref_slice %arg9[%dma_start3A_148, %dma_start3A_150, %dma_start3A_151] : memref<4x512x32xf32, #tpu.memory_space<vmem>> -> memref<1x512x32xf32, #tpu.memory_space<vmem>>
      %dma_start3A_153 = tpu.memref_squeeze %dma_start3A_152 : memref<1x512x32xf32, #tpu.memory_space<vmem>> -> memref<512x32xf32, #tpu.memory_space<vmem>>
      %dma_start3A_154 = arith.constant 0 : i32
      %dma_start3A_155 = tpu.memref_slice %arg8[%dma_start3A_149, %dma_start3A_154] : memref<40x512xi32, #tpu.memory_space<vmem>> -> memref<1x512xi32, #tpu.memory_space<vmem>>
      %dma_start3A_156 = tpu.memref_squeeze %dma_start3A_155 : memref<1x512xi32, #tpu.memory_space<vmem>> -> memref<512xi32, #tpu.memory_space<vmem>>
      %dma_start3A_157 = arith.constant 0 : i32
      %dma_start3A_158 = arith.constant 0 : i32
      %dma_start3A_159 = tpu.memref_slice %arg10[%dma_start3A_157, %dma_start3A_158] : memref<10240x32xf32, #tpu.memory_space<vmem_shared>> -> memref<10240x32xf32, #tpu.memory_space<vmem_shared>>
      tpu.enqueue_indirect_dma source(%dma_start3A_153 : memref<512x32xf32, #tpu.memory_space<vmem>>) target(%dma_start3A_159 : memref<10240x32xf32, #tpu.memory_space<vmem_shared>>) offsets(%dma_start3A_156 : memref<512xi32, #tpu.memory_space<vmem>>) semaphore(%arg17 : memref<!tpu.dma_semaphore, #tpu.memory_space<semaphore_mem>>) {add = true}
      %dma_wait3A_160 = arith.constant 3 : i32
      %dma_wait3A_161 = arith.constant 35 : i32
      %dma_wait3A_162 = arith.constant 0 : i32
      %dma_wait3A_163 = arith.constant 0 : i32
      %dma_wait3A_164 = tpu.memref_slice %arg9[%dma_wait3A_160, %dma_wait3A_162, %dma_wait3A_163] : memref<4x512x32xf32, #tpu.memory_space<vmem>> -> memref<1x512x32xf32, #tpu.memory_space<vmem>>
      %dma_wait3A_165 = tpu.memref_squeeze %dma_wait3A_164 : memref<1x512x32xf32, #tpu.memory_space<vmem>> -> memref<512x32xf32, #tpu.memory_space<vmem>>
      %dma_wait3A_166 = arith.constant 0 : i32
      %dma_wait3A_167 = tpu.memref_slice %arg8[%dma_wait3A_161, %dma_wait3A_166] : memref<40x512xi32, #tpu.memory_space<vmem>> -> memref<1x512xi32, #tpu.memory_space<vmem>>
      %dma_wait3A_168 = tpu.memref_squeeze %dma_wait3A_167 : memref<1x512xi32, #tpu.memory_space<vmem>> -> memref<512xi32, #tpu.memory_space<vmem>>
      %dma_wait3A_169 = arith.constant 0 : i32
      %dma_wait3A_170 = arith.constant 0 : i32
      %dma_wait3A_171 = tpu.memref_slice %arg10[%dma_wait3A_169, %dma_wait3A_170] : memref<10240x32xf32, #tpu.memory_space<vmem_shared>> -> memref<10240x32xf32, #tpu.memory_space<vmem_shared>>
      tpu.wait_indirect_dma semaphore(%arg18 : memref<!tpu.dma_semaphore, #tpu.memory_space<semaphore_mem>>) src(%dma_wait3A_165 : memref<512x32xf32, #tpu.memory_space<vmem>>) dst(%dma_wait3A_171 : memref<10240x32xf32, #tpu.memory_space<vmem_shared>>)
      %dma_wait3A_172 = arith.constant 0 : i32
      %dma_wait3A_173 = arith.constant 36 : i32
      %dma_wait3A_174 = arith.constant 0 : i32
      %dma_wait3A_175 = arith.constant 0 : i32
      %dma_wait3A_176 = tpu.memref_slice %arg9[%dma_wait3A_172, %dma_wait3A_174, %dma_wait3A_175] : memref<4x512x32xf32, #tpu.memory_space<vmem>> -> memref<1x512x32xf32, #tpu.memory_space<vmem>>
      %dma_wait3A_177 = tpu.memref_squeeze %dma_wait3A_176 : memref<1x512x32xf32, #tpu.memory_space<vmem>> -> memref<512x32xf32, #tpu.memory_space<vmem>>
      %dma_wait3A_178 = arith.constant 0 : i32
      %dma_wait3A_179 = tpu.memref_slice %arg8[%dma_wait3A_173, %dma_wait3A_178] : memref<40x512xi32, #tpu.memory_space<vmem>> -> memref<1x512xi32, #tpu.memory_space<vmem>>
      %dma_wait3A_180 = tpu.memref_squeeze %dma_wait3A_179 : memref<1x512xi32, #tpu.memory_space<vmem>> -> memref<512xi32, #tpu.memory_space<vmem>>
      %dma_wait3A_181 = arith.constant 0 : i32
      %dma_wait3A_182 = arith.constant 0 : i32
      %dma_wait3A_183 = tpu.memref_slice %arg10[%dma_wait3A_181, %dma_wait3A_182] : memref<10240x32xf32, #tpu.memory_space<vmem_shared>> -> memref<10240x32xf32, #tpu.memory_space<vmem_shared>>
      tpu.wait_indirect_dma semaphore(%arg15 : memref<!tpu.dma_semaphore, #tpu.memory_space<semaphore_mem>>) src(%dma_wait3A_177 : memref<512x32xf32, #tpu.memory_space<vmem>>) dst(%dma_wait3A_183 : memref<10240x32xf32, #tpu.memory_space<vmem_shared>>)
      %dma_wait3A_184 = arith.constant 1 : i32
      %dma_wait3A_185 = arith.constant 37 : i32
      %dma_wait3A_186 = arith.constant 0 : i32
      %dma_wait3A_187 = arith.constant 0 : i32
      %dma_wait3A_188 = tpu.memref_slice %arg9[%dma_wait3A_184, %dma_wait3A_186, %dma_wait3A_187] : memref<4x512x32xf32, #tpu.memory_space<vmem>> -> memref<1x512x32xf32, #tpu.memory_space<vmem>>
      %dma_wait3A_189 = tpu.memref_squeeze %dma_wait3A_188 : memref<1x512x32xf32, #tpu.memory_space<vmem>> -> memref<512x32xf32, #tpu.memory_space<vmem>>
      %dma_wait3A_190 = arith.constant 0 : i32
      %dma_wait3A_191 = tpu.memref_slice %arg8[%dma_wait3A_185, %dma_wait3A_190] : memref<40x512xi32, #tpu.memory_space<vmem>> -> memref<1x512xi32, #tpu.memory_space<vmem>>
      %dma_wait3A_192 = tpu.memref_squeeze %dma_wait3A_191 : memref<1x512xi32, #tpu.memory_space<vmem>> -> memref<512xi32, #tpu.memory_space<vmem>>
      %dma_wait3A_193 = arith.constant 0 : i32
      %dma_wait3A_194 = arith.constant 0 : i32
      %dma_wait3A_195 = tpu.memref_slice %arg10[%dma_wait3A_193, %dma_wait3A_194] : memref<10240x32xf32, #tpu.memory_space<vmem_shared>> -> memref<10240x32xf32, #tpu.memory_space<vmem_shared>>
      tpu.wait_indirect_dma semaphore(%arg16 : memref<!tpu.dma_semaphore, #tpu.memory_space<semaphore_mem>>) src(%dma_wait3A_189 : memref<512x32xf32, #tpu.memory_space<vmem>>) dst(%dma_wait3A_195 : memref<10240x32xf32, #tpu.memory_space<vmem_shared>>)
      %dma_wait3A_196 = arith.constant 2 : i32
      %dma_wait3A_197 = arith.constant 38 : i32
      %dma_wait3A_198 = arith.constant 0 : i32
      %dma_wait3A_199 = arith.constant 0 : i32
      %dma_wait3A_200 = tpu.memref_slice %arg9[%dma_wait3A_196, %dma_wait3A_198, %dma_wait3A_199] : memref<4x512x32xf32, #tpu.memory_space<vmem>> -> memref<1x512x32xf32, #tpu.memory_space<vmem>>
      %dma_wait3A_201 = tpu.memref_squeeze %dma_wait3A_200 : memref<1x512x32xf32, #tpu.memory_space<vmem>> -> memref<512x32xf32, #tpu.memory_space<vmem>>
      %dma_wait3A_202 = arith.constant 0 : i32
      %dma_wait3A_203 = tpu.memref_slice %arg8[%dma_wait3A_197, %dma_wait3A_202] : memref<40x512xi32, #tpu.memory_space<vmem>> -> memref<1x512xi32, #tpu.memory_space<vmem>>
      %dma_wait3A_204 = tpu.memref_squeeze %dma_wait3A_203 : memref<1x512xi32, #tpu.memory_space<vmem>> -> memref<512xi32, #tpu.memory_space<vmem>>
      %dma_wait3A_205 = arith.constant 0 : i32
      %dma_wait3A_206 = arith.constant 0 : i32
      %dma_wait3A_207 = tpu.memref_slice %arg10[%dma_wait3A_205, %dma_wait3A_206] : memref<10240x32xf32, #tpu.memory_space<vmem_shared>> -> memref<10240x32xf32, #tpu.memory_space<vmem_shared>>
      tpu.wait_indirect_dma semaphore(%arg17 : memref<!tpu.dma_semaphore, #tpu.memory_space<semaphore_mem>>) src(%dma_wait3A_201 : memref<512x32xf32, #tpu.memory_space<vmem>>) dst(%dma_wait3A_207 : memref<10240x32xf32, #tpu.memory_space<vmem_shared>>)
      %eq3A_208 = arith.constant 0 : i32
      %eq3A_209 = arith.cmpi eq, %arg1, %eq3A_208 : i32
      %convert_element_type3A_210 = arith.extui %eq3A_209 : i1 to i32
      %cond3A_211 = arith.constant 0 : i32
      %cond3A_212 = arith.cmpi ne, %convert_element_type3A_210, %cond3A_211 : i32
      scf.if %cond3A_212 {
        %dma_start3A_213 = arith.constant 39 : i32
        %dma_start3A_214 = arith.constant 3 : i32
        %dma_start3A_215 = arith.constant 0 : i32
        %dma_start3A_216 = arith.constant 0 : i32
        %dma_start3A_217 = tpu.memref_slice %arg9[%dma_start3A_214, %dma_start3A_215, %dma_start3A_216] : memref<4x512x32xf32, #tpu.memory_space<vmem>> -> memref<1x512x32xf32, #tpu.memory_space<vmem>>
        %dma_start3A_218 = tpu.memref_squeeze %dma_start3A_217 : memref<1x512x32xf32, #tpu.memory_space<vmem>> -> memref<512x32xf32, #tpu.memory_space<vmem>>
        %dma_start3A_219 = arith.constant 0 : i32
        %dma_start3A_220 = tpu.memref_slice %arg7[%dma_start3A_213, %dma_start3A_219] : memref<40x512xi32, #tpu.memory_space<vmem>> -> memref<1x512xi32, #tpu.memory_space<vmem>>
        %dma_start3A_221 = tpu.memref_squeeze %dma_start3A_220 : memref<1x512xi32, #tpu.memory_space<vmem>> -> memref<512xi32, #tpu.memory_space<vmem>>
        %dma_start3A_222 = arith.constant 0 : i32
        %dma_start3A_223 = arith.constant 0 : i32
        %dma_start3A_224 = tpu.memref_slice %arg3[%dma_start3A_222, %dma_start3A_223] : memref<10240x32xf32, #tpu.memory_space<hbm>> -> memref<10240x32xf32, #tpu.memory_space<hbm>>
        tpu.enqueue_indirect_dma source(%dma_start3A_224 : memref<10240x32xf32, #tpu.memory_space<hbm>>) target(%dma_start3A_218 : memref<512x32xf32, #tpu.memory_space<vmem>>) offsets(%dma_start3A_221 : memref<512xi32, #tpu.memory_space<vmem>>) semaphore(%arg14 : memref<!tpu.dma_semaphore, #tpu.memory_space<semaphore_mem>>)
        %dma_wait3A_225 = arith.constant 39 : i32
        %dma_wait3A_226 = arith.constant 3 : i32
        %dma_wait3A_227 = arith.constant 0 : i32
        %dma_wait3A_228 = arith.constant 0 : i32
        %dma_wait3A_229 = tpu.memref_slice %arg9[%dma_wait3A_226, %dma_wait3A_227, %dma_wait3A_228] : memref<4x512x32xf32, #tpu.memory_space<vmem>> -> memref<1x512x32xf32, #tpu.memory_space<vmem>>
        %dma_wait3A_230 = tpu.memref_squeeze %dma_wait3A_229 : memref<1x512x32xf32, #tpu.memory_space<vmem>> -> memref<512x32xf32, #tpu.memory_space<vmem>>
        %dma_wait3A_231 = arith.constant 0 : i32
        %dma_wait3A_232 = tpu.memref_slice %arg7[%dma_wait3A_225, %dma_wait3A_231] : memref<40x512xi32, #tpu.memory_space<vmem>> -> memref<1x512xi32, #tpu.memory_space<vmem>>
        %dma_wait3A_233 = tpu.memref_squeeze %dma_wait3A_232 : memref<1x512xi32, #tpu.memory_space<vmem>> -> memref<512xi32, #tpu.memory_space<vmem>>
        %dma_wait3A_234 = arith.constant 0 : i32
        %dma_wait3A_235 = arith.constant 0 : i32
        %dma_wait3A_236 = tpu.memref_slice %arg3[%dma_wait3A_234, %dma_wait3A_235] : memref<10240x32xf32, #tpu.memory_space<hbm>> -> memref<10240x32xf32, #tpu.memory_space<hbm>>
        tpu.wait_indirect_dma semaphore(%arg14 : memref<!tpu.dma_semaphore, #tpu.memory_space<semaphore_mem>>) src(%dma_wait3A_236 : memref<10240x32xf32, #tpu.memory_space<hbm>>) dst(%dma_wait3A_230 : memref<512x32xf32, #tpu.memory_space<vmem>>)
        %dma_start3A_237 = arith.constant 3 : i32
        %dma_start3A_238 = arith.constant 39 : i32
        %dma_start3A_239 = arith.constant 0 : i32
        %dma_start3A_240 = arith.constant 0 : i32
        %dma_start3A_241 = tpu.memref_slice %arg9[%dma_start3A_237, %dma_start3A_239, %dma_start3A_240] : memref<4x512x32xf32, #tpu.memory_space<vmem>> -> memref<1x512x32xf32, #tpu.memory_space<vmem>>
        %dma_start3A_242 = tpu.memref_squeeze %dma_start3A_241 : memref<1x512x32xf32, #tpu.memory_space<vmem>> -> memref<512x32xf32, #tpu.memory_space<vmem>>
        %dma_start3A_243 = arith.constant 0 : i32
        %dma_start3A_244 = tpu.memref_slice %arg8[%dma_start3A_238, %dma_start3A_243] : memref<40x512xi32, #tpu.memory_space<vmem>> -> memref<1x512xi32, #tpu.memory_space<vmem>>
        %dma_start3A_245 = tpu.memref_squeeze %dma_start3A_244 : memref<1x512xi32, #tpu.memory_space<vmem>> -> memref<512xi32, #tpu.memory_space<vmem>>
        %dma_start3A_246 = arith.constant 0 : i32
        %dma_start3A_247 = arith.constant 0 : i32
        %dma_start3A_248 = tpu.memref_slice %arg10[%dma_start3A_246, %dma_start3A_247] : memref<10240x32xf32, #tpu.memory_space<vmem_shared>> -> memref<10240x32xf32, #tpu.memory_space<vmem_shared>>
        tpu.enqueue_indirect_dma source(%dma_start3A_242 : memref<512x32xf32, #tpu.memory_space<vmem>>) target(%dma_start3A_248 : memref<10240x32xf32, #tpu.memory_space<vmem_shared>>) offsets(%dma_start3A_245 : memref<512xi32, #tpu.memory_space<vmem>>) semaphore(%arg18 : memref<!tpu.dma_semaphore, #tpu.memory_space<semaphore_mem>>) {add = true}
        %dma_wait3A_249 = arith.constant 3 : i32
        %dma_wait3A_250 = arith.constant 39 : i32
        %dma_wait3A_251 = arith.constant 0 : i32
        %dma_wait3A_252 = arith.constant 0 : i32
        %dma_wait3A_253 = tpu.memref_slice %arg9[%dma_wait3A_249, %dma_wait3A_251, %dma_wait3A_252] : memref<4x512x32xf32, #tpu.memory_space<vmem>> -> memref<1x512x32xf32, #tpu.memory_space<vmem>>
        %dma_wait3A_254 = tpu.memref_squeeze %dma_wait3A_253 : memref<1x512x32xf32, #tpu.memory_space<vmem>> -> memref<512x32xf32, #tpu.memory_space<vmem>>
        %dma_wait3A_255 = arith.constant 0 : i32
        %dma_wait3A_256 = tpu.memref_slice %arg8[%dma_wait3A_250, %dma_wait3A_255] : memref<40x512xi32, #tpu.memory_space<vmem>> -> memref<1x512xi32, #tpu.memory_space<vmem>>
        %dma_wait3A_257 = tpu.memref_squeeze %dma_wait3A_256 : memref<1x512xi32, #tpu.memory_space<vmem>> -> memref<512xi32, #tpu.memory_space<vmem>>
        %dma_wait3A_258 = arith.constant 0 : i32
        %dma_wait3A_259 = arith.constant 0 : i32
        %dma_wait3A_260 = tpu.memref_slice %arg10[%dma_wait3A_258, %dma_wait3A_259] : memref<10240x32xf32, #tpu.memory_space<vmem_shared>> -> memref<10240x32xf32, #tpu.memory_space<vmem_shared>>
        tpu.wait_indirect_dma semaphore(%arg18 : memref<!tpu.dma_semaphore, #tpu.memory_space<semaphore_mem>>) src(%dma_wait3A_254 : memref<512x32xf32, #tpu.memory_space<vmem>>) dst(%dma_wait3A_260 : memref<10240x32xf32, #tpu.memory_space<vmem_shared>>)
      } else {
      }
    } else {
    }
    %barrier3A_28 = arith.constant 0 : index
    tpu.barrier barrier_id(%barrier3A_28)
    %mul3A_29 = arith.constant 640 : i32
    %mul3A_30 = arith.muli %arg1, %mul3A_29 : i32
    %mul3A_31 = arith.constant 10240 : i32
    %mul3A_32 = arith.muli %arg0, %mul3A_31 : i32
    %mul3A_33 = arith.constant 640 : i32
    %mul3A_34 = arith.muli %arg1, %mul3A_33 : i32
    %add3A_35 = arith.addi %mul3A_32, %mul3A_34 : i32
    "tpu.region"() ({
      %run_scoped3A_36 = tpu.sem_alloc : memref<!tpu.dma_semaphore, #tpu.memory_space<semaphore_mem>>
      %dma_start3A = arith.constant 0 : i32
      %dma_start3A_37 = tpu.memref_slice %arg6[%add3A_35, %dma_start3A] : memref<20480x32xf32, #tpu.memory_space<hbm>> -> memref<640x32xf32, #tpu.memory_space<hbm>>
      %dma_start3A_38 = arith.constant 0 : i32
      %dma_start3A_39 = tpu.memref_slice %arg10[%mul3A_30, %dma_start3A_38] : memref<10240x32xf32, #tpu.memory_space<vmem_shared>> -> memref<640x32xf32, #tpu.memory_space<vmem_shared>>
      tpu.enqueue_dma source(%dma_start3A_39 : memref<640x32xf32, #tpu.memory_space<vmem_shared>>) target(%dma_start3A_37 : memref<640x32xf32, #tpu.memory_space<hbm>>) target_semaphore(%run_scoped3A_36 : memref<!tpu.dma_semaphore, #tpu.memory_space<semaphore_mem>>)
      %dma_wait3A = arith.constant 0 : i32
      %dma_wait3A_40 = tpu.memref_slice %arg6[%add3A_35, %dma_wait3A] : memref<20480x32xf32, #tpu.memory_space<hbm>> -> memref<640x32xf32, #tpu.memory_space<hbm>>
      %dma_wait3A_41 = arith.constant 0 : i32
      %dma_wait3A_42 = tpu.memref_slice %arg10[%mul3A_30, %dma_wait3A_41] : memref<10240x32xf32, #tpu.memory_space<vmem_shared>> -> memref<640x32xf32, #tpu.memory_space<vmem_shared>>
      tpu.wait_dma2 semaphore(%run_scoped3A_36 : memref<!tpu.dma_semaphore, #tpu.memory_space<semaphore_mem>>) src(%dma_wait3A_42 : memref<640x32xf32, #tpu.memory_space<vmem_shared>>) dst(%dma_wait3A_40 : memref<640x32xf32, #tpu.memory_space<hbm>>)
      tpu.yield
    }) : () -> ()
    return
  }
}

#map = affine_map<(d0, d1) -> (0, 0)>
#map1 = affine_map<(d0, d1) -> (0, 0, 0)>
module attributes {stable_mosaic.version = 14 : i64} {
  func.func @_sc_scatter_body(%arg0: i32, %arg1: i32, %arg2: memref<10240x32xf32, #tpu.memory_space<hbm>>, %arg3: memref<10240x32xf32, #tpu.memory_space<hbm>>, %arg4: memref<2x625x512xi32, #tpu.memory_space<hbm>>, %arg5: memref<2x625x512xi32, #tpu.memory_space<hbm>>, %arg6: memref<20480x32xf32, #tpu.memory_space<hbm>>, %arg7: memref<40x512xi32, #tpu.memory_space<vmem>>, %arg8: memref<40x512xi32, #tpu.memory_space<vmem>>, %arg9: memref<4x512x32xf32, #tpu.memory_space<vmem>>, %arg10: memref<10240x32xf32, #tpu.memory_space<vmem_shared>>, %arg11: memref<!tpu.dma_semaphore, #tpu.memory_space<semaphore_mem>>, %arg12: memref<!tpu.dma_semaphore, #tpu.memory_space<semaphore_mem>>, %arg13: memref<!tpu.dma_semaphore, #tpu.memory_space<semaphore_mem>>, %arg14: memref<!tpu.dma_semaphore, #tpu.memory_space<semaphore_mem>>, %arg15: memref<!tpu.dma_semaphore, #tpu.memory_space<semaphore_mem>>, %arg16: memref<!tpu.dma_semaphore, #tpu.memory_space<semaphore_mem>>, %arg17: memref<!tpu.dma_semaphore, #tpu.memory_space<semaphore_mem>>, %arg18: memref<!tpu.dma_semaphore, #tpu.memory_space<semaphore_mem>>) attributes {dimension_semantics = [#tpu.dimension_semantics<core_parallel>, #tpu.dimension_semantics<subcore_parallel>], iteration_bounds = array<i64: 2, 16>, scalar_prefetch = 0 : i64, scratch_operands = 12 : i64, tpu.core_type = #tpu.core_type<sc_vector_subcore>, window_params = [{transform_indices = #map}, {transform_indices = #map}, {transform_indices = #map1}, {transform_indices = #map1}, {transform_indices = #map}]} {
    %broadcast_in_dim3A = arith.constant 0.000000e+00 : f32
    %broadcast_in_dim3A_0 = vector.broadcast %broadcast_in_dim3A : f32 to vector<16xf32>
    %scan3A = arith.constant 0 : i32
    %scan3A_1 = arith.constant 0 : i32
    %scan3A_2 = arith.constant 512 : i32
    %scan3A_3 = arith.addi %scan3A_1, %scan3A_2 : i32
    %scan3A_4 = arith.constant 1 : i32
    scf.for %scan3A_36 = %scan3A_1 to %scan3A_3 step %scan3A_4  : i32 {
      %swap3A = arith.constant 0 : i32
      %swap3A_37 = arith.index_cast %swap3A : i32 to index
      %swap3A_38 = arith.index_cast %scan3A_36 : i32 to index
      %swap3A_39 = arith.constant 0 : index
      %swap3A_40 = tpu.vector_load %arg9[%swap3A_37, %swap3A_38, %swap3A_39] {strides = array<i32>} : memref<4x512x32xf32, #tpu.memory_space<vmem>>, vector<1x1x16xf32>,
      %swap3A_41 = vector.shape_cast %swap3A_40 : vector<1x1x16xf32> to vector<16xf32>
      %swap3A_42 = vector.shape_cast %broadcast_in_dim3A_0 : vector<16xf32> to vector<1x1x16xf32>
      tpu.vector_store %arg9[%swap3A_37, %swap3A_38, %swap3A_39], %swap3A_42 {strides = array<i32>} : memref<4x512x32xf32, #tpu.memory_space<vmem>>, vector<1x1x16xf32>,
      %swap3A_43 = arith.constant 0 : i32
      %swap3A_44 = arith.index_cast %swap3A_43 : i32 to index
      %swap3A_45 = arith.index_cast %scan3A_36 : i32 to index
      %swap3A_46 = arith.constant 16 : index
      %swap3A_47 = tpu.vector_load %arg9[%swap3A_44, %swap3A_45, %swap3A_46] {strides = array<i32>} : memref<4x512x32xf32, #tpu.memory_space<vmem>>, vector<1x1x16xf32>,
      %swap3A_48 = vector.shape_cast %swap3A_47 : vector<1x1x16xf32> to vector<16xf32>
      %swap3A_49 = vector.shape_cast %broadcast_in_dim3A_0 : vector<16xf32> to vector<1x1x16xf32>
      tpu.vector_store %arg9[%swap3A_44, %swap3A_45, %swap3A_46], %swap3A_49 {strides = array<i32>} : memref<4x512x32xf32, #tpu.memory_space<vmem>>, vector<1x1x16xf32>,
    }
    %scan3A_5 = arith.constant 512 : i32
    %mul3A = arith.constant 640 : i32
    %mul3A_6 = arith.muli %arg1, %mul3A : i32
    %run_scoped3A = arith.constant 0 : i32
    "tpu.region"() ({
      %run_scoped3A_36 = tpu.sem_alloc : memref<!tpu.dma_semaphore, #tpu.memory_space<semaphore_mem>>
      %dma_start3A = arith.constant 0 : i32
      %dma_start3A_37 = arith.constant 0 : i32
      %dma_start3A_38 = tpu.memref_slice %arg9[%run_scoped3A, %dma_start3A, %dma_start3A_37] : memref<4x512x32xf32, #tpu.memory_space<vmem>> -> memref<1x512x32xf32, #tpu.memory_space<vmem>>
      %dma_start3A_39 = tpu.memref_squeeze %dma_start3A_38 : memref<1x512x32xf32, #tpu.memory_space<vmem>> -> memref<512x32xf32, #tpu.memory_space<vmem>>
      %dma_start3A_40 = arith.constant 0 : i32
      %dma_start3A_41 = tpu.memref_slice %arg10[%mul3A_6, %dma_start3A_40] : memref<10240x32xf32, #tpu.memory_space<vmem_shared>> -> memref<512x32xf32, #tpu.memory_space<vmem_shared>>
      %dma_start3A_42 = arith.constant 0 : i32
      %dma_start3A_43 = tpu.memref_slice %arg10[%mul3A_6, %dma_start3A_42] : memref<10240x32xf32, #tpu.memory_space<vmem_shared>> -> memref<512x32xf32, #tpu.memory_space<vmem_shared>>
      %dma_start3A_44 = arith.constant 0 : i32
      %dma_start3A_45 = arith.constant 0 : i32
      %dma_start3A_46 = tpu.memref_slice %arg9[%run_scoped3A, %dma_start3A_44, %dma_start3A_45] : memref<4x512x32xf32, #tpu.memory_space<vmem>> -> memref<1x512x32xf32, #tpu.memory_space<vmem>>
      %dma_start3A_47 = tpu.memref_squeeze %dma_start3A_46 : memref<1x512x32xf32, #tpu.memory_space<vmem>> -> memref<512x32xf32, #tpu.memory_space<vmem>>
      tpu.enqueue_dma source(%dma_start3A_47 : memref<512x32xf32, #tpu.memory_space<vmem>>) target(%dma_start3A_43 : memref<512x32xf32, #tpu.memory_space<vmem_shared>>) target_semaphore(%run_scoped3A_36 : memref<!tpu.dma_semaphore, #tpu.memory_space<semaphore_mem>>)
      %dma_wait3A = arith.constant 0 : i32
      %dma_wait3A_48 = arith.constant 0 : i32
      %dma_wait3A_49 = tpu.memref_slice %arg9[%run_scoped3A, %dma_wait3A, %dma_wait3A_48] : memref<4x512x32xf32, #tpu.memory_space<vmem>> -> memref<1x512x32xf32, #tpu.memory_space<vmem>>
      %dma_wait3A_50 = tpu.memref_squeeze %dma_wait3A_49 : memref<1x512x32xf32, #tpu.memory_space<vmem>> -> memref<512x32xf32, #tpu.memory_space<vmem>>
      %dma_wait3A_51 = arith.constant 0 : i32
      %dma_wait3A_52 = tpu.memref_slice %arg10[%mul3A_6, %dma_wait3A_51] : memref<10240x32xf32, #tpu.memory_space<vmem_shared>> -> memref<512x32xf32, #tpu.memory_space<vmem_shared>>
      %dma_wait3A_53 = arith.constant 0 : i32
      %dma_wait3A_54 = tpu.memref_slice %arg10[%mul3A_6, %dma_wait3A_53] : memref<10240x32xf32, #tpu.memory_space<vmem_shared>> -> memref<512x32xf32, #tpu.memory_space<vmem_shared>>
      %dma_wait3A_55 = arith.constant 0 : i32
      %dma_wait3A_56 = arith.constant 0 : i32
      %dma_wait3A_57 = tpu.memref_slice %arg9[%run_scoped3A, %dma_wait3A_55, %dma_wait3A_56] : memref<4x512x32xf32, #tpu.memory_space<vmem>> -> memref<1x512x32xf32, #tpu.memory_space<vmem>>
      %dma_wait3A_58 = tpu.memref_squeeze %dma_wait3A_57 : memref<1x512x32xf32, #tpu.memory_space<vmem>> -> memref<512x32xf32, #tpu.memory_space<vmem>>
      tpu.wait_dma2 semaphore(%run_scoped3A_36 : memref<!tpu.dma_semaphore, #tpu.memory_space<semaphore_mem>>) src(%dma_wait3A_58 : memref<512x32xf32, #tpu.memory_space<vmem>>) dst(%dma_wait3A_54 : memref<512x32xf32, #tpu.memory_space<vmem_shared>>)
      tpu.yield
    }) : () -> ()
    %mul3A_7 = arith.constant 640 : i32
    %mul3A_8 = arith.muli %arg1, %mul3A_7 : i32
    %add3A = arith.constant 512 : i32
    %add3A_9 = arith.addi %mul3A_8, %add3A : i32
    %run_scoped3A_10 = arith.constant 0 : i32
    "tpu.region"() ({
      %run_scoped3A_36 = tpu.sem_alloc : memref<!tpu.dma_semaphore, #tpu.memory_space<semaphore_mem>>
      %dma_start3A = arith.constant 0 : i32
      %dma_start3A_37 = arith.constant 0 : i32
      %dma_start3A_38 = tpu.memref_slice %arg9[%run_scoped3A_10, %dma_start3A, %dma_start3A_37] : memref<4x512x32xf32, #tpu.memory_space<vmem>> -> memref<1x128x32xf32, #tpu.memory_space<vmem>>
      %dma_start3A_39 = tpu.memref_squeeze %dma_start3A_38 : memref<1x128x32xf32, #tpu.memory_space<vmem>> -> memref<128x32xf32, #tpu.memory_space<vmem>>
      %dma_start3A_40 = arith.constant 0 : i32
      %dma_start3A_41 = tpu.memref_slice %arg10[%add3A_9, %dma_start3A_40] : memref<10240x32xf32, #tpu.memory_space<vmem_shared>> -> memref<128x32xf32, #tpu.memory_space<vmem_shared>>
      %dma_start3A_42 = arith.constant 0 : i32
      %dma_start3A_43 = tpu.memref_slice %arg10[%add3A_9, %dma_start3A_42] : memref<10240x32xf32, #tpu.memory_space<vmem_shared>> -> memref<128x32xf32, #tpu.memory_space<vmem_shared>>
      %dma_start3A_44 = arith.constant 0 : i32
      %dma_start3A_45 = arith.constant 0 : i32
      %dma_start3A_46 = tpu.memref_slice %arg9[%run_scoped3A_10, %dma_start3A_44, %dma_start3A_45] : memref<4x512x32xf32, #tpu.memory_space<vmem>> -> memref<1x128x32xf32, #tpu.memory_space<vmem>>
      %dma_start3A_47 = tpu.memref_squeeze %dma_start3A_46 : memref<1x128x32xf32, #tpu.memory_space<vmem>> -> memref<128x32xf32, #tpu.memory_space<vmem>>
      tpu.enqueue_dma source(%dma_start3A_47 : memref<128x32xf32, #tpu.memory_space<vmem>>) target(%dma_start3A_43 : memref<128x32xf32, #tpu.memory_space<vmem_shared>>) target_semaphore(%run_scoped3A_36 : memref<!tpu.dma_semaphore, #tpu.memory_space<semaphore_mem>>)
      %dma_wait3A = arith.constant 0 : i32
      %dma_wait3A_48 = arith.constant 0 : i32
      %dma_wait3A_49 = tpu.memref_slice %arg9[%run_scoped3A_10, %dma_wait3A, %dma_wait3A_48] : memref<4x512x32xf32, #tpu.memory_space<vmem>> -> memref<1x128x32xf32, #tpu.memory_space<vmem>>
      %dma_wait3A_50 = tpu.memref_squeeze %dma_wait3A_49 : memref<1x128x32xf32, #tpu.memory_space<vmem>> -> memref<128x32xf32, #tpu.memory_space<vmem>>
      %dma_wait3A_51 = arith.constant 0 : i32
      %dma_wait3A_52 = tpu.memref_slice %arg10[%add3A_9, %dma_wait3A_51] : memref<10240x32xf32, #tpu.memory_space<vmem_shared>> -> memref<128x32xf32, #tpu.memory_space<vmem_shared>>
      %dma_wait3A_53 = arith.constant 0 : i32
      %dma_wait3A_54 = tpu.memref_slice %arg10[%add3A_9, %dma_wait3A_53] : memref<10240x32xf32, #tpu.memory_space<vmem_shared>> -> memref<128x32xf32, #tpu.memory_space<vmem_shared>>
      %dma_wait3A_55 = arith.constant 0 : i32
      %dma_wait3A_56 = arith.constant 0 : i32
      %dma_wait3A_57 = tpu.memref_slice %arg9[%run_scoped3A_10, %dma_wait3A_55, %dma_wait3A_56] : memref<4x512x32xf32, #tpu.memory_space<vmem>> -> memref<1x128x32xf32, #tpu.memory_space<vmem>>
      %dma_wait3A_58 = tpu.memref_squeeze %dma_wait3A_57 : memref<1x128x32xf32, #tpu.memory_space<vmem>> -> memref<128x32xf32, #tpu.memory_space<vmem>>
      tpu.wait_dma2 semaphore(%run_scoped3A_36 : memref<!tpu.dma_semaphore, #tpu.memory_space<semaphore_mem>>) src(%dma_wait3A_58 : memref<128x32xf32, #tpu.memory_space<vmem>>) dst(%dma_wait3A_54 : memref<128x32xf32, #tpu.memory_space<vmem_shared>>)
      tpu.yield
    }) : () -> ()
    %eq3A = arith.constant 0 : i32
    %eq3A_11 = arith.cmpi eq, %arg0, %eq3A : i32
    %convert_element_type3A = arith.extui %eq3A_11 : i1 to i32
    %cond3A = arith.constant 0 : i32
    %cond3A_12 = arith.cmpi ne, %convert_element_type3A, %cond3A : i32
    scf.if %cond3A_12 {
      %mul3A_36 = arith.constant 39 : i32
      %mul3A_37 = arith.muli %arg1, %mul3A_36 : i32
      %run_scoped3A_38 = arith.constant 0 : i32
      "tpu.region"() ({
        %run_scoped3A_47 = tpu.sem_alloc : memref<!tpu.dma_semaphore, #tpu.memory_space<semaphore_mem>>
        %dma_start3A = arith.constant 0 : i32
        %dma_start3A_48 = arith.constant 0 : i32
        %dma_start3A_49 = tpu.memref_slice %arg7[%dma_start3A, %dma_start3A_48] : memref<40x512xi32, #tpu.memory_space<vmem>> -> memref<39x512xi32, #tpu.memory_space<vmem>>
        %dma_start3A_50 = arith.constant 0 : i32
        %dma_start3A_51 = tpu.memref_slice %arg4[%run_scoped3A_38, %mul3A_37, %dma_start3A_50] : memref<2x625x512xi32, #tpu.memory_space<hbm>> -> memref<1x39x512xi32, #tpu.memory_space<hbm>>
        %dma_start3A_52 = tpu.memref_squeeze %dma_start3A_51 : memref<1x39x512xi32, #tpu.memory_space<hbm>> -> memref<39x512xi32, #tpu.memory_space<hbm>>
        %dma_start3A_53 = arith.constant 0 : i32
        %dma_start3A_54 = arith.constant 0 : i32
        %dma_start3A_55 = tpu.memref_slice %arg7[%dma_start3A_53, %dma_start3A_54] : memref<40x512xi32, #tpu.memory_space<vmem>> -> memref<39x512xi32, #tpu.memory_space<vmem>>
        %dma_start3A_56 = arith.constant 0 : i32
        %dma_start3A_57 = tpu.memref_slice %arg4[%run_scoped3A_38, %mul3A_37, %dma_start3A_56] : memref<2x625x512xi32, #tpu.memory_space<hbm>> -> memref<1x39x512xi32, #tpu.memory_space<hbm>>
        %dma_start3A_58 = tpu.memref_squeeze %dma_start3A_57 : memref<1x39x512xi32, #tpu.memory_space<hbm>> -> memref<39x512xi32, #tpu.memory_space<hbm>>
        tpu.enqueue_dma source(%dma_start3A_58 : memref<39x512xi32, #tpu.memory_space<hbm>>) target(%dma_start3A_55 : memref<39x512xi32, #tpu.memory_space<vmem>>) target_semaphore(%run_scoped3A_47 : memref<!tpu.dma_semaphore, #tpu.memory_space<semaphore_mem>>)
        %dma_wait3A = arith.constant 0 : i32
        %dma_wait3A_59 = arith.constant 0 : i32
        %dma_wait3A_60 = tpu.memref_slice %arg7[%dma_wait3A, %dma_wait3A_59] : memref<40x512xi32, #tpu.memory_space<vmem>> -> memref<39x512xi32, #tpu.memory_space<vmem>>
        %dma_wait3A_61 = arith.constant 0 : i32
        %dma_wait3A_62 = tpu.memref_slice %arg4[%run_scoped3A_38, %mul3A_37, %dma_wait3A_61] : memref<2x625x512xi32, #tpu.memory_space<hbm>> -> memref<1x39x512xi32, #tpu.memory_space<hbm>>
        %dma_wait3A_63 = tpu.memref_squeeze %dma_wait3A_62 : memref<1x39x512xi32, #tpu.memory_space<hbm>> -> memref<39x512xi32, #tpu.memory_space<hbm>>
        %dma_wait3A_64 = arith.constant 0 : i32
        %dma_wait3A_65 = arith.constant 0 : i32
        %dma_wait3A_66 = tpu.memref_slice %arg7[%dma_wait3A_64, %dma_wait3A_65] : memref<40x512xi32, #tpu.memory_space<vmem>> -> memref<39x512xi32, #tpu.memory_space<vmem>>
        %dma_wait3A_67 = arith.constant 0 : i32
        %dma_wait3A_68 = tpu.memref_slice %arg4[%run_scoped3A_38, %mul3A_37, %dma_wait3A_67] : memref<2x625x512xi32, #tpu.memory_space<hbm>> -> memref<1x39x512xi32, #tpu.memory_space<hbm>>
        %dma_wait3A_69 = tpu.memref_squeeze %dma_wait3A_68 : memref<1x39x512xi32, #tpu.memory_space<hbm>> -> memref<39x512xi32, #tpu.memory_space<hbm>>
        tpu.wait_dma2 semaphore(%run_scoped3A_47 : memref<!tpu.dma_semaphore, #tpu.memory_space<semaphore_mem>>) src(%dma_wait3A_69 : memref<39x512xi32, #tpu.memory_space<hbm>>) dst(%dma_wait3A_66 : memref<39x512xi32, #tpu.memory_space<vmem>>)
        tpu.yield
      }) : () -> ()
      %mul3A_39 = arith.constant 39 : i32
      %mul3A_40 = arith.muli %arg1, %mul3A_39 : i32
      %run_scoped3A_41 = arith.constant 1 : i32
      "tpu.region"() ({
        %run_scoped3A_47 = tpu.sem_alloc : memref<!tpu.dma_semaphore, #tpu.memory_space<semaphore_mem>>
        %dma_start3A = arith.constant 0 : i32
        %dma_start3A_48 = arith.constant 0 : i32
        %dma_start3A_49 = tpu.memref_slice %arg8[%dma_start3A, %dma_start3A_48] : memref<40x512xi32, #tpu.memory_space<vmem>> -> memref<39x512xi32, #tpu.memory_space<vmem>>
        %dma_start3A_50 = arith.constant 0 : i32
        %dma_start3A_51 = tpu.memref_slice %arg4[%run_scoped3A_41, %mul3A_40, %dma_start3A_50] : memref<2x625x512xi32, #tpu.memory_space<hbm>> -> memref<1x39x512xi32, #tpu.memory_space<hbm>>
        %dma_start3A_52 = tpu.memref_squeeze %dma_start3A_51 : memref<1x39x512xi32, #tpu.memory_space<hbm>> -> memref<39x512xi32, #tpu.memory_space<hbm>>
        %dma_start3A_53 = arith.constant 0 : i32
        %dma_start3A_54 = arith.constant 0 : i32
        %dma_start3A_55 = tpu.memref_slice %arg8[%dma_start3A_53, %dma_start3A_54] : memref<40x512xi32, #tpu.memory_space<vmem>> -> memref<39x512xi32, #tpu.memory_space<vmem>>
        %dma_start3A_56 = arith.constant 0 : i32
        %dma_start3A_57 = tpu.memref_slice %arg4[%run_scoped3A_41, %mul3A_40, %dma_start3A_56] : memref<2x625x512xi32, #tpu.memory_space<hbm>> -> memref<1x39x512xi32, #tpu.memory_space<hbm>>
        %dma_start3A_58 = tpu.memref_squeeze %dma_start3A_57 : memref<1x39x512xi32, #tpu.memory_space<hbm>> -> memref<39x512xi32, #tpu.memory_space<hbm>>
        tpu.enqueue_dma source(%dma_start3A_58 : memref<39x512xi32, #tpu.memory_space<hbm>>) target(%dma_start3A_55 : memref<39x512xi32, #tpu.memory_space<vmem>>) target_semaphore(%run_scoped3A_47 : memref<!tpu.dma_semaphore, #tpu.memory_space<semaphore_mem>>)
        %dma_wait3A = arith.constant 0 : i32
        %dma_wait3A_59 = arith.constant 0 : i32
        %dma_wait3A_60 = tpu.memref_slice %arg8[%dma_wait3A, %dma_wait3A_59] : memref<40x512xi32, #tpu.memory_space<vmem>> -> memref<39x512xi32, #tpu.memory_space<vmem>>
        %dma_wait3A_61 = arith.constant 0 : i32
        %dma_wait3A_62 = tpu.memref_slice %arg4[%run_scoped3A_41, %mul3A_40, %dma_wait3A_61] : memref<2x625x512xi32, #tpu.memory_space<hbm>> -> memref<1x39x512xi32, #tpu.memory_space<hbm>>
        %dma_wait3A_63 = tpu.memref_squeeze %dma_wait3A_62 : memref<1x39x512xi32, #tpu.memory_space<hbm>> -> memref<39x512xi32, #tpu.memory_space<hbm>>
        %dma_wait3A_64 = arith.constant 0 : i32
        %dma_wait3A_65 = arith.constant 0 : i32
        %dma_wait3A_66 = tpu.memref_slice %arg8[%dma_wait3A_64, %dma_wait3A_65] : memref<40x512xi32, #tpu.memory_space<vmem>> -> memref<39x512xi32, #tpu.memory_space<vmem>>
        %dma_wait3A_67 = arith.constant 0 : i32
        %dma_wait3A_68 = tpu.memref_slice %arg4[%run_scoped3A_41, %mul3A_40, %dma_wait3A_67] : memref<2x625x512xi32, #tpu.memory_space<hbm>> -> memref<1x39x512xi32, #tpu.memory_space<hbm>>
        %dma_wait3A_69 = tpu.memref_squeeze %dma_wait3A_68 : memref<1x39x512xi32, #tpu.memory_space<hbm>> -> memref<39x512xi32, #tpu.memory_space<hbm>>
        tpu.wait_dma2 semaphore(%run_scoped3A_47 : memref<!tpu.dma_semaphore, #tpu.memory_space<semaphore_mem>>) src(%dma_wait3A_69 : memref<39x512xi32, #tpu.memory_space<hbm>>) dst(%dma_wait3A_66 : memref<39x512xi32, #tpu.memory_space<vmem>>)
        tpu.yield
      }) : () -> ()
      %eq3A_42 = arith.constant 0 : i32
      %eq3A_43 = arith.cmpi eq, %arg1, %eq3A_42 : i32
      %convert_element_type3A_44 = arith.extui %eq3A_43 : i1 to i32
      %cond3A_45 = arith.constant 0 : i32
      %cond3A_46 = arith.cmpi ne, %convert_element_type3A_44, %cond3A_45 : i32
      scf.if %cond3A_46 {
        %run_scoped3A_47 = arith.constant 0 : i32
        "tpu.region"() ({
          %run_scoped3A_49 = tpu.sem_alloc : memref<!tpu.dma_semaphore, #tpu.memory_space<semaphore_mem>>
          %dma_start3A = arith.constant 39 : i32
          %dma_start3A_50 = arith.constant 0 : i32
          %dma_start3A_51 = tpu.memref_slice %arg7[%dma_start3A, %dma_start3A_50] : memref<40x512xi32, #tpu.memory_space<vmem>> -> memref<1x512xi32, #tpu.memory_space<vmem>>
          %dma_start3A_52 = arith.constant 624 : i32
          %dma_start3A_53 = arith.constant 0 : i32
          %dma_start3A_54 = tpu.memref_slice %arg4[%run_scoped3A_47, %dma_start3A_52, %dma_start3A_53] : memref<2x625x512xi32, #tpu.memory_space<hbm>> -> memref<1x1x512xi32, #tpu.memory_space<hbm>>
          %dma_start3A_55 = tpu.memref_squeeze %dma_start3A_54 : memref<1x1x512xi32, #tpu.memory_space<hbm>> -> memref<1x512xi32, #tpu.memory_space<hbm>>
          %dma_start3A_56 = arith.constant 39 : i32
          %dma_start3A_57 = arith.constant 0 : i32
          %dma_start3A_58 = tpu.memref_slice %arg7[%dma_start3A_56, %dma_start3A_57] : memref<40x512xi32, #tpu.memory_space<vmem>> -> memref<1x512xi32, #tpu.memory_space<vmem>>
          %dma_start3A_59 = arith.constant 624 : i32
          %dma_start3A_60 = arith.constant 0 : i32
          %dma_start3A_61 = tpu.memref_slice %arg4[%run_scoped3A_47, %dma_start3A_59, %dma_start3A_60] : memref<2x625x512xi32, #tpu.memory_space<hbm>> -> memref<1x1x512xi32, #tpu.memory_space<hbm>>
          %dma_start3A_62 = tpu.memref_squeeze %dma_start3A_61 : memref<1x1x512xi32, #tpu.memory_space<hbm>> -> memref<1x512xi32, #tpu.memory_space<hbm>>
          tpu.enqueue_dma source(%dma_start3A_62 : memref<1x512xi32, #tpu.memory_space<hbm>>) target(%dma_start3A_58 : memref<1x512xi32, #tpu.memory_space<vmem>>) target_semaphore(%run_scoped3A_49 : memref<!tpu.dma_semaphore, #tpu.memory_space<semaphore_mem>>)
          %dma_wait3A = arith.constant 39 : i32
          %dma_wait3A_63 = arith.constant 0 : i32
          %dma_wait3A_64 = tpu.memref_slice %arg7[%dma_wait3A, %dma_wait3A_63] : memref<40x512xi32, #tpu.memory_space<vmem>> -> memref<1x512xi32, #tpu.memory_space<vmem>>
          %dma_wait3A_65 = arith.constant 624 : i32
          %dma_wait3A_66 = arith.constant 0 : i32
          %dma_wait3A_67 = tpu.memref_slice %arg4[%run_scoped3A_47, %dma_wait3A_65, %dma_wait3A_66] : memref<2x625x512xi32, #tpu.memory_space<hbm>> -> memref<1x1x512xi32, #tpu.memory_space<hbm>>
          %dma_wait3A_68 = tpu.memref_squeeze %dma_wait3A_67 : memref<1x1x512xi32, #tpu.memory_space<hbm>> -> memref<1x512xi32, #tpu.memory_space<hbm>>
          %dma_wait3A_69 = arith.constant 39 : i32
          %dma_wait3A_70 = arith.constant 0 : i32
          %dma_wait3A_71 = tpu.memref_slice %arg7[%dma_wait3A_69, %dma_wait3A_70] : memref<40x512xi32, #tpu.memory_space<vmem>> -> memref<1x512xi32, #tpu.memory_space<vmem>>
          %dma_wait3A_72 = arith.constant 624 : i32
          %dma_wait3A_73 = arith.constant 0 : i32
          %dma_wait3A_74 = tpu.memref_slice %arg4[%run_scoped3A_47, %dma_wait3A_72, %dma_wait3A_73] : memref<2x625x512xi32, #tpu.memory_space<hbm>> -> memref<1x1x512xi32, #tpu.memory_space<hbm>>
          %dma_wait3A_75 = tpu.memref_squeeze %dma_wait3A_74 : memref<1x1x512xi32, #tpu.memory_space<hbm>> -> memref<1x512xi32, #tpu.memory_space<hbm>>
          tpu.wait_dma2 semaphore(%run_scoped3A_49 : memref<!tpu.dma_semaphore, #tpu.memory_space<semaphore_mem>>) src(%dma_wait3A_75 : memref<1x512xi32, #tpu.memory_space<hbm>>) dst(%dma_wait3A_71 : memref<1x512xi32, #tpu.memory_space<vmem>>)
          tpu.yield
        }) : () -> ()
        %run_scoped3A_48 = arith.constant 1 : i32
        "tpu.region"() ({
          %run_scoped3A_49 = tpu.sem_alloc : memref<!tpu.dma_semaphore, #tpu.memory_space<semaphore_mem>>
          %dma_start3A = arith.constant 39 : i32
          %dma_start3A_50 = arith.constant 0 : i32
          %dma_start3A_51 = tpu.memref_slice %arg8[%dma_start3A, %dma_start3A_50] : memref<40x512xi32, #tpu.memory_space<vmem>> -> memref<1x512xi32, #tpu.memory_space<vmem>>
          %dma_start3A_52 = arith.constant 624 : i32
          %dma_start3A_53 = arith.constant 0 : i32
          %dma_start3A_54 = tpu.memref_slice %arg4[%run_scoped3A_48, %dma_start3A_52, %dma_start3A_53] : memref<2x625x512xi32, #tpu.memory_space<hbm>> -> memref<1x1x512xi32, #tpu.memory_space<hbm>>
          %dma_start3A_55 = tpu.memref_squeeze %dma_start3A_54 : memref<1x1x512xi32, #tpu.memory_space<hbm>> -> memref<1x512xi32, #tpu.memory_space<hbm>>
          %dma_start3A_56 = arith.constant 39 : i32
          %dma_start3A_57 = arith.constant 0 : i32
          %dma_start3A_58 = tpu.memref_slice %arg8[%dma_start3A_56, %dma_start3A_57] : memref<40x512xi32, #tpu.memory_space<vmem>> -> memref<1x512xi32, #tpu.memory_space<vmem>>
          %dma_start3A_59 = arith.constant 624 : i32
          %dma_start3A_60 = arith.constant 0 : i32
          %dma_start3A_61 = tpu.memref_slice %arg4[%run_scoped3A_48, %dma_start3A_59, %dma_start3A_60] : memref<2x625x512xi32, #tpu.memory_space<hbm>> -> memref<1x1x512xi32, #tpu.memory_space<hbm>>
          %dma_start3A_62 = tpu.memref_squeeze %dma_start3A_61 : memref<1x1x512xi32, #tpu.memory_space<hbm>> -> memref<1x512xi32, #tpu.memory_space<hbm>>
          tpu.enqueue_dma source(%dma_start3A_62 : memref<1x512xi32, #tpu.memory_space<hbm>>) target(%dma_start3A_58 : memref<1x512xi32, #tpu.memory_space<vmem>>) target_semaphore(%run_scoped3A_49 : memref<!tpu.dma_semaphore, #tpu.memory_space<semaphore_mem>>)
          %dma_wait3A = arith.constant 39 : i32
          %dma_wait3A_63 = arith.constant 0 : i32
          %dma_wait3A_64 = tpu.memref_slice %arg8[%dma_wait3A, %dma_wait3A_63] : memref<40x512xi32, #tpu.memory_space<vmem>> -> memref<1x512xi32, #tpu.memory_space<vmem>>
          %dma_wait3A_65 = arith.constant 624 : i32
          %dma_wait3A_66 = arith.constant 0 : i32
          %dma_wait3A_67 = tpu.memref_slice %arg4[%run_scoped3A_48, %dma_wait3A_65, %dma_wait3A_66] : memref<2x625x512xi32, #tpu.memory_space<hbm>> -> memref<1x1x512xi32, #tpu.memory_space<hbm>>
          %dma_wait3A_68 = tpu.memref_squeeze %dma_wait3A_67 : memref<1x1x512xi32, #tpu.memory_space<hbm>> -> memref<1x512xi32, #tpu.memory_space<hbm>>
          %dma_wait3A_69 = arith.constant 39 : i32
          %dma_wait3A_70 = arith.constant 0 : i32
          %dma_wait3A_71 = tpu.memref_slice %arg8[%dma_wait3A_69, %dma_wait3A_70] : memref<40x512xi32, #tpu.memory_space<vmem>> -> memref<1x512xi32, #tpu.memory_space<vmem>>
          %dma_wait3A_72 = arith.constant 624 : i32
          %dma_wait3A_73 = arith.constant 0 : i32
          %dma_wait3A_74 = tpu.memref_slice %arg4[%run_scoped3A_48, %dma_wait3A_72, %dma_wait3A_73] : memref<2x625x512xi32, #tpu.memory_space<hbm>> -> memref<1x1x512xi32, #tpu.memory_space<hbm>>
          %dma_wait3A_75 = tpu.memref_squeeze %dma_wait3A_74 : memref<1x1x512xi32, #tpu.memory_space<hbm>> -> memref<1x512xi32, #tpu.memory_space<hbm>>
          tpu.wait_dma2 semaphore(%run_scoped3A_49 : memref<!tpu.dma_semaphore, #tpu.memory_space<semaphore_mem>>) src(%dma_wait3A_75 : memref<1x512xi32, #tpu.memory_space<hbm>>) dst(%dma_wait3A_71 : memref<1x512xi32, #tpu.memory_space<vmem>>)
          tpu.yield
        }) : () -> ()
      } else {
      }
    } else {
    }
    %eq3A_13 = arith.constant 1 : i32
    %eq3A_14 = arith.cmpi eq, %arg0, %eq3A_13 : i32
    %convert_element_type3A_15 = arith.extui %eq3A_14 : i1 to i32
    %cond3A_16 = arith.constant 0 : i32
    %cond3A_17 = arith.cmpi ne, %convert_element_type3A_15, %cond3A_16 : i32
    scf.if %cond3A_17 {
      %mul3A_36 = arith.constant 39 : i32
      %mul3A_37 = arith.muli %arg1, %mul3A_36 : i32
      %run_scoped3A_38 = arith.constant 0 : i32
      "tpu.region"() ({
        %run_scoped3A_47 = tpu.sem_alloc : memref<!tpu.dma_semaphore, #tpu.memory_space<semaphore_mem>>
        %dma_start3A = arith.constant 0 : i32
        %dma_start3A_48 = arith.constant 0 : i32
        %dma_start3A_49 = tpu.memref_slice %arg7[%dma_start3A, %dma_start3A_48] : memref<40x512xi32, #tpu.memory_space<vmem>> -> memref<39x512xi32, #tpu.memory_space<vmem>>
        %dma_start3A_50 = arith.constant 0 : i32
        %dma_start3A_51 = tpu.memref_slice %arg5[%run_scoped3A_38, %mul3A_37, %dma_start3A_50] : memref<2x625x512xi32, #tpu.memory_space<hbm>> -> memref<1x39x512xi32, #tpu.memory_space<hbm>>
        %dma_start3A_52 = tpu.memref_squeeze %dma_start3A_51 : memref<1x39x512xi32, #tpu.memory_space<hbm>> -> memref<39x512xi32, #tpu.memory_space<hbm>>
        %dma_start3A_53 = arith.constant 0 : i32
        %dma_start3A_54 = arith.constant 0 : i32
        %dma_start3A_55 = tpu.memref_slice %arg7[%dma_start3A_53, %dma_start3A_54] : memref<40x512xi32, #tpu.memory_space<vmem>> -> memref<39x512xi32, #tpu.memory_space<vmem>>
        %dma_start3A_56 = arith.constant 0 : i32
        %dma_start3A_57 = tpu.memref_slice %arg5[%run_scoped3A_38, %mul3A_37, %dma_start3A_56] : memref<2x625x512xi32, #tpu.memory_space<hbm>> -> memref<1x39x512xi32, #tpu.memory_space<hbm>>
        %dma_start3A_58 = tpu.memref_squeeze %dma_start3A_57 : memref<1x39x512xi32, #tpu.memory_space<hbm>> -> memref<39x512xi32, #tpu.memory_space<hbm>>
        tpu.enqueue_dma source(%dma_start3A_58 : memref<39x512xi32, #tpu.memory_space<hbm>>) target(%dma_start3A_55 : memref<39x512xi32, #tpu.memory_space<vmem>>) target_semaphore(%run_scoped3A_47 : memref<!tpu.dma_semaphore, #tpu.memory_space<semaphore_mem>>)
        %dma_wait3A = arith.constant 0 : i32
        %dma_wait3A_59 = arith.constant 0 : i32
        %dma_wait3A_60 = tpu.memref_slice %arg7[%dma_wait3A, %dma_wait3A_59] : memref<40x512xi32, #tpu.memory_space<vmem>> -> memref<39x512xi32, #tpu.memory_space<vmem>>
        %dma_wait3A_61 = arith.constant 0 : i32
        %dma_wait3A_62 = tpu.memref_slice %arg5[%run_scoped3A_38, %mul3A_37, %dma_wait3A_61] : memref<2x625x512xi32, #tpu.memory_space<hbm>> -> memref<1x39x512xi32, #tpu.memory_space<hbm>>
        %dma_wait3A_63 = tpu.memref_squeeze %dma_wait3A_62 : memref<1x39x512xi32, #tpu.memory_space<hbm>> -> memref<39x512xi32, #tpu.memory_space<hbm>>
        %dma_wait3A_64 = arith.constant 0 : i32
        %dma_wait3A_65 = arith.constant 0 : i32
        %dma_wait3A_66 = tpu.memref_slice %arg7[%dma_wait3A_64, %dma_wait3A_65] : memref<40x512xi32, #tpu.memory_space<vmem>> -> memref<39x512xi32, #tpu.memory_space<vmem>>
        %dma_wait3A_67 = arith.constant 0 : i32
        %dma_wait3A_68 = tpu.memref_slice %arg5[%run_scoped3A_38, %mul3A_37, %dma_wait3A_67] : memref<2x625x512xi32, #tpu.memory_space<hbm>> -> memref<1x39x512xi32, #tpu.memory_space<hbm>>
        %dma_wait3A_69 = tpu.memref_squeeze %dma_wait3A_68 : memref<1x39x512xi32, #tpu.memory_space<hbm>> -> memref<39x512xi32, #tpu.memory_space<hbm>>
        tpu.wait_dma2 semaphore(%run_scoped3A_47 : memref<!tpu.dma_semaphore, #tpu.memory_space<semaphore_mem>>) src(%dma_wait3A_69 : memref<39x512xi32, #tpu.memory_space<hbm>>) dst(%dma_wait3A_66 : memref<39x512xi32, #tpu.memory_space<vmem>>)
        tpu.yield
      }) : () -> ()
      %mul3A_39 = arith.constant 39 : i32
      %mul3A_40 = arith.muli %arg1, %mul3A_39 : i32
      %run_scoped3A_41 = arith.constant 1 : i32
      "tpu.region"() ({
        %run_scoped3A_47 = tpu.sem_alloc : memref<!tpu.dma_semaphore, #tpu.memory_space<semaphore_mem>>
        %dma_start3A = arith.constant 0 : i32
        %dma_start3A_48 = arith.constant 0 : i32
        %dma_start3A_49 = tpu.memref_slice %arg8[%dma_start3A, %dma_start3A_48] : memref<40x512xi32, #tpu.memory_space<vmem>> -> memref<39x512xi32, #tpu.memory_space<vmem>>
        %dma_start3A_50 = arith.constant 0 : i32
        %dma_start3A_51 = tpu.memref_slice %arg5[%run_scoped3A_41, %mul3A_40, %dma_start3A_50] : memref<2x625x512xi32, #tpu.memory_space<hbm>> -> memref<1x39x512xi32, #tpu.memory_space<hbm>>
        %dma_start3A_52 = tpu.memref_squeeze %dma_start3A_51 : memref<1x39x512xi32, #tpu.memory_space<hbm>> -> memref<39x512xi32, #tpu.memory_space<hbm>>
        %dma_start3A_53 = arith.constant 0 : i32
        %dma_start3A_54 = arith.constant 0 : i32
        %dma_start3A_55 = tpu.memref_slice %arg8[%dma_start3A_53, %dma_start3A_54] : memref<40x512xi32, #tpu.memory_space<vmem>> -> memref<39x512xi32, #tpu.memory_space<vmem>>
        %dma_start3A_56 = arith.constant 0 : i32
        %dma_start3A_57 = tpu.memref_slice %arg5[%run_scoped3A_41, %mul3A_40, %dma_start3A_56] : memref<2x625x512xi32, #tpu.memory_space<hbm>> -> memref<1x39x512xi32, #tpu.memory_space<hbm>>
        %dma_start3A_58 = tpu.memref_squeeze %dma_start3A_57 : memref<1x39x512xi32, #tpu.memory_space<hbm>> -> memref<39x512xi32, #tpu.memory_space<hbm>>
        tpu.enqueue_dma source(%dma_start3A_58 : memref<39x512xi32, #tpu.memory_space<hbm>>) target(%dma_start3A_55 : memref<39x512xi32, #tpu.memory_space<vmem>>) target_semaphore(%run_scoped3A_47 : memref<!tpu.dma_semaphore, #tpu.memory_space<semaphore_mem>>)
        %dma_wait3A = arith.constant 0 : i32
        %dma_wait3A_59 = arith.constant 0 : i32
        %dma_wait3A_60 = tpu.memref_slice %arg8[%dma_wait3A, %dma_wait3A_59] : memref<40x512xi32, #tpu.memory_space<vmem>> -> memref<39x512xi32, #tpu.memory_space<vmem>>
        %dma_wait3A_61 = arith.constant 0 : i32
        %dma_wait3A_62 = tpu.memref_slice %arg5[%run_scoped3A_41, %mul3A_40, %dma_wait3A_61] : memref<2x625x512xi32, #tpu.memory_space<hbm>> -> memref<1x39x512xi32, #tpu.memory_space<hbm>>
        %dma_wait3A_63 = tpu.memref_squeeze %dma_wait3A_62 : memref<1x39x512xi32, #tpu.memory_space<hbm>> -> memref<39x512xi32, #tpu.memory_space<hbm>>
        %dma_wait3A_64 = arith.constant 0 : i32
        %dma_wait3A_65 = arith.constant 0 : i32
        %dma_wait3A_66 = tpu.memref_slice %arg8[%dma_wait3A_64, %dma_wait3A_65] : memref<40x512xi32, #tpu.memory_space<vmem>> -> memref<39x512xi32, #tpu.memory_space<vmem>>
        %dma_wait3A_67 = arith.constant 0 : i32
        %dma_wait3A_68 = tpu.memref_slice %arg5[%run_scoped3A_41, %mul3A_40, %dma_wait3A_67] : memref<2x625x512xi32, #tpu.memory_space<hbm>> -> memref<1x39x512xi32, #tpu.memory_space<hbm>>
        %dma_wait3A_69 = tpu.memref_squeeze %dma_wait3A_68 : memref<1x39x512xi32, #tpu.memory_space<hbm>> -> memref<39x512xi32, #tpu.memory_space<hbm>>
        tpu.wait_dma2 semaphore(%run_scoped3A_47 : memref<!tpu.dma_semaphore, #tpu.memory_space<semaphore_mem>>) src(%dma_wait3A_69 : memref<39x512xi32, #tpu.memory_space<hbm>>) dst(%dma_wait3A_66 : memref<39x512xi32, #tpu.memory_space<vmem>>)
        tpu.yield
      }) : () -> ()
      %eq3A_42 = arith.constant 0 : i32
      %eq3A_43 = arith.cmpi eq, %arg1, %eq3A_42 : i32
      %convert_element_type3A_44 = arith.extui %eq3A_43 : i1 to i32
      %cond3A_45 = arith.constant 0 : i32
      %cond3A_46 = arith.cmpi ne, %convert_element_type3A_44, %cond3A_45 : i32
      scf.if %cond3A_46 {
        %run_scoped3A_47 = arith.constant 0 : i32
        "tpu.region"() ({
          %run_scoped3A_49 = tpu.sem_alloc : memref<!tpu.dma_semaphore, #tpu.memory_space<semaphore_mem>>
          %dma_start3A = arith.constant 39 : i32
          %dma_start3A_50 = arith.constant 0 : i32
          %dma_start3A_51 = tpu.memref_slice %arg7[%dma_start3A, %dma_start3A_50] : memref<40x512xi32, #tpu.memory_space<vmem>> -> memref<1x512xi32, #tpu.memory_space<vmem>>
          %dma_start3A_52 = arith.constant 624 : i32
          %dma_start3A_53 = arith.constant 0 : i32
          %dma_start3A_54 = tpu.memref_slice %arg5[%run_scoped3A_47, %dma_start3A_52, %dma_start3A_53] : memref<2x625x512xi32, #tpu.memory_space<hbm>> -> memref<1x1x512xi32, #tpu.memory_space<hbm>>
          %dma_start3A_55 = tpu.memref_squeeze %dma_start3A_54 : memref<1x1x512xi32, #tpu.memory_space<hbm>> -> memref<1x512xi32, #tpu.memory_space<hbm>>
          %dma_start3A_56 = arith.constant 39 : i32
          %dma_start3A_57 = arith.constant 0 : i32
          %dma_start3A_58 = tpu.memref_slice %arg7[%dma_start3A_56, %dma_start3A_57] : memref<40x512xi32, #tpu.memory_space<vmem>> -> memref<1x512xi32, #tpu.memory_space<vmem>>
          %dma_start3A_59 = arith.constant 624 : i32
          %dma_start3A_60 = arith.constant 0 : i32
          %dma_start3A_61 = tpu.memref_slice %arg5[%run_scoped3A_47, %dma_start3A_59, %dma_start3A_60] : memref<2x625x512xi32, #tpu.memory_space<hbm>> -> memref<1x1x512xi32, #tpu.memory_space<hbm>>
          %dma_start3A_62 = tpu.memref_squeeze %dma_start3A_61 : memref<1x1x512xi32, #tpu.memory_space<hbm>> -> memref<1x512xi32, #tpu.memory_space<hbm>>
          tpu.enqueue_dma source(%dma_start3A_62 : memref<1x512xi32, #tpu.memory_space<hbm>>) target(%dma_start3A_58 : memref<1x512xi32, #tpu.memory_space<vmem>>) target_semaphore(%run_scoped3A_49 : memref<!tpu.dma_semaphore, #tpu.memory_space<semaphore_mem>>)
          %dma_wait3A = arith.constant 39 : i32
          %dma_wait3A_63 = arith.constant 0 : i32
          %dma_wait3A_64 = tpu.memref_slice %arg7[%dma_wait3A, %dma_wait3A_63] : memref<40x512xi32, #tpu.memory_space<vmem>> -> memref<1x512xi32, #tpu.memory_space<vmem>>
          %dma_wait3A_65 = arith.constant 624 : i32
          %dma_wait3A_66 = arith.constant 0 : i32
          %dma_wait3A_67 = tpu.memref_slice %arg5[%run_scoped3A_47, %dma_wait3A_65, %dma_wait3A_66] : memref<2x625x512xi32, #tpu.memory_space<hbm>> -> memref<1x1x512xi32, #tpu.memory_space<hbm>>
          %dma_wait3A_68 = tpu.memref_squeeze %dma_wait3A_67 : memref<1x1x512xi32, #tpu.memory_space<hbm>> -> memref<1x512xi32, #tpu.memory_space<hbm>>
          %dma_wait3A_69 = arith.constant 39 : i32
          %dma_wait3A_70 = arith.constant 0 : i32
          %dma_wait3A_71 = tpu.memref_slice %arg7[%dma_wait3A_69, %dma_wait3A_70] : memref<40x512xi32, #tpu.memory_space<vmem>> -> memref<1x512xi32, #tpu.memory_space<vmem>>
          %dma_wait3A_72 = arith.constant 624 : i32
          %dma_wait3A_73 = arith.constant 0 : i32
          %dma_wait3A_74 = tpu.memref_slice %arg5[%run_scoped3A_47, %dma_wait3A_72, %dma_wait3A_73] : memref<2x625x512xi32, #tpu.memory_space<hbm>> -> memref<1x1x512xi32, #tpu.memory_space<hbm>>
          %dma_wait3A_75 = tpu.memref_squeeze %dma_wait3A_74 : memref<1x1x512xi32, #tpu.memory_space<hbm>> -> memref<1x512xi32, #tpu.memory_space<hbm>>
          tpu.wait_dma2 semaphore(%run_scoped3A_49 : memref<!tpu.dma_semaphore, #tpu.memory_space<semaphore_mem>>) src(%dma_wait3A_75 : memref<1x512xi32, #tpu.memory_space<hbm>>) dst(%dma_wait3A_71 : memref<1x512xi32, #tpu.memory_space<vmem>>)
          tpu.yield
        }) : () -> ()
        %run_scoped3A_48 = arith.constant 1 : i32
        "tpu.region"() ({
          %run_scoped3A_49 = tpu.sem_alloc : memref<!tpu.dma_semaphore, #tpu.memory_space<semaphore_mem>>
          %dma_start3A = arith.constant 39 : i32
          %dma_start3A_50 = arith.constant 0 : i32
          %dma_start3A_51 = tpu.memref_slice %arg8[%dma_start3A, %dma_start3A_50] : memref<40x512xi32, #tpu.memory_space<vmem>> -> memref<1x512xi32, #tpu.memory_space<vmem>>
          %dma_start3A_52 = arith.constant 624 : i32
          %dma_start3A_53 = arith.constant 0 : i32
          %dma_start3A_54 = tpu.memref_slice %arg5[%run_scoped3A_48, %dma_start3A_52, %dma_start3A_53] : memref<2x625x512xi32, #tpu.memory_space<hbm>> -> memref<1x1x512xi32, #tpu.memory_space<hbm>>
          %dma_start3A_55 = tpu.memref_squeeze %dma_start3A_54 : memref<1x1x512xi32, #tpu.memory_space<hbm>> -> memref<1x512xi32, #tpu.memory_space<hbm>>
          %dma_start3A_56 = arith.constant 39 : i32
          %dma_start3A_57 = arith.constant 0 : i32
          %dma_start3A_58 = tpu.memref_slice %arg8[%dma_start3A_56, %dma_start3A_57] : memref<40x512xi32, #tpu.memory_space<vmem>> -> memref<1x512xi32, #tpu.memory_space<vmem>>
          %dma_start3A_59 = arith.constant 624 : i32
          %dma_start3A_60 = arith.constant 0 : i32
          %dma_start3A_61 = tpu.memref_slice %arg5[%run_scoped3A_48, %dma_start3A_59, %dma_start3A_60] : memref<2x625x512xi32, #tpu.memory_space<hbm>> -> memref<1x1x512xi32, #tpu.memory_space<hbm>>
          %dma_start3A_62 = tpu.memref_squeeze %dma_start3A_61 : memref<1x1x512xi32, #tpu.memory_space<hbm>> -> memref<1x512xi32, #tpu.memory_space<hbm>>
          tpu.enqueue_dma source(%dma_start3A_62 : memref<1x512xi32, #tpu.memory_space<hbm>>) target(%dma_start3A_58 : memref<1x512xi32, #tpu.memory_space<vmem>>) target_semaphore(%run_scoped3A_49 : memref<!tpu.dma_semaphore, #tpu.memory_space<semaphore_mem>>)
          %dma_wait3A = arith.constant 39 : i32
          %dma_wait3A_63 = arith.constant 0 : i32
          %dma_wait3A_64 = tpu.memref_slice %arg8[%dma_wait3A, %dma_wait3A_63] : memref<40x512xi32, #tpu.memory_space<vmem>> -> memref<1x512xi32, #tpu.memory_space<vmem>>
          %dma_wait3A_65 = arith.constant 624 : i32
          %dma_wait3A_66 = arith.constant 0 : i32
          %dma_wait3A_67 = tpu.memref_slice %arg5[%run_scoped3A_48, %dma_wait3A_65, %dma_wait3A_66] : memref<2x625x512xi32, #tpu.memory_space<hbm>> -> memref<1x1x512xi32, #tpu.memory_space<hbm>>
          %dma_wait3A_68 = tpu.memref_squeeze %dma_wait3A_67 : memref<1x1x512xi32, #tpu.memory_space<hbm>> -> memref<1x512xi32, #tpu.memory_space<hbm>>
          %dma_wait3A_69 = arith.constant 39 : i32
          %dma_wait3A_70 = arith.constant 0 : i32
          %dma_wait3A_71 = tpu.memref_slice %arg8[%dma_wait3A_69, %dma_wait3A_70] : memref<40x512xi32, #tpu.memory_space<vmem>> -> memref<1x512xi32, #tpu.memory_space<vmem>>
          %dma_wait3A_72 = arith.constant 624 : i32
          %dma_wait3A_73 = arith.constant 0 : i32
          %dma_wait3A_74 = tpu.memref_slice %arg5[%run_scoped3A_48, %dma_wait3A_72, %dma_wait3A_73] : memref<2x625x512xi32, #tpu.memory_space<hbm>> -> memref<1x1x512xi32, #tpu.memory_space<hbm>>
          %dma_wait3A_75 = tpu.memref_squeeze %dma_wait3A_74 : memref<1x1x512xi32, #tpu.memory_space<hbm>> -> memref<1x512xi32, #tpu.memory_space<hbm>>
          tpu.wait_dma2 semaphore(%run_scoped3A_49 : memref<!tpu.dma_semaphore, #tpu.memory_space<semaphore_mem>>) src(%dma_wait3A_75 : memref<1x512xi32, #tpu.memory_space<hbm>>) dst(%dma_wait3A_71 : memref<1x512xi32, #tpu.memory_space<vmem>>)
          tpu.yield
        }) : () -> ()
      } else {
      }
    } else {
    }
    %barrier3A = arith.constant 0 : index
    tpu.barrier barrier_id(%barrier3A)
    %eq3A_18 = arith.constant 0 : i32
    %eq3A_19 = arith.cmpi eq, %arg0, %eq3A_18 : i32
    %convert_element_type3A_20 = arith.extui %eq3A_19 : i1 to i32
    %cond3A_21 = arith.constant 0 : i32
    %cond3A_22 = arith.cmpi ne, %convert_element_type3A_20, %cond3A_21 : i32
    scf.if %cond3A_22 {
      %dma_start3A = arith.constant 0 : i32
      %dma_start3A_36 = arith.constant 0 : i32
      %dma_start3A_37 = arith.constant 0 : i32
      %dma_start3A_38 = arith.constant 0 : i32
      %dma_start3A_39 = tpu.memref_slice %arg9[%dma_start3A_36, %dma_start3A_37, %dma_start3A_38] : memref<4x512x32xf32, #tpu.memory_space<vmem>> -> memref<1x512x32xf32, #tpu.memory_space<vmem>>
      %dma_start3A_40 = tpu.memref_squeeze %dma_start3A_39 : memref<1x512x32xf32, #tpu.memory_space<vmem>> -> memref<512x32xf32, #tpu.memory_space<vmem>>
      %dma_start3A_41 = arith.constant 0 : i32
      %dma_start3A_42 = tpu.memref_slice %arg7[%dma_start3A, %dma_start3A_41] : memref<40x512xi32, #tpu.memory_space<vmem>> -> memref<1x512xi32, #tpu.memory_space<vmem>>
      %dma_start3A_43 = tpu.memref_squeeze %dma_start3A_42 : memref<1x512xi32, #tpu.memory_space<vmem>> -> memref<512xi32, #tpu.memory_space<vmem>>
      %dma_start3A_44 = arith.constant 0 : i32
      %dma_start3A_45 = arith.constant 0 : i32
      %dma_start3A_46 = tpu.memref_slice %arg2[%dma_start3A_44, %dma_start3A_45] : memref<10240x32xf32, #tpu.memory_space<hbm>> -> memref<10240x32xf32, #tpu.memory_space<hbm>>
      tpu.enqueue_indirect_dma source(%dma_start3A_46 : memref<10240x32xf32, #tpu.memory_space<hbm>>) target(%dma_start3A_40 : memref<512x32xf32, #tpu.memory_space<vmem>>) offsets(%dma_start3A_43 : memref<512xi32, #tpu.memory_space<vmem>>) semaphore(%arg11 : memref<!tpu.dma_semaphore, #tpu.memory_space<semaphore_mem>>)
      %dma_start3A_47 = arith.constant 1 : i32
      %dma_start3A_48 = arith.constant 1 : i32
      %dma_start3A_49 = arith.constant 0 : i32
      %dma_start3A_50 = arith.constant 0 : i32
      %dma_start3A_51 = tpu.memref_slice %arg9[%dma_start3A_48, %dma_start3A_49, %dma_start3A_50] : memref<4x512x32xf32, #tpu.memory_space<vmem>> -> memref<1x512x32xf32, #tpu.memory_space<vmem>>
      %dma_start3A_52 = tpu.memref_squeeze %dma_start3A_51 : memref<1x512x32xf32, #tpu.memory_space<vmem>> -> memref<512x32xf32, #tpu.memory_space<vmem>>
      %dma_start3A_53 = arith.constant 0 : i32
      %dma_start3A_54 = tpu.memref_slice %arg7[%dma_start3A_47, %dma_start3A_53] : memref<40x512xi32, #tpu.memory_space<vmem>> -> memref<1x512xi32, #tpu.memory_space<vmem>>
      %dma_start3A_55 = tpu.memref_squeeze %dma_start3A_54 : memref<1x512xi32, #tpu.memory_space<vmem>> -> memref<512xi32, #tpu.memory_space<vmem>>
      %dma_start3A_56 = arith.constant 0 : i32
      %dma_start3A_57 = arith.constant 0 : i32
      %dma_start3A_58 = tpu.memref_slice %arg2[%dma_start3A_56, %dma_start3A_57] : memref<10240x32xf32, #tpu.memory_space<hbm>> -> memref<10240x32xf32, #tpu.memory_space<hbm>>
      tpu.enqueue_indirect_dma source(%dma_start3A_58 : memref<10240x32xf32, #tpu.memory_space<hbm>>) target(%dma_start3A_52 : memref<512x32xf32, #tpu.memory_space<vmem>>) offsets(%dma_start3A_55 : memref<512xi32, #tpu.memory_space<vmem>>) semaphore(%arg12 : memref<!tpu.dma_semaphore, #tpu.memory_space<semaphore_mem>>)
      %dma_start3A_59 = arith.constant 2 : i32
      %dma_start3A_60 = arith.constant 2 : i32
      %dma_start3A_61 = arith.constant 0 : i32
      %dma_start3A_62 = arith.constant 0 : i32
      %dma_start3A_63 = tpu.memref_slice %arg9[%dma_start3A_60, %dma_start3A_61, %dma_start3A_62] : memref<4x512x32xf32, #tpu.memory_space<vmem>> -> memref<1x512x32xf32, #tpu.memory_space<vmem>>
      %dma_start3A_64 = tpu.memref_squeeze %dma_start3A_63 : memref<1x512x32xf32, #tpu.memory_space<vmem>> -> memref<512x32xf32, #tpu.memory_space<vmem>>
      %dma_start3A_65 = arith.constant 0 : i32
      %dma_start3A_66 = tpu.memref_slice %arg7[%dma_start3A_59, %dma_start3A_65] : memref<40x512xi32, #tpu.memory_space<vmem>> -> memref<1x512xi32, #tpu.memory_space<vmem>>
      %dma_start3A_67 = tpu.memref_squeeze %dma_start3A_66 : memref<1x512xi32, #tpu.memory_space<vmem>> -> memref<512xi32, #tpu.memory_space<vmem>>
      %dma_start3A_68 = arith.constant 0 : i32
      %dma_start3A_69 = arith.constant 0 : i32
      %dma_start3A_70 = tpu.memref_slice %arg2[%dma_start3A_68, %dma_start3A_69] : memref<10240x32xf32, #tpu.memory_space<hbm>> -> memref<10240x32xf32, #tpu.memory_space<hbm>>
      tpu.enqueue_indirect_dma source(%dma_start3A_70 : memref<10240x32xf32, #tpu.memory_space<hbm>>) target(%dma_start3A_64 : memref<512x32xf32, #tpu.memory_space<vmem>>) offsets(%dma_start3A_67 : memref<512xi32, #tpu.memory_space<vmem>>) semaphore(%arg13 : memref<!tpu.dma_semaphore, #tpu.memory_space<semaphore_mem>>)
      %dma_start3A_71 = arith.constant 3 : i32
      %dma_start3A_72 = arith.constant 3 : i32
      %dma_start3A_73 = arith.constant 0 : i32
      %dma_start3A_74 = arith.constant 0 : i32
      %dma_start3A_75 = tpu.memref_slice %arg9[%dma_start3A_72, %dma_start3A_73, %dma_start3A_74] : memref<4x512x32xf32, #tpu.memory_space<vmem>> -> memref<1x512x32xf32, #tpu.memory_space<vmem>>
      %dma_start3A_76 = tpu.memref_squeeze %dma_start3A_75 : memref<1x512x32xf32, #tpu.memory_space<vmem>> -> memref<512x32xf32, #tpu.memory_space<vmem>>
      %dma_start3A_77 = arith.constant 0 : i32
      %dma_start3A_78 = tpu.memref_slice %arg7[%dma_start3A_71, %dma_start3A_77] : memref<40x512xi32, #tpu.memory_space<vmem>> -> memref<1x512xi32, #tpu.memory_space<vmem>>
      %dma_start3A_79 = tpu.memref_squeeze %dma_start3A_78 : memref<1x512xi32, #tpu.memory_space<vmem>> -> memref<512xi32, #tpu.memory_space<vmem>>
      %dma_start3A_80 = arith.constant 0 : i32
      %dma_start3A_81 = arith.constant 0 : i32
      %dma_start3A_82 = tpu.memref_slice %arg2[%dma_start3A_80, %dma_start3A_81] : memref<10240x32xf32, #tpu.memory_space<hbm>> -> memref<10240x32xf32, #tpu.memory_space<hbm>>
      tpu.enqueue_indirect_dma source(%dma_start3A_82 : memref<10240x32xf32, #tpu.memory_space<hbm>>) target(%dma_start3A_76 : memref<512x32xf32, #tpu.memory_space<vmem>>) offsets(%dma_start3A_79 : memref<512xi32, #tpu.memory_space<vmem>>) semaphore(%arg14 : memref<!tpu.dma_semaphore, #tpu.memory_space<semaphore_mem>>)
      %scan3A_83 = arith.constant 0 : i32
      %scan3A_84 = arith.constant 0 : i32
      %scan3A_85 = arith.constant 9 : i32
      %scan3A_86 = arith.addi %scan3A_84, %scan3A_85 : i32
      %scan3A_87 = arith.constant 1 : i32
      scf.for %scan3A_213 = %scan3A_84 to %scan3A_86 step %scan3A_87  : i32 {
        %mul3A_214 = arith.constant 4 : i32
        %mul3A_215 = arith.muli %scan3A_213, %mul3A_214 : i32
        %add3A_216 = arith.constant 0 : i32
        %add3A_217 = arith.addi %mul3A_215, %add3A_216 : i32
        %dma_wait3A_218 = arith.constant 0 : i32
        %dma_wait3A_219 = arith.constant 0 : i32
        %dma_wait3A_220 = arith.constant 0 : i32
        %dma_wait3A_221 = tpu.memref_slice %arg9[%dma_wait3A_218, %dma_wait3A_219, %dma_wait3A_220] : memref<4x512x32xf32, #tpu.memory_space<vmem>> -> memref<1x512x32xf32, #tpu.memory_space<vmem>>
        %dma_wait3A_222 = tpu.memref_squeeze %dma_wait3A_221 : memref<1x512x32xf32, #tpu.memory_space<vmem>> -> memref<512x32xf32, #tpu.memory_space<vmem>>
        %dma_wait3A_223 = arith.constant 0 : i32
        %dma_wait3A_224 = tpu.memref_slice %arg7[%add3A_217, %dma_wait3A_223] : memref<40x512xi32, #tpu.memory_space<vmem>> -> memref<1x512xi32, #tpu.memory_space<vmem>>
        %dma_wait3A_225 = tpu.memref_squeeze %dma_wait3A_224 : memref<1x512xi32, #tpu.memory_space<vmem>> -> memref<512xi32, #tpu.memory_space<vmem>>
        %dma_wait3A_226 = arith.constant 0 : i32
        %dma_wait3A_227 = arith.constant 0 : i32
        %dma_wait3A_228 = tpu.memref_slice %arg2[%dma_wait3A_226, %dma_wait3A_227] : memref<10240x32xf32, #tpu.memory_space<hbm>> -> memref<10240x32xf32, #tpu.memory_space<hbm>>
        tpu.wait_indirect_dma semaphore(%arg11 : memref<!tpu.dma_semaphore, #tpu.memory_space<semaphore_mem>>) src(%dma_wait3A_228 : memref<10240x32xf32, #tpu.memory_space<hbm>>) dst(%dma_wait3A_222 : memref<512x32xf32, #tpu.memory_space<vmem>>)
        %add3A_229 = arith.constant 0 : i32
        %add3A_230 = arith.addi %mul3A_215, %add3A_229 : i32
        %dma_start3A_231 = arith.constant 0 : i32
        %dma_start3A_232 = arith.constant 0 : i32
        %dma_start3A_233 = arith.constant 0 : i32
        %dma_start3A_234 = tpu.memref_slice %arg9[%dma_start3A_231, %dma_start3A_232, %dma_start3A_233] : memref<4x512x32xf32, #tpu.memory_space<vmem>> -> memref<1x512x32xf32, #tpu.memory_space<vmem>>
        %dma_start3A_235 = tpu.memref_squeeze %dma_start3A_234 : memref<1x512x32xf32, #tpu.memory_space<vmem>> -> memref<512x32xf32, #tpu.memory_space<vmem>>
        %dma_start3A_236 = arith.constant 0 : i32
        %dma_start3A_237 = tpu.memref_slice %arg8[%add3A_230, %dma_start3A_236] : memref<40x512xi32, #tpu.memory_space<vmem>> -> memref<1x512xi32, #tpu.memory_space<vmem>>
        %dma_start3A_238 = tpu.memref_squeeze %dma_start3A_237 : memref<1x512xi32, #tpu.memory_space<vmem>> -> memref<512xi32, #tpu.memory_space<vmem>>
        %dma_start3A_239 = arith.constant 0 : i32
        %dma_start3A_240 = arith.constant 0 : i32
        %dma_start3A_241 = tpu.memref_slice %arg10[%dma_start3A_239, %dma_start3A_240] : memref<10240x32xf32, #tpu.memory_space<vmem_shared>> -> memref<10240x32xf32, #tpu.memory_space<vmem_shared>>
        tpu.enqueue_indirect_dma source(%dma_start3A_235 : memref<512x32xf32, #tpu.memory_space<vmem>>) target(%dma_start3A_241 : memref<10240x32xf32, #tpu.memory_space<vmem_shared>>) offsets(%dma_start3A_238 : memref<512xi32, #tpu.memory_space<vmem>>) semaphore(%arg15 : memref<!tpu.dma_semaphore, #tpu.memory_space<semaphore_mem>>) {add = true}
        %add3A_242 = arith.constant 1 : i32
        %add3A_243 = arith.addi %mul3A_215, %add3A_242 : i32
        %dma_wait3A_244 = arith.constant 1 : i32
        %dma_wait3A_245 = arith.constant 0 : i32
        %dma_wait3A_246 = arith.constant 0 : i32
        %dma_wait3A_247 = tpu.memref_slice %arg9[%dma_wait3A_244, %dma_wait3A_245, %dma_wait3A_246] : memref<4x512x32xf32, #tpu.memory_space<vmem>> -> memref<1x512x32xf32, #tpu.memory_space<vmem>>
        %dma_wait3A_248 = tpu.memref_squeeze %dma_wait3A_247 : memref<1x512x32xf32, #tpu.memory_space<vmem>> -> memref<512x32xf32, #tpu.memory_space<vmem>>
        %dma_wait3A_249 = arith.constant 0 : i32
        %dma_wait3A_250 = tpu.memref_slice %arg7[%add3A_243, %dma_wait3A_249] : memref<40x512xi32, #tpu.memory_space<vmem>> -> memref<1x512xi32, #tpu.memory_space<vmem>>
        %dma_wait3A_251 = tpu.memref_squeeze %dma_wait3A_250 : memref<1x512xi32, #tpu.memory_space<vmem>> -> memref<512xi32, #tpu.memory_space<vmem>>
        %dma_wait3A_252 = arith.constant 0 : i32
        %dma_wait3A_253 = arith.constant 0 : i32
        %dma_wait3A_254 = tpu.memref_slice %arg2[%dma_wait3A_252, %dma_wait3A_253] : memref<10240x32xf32, #tpu.memory_space<hbm>> -> memref<10240x32xf32, #tpu.memory_space<hbm>>
        tpu.wait_indirect_dma semaphore(%arg12 : memref<!tpu.dma_semaphore, #tpu.memory_space<semaphore_mem>>) src(%dma_wait3A_254 : memref<10240x32xf32, #tpu.memory_space<hbm>>) dst(%dma_wait3A_248 : memref<512x32xf32, #tpu.memory_space<vmem>>)
        %add3A_255 = arith.constant 1 : i32
        %add3A_256 = arith.addi %mul3A_215, %add3A_255 : i32
        %dma_start3A_257 = arith.constant 1 : i32
        %dma_start3A_258 = arith.constant 0 : i32
        %dma_start3A_259 = arith.constant 0 : i32
        %dma_start3A_260 = tpu.memref_slice %arg9[%dma_start3A_257, %dma_start3A_258, %dma_start3A_259] : memref<4x512x32xf32, #tpu.memory_space<vmem>> -> memref<1x512x32xf32, #tpu.memory_space<vmem>>
        %dma_start3A_261 = tpu.memref_squeeze %dma_start3A_260 : memref<1x512x32xf32, #tpu.memory_space<vmem>> -> memref<512x32xf32, #tpu.memory_space<vmem>>
        %dma_start3A_262 = arith.constant 0 : i32
        %dma_start3A_263 = tpu.memref_slice %arg8[%add3A_256, %dma_start3A_262] : memref<40x512xi32, #tpu.memory_space<vmem>> -> memref<1x512xi32, #tpu.memory_space<vmem>>
        %dma_start3A_264 = tpu.memref_squeeze %dma_start3A_263 : memref<1x512xi32, #tpu.memory_space<vmem>> -> memref<512xi32, #tpu.memory_space<vmem>>
        %dma_start3A_265 = arith.constant 0 : i32
        %dma_start3A_266 = arith.constant 0 : i32
        %dma_start3A_267 = tpu.memref_slice %arg10[%dma_start3A_265, %dma_start3A_266] : memref<10240x32xf32, #tpu.memory_space<vmem_shared>> -> memref<10240x32xf32, #tpu.memory_space<vmem_shared>>
        tpu.enqueue_indirect_dma source(%dma_start3A_261 : memref<512x32xf32, #tpu.memory_space<vmem>>) target(%dma_start3A_267 : memref<10240x32xf32, #tpu.memory_space<vmem_shared>>) offsets(%dma_start3A_264 : memref<512xi32, #tpu.memory_space<vmem>>) semaphore(%arg16 : memref<!tpu.dma_semaphore, #tpu.memory_space<semaphore_mem>>) {add = true}
        %add3A_268 = arith.constant 2 : i32
        %add3A_269 = arith.addi %mul3A_215, %add3A_268 : i32
        %dma_wait3A_270 = arith.constant 2 : i32
        %dma_wait3A_271 = arith.constant 0 : i32
        %dma_wait3A_272 = arith.constant 0 : i32
        %dma_wait3A_273 = tpu.memref_slice %arg9[%dma_wait3A_270, %dma_wait3A_271, %dma_wait3A_272] : memref<4x512x32xf32, #tpu.memory_space<vmem>> -> memref<1x512x32xf32, #tpu.memory_space<vmem>>
        %dma_wait3A_274 = tpu.memref_squeeze %dma_wait3A_273 : memref<1x512x32xf32, #tpu.memory_space<vmem>> -> memref<512x32xf32, #tpu.memory_space<vmem>>
        %dma_wait3A_275 = arith.constant 0 : i32
        %dma_wait3A_276 = tpu.memref_slice %arg7[%add3A_269, %dma_wait3A_275] : memref<40x512xi32, #tpu.memory_space<vmem>> -> memref<1x512xi32, #tpu.memory_space<vmem>>
        %dma_wait3A_277 = tpu.memref_squeeze %dma_wait3A_276 : memref<1x512xi32, #tpu.memory_space<vmem>> -> memref<512xi32, #tpu.memory_space<vmem>>
        %dma_wait3A_278 = arith.constant 0 : i32
        %dma_wait3A_279 = arith.constant 0 : i32
        %dma_wait3A_280 = tpu.memref_slice %arg2[%dma_wait3A_278, %dma_wait3A_279] : memref<10240x32xf32, #tpu.memory_space<hbm>> -> memref<10240x32xf32, #tpu.memory_space<hbm>>
        tpu.wait_indirect_dma semaphore(%arg13 : memref<!tpu.dma_semaphore, #tpu.memory_space<semaphore_mem>>) src(%dma_wait3A_280 : memref<10240x32xf32, #tpu.memory_space<hbm>>) dst(%dma_wait3A_274 : memref<512x32xf32, #tpu.memory_space<vmem>>)
        %add3A_281 = arith.constant 2 : i32
        %add3A_282 = arith.addi %mul3A_215, %add3A_281 : i32
        %dma_start3A_283 = arith.constant 2 : i32
        %dma_start3A_284 = arith.constant 0 : i32
        %dma_start3A_285 = arith.constant 0 : i32
        %dma_start3A_286 = tpu.memref_slice %arg9[%dma_start3A_283, %dma_start3A_284, %dma_start3A_285] : memref<4x512x32xf32, #tpu.memory_space<vmem>> -> memref<1x512x32xf32, #tpu.memory_space<vmem>>
        %dma_start3A_287 = tpu.memref_squeeze %dma_start3A_286 : memref<1x512x32xf32, #tpu.memory_space<vmem>> -> memref<512x32xf32, #tpu.memory_space<vmem>>
        %dma_start3A_288 = arith.constant 0 : i32
        %dma_start3A_289 = tpu.memref_slice %arg8[%add3A_282, %dma_start3A_288] : memref<40x512xi32, #tpu.memory_space<vmem>> -> memref<1x512xi32, #tpu.memory_space<vmem>>
        %dma_start3A_290 = tpu.memref_squeeze %dma_start3A_289 : memref<1x512xi32, #tpu.memory_space<vmem>> -> memref<512xi32, #tpu.memory_space<vmem>>
        %dma_start3A_291 = arith.constant 0 : i32
        %dma_start3A_292 = arith.constant 0 : i32
        %dma_start3A_293 = tpu.memref_slice %arg10[%dma_start3A_291, %dma_start3A_292] : memref<10240x32xf32, #tpu.memory_space<vmem_shared>> -> memref<10240x32xf32, #tpu.memory_space<vmem_shared>>
        tpu.enqueue_indirect_dma source(%dma_start3A_287 : memref<512x32xf32, #tpu.memory_space<vmem>>) target(%dma_start3A_293 : memref<10240x32xf32, #tpu.memory_space<vmem_shared>>) offsets(%dma_start3A_290 : memref<512xi32, #tpu.memory_space<vmem>>) semaphore(%arg17 : memref<!tpu.dma_semaphore, #tpu.memory_space<semaphore_mem>>) {add = true}
        %add3A_294 = arith.constant 3 : i32
        %add3A_295 = arith.addi %mul3A_215, %add3A_294 : i32
        %dma_wait3A_296 = arith.constant 3 : i32
        %dma_wait3A_297 = arith.constant 0 : i32
        %dma_wait3A_298 = arith.constant 0 : i32
        %dma_wait3A_299 = tpu.memref_slice %arg9[%dma_wait3A_296, %dma_wait3A_297, %dma_wait3A_298] : memref<4x512x32xf32, #tpu.memory_space<vmem>> -> memref<1x512x32xf32, #tpu.memory_space<vmem>>
        %dma_wait3A_300 = tpu.memref_squeeze %dma_wait3A_299 : memref<1x512x32xf32, #tpu.memory_space<vmem>> -> memref<512x32xf32, #tpu.memory_space<vmem>>
        %dma_wait3A_301 = arith.constant 0 : i32
        %dma_wait3A_302 = tpu.memref_slice %arg7[%add3A_295, %dma_wait3A_301] : memref<40x512xi32, #tpu.memory_space<vmem>> -> memref<1x512xi32, #tpu.memory_space<vmem>>
        %dma_wait3A_303 = tpu.memref_squeeze %dma_wait3A_302 : memref<1x512xi32, #tpu.memory_space<vmem>> -> memref<512xi32, #tpu.memory_space<vmem>>
        %dma_wait3A_304 = arith.constant 0 : i32
        %dma_wait3A_305 = arith.constant 0 : i32
        %dma_wait3A_306 = tpu.memref_slice %arg2[%dma_wait3A_304, %dma_wait3A_305] : memref<10240x32xf32, #tpu.memory_space<hbm>> -> memref<10240x32xf32, #tpu.memory_space<hbm>>
        tpu.wait_indirect_dma semaphore(%arg14 : memref<!tpu.dma_semaphore, #tpu.memory_space<semaphore_mem>>) src(%dma_wait3A_306 : memref<10240x32xf32, #tpu.memory_space<hbm>>) dst(%dma_wait3A_300 : memref<512x32xf32, #tpu.memory_space<vmem>>)
        %add3A_307 = arith.constant 3 : i32
        %add3A_308 = arith.addi %mul3A_215, %add3A_307 : i32
        %dma_start3A_309 = arith.constant 3 : i32
        %dma_start3A_310 = arith.constant 0 : i32
        %dma_start3A_311 = arith.constant 0 : i32
        %dma_start3A_312 = tpu.memref_slice %arg9[%dma_start3A_309, %dma_start3A_310, %dma_start3A_311] : memref<4x512x32xf32, #tpu.memory_space<vmem>> -> memref<1x512x32xf32, #tpu.memory_space<vmem>>
        %dma_start3A_313 = tpu.memref_squeeze %dma_start3A_312 : memref<1x512x32xf32, #tpu.memory_space<vmem>> -> memref<512x32xf32, #tpu.memory_space<vmem>>
        %dma_start3A_314 = arith.constant 0 : i32
        %dma_start3A_315 = tpu.memref_slice %arg8[%add3A_308, %dma_start3A_314] : memref<40x512xi32, #tpu.memory_space<vmem>> -> memref<1x512xi32, #tpu.memory_space<vmem>>
        %dma_start3A_316 = tpu.memref_squeeze %dma_start3A_315 : memref<1x512xi32, #tpu.memory_space<vmem>> -> memref<512xi32, #tpu.memory_space<vmem>>
        %dma_start3A_317 = arith.constant 0 : i32
        %dma_start3A_318 = arith.constant 0 : i32
        %dma_start3A_319 = tpu.memref_slice %arg10[%dma_start3A_317, %dma_start3A_318] : memref<10240x32xf32, #tpu.memory_space<vmem_shared>> -> memref<10240x32xf32, #tpu.memory_space<vmem_shared>>
        tpu.enqueue_indirect_dma source(%dma_start3A_313 : memref<512x32xf32, #tpu.memory_space<vmem>>) target(%dma_start3A_319 : memref<10240x32xf32, #tpu.memory_space<vmem_shared>>) offsets(%dma_start3A_316 : memref<512xi32, #tpu.memory_space<vmem>>) semaphore(%arg18 : memref<!tpu.dma_semaphore, #tpu.memory_space<semaphore_mem>>) {add = true}
        %add3A_320 = arith.constant 0 : i32
        %add3A_321 = arith.addi %mul3A_215, %add3A_320 : i32
        %add3A_322 = arith.constant 4 : i32
        %add3A_323 = arith.addi %add3A_321, %add3A_322 : i32
        %lt3A = arith.constant 39 : i32
        %lt3A_324 = arith.cmpi slt, %add3A_323, %lt3A : i32
        %convert_element_type3A_325 = arith.extui %lt3A_324 : i1 to i32
        %cond3A_326 = arith.constant 0 : i32
        %cond3A_327 = arith.cmpi ne, %convert_element_type3A_325, %cond3A_326 : i32
        scf.if %cond3A_327 {
          %add3A_355 = arith.constant 0 : i32
          %add3A_356 = arith.addi %mul3A_215, %add3A_355 : i32
          %dma_wait3A_357 = arith.constant 0 : i32
          %dma_wait3A_358 = arith.constant 0 : i32
          %dma_wait3A_359 = arith.constant 0 : i32
          %dma_wait3A_360 = tpu.memref_slice %arg9[%dma_wait3A_357, %dma_wait3A_358, %dma_wait3A_359] : memref<4x512x32xf32, #tpu.memory_space<vmem>> -> memref<1x512x32xf32, #tpu.memory_space<vmem>>
          %dma_wait3A_361 = tpu.memref_squeeze %dma_wait3A_360 : memref<1x512x32xf32, #tpu.memory_space<vmem>> -> memref<512x32xf32, #tpu.memory_space<vmem>>
          %dma_wait3A_362 = arith.constant 0 : i32
          %dma_wait3A_363 = tpu.memref_slice %arg8[%add3A_356, %dma_wait3A_362] : memref<40x512xi32, #tpu.memory_space<vmem>> -> memref<1x512xi32, #tpu.memory_space<vmem>>
          %dma_wait3A_364 = tpu.memref_squeeze %dma_wait3A_363 : memref<1x512xi32, #tpu.memory_space<vmem>> -> memref<512xi32, #tpu.memory_space<vmem>>
          %dma_wait3A_365 = arith.constant 0 : i32
          %dma_wait3A_366 = arith.constant 0 : i32
          %dma_wait3A_367 = tpu.memref_slice %arg10[%dma_wait3A_365, %dma_wait3A_366] : memref<10240x32xf32, #tpu.memory_space<vmem_shared>> -> memref<10240x32xf32, #tpu.memory_space<vmem_shared>>
          tpu.wait_indirect_dma semaphore(%arg15 : memref<!tpu.dma_semaphore, #tpu.memory_space<semaphore_mem>>) src(%dma_wait3A_361 : memref<512x32xf32, #tpu.memory_space<vmem>>) dst(%dma_wait3A_367 : memref<10240x32xf32, #tpu.memory_space<vmem_shared>>)
          %add3A_368 = arith.constant 0 : i32
          %add3A_369 = arith.addi %mul3A_215, %add3A_368 : i32
          %add3A_370 = arith.constant 4 : i32
          %add3A_371 = arith.addi %add3A_369, %add3A_370 : i32
          %dma_start3A_372 = arith.constant 0 : i32
          %dma_start3A_373 = arith.constant 0 : i32
          %dma_start3A_374 = arith.constant 0 : i32
          %dma_start3A_375 = tpu.memref_slice %arg9[%dma_start3A_372, %dma_start3A_373, %dma_start3A_374] : memref<4x512x32xf32, #tpu.memory_space<vmem>> -> memref<1x512x32xf32, #tpu.memory_space<vmem>>
          %dma_start3A_376 = tpu.memref_squeeze %dma_start3A_375 : memref<1x512x32xf32, #tpu.memory_space<vmem>> -> memref<512x32xf32, #tpu.memory_space<vmem>>
          %dma_start3A_377 = arith.constant 0 : i32
          %dma_start3A_378 = tpu.memref_slice %arg7[%add3A_371, %dma_start3A_377] : memref<40x512xi32, #tpu.memory_space<vmem>> -> memref<1x512xi32, #tpu.memory_space<vmem>>
          %dma_start3A_379 = tpu.memref_squeeze %dma_start3A_378 : memref<1x512xi32, #tpu.memory_space<vmem>> -> memref<512xi32, #tpu.memory_space<vmem>>
          %dma_start3A_380 = arith.constant 0 : i32
          %dma_start3A_381 = arith.constant 0 : i32
          %dma_start3A_382 = tpu.memref_slice %arg2[%dma_start3A_380, %dma_start3A_381] : memref<10240x32xf32, #tpu.memory_space<hbm>> -> memref<10240x32xf32, #tpu.memory_space<hbm>>
          tpu.enqueue_indirect_dma source(%dma_start3A_382 : memref<10240x32xf32, #tpu.memory_space<hbm>>) target(%dma_start3A_376 : memref<512x32xf32, #tpu.memory_space<vmem>>) offsets(%dma_start3A_379 : memref<512xi32, #tpu.memory_space<vmem>>) semaphore(%arg11 : memref<!tpu.dma_semaphore, #tpu.memory_space<semaphore_mem>>)
        } else {
        }
        %add3A_328 = arith.constant 1 : i32
        %add3A_329 = arith.addi %mul3A_215, %add3A_328 : i32
        %add3A_330 = arith.constant 4 : i32
        %add3A_331 = arith.addi %add3A_329, %add3A_330 : i32
        %lt3A_332 = arith.constant 39 : i32
        %lt3A_333 = arith.cmpi slt, %add3A_331, %lt3A_332 : i32
        %convert_element_type3A_334 = arith.extui %lt3A_333 : i1 to i32
        %cond3A_335 = arith.constant 0 : i32
        %cond3A_336 = arith.cmpi ne, %convert_element_type3A_334, %cond3A_335 : i32
        scf.if %cond3A_336 {
          %add3A_355 = arith.constant 1 : i32
          %add3A_356 = arith.addi %mul3A_215, %add3A_355 : i32
          %dma_wait3A_357 = arith.constant 1 : i32
          %dma_wait3A_358 = arith.constant 0 : i32
          %dma_wait3A_359 = arith.constant 0 : i32
          %dma_wait3A_360 = tpu.memref_slice %arg9[%dma_wait3A_357, %dma_wait3A_358, %dma_wait3A_359] : memref<4x512x32xf32, #tpu.memory_space<vmem>> -> memref<1x512x32xf32, #tpu.memory_space<vmem>>
          %dma_wait3A_361 = tpu.memref_squeeze %dma_wait3A_360 : memref<1x512x32xf32, #tpu.memory_space<vmem>> -> memref<512x32xf32, #tpu.memory_space<vmem>>
          %dma_wait3A_362 = arith.constant 0 : i32
          %dma_wait3A_363 = tpu.memref_slice %arg8[%add3A_356, %dma_wait3A_362] : memref<40x512xi32, #tpu.memory_space<vmem>> -> memref<1x512xi32, #tpu.memory_space<vmem>>
          %dma_wait3A_364 = tpu.memref_squeeze %dma_wait3A_363 : memref<1x512xi32, #tpu.memory_space<vmem>> -> memref<512xi32, #tpu.memory_space<vmem>>
          %dma_wait3A_365 = arith.constant 0 : i32
          %dma_wait3A_366 = arith.constant 0 : i32
          %dma_wait3A_367 = tpu.memref_slice %arg10[%dma_wait3A_365, %dma_wait3A_366] : memref<10240x32xf32, #tpu.memory_space<vmem_shared>> -> memref<10240x32xf32, #tpu.memory_space<vmem_shared>>
          tpu.wait_indirect_dma semaphore(%arg16 : memref<!tpu.dma_semaphore, #tpu.memory_space<semaphore_mem>>) src(%dma_wait3A_361 : memref<512x32xf32, #tpu.memory_space<vmem>>) dst(%dma_wait3A_367 : memref<10240x32xf32, #tpu.memory_space<vmem_shared>>)
          %add3A_368 = arith.constant 1 : i32
          %add3A_369 = arith.addi %mul3A_215, %add3A_368 : i32
          %add3A_370 = arith.constant 4 : i32
          %add3A_371 = arith.addi %add3A_369, %add3A_370 : i32
          %dma_start3A_372 = arith.constant 1 : i32
          %dma_start3A_373 = arith.constant 0 : i32
          %dma_start3A_374 = arith.constant 0 : i32
          %dma_start3A_375 = tpu.memref_slice %arg9[%dma_start3A_372, %dma_start3A_373, %dma_start3A_374] : memref<4x512x32xf32, #tpu.memory_space<vmem>> -> memref<1x512x32xf32, #tpu.memory_space<vmem>>
          %dma_start3A_376 = tpu.memref_squeeze %dma_start3A_375 : memref<1x512x32xf32, #tpu.memory_space<vmem>> -> memref<512x32xf32, #tpu.memory_space<vmem>>
          %dma_start3A_377 = arith.constant 0 : i32
          %dma_start3A_378 = tpu.memref_slice %arg7[%add3A_371, %dma_start3A_377] : memref<40x512xi32, #tpu.memory_space<vmem>> -> memref<1x512xi32, #tpu.memory_space<vmem>>
          %dma_start3A_379 = tpu.memref_squeeze %dma_start3A_378 : memref<1x512xi32, #tpu.memory_space<vmem>> -> memref<512xi32, #tpu.memory_space<vmem>>
          %dma_start3A_380 = arith.constant 0 : i32
          %dma_start3A_381 = arith.constant 0 : i32
          %dma_start3A_382 = tpu.memref_slice %arg2[%dma_start3A_380, %dma_start3A_381] : memref<10240x32xf32, #tpu.memory_space<hbm>> -> memref<10240x32xf32, #tpu.memory_space<hbm>>
          tpu.enqueue_indirect_dma source(%dma_start3A_382 : memref<10240x32xf32, #tpu.memory_space<hbm>>) target(%dma_start3A_376 : memref<512x32xf32, #tpu.memory_space<vmem>>) offsets(%dma_start3A_379 : memref<512xi32, #tpu.memory_space<vmem>>) semaphore(%arg12 : memref<!tpu.dma_semaphore, #tpu.memory_space<semaphore_mem>>)
        } else {
        }
        %add3A_337 = arith.constant 2 : i32
        %add3A_338 = arith.addi %mul3A_215, %add3A_337 : i32
        %add3A_339 = arith.constant 4 : i32
        %add3A_340 = arith.addi %add3A_338, %add3A_339 : i32
        %lt3A_341 = arith.constant 39 : i32
        %lt3A_342 = arith.cmpi slt, %add3A_340, %lt3A_341 : i32
        %convert_element_type3A_343 = arith.extui %lt3A_342 : i1 to i32
        %cond3A_344 = arith.constant 0 : i32
        %cond3A_345 = arith.cmpi ne, %convert_element_type3A_343, %cond3A_344 : i32
        scf.if %cond3A_345 {
          %add3A_355 = arith.constant 2 : i32
          %add3A_356 = arith.addi %mul3A_215, %add3A_355 : i32
          %dma_wait3A_357 = arith.constant 2 : i32
          %dma_wait3A_358 = arith.constant 0 : i32
          %dma_wait3A_359 = arith.constant 0 : i32
          %dma_wait3A_360 = tpu.memref_slice %arg9[%dma_wait3A_357, %dma_wait3A_358, %dma_wait3A_359] : memref<4x512x32xf32, #tpu.memory_space<vmem>> -> memref<1x512x32xf32, #tpu.memory_space<vmem>>
          %dma_wait3A_361 = tpu.memref_squeeze %dma_wait3A_360 : memref<1x512x32xf32, #tpu.memory_space<vmem>> -> memref<512x32xf32, #tpu.memory_space<vmem>>
          %dma_wait3A_362 = arith.constant 0 : i32
          %dma_wait3A_363 = tpu.memref_slice %arg8[%add3A_356, %dma_wait3A_362] : memref<40x512xi32, #tpu.memory_space<vmem>> -> memref<1x512xi32, #tpu.memory_space<vmem>>
          %dma_wait3A_364 = tpu.memref_squeeze %dma_wait3A_363 : memref<1x512xi32, #tpu.memory_space<vmem>> -> memref<512xi32, #tpu.memory_space<vmem>>
          %dma_wait3A_365 = arith.constant 0 : i32
          %dma_wait3A_366 = arith.constant 0 : i32
          %dma_wait3A_367 = tpu.memref_slice %arg10[%dma_wait3A_365, %dma_wait3A_366] : memref<10240x32xf32, #tpu.memory_space<vmem_shared>> -> memref<10240x32xf32, #tpu.memory_space<vmem_shared>>
          tpu.wait_indirect_dma semaphore(%arg17 : memref<!tpu.dma_semaphore, #tpu.memory_space<semaphore_mem>>) src(%dma_wait3A_361 : memref<512x32xf32, #tpu.memory_space<vmem>>) dst(%dma_wait3A_367 : memref<10240x32xf32, #tpu.memory_space<vmem_shared>>)
          %add3A_368 = arith.constant 2 : i32
          %add3A_369 = arith.addi %mul3A_215, %add3A_368 : i32
          %add3A_370 = arith.constant 4 : i32
          %add3A_371 = arith.addi %add3A_369, %add3A_370 : i32
          %dma_start3A_372 = arith.constant 2 : i32
          %dma_start3A_373 = arith.constant 0 : i32
          %dma_start3A_374 = arith.constant 0 : i32
          %dma_start3A_375 = tpu.memref_slice %arg9[%dma_start3A_372, %dma_start3A_373, %dma_start3A_374] : memref<4x512x32xf32, #tpu.memory_space<vmem>> -> memref<1x512x32xf32, #tpu.memory_space<vmem>>
          %dma_start3A_376 = tpu.memref_squeeze %dma_start3A_375 : memref<1x512x32xf32, #tpu.memory_space<vmem>> -> memref<512x32xf32, #tpu.memory_space<vmem>>
          %dma_start3A_377 = arith.constant 0 : i32
          %dma_start3A_378 = tpu.memref_slice %arg7[%add3A_371, %dma_start3A_377] : memref<40x512xi32, #tpu.memory_space<vmem>> -> memref<1x512xi32, #tpu.memory_space<vmem>>
          %dma_start3A_379 = tpu.memref_squeeze %dma_start3A_378 : memref<1x512xi32, #tpu.memory_space<vmem>> -> memref<512xi32, #tpu.memory_space<vmem>>
          %dma_start3A_380 = arith.constant 0 : i32
          %dma_start3A_381 = arith.constant 0 : i32
          %dma_start3A_382 = tpu.memref_slice %arg2[%dma_start3A_380, %dma_start3A_381] : memref<10240x32xf32, #tpu.memory_space<hbm>> -> memref<10240x32xf32, #tpu.memory_space<hbm>>
          tpu.enqueue_indirect_dma source(%dma_start3A_382 : memref<10240x32xf32, #tpu.memory_space<hbm>>) target(%dma_start3A_376 : memref<512x32xf32, #tpu.memory_space<vmem>>) offsets(%dma_start3A_379 : memref<512xi32, #tpu.memory_space<vmem>>) semaphore(%arg13 : memref<!tpu.dma_semaphore, #tpu.memory_space<semaphore_mem>>)
        } else {
        }
        %add3A_346 = arith.constant 3 : i32
        %add3A_347 = arith.addi %mul3A_215, %add3A_346 : i32
        %add3A_348 = arith.constant 4 : i32
        %add3A_349 = arith.addi %add3A_347, %add3A_348 : i32
        %lt3A_350 = arith.constant 39 : i32
        %lt3A_351 = arith.cmpi slt, %add3A_349, %lt3A_350 : i32
        %convert_element_type3A_352 = arith.extui %lt3A_351 : i1 to i32
        %cond3A_353 = arith.constant 0 : i32
        %cond3A_354 = arith.cmpi ne, %convert_element_type3A_352, %cond3A_353 : i32
        scf.if %cond3A_354 {
          %add3A_355 = arith.constant 3 : i32
          %add3A_356 = arith.addi %mul3A_215, %add3A_355 : i32
          %dma_wait3A_357 = arith.constant 3 : i32
          %dma_wait3A_358 = arith.constant 0 : i32
          %dma_wait3A_359 = arith.constant 0 : i32
          %dma_wait3A_360 = tpu.memref_slice %arg9[%dma_wait3A_357, %dma_wait3A_358, %dma_wait3A_359] : memref<4x512x32xf32, #tpu.memory_space<vmem>> -> memref<1x512x32xf32, #tpu.memory_space<vmem>>
          %dma_wait3A_361 = tpu.memref_squeeze %dma_wait3A_360 : memref<1x512x32xf32, #tpu.memory_space<vmem>> -> memref<512x32xf32, #tpu.memory_space<vmem>>
          %dma_wait3A_362 = arith.constant 0 : i32
          %dma_wait3A_363 = tpu.memref_slice %arg8[%add3A_356, %dma_wait3A_362] : memref<40x512xi32, #tpu.memory_space<vmem>> -> memref<1x512xi32, #tpu.memory_space<vmem>>
          %dma_wait3A_364 = tpu.memref_squeeze %dma_wait3A_363 : memref<1x512xi32, #tpu.memory_space<vmem>> -> memref<512xi32, #tpu.memory_space<vmem>>
          %dma_wait3A_365 = arith.constant 0 : i32
          %dma_wait3A_366 = arith.constant 0 : i32
          %dma_wait3A_367 = tpu.memref_slice %arg10[%dma_wait3A_365, %dma_wait3A_366] : memref<10240x32xf32, #tpu.memory_space<vmem_shared>> -> memref<10240x32xf32, #tpu.memory_space<vmem_shared>>
          tpu.wait_indirect_dma semaphore(%arg18 : memref<!tpu.dma_semaphore, #tpu.memory_space<semaphore_mem>>) src(%dma_wait3A_361 : memref<512x32xf32, #tpu.memory_space<vmem>>) dst(%dma_wait3A_367 : memref<10240x32xf32, #tpu.memory_space<vmem_shared>>)
          %add3A_368 = arith.constant 3 : i32
          %add3A_369 = arith.addi %mul3A_215, %add3A_368 : i32
          %add3A_370 = arith.constant 4 : i32
          %add3A_371 = arith.addi %add3A_369, %add3A_370 : i32
          %dma_start3A_372 = arith.constant 3 : i32
          %dma_start3A_373 = arith.constant 0 : i32
          %dma_start3A_374 = arith.constant 0 : i32
          %dma_start3A_375 = tpu.memref_slice %arg9[%dma_start3A_372, %dma_start3A_373, %dma_start3A_374] : memref<4x512x32xf32, #tpu.memory_space<vmem>> -> memref<1x512x32xf32, #tpu.memory_space<vmem>>
          %dma_start3A_376 = tpu.memref_squeeze %dma_start3A_375 : memref<1x512x32xf32, #tpu.memory_space<vmem>> -> memref<512x32xf32, #tpu.memory_space<vmem>>
          %dma_start3A_377 = arith.constant 0 : i32
          %dma_start3A_378 = tpu.memref_slice %arg7[%add3A_371, %dma_start3A_377] : memref<40x512xi32, #tpu.memory_space<vmem>> -> memref<1x512xi32, #tpu.memory_space<vmem>>
          %dma_start3A_379 = tpu.memref_squeeze %dma_start3A_378 : memref<1x512xi32, #tpu.memory_space<vmem>> -> memref<512xi32, #tpu.memory_space<vmem>>
          %dma_start3A_380 = arith.constant 0 : i32
          %dma_start3A_381 = arith.constant 0 : i32
          %dma_start3A_382 = tpu.memref_slice %arg2[%dma_start3A_380, %dma_start3A_381] : memref<10240x32xf32, #tpu.memory_space<hbm>> -> memref<10240x32xf32, #tpu.memory_space<hbm>>
          tpu.enqueue_indirect_dma source(%dma_start3A_382 : memref<10240x32xf32, #tpu.memory_space<hbm>>) target(%dma_start3A_376 : memref<512x32xf32, #tpu.memory_space<vmem>>) offsets(%dma_start3A_379 : memref<512xi32, #tpu.memory_space<vmem>>) semaphore(%arg14 : memref<!tpu.dma_semaphore, #tpu.memory_space<semaphore_mem>>)
        } else {
        }
      }
      %scan3A_88 = arith.constant 9 : i32
      %dma_wait3A = arith.constant 36 : i32
      %dma_wait3A_89 = arith.constant 0 : i32
      %dma_wait3A_90 = arith.constant 0 : i32
      %dma_wait3A_91 = arith.constant 0 : i32
      %dma_wait3A_92 = tpu.memref_slice %arg9[%dma_wait3A_89, %dma_wait3A_90, %dma_wait3A_91] : memref<4x512x32xf32, #tpu.memory_space<vmem>> -> memref<1x512x32xf32, #tpu.memory_space<vmem>>
      %dma_wait3A_93 = tpu.memref_squeeze %dma_wait3A_92 : memref<1x512x32xf32, #tpu.memory_space<vmem>> -> memref<512x32xf32, #tpu.memory_space<vmem>>
      %dma_wait3A_94 = arith.constant 0 : i32
      %dma_wait3A_95 = tpu.memref_slice %arg7[%dma_wait3A, %dma_wait3A_94] : memref<40x512xi32, #tpu.memory_space<vmem>> -> memref<1x512xi32, #tpu.memory_space<vmem>>
      %dma_wait3A_96 = tpu.memref_squeeze %dma_wait3A_95 : memref<1x512xi32, #tpu.memory_space<vmem>> -> memref<512xi32, #tpu.memory_space<vmem>>
      %dma_wait3A_97 = arith.constant 0 : i32
      %dma_wait3A_98 = arith.constant 0 : i32
      %dma_wait3A_99 = tpu.memref_slice %arg2[%dma_wait3A_97, %dma_wait3A_98] : memref<10240x32xf32, #tpu.memory_space<hbm>> -> memref<10240x32xf32, #tpu.memory_space<hbm>>
      tpu.wait_indirect_dma semaphore(%arg11 : memref<!tpu.dma_semaphore, #tpu.memory_space<semaphore_mem>>) src(%dma_wait3A_99 : memref<10240x32xf32, #tpu.memory_space<hbm>>) dst(%dma_wait3A_93 : memref<512x32xf32, #tpu.memory_space<vmem>>)
      %dma_start3A_100 = arith.constant 0 : i32
      %dma_start3A_101 = arith.constant 36 : i32
      %dma_start3A_102 = arith.constant 0 : i32
      %dma_start3A_103 = arith.constant 0 : i32
      %dma_start3A_104 = tpu.memref_slice %arg9[%dma_start3A_100, %dma_start3A_102, %dma_start3A_103] : memref<4x512x32xf32, #tpu.memory_space<vmem>> -> memref<1x512x32xf32, #tpu.memory_space<vmem>>
      %dma_start3A_105 = tpu.memref_squeeze %dma_start3A_104 : memref<1x512x32xf32, #tpu.memory_space<vmem>> -> memref<512x32xf32, #tpu.memory_space<vmem>>
      %dma_start3A_106 = arith.constant 0 : i32
      %dma_start3A_107 = tpu.memref_slice %arg8[%dma_start3A_101, %dma_start3A_106] : memref<40x512xi32, #tpu.memory_space<vmem>> -> memref<1x512xi32, #tpu.memory_space<vmem>>
      %dma_start3A_108 = tpu.memref_squeeze %dma_start3A_107 : memref<1x512xi32, #tpu.memory_space<vmem>> -> memref<512xi32, #tpu.memory_space<vmem>>
      %dma_start3A_109 = arith.constant 0 : i32
      %dma_start3A_110 = arith.constant 0 : i32
      %dma_start3A_111 = tpu.memref_slice %arg10[%dma_start3A_109, %dma_start3A_110] : memref<10240x32xf32, #tpu.memory_space<vmem_shared>> -> memref<10240x32xf32, #tpu.memory_space<vmem_shared>>
      tpu.enqueue_indirect_dma source(%dma_start3A_105 : memref<512x32xf32, #tpu.memory_space<vmem>>) target(%dma_start3A_111 : memref<10240x32xf32, #tpu.memory_space<vmem_shared>>) offsets(%dma_start3A_108 : memref<512xi32, #tpu.memory_space<vmem>>) semaphore(%arg15 : memref<!tpu.dma_semaphore, #tpu.memory_space<semaphore_mem>>) {add = true}
      %dma_wait3A_112 = arith.constant 37 : i32
      %dma_wait3A_113 = arith.constant 1 : i32
      %dma_wait3A_114 = arith.constant 0 : i32
      %dma_wait3A_115 = arith.constant 0 : i32
      %dma_wait3A_116 = tpu.memref_slice %arg9[%dma_wait3A_113, %dma_wait3A_114, %dma_wait3A_115] : memref<4x512x32xf32, #tpu.memory_space<vmem>> -> memref<1x512x32xf32, #tpu.memory_space<vmem>>
      %dma_wait3A_117 = tpu.memref_squeeze %dma_wait3A_116 : memref<1x512x32xf32, #tpu.memory_space<vmem>> -> memref<512x32xf32, #tpu.memory_space<vmem>>
      %dma_wait3A_118 = arith.constant 0 : i32
      %dma_wait3A_119 = tpu.memref_slice %arg7[%dma_wait3A_112, %dma_wait3A_118] : memref<40x512xi32, #tpu.memory_space<vmem>> -> memref<1x512xi32, #tpu.memory_space<vmem>>
      %dma_wait3A_120 = tpu.memref_squeeze %dma_wait3A_119 : memref<1x512xi32, #tpu.memory_space<vmem>> -> memref<512xi32, #tpu.memory_space<vmem>>
      %dma_wait3A_121 = arith.constant 0 : i32
      %dma_wait3A_122 = arith.constant 0 : i32
      %dma_wait3A_123 = tpu.memref_slice %arg2[%dma_wait3A_121, %dma_wait3A_122] : memref<10240x32xf32, #tpu.memory_space<hbm>> -> memref<10240x32xf32, #tpu.memory_space<hbm>>
      tpu.wait_indirect_dma semaphore(%arg12 : memref<!tpu.dma_semaphore, #tpu.memory_space<semaphore_mem>>) src(%dma_wait3A_123 : memref<10240x32xf32, #tpu.memory_space<hbm>>) dst(%dma_wait3A_117 : memref<512x32xf32, #tpu.memory_space<vmem>>)
      %dma_start3A_124 = arith.constant 1 : i32
      %dma_start3A_125 = arith.constant 37 : i32
      %dma_start3A_126 = arith.constant 0 : i32
      %dma_start3A_127 = arith.constant 0 : i32
      %dma_start3A_128 = tpu.memref_slice %arg9[%dma_start3A_124, %dma_start3A_126, %dma_start3A_127] : memref<4x512x32xf32, #tpu.memory_space<vmem>> -> memref<1x512x32xf32, #tpu.memory_space<vmem>>
      %dma_start3A_129 = tpu.memref_squeeze %dma_start3A_128 : memref<1x512x32xf32, #tpu.memory_space<vmem>> -> memref<512x32xf32, #tpu.memory_space<vmem>>
      %dma_start3A_130 = arith.constant 0 : i32
      %dma_start3A_131 = tpu.memref_slice %arg8[%dma_start3A_125, %dma_start3A_130] : memref<40x512xi32, #tpu.memory_space<vmem>> -> memref<1x512xi32, #tpu.memory_space<vmem>>
      %dma_start3A_132 = tpu.memref_squeeze %dma_start3A_131 : memref<1x512xi32, #tpu.memory_space<vmem>> -> memref<512xi32, #tpu.memory_space<vmem>>
      %dma_start3A_133 = arith.constant 0 : i32
      %dma_start3A_134 = arith.constant 0 : i32
      %dma_start3A_135 = tpu.memref_slice %arg10[%dma_start3A_133, %dma_start3A_134] : memref<10240x32xf32, #tpu.memory_space<vmem_shared>> -> memref<10240x32xf32, #tpu.memory_space<vmem_shared>>
      tpu.enqueue_indirect_dma source(%dma_start3A_129 : memref<512x32xf32, #tpu.memory_space<vmem>>) target(%dma_start3A_135 : memref<10240x32xf32, #tpu.memory_space<vmem_shared>>) offsets(%dma_start3A_132 : memref<512xi32, #tpu.memory_space<vmem>>) semaphore(%arg16 : memref<!tpu.dma_semaphore, #tpu.memory_space<semaphore_mem>>) {add = true}
      %dma_wait3A_136 = arith.constant 38 : i32
      %dma_wait3A_137 = arith.constant 2 : i32
      %dma_wait3A_138 = arith.constant 0 : i32
      %dma_wait3A_139 = arith.constant 0 : i32
      %dma_wait3A_140 = tpu.memref_slice %arg9[%dma_wait3A_137, %dma_wait3A_138, %dma_wait3A_139] : memref<4x512x32xf32, #tpu.memory_space<vmem>> -> memref<1x512x32xf32, #tpu.memory_space<vmem>>
      %dma_wait3A_141 = tpu.memref_squeeze %dma_wait3A_140 : memref<1x512x32xf32, #tpu.memory_space<vmem>> -> memref<512x32xf32, #tpu.memory_space<vmem>>
      %dma_wait3A_142 = arith.constant 0 : i32
      %dma_wait3A_143 = tpu.memref_slice %arg7[%dma_wait3A_136, %dma_wait3A_142] : memref<40x512xi32, #tpu.memory_space<vmem>> -> memref<1x512xi32, #tpu.memory_space<vmem>>
      %dma_wait3A_144 = tpu.memref_squeeze %dma_wait3A_143 : memref<1x512xi32, #tpu.memory_space<vmem>> -> memref<512xi32, #tpu.memory_space<vmem>>
      %dma_wait3A_145 = arith.constant 0 : i32
      %dma_wait3A_146 = arith.constant 0 : i32
      %dma_wait3A_147 = tpu.memref_slice %arg2[%dma_wait3A_145, %dma_wait3A_146] : memref<10240x32xf32, #tpu.memory_space<hbm>> -> memref<10240x32xf32, #tpu.memory_space<hbm>>
      tpu.wait_indirect_dma semaphore(%arg13 : memref<!tpu.dma_semaphore, #tpu.memory_space<semaphore_mem>>) src(%dma_wait3A_147 : memref<10240x32xf32, #tpu.memory_space<hbm>>) dst(%dma_wait3A_141 : memref<512x32xf32, #tpu.memory_space<vmem>>)
      %dma_start3A_148 = arith.constant 2 : i32
      %dma_start3A_149 = arith.constant 38 : i32
      %dma_start3A_150 = arith.constant 0 : i32
      %dma_start3A_151 = arith.constant 0 : i32
      %dma_start3A_152 = tpu.memref_slice %arg9[%dma_start3A_148, %dma_start3A_150, %dma_start3A_151] : memref<4x512x32xf32, #tpu.memory_space<vmem>> -> memref<1x512x32xf32, #tpu.memory_space<vmem>>
      %dma_start3A_153 = tpu.memref_squeeze %dma_start3A_152 : memref<1x512x32xf32, #tpu.memory_space<vmem>> -> memref<512x32xf32, #tpu.memory_space<vmem>>
      %dma_start3A_154 = arith.constant 0 : i32
      %dma_start3A_155 = tpu.memref_slice %arg8[%dma_start3A_149, %dma_start3A_154] : memref<40x512xi32, #tpu.memory_space<vmem>> -> memref<1x512xi32, #tpu.memory_space<vmem>>
      %dma_start3A_156 = tpu.memref_squeeze %dma_start3A_155 : memref<1x512xi32, #tpu.memory_space<vmem>> -> memref<512xi32, #tpu.memory_space<vmem>>
      %dma_start3A_157 = arith.constant 0 : i32
      %dma_start3A_158 = arith.constant 0 : i32
      %dma_start3A_159 = tpu.memref_slice %arg10[%dma_start3A_157, %dma_start3A_158] : memref<10240x32xf32, #tpu.memory_space<vmem_shared>> -> memref<10240x32xf32, #tpu.memory_space<vmem_shared>>
      tpu.enqueue_indirect_dma source(%dma_start3A_153 : memref<512x32xf32, #tpu.memory_space<vmem>>) target(%dma_start3A_159 : memref<10240x32xf32, #tpu.memory_space<vmem_shared>>) offsets(%dma_start3A_156 : memref<512xi32, #tpu.memory_space<vmem>>) semaphore(%arg17 : memref<!tpu.dma_semaphore, #tpu.memory_space<semaphore_mem>>) {add = true}
      %dma_wait3A_160 = arith.constant 3 : i32
      %dma_wait3A_161 = arith.constant 35 : i32
      %dma_wait3A_162 = arith.constant 0 : i32
      %dma_wait3A_163 = arith.constant 0 : i32
      %dma_wait3A_164 = tpu.memref_slice %arg9[%dma_wait3A_160, %dma_wait3A_162, %dma_wait3A_163] : memref<4x512x32xf32, #tpu.memory_space<vmem>> -> memref<1x512x32xf32, #tpu.memory_space<vmem>>
      %dma_wait3A_165 = tpu.memref_squeeze %dma_wait3A_164 : memref<1x512x32xf32, #tpu.memory_space<vmem>> -> memref<512x32xf32, #tpu.memory_space<vmem>>
      %dma_wait3A_166 = arith.constant 0 : i32
      %dma_wait3A_167 = tpu.memref_slice %arg8[%dma_wait3A_161, %dma_wait3A_166] : memref<40x512xi32, #tpu.memory_space<vmem>> -> memref<1x512xi32, #tpu.memory_space<vmem>>
      %dma_wait3A_168 = tpu.memref_squeeze %dma_wait3A_167 : memref<1x512xi32, #tpu.memory_space<vmem>> -> memref<512xi32, #tpu.memory_space<vmem>>
      %dma_wait3A_169 = arith.constant 0 : i32
      %dma_wait3A_170 = arith.constant 0 : i32
      %dma_wait3A_171 = tpu.memref_slice %arg10[%dma_wait3A_169, %dma_wait3A_170] : memref<10240x32xf32, #tpu.memory_space<vmem_shared>> -> memref<10240x32xf32, #tpu.memory_space<vmem_shared>>
      tpu.wait_indirect_dma semaphore(%arg18 : memref<!tpu.dma_semaphore, #tpu.memory_space<semaphore_mem>>) src(%dma_wait3A_165 : memref<512x32xf32, #tpu.memory_space<vmem>>) dst(%dma_wait3A_171 : memref<10240x32xf32, #tpu.memory_space<vmem_shared>>)
      %dma_wait3A_172 = arith.constant 0 : i32
      %dma_wait3A_173 = arith.constant 36 : i32
      %dma_wait3A_174 = arith.constant 0 : i32
      %dma_wait3A_175 = arith.constant 0 : i32
      %dma_wait3A_176 = tpu.memref_slice %arg9[%dma_wait3A_172, %dma_wait3A_174, %dma_wait3A_175] : memref<4x512x32xf32, #tpu.memory_space<vmem>> -> memref<1x512x32xf32, #tpu.memory_space<vmem>>
      %dma_wait3A_177 = tpu.memref_squeeze %dma_wait3A_176 : memref<1x512x32xf32, #tpu.memory_space<vmem>> -> memref<512x32xf32, #tpu.memory_space<vmem>>
      %dma_wait3A_178 = arith.constant 0 : i32
      %dma_wait3A_179 = tpu.memref_slice %arg8[%dma_wait3A_173, %dma_wait3A_178] : memref<40x512xi32, #tpu.memory_space<vmem>> -> memref<1x512xi32, #tpu.memory_space<vmem>>
      %dma_wait3A_180 = tpu.memref_squeeze %dma_wait3A_179 : memref<1x512xi32, #tpu.memory_space<vmem>> -> memref<512xi32, #tpu.memory_space<vmem>>
      %dma_wait3A_181 = arith.constant 0 : i32
      %dma_wait3A_182 = arith.constant 0 : i32
      %dma_wait3A_183 = tpu.memref_slice %arg10[%dma_wait3A_181, %dma_wait3A_182] : memref<10240x32xf32, #tpu.memory_space<vmem_shared>> -> memref<10240x32xf32, #tpu.memory_space<vmem_shared>>
      tpu.wait_indirect_dma semaphore(%arg15 : memref<!tpu.dma_semaphore, #tpu.memory_space<semaphore_mem>>) src(%dma_wait3A_177 : memref<512x32xf32, #tpu.memory_space<vmem>>) dst(%dma_wait3A_183 : memref<10240x32xf32, #tpu.memory_space<vmem_shared>>)
      %dma_wait3A_184 = arith.constant 1 : i32
      %dma_wait3A_185 = arith.constant 37 : i32
      %dma_wait3A_186 = arith.constant 0 : i32
      %dma_wait3A_187 = arith.constant 0 : i32
      %dma_wait3A_188 = tpu.memref_slice %arg9[%dma_wait3A_184, %dma_wait3A_186, %dma_wait3A_187] : memref<4x512x32xf32, #tpu.memory_space<vmem>> -> memref<1x512x32xf32, #tpu.memory_space<vmem>>
      %dma_wait3A_189 = tpu.memref_squeeze %dma_wait3A_188 : memref<1x512x32xf32, #tpu.memory_space<vmem>> -> memref<512x32xf32, #tpu.memory_space<vmem>>
      %dma_wait3A_190 = arith.constant 0 : i32
      %dma_wait3A_191 = tpu.memref_slice %arg8[%dma_wait3A_185, %dma_wait3A_190] : memref<40x512xi32, #tpu.memory_space<vmem>> -> memref<1x512xi32, #tpu.memory_space<vmem>>
      %dma_wait3A_192 = tpu.memref_squeeze %dma_wait3A_191 : memref<1x512xi32, #tpu.memory_space<vmem>> -> memref<512xi32, #tpu.memory_space<vmem>>
      %dma_wait3A_193 = arith.constant 0 : i32
      %dma_wait3A_194 = arith.constant 0 : i32
      %dma_wait3A_195 = tpu.memref_slice %arg10[%dma_wait3A_193, %dma_wait3A_194] : memref<10240x32xf32, #tpu.memory_space<vmem_shared>> -> memref<10240x32xf32, #tpu.memory_space<vmem_shared>>
      tpu.wait_indirect_dma semaphore(%arg16 : memref<!tpu.dma_semaphore, #tpu.memory_space<semaphore_mem>>) src(%dma_wait3A_189 : memref<512x32xf32, #tpu.memory_space<vmem>>) dst(%dma_wait3A_195 : memref<10240x32xf32, #tpu.memory_space<vmem_shared>>)
      %dma_wait3A_196 = arith.constant 2 : i32
      %dma_wait3A_197 = arith.constant 38 : i32
      %dma_wait3A_198 = arith.constant 0 : i32
      %dma_wait3A_199 = arith.constant 0 : i32
      %dma_wait3A_200 = tpu.memref_slice %arg9[%dma_wait3A_196, %dma_wait3A_198, %dma_wait3A_199] : memref<4x512x32xf32, #tpu.memory_space<vmem>> -> memref<1x512x32xf32, #tpu.memory_space<vmem>>
      %dma_wait3A_201 = tpu.memref_squeeze %dma_wait3A_200 : memref<1x512x32xf32, #tpu.memory_space<vmem>> -> memref<512x32xf32, #tpu.memory_space<vmem>>
      %dma_wait3A_202 = arith.constant 0 : i32
      %dma_wait3A_203 = tpu.memref_slice %arg8[%dma_wait3A_197, %dma_wait3A_202] : memref<40x512xi32, #tpu.memory_space<vmem>> -> memref<1x512xi32, #tpu.memory_space<vmem>>
      %dma_wait3A_204 = tpu.memref_squeeze %dma_wait3A_203 : memref<1x512xi32, #tpu.memory_space<vmem>> -> memref<512xi32, #tpu.memory_space<vmem>>
      %dma_wait3A_205 = arith.constant 0 : i32
      %dma_wait3A_206 = arith.constant 0 : i32
      %dma_wait3A_207 = tpu.memref_slice %arg10[%dma_wait3A_205, %dma_wait3A_206] : memref<10240x32xf32, #tpu.memory_space<vmem_shared>> -> memref<10240x32xf32, #tpu.memory_space<vmem_shared>>
      tpu.wait_indirect_dma semaphore(%arg17 : memref<!tpu.dma_semaphore, #tpu.memory_space<semaphore_mem>>) src(%dma_wait3A_201 : memref<512x32xf32, #tpu.memory_space<vmem>>) dst(%dma_wait3A_207 : memref<10240x32xf32, #tpu.memory_space<vmem_shared>>)
      %eq3A_208 = arith.constant 0 : i32
      %eq3A_209 = arith.cmpi eq, %arg1, %eq3A_208 : i32
      %convert_element_type3A_210 = arith.extui %eq3A_209 : i1 to i32
      %cond3A_211 = arith.constant 0 : i32
      %cond3A_212 = arith.cmpi ne, %convert_element_type3A_210, %cond3A_211 : i32
      scf.if %cond3A_212 {
        %dma_start3A_213 = arith.constant 39 : i32
        %dma_start3A_214 = arith.constant 3 : i32
        %dma_start3A_215 = arith.constant 0 : i32
        %dma_start3A_216 = arith.constant 0 : i32
        %dma_start3A_217 = tpu.memref_slice %arg9[%dma_start3A_214, %dma_start3A_215, %dma_start3A_216] : memref<4x512x32xf32, #tpu.memory_space<vmem>> -> memref<1x512x32xf32, #tpu.memory_space<vmem>>
        %dma_start3A_218 = tpu.memref_squeeze %dma_start3A_217 : memref<1x512x32xf32, #tpu.memory_space<vmem>> -> memref<512x32xf32, #tpu.memory_space<vmem>>
        %dma_start3A_219 = arith.constant 0 : i32
        %dma_start3A_220 = tpu.memref_slice %arg7[%dma_start3A_213, %dma_start3A_219] : memref<40x512xi32, #tpu.memory_space<vmem>> -> memref<1x512xi32, #tpu.memory_space<vmem>>
        %dma_start3A_221 = tpu.memref_squeeze %dma_start3A_220 : memref<1x512xi32, #tpu.memory_space<vmem>> -> memref<512xi32, #tpu.memory_space<vmem>>
        %dma_start3A_222 = arith.constant 0 : i32
        %dma_start3A_223 = arith.constant 0 : i32
        %dma_start3A_224 = tpu.memref_slice %arg2[%dma_start3A_222, %dma_start3A_223] : memref<10240x32xf32, #tpu.memory_space<hbm>> -> memref<10240x32xf32, #tpu.memory_space<hbm>>
        tpu.enqueue_indirect_dma source(%dma_start3A_224 : memref<10240x32xf32, #tpu.memory_space<hbm>>) target(%dma_start3A_218 : memref<512x32xf32, #tpu.memory_space<vmem>>) offsets(%dma_start3A_221 : memref<512xi32, #tpu.memory_space<vmem>>) semaphore(%arg14 : memref<!tpu.dma_semaphore, #tpu.memory_space<semaphore_mem>>)
        %dma_wait3A_225 = arith.constant 39 : i32
        %dma_wait3A_226 = arith.constant 3 : i32
        %dma_wait3A_227 = arith.constant 0 : i32
        %dma_wait3A_228 = arith.constant 0 : i32
        %dma_wait3A_229 = tpu.memref_slice %arg9[%dma_wait3A_226, %dma_wait3A_227, %dma_wait3A_228] : memref<4x512x32xf32, #tpu.memory_space<vmem>> -> memref<1x512x32xf32, #tpu.memory_space<vmem>>
        %dma_wait3A_230 = tpu.memref_squeeze %dma_wait3A_229 : memref<1x512x32xf32, #tpu.memory_space<vmem>> -> memref<512x32xf32, #tpu.memory_space<vmem>>
        %dma_wait3A_231 = arith.constant 0 : i32
        %dma_wait3A_232 = tpu.memref_slice %arg7[%dma_wait3A_225, %dma_wait3A_231] : memref<40x512xi32, #tpu.memory_space<vmem>> -> memref<1x512xi32, #tpu.memory_space<vmem>>
        %dma_wait3A_233 = tpu.memref_squeeze %dma_wait3A_232 : memref<1x512xi32, #tpu.memory_space<vmem>> -> memref<512xi32, #tpu.memory_space<vmem>>
        %dma_wait3A_234 = arith.constant 0 : i32
        %dma_wait3A_235 = arith.constant 0 : i32
        %dma_wait3A_236 = tpu.memref_slice %arg2[%dma_wait3A_234, %dma_wait3A_235] : memref<10240x32xf32, #tpu.memory_space<hbm>> -> memref<10240x32xf32, #tpu.memory_space<hbm>>
        tpu.wait_indirect_dma semaphore(%arg14 : memref<!tpu.dma_semaphore, #tpu.memory_space<semaphore_mem>>) src(%dma_wait3A_236 : memref<10240x32xf32, #tpu.memory_space<hbm>>) dst(%dma_wait3A_230 : memref<512x32xf32, #tpu.memory_space<vmem>>)
        %dma_start3A_237 = arith.constant 3 : i32
        %dma_start3A_238 = arith.constant 39 : i32
        %dma_start3A_239 = arith.constant 0 : i32
        %dma_start3A_240 = arith.constant 0 : i32
        %dma_start3A_241 = tpu.memref_slice %arg9[%dma_start3A_237, %dma_start3A_239, %dma_start3A_240] : memref<4x512x32xf32, #tpu.memory_space<vmem>> -> memref<1x512x32xf32, #tpu.memory_space<vmem>>
        %dma_start3A_242 = tpu.memref_squeeze %dma_start3A_241 : memref<1x512x32xf32, #tpu.memory_space<vmem>> -> memref<512x32xf32, #tpu.memory_space<vmem>>
        %dma_start3A_243 = arith.constant 0 : i32
        %dma_start3A_244 = tpu.memref_slice %arg8[%dma_start3A_238, %dma_start3A_243] : memref<40x512xi32, #tpu.memory_space<vmem>> -> memref<1x512xi32, #tpu.memory_space<vmem>>
        %dma_start3A_245 = tpu.memref_squeeze %dma_start3A_244 : memref<1x512xi32, #tpu.memory_space<vmem>> -> memref<512xi32, #tpu.memory_space<vmem>>
        %dma_start3A_246 = arith.constant 0 : i32
        %dma_start3A_247 = arith.constant 0 : i32
        %dma_start3A_248 = tpu.memref_slice %arg10[%dma_start3A_246, %dma_start3A_247] : memref<10240x32xf32, #tpu.memory_space<vmem_shared>> -> memref<10240x32xf32, #tpu.memory_space<vmem_shared>>
        tpu.enqueue_indirect_dma source(%dma_start3A_242 : memref<512x32xf32, #tpu.memory_space<vmem>>) target(%dma_start3A_248 : memref<10240x32xf32, #tpu.memory_space<vmem_shared>>) offsets(%dma_start3A_245 : memref<512xi32, #tpu.memory_space<vmem>>) semaphore(%arg18 : memref<!tpu.dma_semaphore, #tpu.memory_space<semaphore_mem>>) {add = true}
        %dma_wait3A_249 = arith.constant 3 : i32
        %dma_wait3A_250 = arith.constant 39 : i32
        %dma_wait3A_251 = arith.constant 0 : i32
        %dma_wait3A_252 = arith.constant 0 : i32
        %dma_wait3A_253 = tpu.memref_slice %arg9[%dma_wait3A_249, %dma_wait3A_251, %dma_wait3A_252] : memref<4x512x32xf32, #tpu.memory_space<vmem>> -> memref<1x512x32xf32, #tpu.memory_space<vmem>>
        %dma_wait3A_254 = tpu.memref_squeeze %dma_wait3A_253 : memref<1x512x32xf32, #tpu.memory_space<vmem>> -> memref<512x32xf32, #tpu.memory_space<vmem>>
        %dma_wait3A_255 = arith.constant 0 : i32
        %dma_wait3A_256 = tpu.memref_slice %arg8[%dma_wait3A_250, %dma_wait3A_255] : memref<40x512xi32, #tpu.memory_space<vmem>> -> memref<1x512xi32, #tpu.memory_space<vmem>>
        %dma_wait3A_257 = tpu.memref_squeeze %dma_wait3A_256 : memref<1x512xi32, #tpu.memory_space<vmem>> -> memref<512xi32, #tpu.memory_space<vmem>>
        %dma_wait3A_258 = arith.constant 0 : i32
        %dma_wait3A_259 = arith.constant 0 : i32
        %dma_wait3A_260 = tpu.memref_slice %arg10[%dma_wait3A_258, %dma_wait3A_259] : memref<10240x32xf32, #tpu.memory_space<vmem_shared>> -> memref<10240x32xf32, #tpu.memory_space<vmem_shared>>
        tpu.wait_indirect_dma semaphore(%arg18 : memref<!tpu.dma_semaphore, #tpu.memory_space<semaphore_mem>>) src(%dma_wait3A_254 : memref<512x32xf32, #tpu.memory_space<vmem>>) dst(%dma_wait3A_260 : memref<10240x32xf32, #tpu.memory_space<vmem_shared>>)
      } else {
      }
    } else {
    }
    %eq3A_23 = arith.constant 1 : i32
    %eq3A_24 = arith.cmpi eq, %arg0, %eq3A_23 : i32
    %convert_element_type3A_25 = arith.extui %eq3A_24 : i1 to i32
    %cond3A_26 = arith.constant 0 : i32
    %cond3A_27 = arith.cmpi ne, %convert_element_type3A_25, %cond3A_26 : i32
    scf.if %cond3A_27 {
      %dma_start3A = arith.constant 0 : i32
      %dma_start3A_36 = arith.constant 0 : i32
      %dma_start3A_37 = arith.constant 0 : i32
      %dma_start3A_38 = arith.constant 0 : i32
      %dma_start3A_39 = tpu.memref_slice %arg9[%dma_start3A_36, %dma_start3A_37, %dma_start3A_38] : memref<4x512x32xf32, #tpu.memory_space<vmem>> -> memref<1x512x32xf32, #tpu.memory_space<vmem>>
      %dma_start3A_40 = tpu.memref_squeeze %dma_start3A_39 : memref<1x512x32xf32, #tpu.memory_space<vmem>> -> memref<512x32xf32, #tpu.memory_space<vmem>>
      %dma_start3A_41 = arith.constant 0 : i32
      %dma_start3A_42 = tpu.memref_slice %arg7[%dma_start3A, %dma_start3A_41] : memref<40x512xi32, #tpu.memory_space<vmem>> -> memref<1x512xi32, #tpu.memory_space<vmem>>
      %dma_start3A_43 = tpu.memref_squeeze %dma_start3A_42 : memref<1x512xi32, #tpu.memory_space<vmem>> -> memref<512xi32, #tpu.memory_space<vmem>>
      %dma_start3A_44 = arith.constant 0 : i32
      %dma_start3A_45 = arith.constant 0 : i32
      %dma_start3A_46 = tpu.memref_slice %arg3[%dma_start3A_44, %dma_start3A_45] : memref<10240x32xf32, #tpu.memory_space<hbm>> -> memref<10240x32xf32, #tpu.memory_space<hbm>>
      tpu.enqueue_indirect_dma source(%dma_start3A_46 : memref<10240x32xf32, #tpu.memory_space<hbm>>) target(%dma_start3A_40 : memref<512x32xf32, #tpu.memory_space<vmem>>) offsets(%dma_start3A_43 : memref<512xi32, #tpu.memory_space<vmem>>) semaphore(%arg11 : memref<!tpu.dma_semaphore, #tpu.memory_space<semaphore_mem>>)
      %dma_start3A_47 = arith.constant 1 : i32
      %dma_start3A_48 = arith.constant 1 : i32
      %dma_start3A_49 = arith.constant 0 : i32
      %dma_start3A_50 = arith.constant 0 : i32
      %dma_start3A_51 = tpu.memref_slice %arg9[%dma_start3A_48, %dma_start3A_49, %dma_start3A_50] : memref<4x512x32xf32, #tpu.memory_space<vmem>> -> memref<1x512x32xf32, #tpu.memory_space<vmem>>
      %dma_start3A_52 = tpu.memref_squeeze %dma_start3A_51 : memref<1x512x32xf32, #tpu.memory_space<vmem>> -> memref<512x32xf32, #tpu.memory_space<vmem>>
      %dma_start3A_53 = arith.constant 0 : i32
      %dma_start3A_54 = tpu.memref_slice %arg7[%dma_start3A_47, %dma_start3A_53] : memref<40x512xi32, #tpu.memory_space<vmem>> -> memref<1x512xi32, #tpu.memory_space<vmem>>
      %dma_start3A_55 = tpu.memref_squeeze %dma_start3A_54 : memref<1x512xi32, #tpu.memory_space<vmem>> -> memref<512xi32, #tpu.memory_space<vmem>>
      %dma_start3A_56 = arith.constant 0 : i32
      %dma_start3A_57 = arith.constant 0 : i32
      %dma_start3A_58 = tpu.memref_slice %arg3[%dma_start3A_56, %dma_start3A_57] : memref<10240x32xf32, #tpu.memory_space<hbm>> -> memref<10240x32xf32, #tpu.memory_space<hbm>>
      tpu.enqueue_indirect_dma source(%dma_start3A_58 : memref<10240x32xf32, #tpu.memory_space<hbm>>) target(%dma_start3A_52 : memref<512x32xf32, #tpu.memory_space<vmem>>) offsets(%dma_start3A_55 : memref<512xi32, #tpu.memory_space<vmem>>) semaphore(%arg12 : memref<!tpu.dma_semaphore, #tpu.memory_space<semaphore_mem>>)
      %dma_start3A_59 = arith.constant 2 : i32
      %dma_start3A_60 = arith.constant 2 : i32
      %dma_start3A_61 = arith.constant 0 : i32
      %dma_start3A_62 = arith.constant 0 : i32
      %dma_start3A_63 = tpu.memref_slice %arg9[%dma_start3A_60, %dma_start3A_61, %dma_start3A_62] : memref<4x512x32xf32, #tpu.memory_space<vmem>> -> memref<1x512x32xf32, #tpu.memory_space<vmem>>
      %dma_start3A_64 = tpu.memref_squeeze %dma_start3A_63 : memref<1x512x32xf32, #tpu.memory_space<vmem>> -> memref<512x32xf32, #tpu.memory_space<vmem>>
      %dma_start3A_65 = arith.constant 0 : i32
      %dma_start3A_66 = tpu.memref_slice %arg7[%dma_start3A_59, %dma_start3A_65] : memref<40x512xi32, #tpu.memory_space<vmem>> -> memref<1x512xi32, #tpu.memory_space<vmem>>
      %dma_start3A_67 = tpu.memref_squeeze %dma_start3A_66 : memref<1x512xi32, #tpu.memory_space<vmem>> -> memref<512xi32, #tpu.memory_space<vmem>>
      %dma_start3A_68 = arith.constant 0 : i32
      %dma_start3A_69 = arith.constant 0 : i32
      %dma_start3A_70 = tpu.memref_slice %arg3[%dma_start3A_68, %dma_start3A_69] : memref<10240x32xf32, #tpu.memory_space<hbm>> -> memref<10240x32xf32, #tpu.memory_space<hbm>>
      tpu.enqueue_indirect_dma source(%dma_start3A_70 : memref<10240x32xf32, #tpu.memory_space<hbm>>) target(%dma_start3A_64 : memref<512x32xf32, #tpu.memory_space<vmem>>) offsets(%dma_start3A_67 : memref<512xi32, #tpu.memory_space<vmem>>) semaphore(%arg13 : memref<!tpu.dma_semaphore, #tpu.memory_space<semaphore_mem>>)
      %dma_start3A_71 = arith.constant 3 : i32
      %dma_start3A_72 = arith.constant 3 : i32
      %dma_start3A_73 = arith.constant 0 : i32
      %dma_start3A_74 = arith.constant 0 : i32
      %dma_start3A_75 = tpu.memref_slice %arg9[%dma_start3A_72, %dma_start3A_73, %dma_start3A_74] : memref<4x512x32xf32, #tpu.memory_space<vmem>> -> memref<1x512x32xf32, #tpu.memory_space<vmem>>
      %dma_start3A_76 = tpu.memref_squeeze %dma_start3A_75 : memref<1x512x32xf32, #tpu.memory_space<vmem>> -> memref<512x32xf32, #tpu.memory_space<vmem>>
      %dma_start3A_77 = arith.constant 0 : i32
      %dma_start3A_78 = tpu.memref_slice %arg7[%dma_start3A_71, %dma_start3A_77] : memref<40x512xi32, #tpu.memory_space<vmem>> -> memref<1x512xi32, #tpu.memory_space<vmem>>
      %dma_start3A_79 = tpu.memref_squeeze %dma_start3A_78 : memref<1x512xi32, #tpu.memory_space<vmem>> -> memref<512xi32, #tpu.memory_space<vmem>>
      %dma_start3A_80 = arith.constant 0 : i32
      %dma_start3A_81 = arith.constant 0 : i32
      %dma_start3A_82 = tpu.memref_slice %arg3[%dma_start3A_80, %dma_start3A_81] : memref<10240x32xf32, #tpu.memory_space<hbm>> -> memref<10240x32xf32, #tpu.memory_space<hbm>>
      tpu.enqueue_indirect_dma source(%dma_start3A_82 : memref<10240x32xf32, #tpu.memory_space<hbm>>) target(%dma_start3A_76 : memref<512x32xf32, #tpu.memory_space<vmem>>) offsets(%dma_start3A_79 : memref<512xi32, #tpu.memory_space<vmem>>) semaphore(%arg14 : memref<!tpu.dma_semaphore, #tpu.memory_space<semaphore_mem>>)
      %scan3A_83 = arith.constant 0 : i32
      %scan3A_84 = arith.constant 0 : i32
      %scan3A_85 = arith.constant 9 : i32
      %scan3A_86 = arith.addi %scan3A_84, %scan3A_85 : i32
      %scan3A_87 = arith.constant 1 : i32
      scf.for %scan3A_213 = %scan3A_84 to %scan3A_86 step %scan3A_87  : i32 {
        %mul3A_214 = arith.constant 4 : i32
        %mul3A_215 = arith.muli %scan3A_213, %mul3A_214 : i32
        %add3A_216 = arith.constant 0 : i32
        %add3A_217 = arith.addi %mul3A_215, %add3A_216 : i32
        %dma_wait3A_218 = arith.constant 0 : i32
        %dma_wait3A_219 = arith.constant 0 : i32
        %dma_wait3A_220 = arith.constant 0 : i32
        %dma_wait3A_221 = tpu.memref_slice %arg9[%dma_wait3A_218, %dma_wait3A_219, %dma_wait3A_220] : memref<4x512x32xf32, #tpu.memory_space<vmem>> -> memref<1x512x32xf32, #tpu.memory_space<vmem>>
        %dma_wait3A_222 = tpu.memref_squeeze %dma_wait3A_221 : memref<1x512x32xf32, #tpu.memory_space<vmem>> -> memref<512x32xf32, #tpu.memory_space<vmem>>
        %dma_wait3A_223 = arith.constant 0 : i32
        %dma_wait3A_224 = tpu.memref_slice %arg7[%add3A_217, %dma_wait3A_223] : memref<40x512xi32, #tpu.memory_space<vmem>> -> memref<1x512xi32, #tpu.memory_space<vmem>>
        %dma_wait3A_225 = tpu.memref_squeeze %dma_wait3A_224 : memref<1x512xi32, #tpu.memory_space<vmem>> -> memref<512xi32, #tpu.memory_space<vmem>>
        %dma_wait3A_226 = arith.constant 0 : i32
        %dma_wait3A_227 = arith.constant 0 : i32
        %dma_wait3A_228 = tpu.memref_slice %arg3[%dma_wait3A_226, %dma_wait3A_227] : memref<10240x32xf32, #tpu.memory_space<hbm>> -> memref<10240x32xf32, #tpu.memory_space<hbm>>
        tpu.wait_indirect_dma semaphore(%arg11 : memref<!tpu.dma_semaphore, #tpu.memory_space<semaphore_mem>>) src(%dma_wait3A_228 : memref<10240x32xf32, #tpu.memory_space<hbm>>) dst(%dma_wait3A_222 : memref<512x32xf32, #tpu.memory_space<vmem>>)
        %add3A_229 = arith.constant 0 : i32
        %add3A_230 = arith.addi %mul3A_215, %add3A_229 : i32
        %dma_start3A_231 = arith.constant 0 : i32
        %dma_start3A_232 = arith.constant 0 : i32
        %dma_start3A_233 = arith.constant 0 : i32
        %dma_start3A_234 = tpu.memref_slice %arg9[%dma_start3A_231, %dma_start3A_232, %dma_start3A_233] : memref<4x512x32xf32, #tpu.memory_space<vmem>> -> memref<1x512x32xf32, #tpu.memory_space<vmem>>
        %dma_start3A_235 = tpu.memref_squeeze %dma_start3A_234 : memref<1x512x32xf32, #tpu.memory_space<vmem>> -> memref<512x32xf32, #tpu.memory_space<vmem>>
        %dma_start3A_236 = arith.constant 0 : i32
        %dma_start3A_237 = tpu.memref_slice %arg8[%add3A_230, %dma_start3A_236] : memref<40x512xi32, #tpu.memory_space<vmem>> -> memref<1x512xi32, #tpu.memory_space<vmem>>
        %dma_start3A_238 = tpu.memref_squeeze %dma_start3A_237 : memref<1x512xi32, #tpu.memory_space<vmem>> -> memref<512xi32, #tpu.memory_space<vmem>>
        %dma_start3A_239 = arith.constant 0 : i32
        %dma_start3A_240 = arith.constant 0 : i32
        %dma_start3A_241 = tpu.memref_slice %arg10[%dma_start3A_239, %dma_start3A_240] : memref<10240x32xf32, #tpu.memory_space<vmem_shared>> -> memref<10240x32xf32, #tpu.memory_space<vmem_shared>>
        tpu.enqueue_indirect_dma source(%dma_start3A_235 : memref<512x32xf32, #tpu.memory_space<vmem>>) target(%dma_start3A_241 : memref<10240x32xf32, #tpu.memory_space<vmem_shared>>) offsets(%dma_start3A_238 : memref<512xi32, #tpu.memory_space<vmem>>) semaphore(%arg15 : memref<!tpu.dma_semaphore, #tpu.memory_space<semaphore_mem>>) {add = true}
        %add3A_242 = arith.constant 1 : i32
        %add3A_243 = arith.addi %mul3A_215, %add3A_242 : i32
        %dma_wait3A_244 = arith.constant 1 : i32
        %dma_wait3A_245 = arith.constant 0 : i32
        %dma_wait3A_246 = arith.constant 0 : i32
        %dma_wait3A_247 = tpu.memref_slice %arg9[%dma_wait3A_244, %dma_wait3A_245, %dma_wait3A_246] : memref<4x512x32xf32, #tpu.memory_space<vmem>> -> memref<1x512x32xf32, #tpu.memory_space<vmem>>
        %dma_wait3A_248 = tpu.memref_squeeze %dma_wait3A_247 : memref<1x512x32xf32, #tpu.memory_space<vmem>> -> memref<512x32xf32, #tpu.memory_space<vmem>>
        %dma_wait3A_249 = arith.constant 0 : i32
        %dma_wait3A_250 = tpu.memref_slice %arg7[%add3A_243, %dma_wait3A_249] : memref<40x512xi32, #tpu.memory_space<vmem>> -> memref<1x512xi32, #tpu.memory_space<vmem>>
        %dma_wait3A_251 = tpu.memref_squeeze %dma_wait3A_250 : memref<1x512xi32, #tpu.memory_space<vmem>> -> memref<512xi32, #tpu.memory_space<vmem>>
        %dma_wait3A_252 = arith.constant 0 : i32
        %dma_wait3A_253 = arith.constant 0 : i32
        %dma_wait3A_254 = tpu.memref_slice %arg3[%dma_wait3A_252, %dma_wait3A_253] : memref<10240x32xf32, #tpu.memory_space<hbm>> -> memref<10240x32xf32, #tpu.memory_space<hbm>>
        tpu.wait_indirect_dma semaphore(%arg12 : memref<!tpu.dma_semaphore, #tpu.memory_space<semaphore_mem>>) src(%dma_wait3A_254 : memref<10240x32xf32, #tpu.memory_space<hbm>>) dst(%dma_wait3A_248 : memref<512x32xf32, #tpu.memory_space<vmem>>)
        %add3A_255 = arith.constant 1 : i32
        %add3A_256 = arith.addi %mul3A_215, %add3A_255 : i32
        %dma_start3A_257 = arith.constant 1 : i32
        %dma_start3A_258 = arith.constant 0 : i32
        %dma_start3A_259 = arith.constant 0 : i32
        %dma_start3A_260 = tpu.memref_slice %arg9[%dma_start3A_257, %dma_start3A_258, %dma_start3A_259] : memref<4x512x32xf32, #tpu.memory_space<vmem>> -> memref<1x512x32xf32, #tpu.memory_space<vmem>>
        %dma_start3A_261 = tpu.memref_squeeze %dma_start3A_260 : memref<1x512x32xf32, #tpu.memory_space<vmem>> -> memref<512x32xf32, #tpu.memory_space<vmem>>
        %dma_start3A_262 = arith.constant 0 : i32
        %dma_start3A_263 = tpu.memref_slice %arg8[%add3A_256, %dma_start3A_262] : memref<40x512xi32, #tpu.memory_space<vmem>> -> memref<1x512xi32, #tpu.memory_space<vmem>>
        %dma_start3A_264 = tpu.memref_squeeze %dma_start3A_263 : memref<1x512xi32, #tpu.memory_space<vmem>> -> memref<512xi32, #tpu.memory_space<vmem>>
        %dma_start3A_265 = arith.constant 0 : i32
        %dma_start3A_266 = arith.constant 0 : i32
        %dma_start3A_267 = tpu.memref_slice %arg10[%dma_start3A_265, %dma_start3A_266] : memref<10240x32xf32, #tpu.memory_space<vmem_shared>> -> memref<10240x32xf32, #tpu.memory_space<vmem_shared>>
        tpu.enqueue_indirect_dma source(%dma_start3A_261 : memref<512x32xf32, #tpu.memory_space<vmem>>) target(%dma_start3A_267 : memref<10240x32xf32, #tpu.memory_space<vmem_shared>>) offsets(%dma_start3A_264 : memref<512xi32, #tpu.memory_space<vmem>>) semaphore(%arg16 : memref<!tpu.dma_semaphore, #tpu.memory_space<semaphore_mem>>) {add = true}
        %add3A_268 = arith.constant 2 : i32
        %add3A_269 = arith.addi %mul3A_215, %add3A_268 : i32
        %dma_wait3A_270 = arith.constant 2 : i32
        %dma_wait3A_271 = arith.constant 0 : i32
        %dma_wait3A_272 = arith.constant 0 : i32
        %dma_wait3A_273 = tpu.memref_slice %arg9[%dma_wait3A_270, %dma_wait3A_271, %dma_wait3A_272] : memref<4x512x32xf32, #tpu.memory_space<vmem>> -> memref<1x512x32xf32, #tpu.memory_space<vmem>>
        %dma_wait3A_274 = tpu.memref_squeeze %dma_wait3A_273 : memref<1x512x32xf32, #tpu.memory_space<vmem>> -> memref<512x32xf32, #tpu.memory_space<vmem>>
        %dma_wait3A_275 = arith.constant 0 : i32
        %dma_wait3A_276 = tpu.memref_slice %arg7[%add3A_269, %dma_wait3A_275] : memref<40x512xi32, #tpu.memory_space<vmem>> -> memref<1x512xi32, #tpu.memory_space<vmem>>
        %dma_wait3A_277 = tpu.memref_squeeze %dma_wait3A_276 : memref<1x512xi32, #tpu.memory_space<vmem>> -> memref<512xi32, #tpu.memory_space<vmem>>
        %dma_wait3A_278 = arith.constant 0 : i32
        %dma_wait3A_279 = arith.constant 0 : i32
        %dma_wait3A_280 = tpu.memref_slice %arg3[%dma_wait3A_278, %dma_wait3A_279] : memref<10240x32xf32, #tpu.memory_space<hbm>> -> memref<10240x32xf32, #tpu.memory_space<hbm>>
        tpu.wait_indirect_dma semaphore(%arg13 : memref<!tpu.dma_semaphore, #tpu.memory_space<semaphore_mem>>) src(%dma_wait3A_280 : memref<10240x32xf32, #tpu.memory_space<hbm>>) dst(%dma_wait3A_274 : memref<512x32xf32, #tpu.memory_space<vmem>>)
        %add3A_281 = arith.constant 2 : i32
        %add3A_282 = arith.addi %mul3A_215, %add3A_281 : i32
        %dma_start3A_283 = arith.constant 2 : i32
        %dma_start3A_284 = arith.constant 0 : i32
        %dma_start3A_285 = arith.constant 0 : i32
        %dma_start3A_286 = tpu.memref_slice %arg9[%dma_start3A_283, %dma_start3A_284, %dma_start3A_285] : memref<4x512x32xf32, #tpu.memory_space<vmem>> -> memref<1x512x32xf32, #tpu.memory_space<vmem>>
        %dma_start3A_287 = tpu.memref_squeeze %dma_start3A_286 : memref<1x512x32xf32, #tpu.memory_space<vmem>> -> memref<512x32xf32, #tpu.memory_space<vmem>>
        %dma_start3A_288 = arith.constant 0 : i32
        %dma_start3A_289 = tpu.memref_slice %arg8[%add3A_282, %dma_start3A_288] : memref<40x512xi32, #tpu.memory_space<vmem>> -> memref<1x512xi32, #tpu.memory_space<vmem>>
        %dma_start3A_290 = tpu.memref_squeeze %dma_start3A_289 : memref<1x512xi32, #tpu.memory_space<vmem>> -> memref<512xi32, #tpu.memory_space<vmem>>
        %dma_start3A_291 = arith.constant 0 : i32
        %dma_start3A_292 = arith.constant 0 : i32
        %dma_start3A_293 = tpu.memref_slice %arg10[%dma_start3A_291, %dma_start3A_292] : memref<10240x32xf32, #tpu.memory_space<vmem_shared>> -> memref<10240x32xf32, #tpu.memory_space<vmem_shared>>
        tpu.enqueue_indirect_dma source(%dma_start3A_287 : memref<512x32xf32, #tpu.memory_space<vmem>>) target(%dma_start3A_293 : memref<10240x32xf32, #tpu.memory_space<vmem_shared>>) offsets(%dma_start3A_290 : memref<512xi32, #tpu.memory_space<vmem>>) semaphore(%arg17 : memref<!tpu.dma_semaphore, #tpu.memory_space<semaphore_mem>>) {add = true}
        %add3A_294 = arith.constant 3 : i32
        %add3A_295 = arith.addi %mul3A_215, %add3A_294 : i32
        %dma_wait3A_296 = arith.constant 3 : i32
        %dma_wait3A_297 = arith.constant 0 : i32
        %dma_wait3A_298 = arith.constant 0 : i32
        %dma_wait3A_299 = tpu.memref_slice %arg9[%dma_wait3A_296, %dma_wait3A_297, %dma_wait3A_298] : memref<4x512x32xf32, #tpu.memory_space<vmem>> -> memref<1x512x32xf32, #tpu.memory_space<vmem>>
        %dma_wait3A_300 = tpu.memref_squeeze %dma_wait3A_299 : memref<1x512x32xf32, #tpu.memory_space<vmem>> -> memref<512x32xf32, #tpu.memory_space<vmem>>
        %dma_wait3A_301 = arith.constant 0 : i32
        %dma_wait3A_302 = tpu.memref_slice %arg7[%add3A_295, %dma_wait3A_301] : memref<40x512xi32, #tpu.memory_space<vmem>> -> memref<1x512xi32, #tpu.memory_space<vmem>>
        %dma_wait3A_303 = tpu.memref_squeeze %dma_wait3A_302 : memref<1x512xi32, #tpu.memory_space<vmem>> -> memref<512xi32, #tpu.memory_space<vmem>>
        %dma_wait3A_304 = arith.constant 0 : i32
        %dma_wait3A_305 = arith.constant 0 : i32
        %dma_wait3A_306 = tpu.memref_slice %arg3[%dma_wait3A_304, %dma_wait3A_305] : memref<10240x32xf32, #tpu.memory_space<hbm>> -> memref<10240x32xf32, #tpu.memory_space<hbm>>
        tpu.wait_indirect_dma semaphore(%arg14 : memref<!tpu.dma_semaphore, #tpu.memory_space<semaphore_mem>>) src(%dma_wait3A_306 : memref<10240x32xf32, #tpu.memory_space<hbm>>) dst(%dma_wait3A_300 : memref<512x32xf32, #tpu.memory_space<vmem>>)
        %add3A_307 = arith.constant 3 : i32
        %add3A_308 = arith.addi %mul3A_215, %add3A_307 : i32
        %dma_start3A_309 = arith.constant 3 : i32
        %dma_start3A_310 = arith.constant 0 : i32
        %dma_start3A_311 = arith.constant 0 : i32
        %dma_start3A_312 = tpu.memref_slice %arg9[%dma_start3A_309, %dma_start3A_310, %dma_start3A_311] : memref<4x512x32xf32, #tpu.memory_space<vmem>> -> memref<1x512x32xf32, #tpu.memory_space<vmem>>
        %dma_start3A_313 = tpu.memref_squeeze %dma_start3A_312 : memref<1x512x32xf32, #tpu.memory_space<vmem>> -> memref<512x32xf32, #tpu.memory_space<vmem>>
        %dma_start3A_314 = arith.constant 0 : i32
        %dma_start3A_315 = tpu.memref_slice %arg8[%add3A_308, %dma_start3A_314] : memref<40x512xi32, #tpu.memory_space<vmem>> -> memref<1x512xi32, #tpu.memory_space<vmem>>
        %dma_start3A_316 = tpu.memref_squeeze %dma_start3A_315 : memref<1x512xi32, #tpu.memory_space<vmem>> -> memref<512xi32, #tpu.memory_space<vmem>>
        %dma_start3A_317 = arith.constant 0 : i32
        %dma_start3A_318 = arith.constant 0 : i32
        %dma_start3A_319 = tpu.memref_slice %arg10[%dma_start3A_317, %dma_start3A_318] : memref<10240x32xf32, #tpu.memory_space<vmem_shared>> -> memref<10240x32xf32, #tpu.memory_space<vmem_shared>>
        tpu.enqueue_indirect_dma source(%dma_start3A_313 : memref<512x32xf32, #tpu.memory_space<vmem>>) target(%dma_start3A_319 : memref<10240x32xf32, #tpu.memory_space<vmem_shared>>) offsets(%dma_start3A_316 : memref<512xi32, #tpu.memory_space<vmem>>) semaphore(%arg18 : memref<!tpu.dma_semaphore, #tpu.memory_space<semaphore_mem>>) {add = true}
        %add3A_320 = arith.constant 0 : i32
        %add3A_321 = arith.addi %mul3A_215, %add3A_320 : i32
        %add3A_322 = arith.constant 4 : i32
        %add3A_323 = arith.addi %add3A_321, %add3A_322 : i32
        %lt3A = arith.constant 39 : i32
        %lt3A_324 = arith.cmpi slt, %add3A_323, %lt3A : i32
        %convert_element_type3A_325 = arith.extui %lt3A_324 : i1 to i32
        %cond3A_326 = arith.constant 0 : i32
        %cond3A_327 = arith.cmpi ne, %convert_element_type3A_325, %cond3A_326 : i32
        scf.if %cond3A_327 {
          %add3A_355 = arith.constant 0 : i32
          %add3A_356 = arith.addi %mul3A_215, %add3A_355 : i32
          %dma_wait3A_357 = arith.constant 0 : i32
          %dma_wait3A_358 = arith.constant 0 : i32
          %dma_wait3A_359 = arith.constant 0 : i32
          %dma_wait3A_360 = tpu.memref_slice %arg9[%dma_wait3A_357, %dma_wait3A_358, %dma_wait3A_359] : memref<4x512x32xf32, #tpu.memory_space<vmem>> -> memref<1x512x32xf32, #tpu.memory_space<vmem>>
          %dma_wait3A_361 = tpu.memref_squeeze %dma_wait3A_360 : memref<1x512x32xf32, #tpu.memory_space<vmem>> -> memref<512x32xf32, #tpu.memory_space<vmem>>
          %dma_wait3A_362 = arith.constant 0 : i32
          %dma_wait3A_363 = tpu.memref_slice %arg8[%add3A_356, %dma_wait3A_362] : memref<40x512xi32, #tpu.memory_space<vmem>> -> memref<1x512xi32, #tpu.memory_space<vmem>>
          %dma_wait3A_364 = tpu.memref_squeeze %dma_wait3A_363 : memref<1x512xi32, #tpu.memory_space<vmem>> -> memref<512xi32, #tpu.memory_space<vmem>>
          %dma_wait3A_365 = arith.constant 0 : i32
          %dma_wait3A_366 = arith.constant 0 : i32
          %dma_wait3A_367 = tpu.memref_slice %arg10[%dma_wait3A_365, %dma_wait3A_366] : memref<10240x32xf32, #tpu.memory_space<vmem_shared>> -> memref<10240x32xf32, #tpu.memory_space<vmem_shared>>
          tpu.wait_indirect_dma semaphore(%arg15 : memref<!tpu.dma_semaphore, #tpu.memory_space<semaphore_mem>>) src(%dma_wait3A_361 : memref<512x32xf32, #tpu.memory_space<vmem>>) dst(%dma_wait3A_367 : memref<10240x32xf32, #tpu.memory_space<vmem_shared>>)
          %add3A_368 = arith.constant 0 : i32
          %add3A_369 = arith.addi %mul3A_215, %add3A_368 : i32
          %add3A_370 = arith.constant 4 : i32
          %add3A_371 = arith.addi %add3A_369, %add3A_370 : i32
          %dma_start3A_372 = arith.constant 0 : i32
          %dma_start3A_373 = arith.constant 0 : i32
          %dma_start3A_374 = arith.constant 0 : i32
          %dma_start3A_375 = tpu.memref_slice %arg9[%dma_start3A_372, %dma_start3A_373, %dma_start3A_374] : memref<4x512x32xf32, #tpu.memory_space<vmem>> -> memref<1x512x32xf32, #tpu.memory_space<vmem>>
          %dma_start3A_376 = tpu.memref_squeeze %dma_start3A_375 : memref<1x512x32xf32, #tpu.memory_space<vmem>> -> memref<512x32xf32, #tpu.memory_space<vmem>>
          %dma_start3A_377 = arith.constant 0 : i32
          %dma_start3A_378 = tpu.memref_slice %arg7[%add3A_371, %dma_start3A_377] : memref<40x512xi32, #tpu.memory_space<vmem>> -> memref<1x512xi32, #tpu.memory_space<vmem>>
          %dma_start3A_379 = tpu.memref_squeeze %dma_start3A_378 : memref<1x512xi32, #tpu.memory_space<vmem>> -> memref<512xi32, #tpu.memory_space<vmem>>
          %dma_start3A_380 = arith.constant 0 : i32
          %dma_start3A_381 = arith.constant 0 : i32
          %dma_start3A_382 = tpu.memref_slice %arg3[%dma_start3A_380, %dma_start3A_381] : memref<10240x32xf32, #tpu.memory_space<hbm>> -> memref<10240x32xf32, #tpu.memory_space<hbm>>
          tpu.enqueue_indirect_dma source(%dma_start3A_382 : memref<10240x32xf32, #tpu.memory_space<hbm>>) target(%dma_start3A_376 : memref<512x32xf32, #tpu.memory_space<vmem>>) offsets(%dma_start3A_379 : memref<512xi32, #tpu.memory_space<vmem>>) semaphore(%arg11 : memref<!tpu.dma_semaphore, #tpu.memory_space<semaphore_mem>>)
        } else {
        }
        %add3A_328 = arith.constant 1 : i32
        %add3A_329 = arith.addi %mul3A_215, %add3A_328 : i32
        %add3A_330 = arith.constant 4 : i32
        %add3A_331 = arith.addi %add3A_329, %add3A_330 : i32
        %lt3A_332 = arith.constant 39 : i32
        %lt3A_333 = arith.cmpi slt, %add3A_331, %lt3A_332 : i32
        %convert_element_type3A_334 = arith.extui %lt3A_333 : i1 to i32
        %cond3A_335 = arith.constant 0 : i32
        %cond3A_336 = arith.cmpi ne, %convert_element_type3A_334, %cond3A_335 : i32
        scf.if %cond3A_336 {
          %add3A_355 = arith.constant 1 : i32
          %add3A_356 = arith.addi %mul3A_215, %add3A_355 : i32
          %dma_wait3A_357 = arith.constant 1 : i32
          %dma_wait3A_358 = arith.constant 0 : i32
          %dma_wait3A_359 = arith.constant 0 : i32
          %dma_wait3A_360 = tpu.memref_slice %arg9[%dma_wait3A_357, %dma_wait3A_358, %dma_wait3A_359] : memref<4x512x32xf32, #tpu.memory_space<vmem>> -> memref<1x512x32xf32, #tpu.memory_space<vmem>>
          %dma_wait3A_361 = tpu.memref_squeeze %dma_wait3A_360 : memref<1x512x32xf32, #tpu.memory_space<vmem>> -> memref<512x32xf32, #tpu.memory_space<vmem>>
          %dma_wait3A_362 = arith.constant 0 : i32
          %dma_wait3A_363 = tpu.memref_slice %arg8[%add3A_356, %dma_wait3A_362] : memref<40x512xi32, #tpu.memory_space<vmem>> -> memref<1x512xi32, #tpu.memory_space<vmem>>
          %dma_wait3A_364 = tpu.memref_squeeze %dma_wait3A_363 : memref<1x512xi32, #tpu.memory_space<vmem>> -> memref<512xi32, #tpu.memory_space<vmem>>
          %dma_wait3A_365 = arith.constant 0 : i32
          %dma_wait3A_366 = arith.constant 0 : i32
          %dma_wait3A_367 = tpu.memref_slice %arg10[%dma_wait3A_365, %dma_wait3A_366] : memref<10240x32xf32, #tpu.memory_space<vmem_shared>> -> memref<10240x32xf32, #tpu.memory_space<vmem_shared>>
          tpu.wait_indirect_dma semaphore(%arg16 : memref<!tpu.dma_semaphore, #tpu.memory_space<semaphore_mem>>) src(%dma_wait3A_361 : memref<512x32xf32, #tpu.memory_space<vmem>>) dst(%dma_wait3A_367 : memref<10240x32xf32, #tpu.memory_space<vmem_shared>>)
          %add3A_368 = arith.constant 1 : i32
          %add3A_369 = arith.addi %mul3A_215, %add3A_368 : i32
          %add3A_370 = arith.constant 4 : i32
          %add3A_371 = arith.addi %add3A_369, %add3A_370 : i32
          %dma_start3A_372 = arith.constant 1 : i32
          %dma_start3A_373 = arith.constant 0 : i32
          %dma_start3A_374 = arith.constant 0 : i32
          %dma_start3A_375 = tpu.memref_slice %arg9[%dma_start3A_372, %dma_start3A_373, %dma_start3A_374] : memref<4x512x32xf32, #tpu.memory_space<vmem>> -> memref<1x512x32xf32, #tpu.memory_space<vmem>>
          %dma_start3A_376 = tpu.memref_squeeze %dma_start3A_375 : memref<1x512x32xf32, #tpu.memory_space<vmem>> -> memref<512x32xf32, #tpu.memory_space<vmem>>
          %dma_start3A_377 = arith.constant 0 : i32
          %dma_start3A_378 = tpu.memref_slice %arg7[%add3A_371, %dma_start3A_377] : memref<40x512xi32, #tpu.memory_space<vmem>> -> memref<1x512xi32, #tpu.memory_space<vmem>>
          %dma_start3A_379 = tpu.memref_squeeze %dma_start3A_378 : memref<1x512xi32, #tpu.memory_space<vmem>> -> memref<512xi32, #tpu.memory_space<vmem>>
          %dma_start3A_380 = arith.constant 0 : i32
          %dma_start3A_381 = arith.constant 0 : i32
          %dma_start3A_382 = tpu.memref_slice %arg3[%dma_start3A_380, %dma_start3A_381] : memref<10240x32xf32, #tpu.memory_space<hbm>> -> memref<10240x32xf32, #tpu.memory_space<hbm>>
          tpu.enqueue_indirect_dma source(%dma_start3A_382 : memref<10240x32xf32, #tpu.memory_space<hbm>>) target(%dma_start3A_376 : memref<512x32xf32, #tpu.memory_space<vmem>>) offsets(%dma_start3A_379 : memref<512xi32, #tpu.memory_space<vmem>>) semaphore(%arg12 : memref<!tpu.dma_semaphore, #tpu.memory_space<semaphore_mem>>)
        } else {
        }
        %add3A_337 = arith.constant 2 : i32
        %add3A_338 = arith.addi %mul3A_215, %add3A_337 : i32
        %add3A_339 = arith.constant 4 : i32
        %add3A_340 = arith.addi %add3A_338, %add3A_339 : i32
        %lt3A_341 = arith.constant 39 : i32
        %lt3A_342 = arith.cmpi slt, %add3A_340, %lt3A_341 : i32
        %convert_element_type3A_343 = arith.extui %lt3A_342 : i1 to i32
        %cond3A_344 = arith.constant 0 : i32
        %cond3A_345 = arith.cmpi ne, %convert_element_type3A_343, %cond3A_344 : i32
        scf.if %cond3A_345 {
          %add3A_355 = arith.constant 2 : i32
          %add3A_356 = arith.addi %mul3A_215, %add3A_355 : i32
          %dma_wait3A_357 = arith.constant 2 : i32
          %dma_wait3A_358 = arith.constant 0 : i32
          %dma_wait3A_359 = arith.constant 0 : i32
          %dma_wait3A_360 = tpu.memref_slice %arg9[%dma_wait3A_357, %dma_wait3A_358, %dma_wait3A_359] : memref<4x512x32xf32, #tpu.memory_space<vmem>> -> memref<1x512x32xf32, #tpu.memory_space<vmem>>
          %dma_wait3A_361 = tpu.memref_squeeze %dma_wait3A_360 : memref<1x512x32xf32, #tpu.memory_space<vmem>> -> memref<512x32xf32, #tpu.memory_space<vmem>>
          %dma_wait3A_362 = arith.constant 0 : i32
          %dma_wait3A_363 = tpu.memref_slice %arg8[%add3A_356, %dma_wait3A_362] : memref<40x512xi32, #tpu.memory_space<vmem>> -> memref<1x512xi32, #tpu.memory_space<vmem>>
          %dma_wait3A_364 = tpu.memref_squeeze %dma_wait3A_363 : memref<1x512xi32, #tpu.memory_space<vmem>> -> memref<512xi32, #tpu.memory_space<vmem>>
          %dma_wait3A_365 = arith.constant 0 : i32
          %dma_wait3A_366 = arith.constant 0 : i32
          %dma_wait3A_367 = tpu.memref_slice %arg10[%dma_wait3A_365, %dma_wait3A_366] : memref<10240x32xf32, #tpu.memory_space<vmem_shared>> -> memref<10240x32xf32, #tpu.memory_space<vmem_shared>>
          tpu.wait_indirect_dma semaphore(%arg17 : memref<!tpu.dma_semaphore, #tpu.memory_space<semaphore_mem>>) src(%dma_wait3A_361 : memref<512x32xf32, #tpu.memory_space<vmem>>) dst(%dma_wait3A_367 : memref<10240x32xf32, #tpu.memory_space<vmem_shared>>)
          %add3A_368 = arith.constant 2 : i32
          %add3A_369 = arith.addi %mul3A_215, %add3A_368 : i32
          %add3A_370 = arith.constant 4 : i32
          %add3A_371 = arith.addi %add3A_369, %add3A_370 : i32
          %dma_start3A_372 = arith.constant 2 : i32
          %dma_start3A_373 = arith.constant 0 : i32
          %dma_start3A_374 = arith.constant 0 : i32
          %dma_start3A_375 = tpu.memref_slice %arg9[%dma_start3A_372, %dma_start3A_373, %dma_start3A_374] : memref<4x512x32xf32, #tpu.memory_space<vmem>> -> memref<1x512x32xf32, #tpu.memory_space<vmem>>
          %dma_start3A_376 = tpu.memref_squeeze %dma_start3A_375 : memref<1x512x32xf32, #tpu.memory_space<vmem>> -> memref<512x32xf32, #tpu.memory_space<vmem>>
          %dma_start3A_377 = arith.constant 0 : i32
          %dma_start3A_378 = tpu.memref_slice %arg7[%add3A_371, %dma_start3A_377] : memref<40x512xi32, #tpu.memory_space<vmem>> -> memref<1x512xi32, #tpu.memory_space<vmem>>
          %dma_start3A_379 = tpu.memref_squeeze %dma_start3A_378 : memref<1x512xi32, #tpu.memory_space<vmem>> -> memref<512xi32, #tpu.memory_space<vmem>>
          %dma_start3A_380 = arith.constant 0 : i32
          %dma_start3A_381 = arith.constant 0 : i32
          %dma_start3A_382 = tpu.memref_slice %arg3[%dma_start3A_380, %dma_start3A_381] : memref<10240x32xf32, #tpu.memory_space<hbm>> -> memref<10240x32xf32, #tpu.memory_space<hbm>>
          tpu.enqueue_indirect_dma source(%dma_start3A_382 : memref<10240x32xf32, #tpu.memory_space<hbm>>) target(%dma_start3A_376 : memref<512x32xf32, #tpu.memory_space<vmem>>) offsets(%dma_start3A_379 : memref<512xi32, #tpu.memory_space<vmem>>) semaphore(%arg13 : memref<!tpu.dma_semaphore, #tpu.memory_space<semaphore_mem>>)
        } else {
        }
        %add3A_346 = arith.constant 3 : i32
        %add3A_347 = arith.addi %mul3A_215, %add3A_346 : i32
        %add3A_348 = arith.constant 4 : i32
        %add3A_349 = arith.addi %add3A_347, %add3A_348 : i32
        %lt3A_350 = arith.constant 39 : i32
        %lt3A_351 = arith.cmpi slt, %add3A_349, %lt3A_350 : i32
        %convert_element_type3A_352 = arith.extui %lt3A_351 : i1 to i32
        %cond3A_353 = arith.constant 0 : i32
        %cond3A_354 = arith.cmpi ne, %convert_element_type3A_352, %cond3A_353 : i32
        scf.if %cond3A_354 {
          %add3A_355 = arith.constant 3 : i32
          %add3A_356 = arith.addi %mul3A_215, %add3A_355 : i32
          %dma_wait3A_357 = arith.constant 3 : i32
          %dma_wait3A_358 = arith.constant 0 : i32
          %dma_wait3A_359 = arith.constant 0 : i32
          %dma_wait3A_360 = tpu.memref_slice %arg9[%dma_wait3A_357, %dma_wait3A_358, %dma_wait3A_359] : memref<4x512x32xf32, #tpu.memory_space<vmem>> -> memref<1x512x32xf32, #tpu.memory_space<vmem>>
          %dma_wait3A_361 = tpu.memref_squeeze %dma_wait3A_360 : memref<1x512x32xf32, #tpu.memory_space<vmem>> -> memref<512x32xf32, #tpu.memory_space<vmem>>
          %dma_wait3A_362 = arith.constant 0 : i32
          %dma_wait3A_363 = tpu.memref_slice %arg8[%add3A_356, %dma_wait3A_362] : memref<40x512xi32, #tpu.memory_space<vmem>> -> memref<1x512xi32, #tpu.memory_space<vmem>>
          %dma_wait3A_364 = tpu.memref_squeeze %dma_wait3A_363 : memref<1x512xi32, #tpu.memory_space<vmem>> -> memref<512xi32, #tpu.memory_space<vmem>>
          %dma_wait3A_365 = arith.constant 0 : i32
          %dma_wait3A_366 = arith.constant 0 : i32
          %dma_wait3A_367 = tpu.memref_slice %arg10[%dma_wait3A_365, %dma_wait3A_366] : memref<10240x32xf32, #tpu.memory_space<vmem_shared>> -> memref<10240x32xf32, #tpu.memory_space<vmem_shared>>
          tpu.wait_indirect_dma semaphore(%arg18 : memref<!tpu.dma_semaphore, #tpu.memory_space<semaphore_mem>>) src(%dma_wait3A_361 : memref<512x32xf32, #tpu.memory_space<vmem>>) dst(%dma_wait3A_367 : memref<10240x32xf32, #tpu.memory_space<vmem_shared>>)
          %add3A_368 = arith.constant 3 : i32
          %add3A_369 = arith.addi %mul3A_215, %add3A_368 : i32
          %add3A_370 = arith.constant 4 : i32
          %add3A_371 = arith.addi %add3A_369, %add3A_370 : i32
          %dma_start3A_372 = arith.constant 3 : i32
          %dma_start3A_373 = arith.constant 0 : i32
          %dma_start3A_374 = arith.constant 0 : i32
          %dma_start3A_375 = tpu.memref_slice %arg9[%dma_start3A_372, %dma_start3A_373, %dma_start3A_374] : memref<4x512x32xf32, #tpu.memory_space<vmem>> -> memref<1x512x32xf32, #tpu.memory_space<vmem>>
          %dma_start3A_376 = tpu.memref_squeeze %dma_start3A_375 : memref<1x512x32xf32, #tpu.memory_space<vmem>> -> memref<512x32xf32, #tpu.memory_space<vmem>>
          %dma_start3A_377 = arith.constant 0 : i32
          %dma_start3A_378 = tpu.memref_slice %arg7[%add3A_371, %dma_start3A_377] : memref<40x512xi32, #tpu.memory_space<vmem>> -> memref<1x512xi32, #tpu.memory_space<vmem>>
          %dma_start3A_379 = tpu.memref_squeeze %dma_start3A_378 : memref<1x512xi32, #tpu.memory_space<vmem>> -> memref<512xi32, #tpu.memory_space<vmem>>
          %dma_start3A_380 = arith.constant 0 : i32
          %dma_start3A_381 = arith.constant 0 : i32
          %dma_start3A_382 = tpu.memref_slice %arg3[%dma_start3A_380, %dma_start3A_381] : memref<10240x32xf32, #tpu.memory_space<hbm>> -> memref<10240x32xf32, #tpu.memory_space<hbm>>
          tpu.enqueue_indirect_dma source(%dma_start3A_382 : memref<10240x32xf32, #tpu.memory_space<hbm>>) target(%dma_start3A_376 : memref<512x32xf32, #tpu.memory_space<vmem>>) offsets(%dma_start3A_379 : memref<512xi32, #tpu.memory_space<vmem>>) semaphore(%arg14 : memref<!tpu.dma_semaphore, #tpu.memory_space<semaphore_mem>>)
        } else {
        }
      }
      %scan3A_88 = arith.constant 9 : i32
      %dma_wait3A = arith.constant 36 : i32
      %dma_wait3A_89 = arith.constant 0 : i32
      %dma_wait3A_90 = arith.constant 0 : i32
      %dma_wait3A_91 = arith.constant 0 : i32
      %dma_wait3A_92 = tpu.memref_slice %arg9[%dma_wait3A_89, %dma_wait3A_90, %dma_wait3A_91] : memref<4x512x32xf32, #tpu.memory_space<vmem>> -> memref<1x512x32xf32, #tpu.memory_space<vmem>>
      %dma_wait3A_93 = tpu.memref_squeeze %dma_wait3A_92 : memref<1x512x32xf32, #tpu.memory_space<vmem>> -> memref<512x32xf32, #tpu.memory_space<vmem>>
      %dma_wait3A_94 = arith.constant 0 : i32
      %dma_wait3A_95 = tpu.memref_slice %arg7[%dma_wait3A, %dma_wait3A_94] : memref<40x512xi32, #tpu.memory_space<vmem>> -> memref<1x512xi32, #tpu.memory_space<vmem>>
      %dma_wait3A_96 = tpu.memref_squeeze %dma_wait3A_95 : memref<1x512xi32, #tpu.memory_space<vmem>> -> memref<512xi32, #tpu.memory_space<vmem>>
      %dma_wait3A_97 = arith.constant 0 : i32
      %dma_wait3A_98 = arith.constant 0 : i32
      %dma_wait3A_99 = tpu.memref_slice %arg3[%dma_wait3A_97, %dma_wait3A_98] : memref<10240x32xf32, #tpu.memory_space<hbm>> -> memref<10240x32xf32, #tpu.memory_space<hbm>>
      tpu.wait_indirect_dma semaphore(%arg11 : memref<!tpu.dma_semaphore, #tpu.memory_space<semaphore_mem>>) src(%dma_wait3A_99 : memref<10240x32xf32, #tpu.memory_space<hbm>>) dst(%dma_wait3A_93 : memref<512x32xf32, #tpu.memory_space<vmem>>)
      %dma_start3A_100 = arith.constant 0 : i32
      %dma_start3A_101 = arith.constant 36 : i32
      %dma_start3A_102 = arith.constant 0 : i32
      %dma_start3A_103 = arith.constant 0 : i32
      %dma_start3A_104 = tpu.memref_slice %arg9[%dma_start3A_100, %dma_start3A_102, %dma_start3A_103] : memref<4x512x32xf32, #tpu.memory_space<vmem>> -> memref<1x512x32xf32, #tpu.memory_space<vmem>>
      %dma_start3A_105 = tpu.memref_squeeze %dma_start3A_104 : memref<1x512x32xf32, #tpu.memory_space<vmem>> -> memref<512x32xf32, #tpu.memory_space<vmem>>
      %dma_start3A_106 = arith.constant 0 : i32
      %dma_start3A_107 = tpu.memref_slice %arg8[%dma_start3A_101, %dma_start3A_106] : memref<40x512xi32, #tpu.memory_space<vmem>> -> memref<1x512xi32, #tpu.memory_space<vmem>>
      %dma_start3A_108 = tpu.memref_squeeze %dma_start3A_107 : memref<1x512xi32, #tpu.memory_space<vmem>> -> memref<512xi32, #tpu.memory_space<vmem>>
      %dma_start3A_109 = arith.constant 0 : i32
      %dma_start3A_110 = arith.constant 0 : i32
      %dma_start3A_111 = tpu.memref_slice %arg10[%dma_start3A_109, %dma_start3A_110] : memref<10240x32xf32, #tpu.memory_space<vmem_shared>> -> memref<10240x32xf32, #tpu.memory_space<vmem_shared>>
      tpu.enqueue_indirect_dma source(%dma_start3A_105 : memref<512x32xf32, #tpu.memory_space<vmem>>) target(%dma_start3A_111 : memref<10240x32xf32, #tpu.memory_space<vmem_shared>>) offsets(%dma_start3A_108 : memref<512xi32, #tpu.memory_space<vmem>>) semaphore(%arg15 : memref<!tpu.dma_semaphore, #tpu.memory_space<semaphore_mem>>) {add = true}
      %dma_wait3A_112 = arith.constant 37 : i32
      %dma_wait3A_113 = arith.constant 1 : i32
      %dma_wait3A_114 = arith.constant 0 : i32
      %dma_wait3A_115 = arith.constant 0 : i32
      %dma_wait3A_116 = tpu.memref_slice %arg9[%dma_wait3A_113, %dma_wait3A_114, %dma_wait3A_115] : memref<4x512x32xf32, #tpu.memory_space<vmem>> -> memref<1x512x32xf32, #tpu.memory_space<vmem>>
      %dma_wait3A_117 = tpu.memref_squeeze %dma_wait3A_116 : memref<1x512x32xf32, #tpu.memory_space<vmem>> -> memref<512x32xf32, #tpu.memory_space<vmem>>
      %dma_wait3A_118 = arith.constant 0 : i32
      %dma_wait3A_119 = tpu.memref_slice %arg7[%dma_wait3A_112, %dma_wait3A_118] : memref<40x512xi32, #tpu.memory_space<vmem>> -> memref<1x512xi32, #tpu.memory_space<vmem>>
      %dma_wait3A_120 = tpu.memref_squeeze %dma_wait3A_119 : memref<1x512xi32, #tpu.memory_space<vmem>> -> memref<512xi32, #tpu.memory_space<vmem>>
      %dma_wait3A_121 = arith.constant 0 : i32
      %dma_wait3A_122 = arith.constant 0 : i32
      %dma_wait3A_123 = tpu.memref_slice %arg3[%dma_wait3A_121, %dma_wait3A_122] : memref<10240x32xf32, #tpu.memory_space<hbm>> -> memref<10240x32xf32, #tpu.memory_space<hbm>>
      tpu.wait_indirect_dma semaphore(%arg12 : memref<!tpu.dma_semaphore, #tpu.memory_space<semaphore_mem>>) src(%dma_wait3A_123 : memref<10240x32xf32, #tpu.memory_space<hbm>>) dst(%dma_wait3A_117 : memref<512x32xf32, #tpu.memory_space<vmem>>)
      %dma_start3A_124 = arith.constant 1 : i32
      %dma_start3A_125 = arith.constant 37 : i32
      %dma_start3A_126 = arith.constant 0 : i32
      %dma_start3A_127 = arith.constant 0 : i32
      %dma_start3A_128 = tpu.memref_slice %arg9[%dma_start3A_124, %dma_start3A_126, %dma_start3A_127] : memref<4x512x32xf32, #tpu.memory_space<vmem>> -> memref<1x512x32xf32, #tpu.memory_space<vmem>>
      %dma_start3A_129 = tpu.memref_squeeze %dma_start3A_128 : memref<1x512x32xf32, #tpu.memory_space<vmem>> -> memref<512x32xf32, #tpu.memory_space<vmem>>
      %dma_start3A_130 = arith.constant 0 : i32
      %dma_start3A_131 = tpu.memref_slice %arg8[%dma_start3A_125, %dma_start3A_130] : memref<40x512xi32, #tpu.memory_space<vmem>> -> memref<1x512xi32, #tpu.memory_space<vmem>>
      %dma_start3A_132 = tpu.memref_squeeze %dma_start3A_131 : memref<1x512xi32, #tpu.memory_space<vmem>> -> memref<512xi32, #tpu.memory_space<vmem>>
      %dma_start3A_133 = arith.constant 0 : i32
      %dma_start3A_134 = arith.constant 0 : i32
      %dma_start3A_135 = tpu.memref_slice %arg10[%dma_start3A_133, %dma_start3A_134] : memref<10240x32xf32, #tpu.memory_space<vmem_shared>> -> memref<10240x32xf32, #tpu.memory_space<vmem_shared>>
      tpu.enqueue_indirect_dma source(%dma_start3A_129 : memref<512x32xf32, #tpu.memory_space<vmem>>) target(%dma_start3A_135 : memref<10240x32xf32, #tpu.memory_space<vmem_shared>>) offsets(%dma_start3A_132 : memref<512xi32, #tpu.memory_space<vmem>>) semaphore(%arg16 : memref<!tpu.dma_semaphore, #tpu.memory_space<semaphore_mem>>) {add = true}
      %dma_wait3A_136 = arith.constant 38 : i32
      %dma_wait3A_137 = arith.constant 2 : i32
      %dma_wait3A_138 = arith.constant 0 : i32
      %dma_wait3A_139 = arith.constant 0 : i32
      %dma_wait3A_140 = tpu.memref_slice %arg9[%dma_wait3A_137, %dma_wait3A_138, %dma_wait3A_139] : memref<4x512x32xf32, #tpu.memory_space<vmem>> -> memref<1x512x32xf32, #tpu.memory_space<vmem>>
      %dma_wait3A_141 = tpu.memref_squeeze %dma_wait3A_140 : memref<1x512x32xf32, #tpu.memory_space<vmem>> -> memref<512x32xf32, #tpu.memory_space<vmem>>
      %dma_wait3A_142 = arith.constant 0 : i32
      %dma_wait3A_143 = tpu.memref_slice %arg7[%dma_wait3A_136, %dma_wait3A_142] : memref<40x512xi32, #tpu.memory_space<vmem>> -> memref<1x512xi32, #tpu.memory_space<vmem>>
      %dma_wait3A_144 = tpu.memref_squeeze %dma_wait3A_143 : memref<1x512xi32, #tpu.memory_space<vmem>> -> memref<512xi32, #tpu.memory_space<vmem>>
      %dma_wait3A_145 = arith.constant 0 : i32
      %dma_wait3A_146 = arith.constant 0 : i32
      %dma_wait3A_147 = tpu.memref_slice %arg3[%dma_wait3A_145, %dma_wait3A_146] : memref<10240x32xf32, #tpu.memory_space<hbm>> -> memref<10240x32xf32, #tpu.memory_space<hbm>>
      tpu.wait_indirect_dma semaphore(%arg13 : memref<!tpu.dma_semaphore, #tpu.memory_space<semaphore_mem>>) src(%dma_wait3A_147 : memref<10240x32xf32, #tpu.memory_space<hbm>>) dst(%dma_wait3A_141 : memref<512x32xf32, #tpu.memory_space<vmem>>)
      %dma_start3A_148 = arith.constant 2 : i32
      %dma_start3A_149 = arith.constant 38 : i32
      %dma_start3A_150 = arith.constant 0 : i32
      %dma_start3A_151 = arith.constant 0 : i32
      %dma_start3A_152 = tpu.memref_slice %arg9[%dma_start3A_148, %dma_start3A_150, %dma_start3A_151] : memref<4x512x32xf32, #tpu.memory_space<vmem>> -> memref<1x512x32xf32, #tpu.memory_space<vmem>>
      %dma_start3A_153 = tpu.memref_squeeze %dma_start3A_152 : memref<1x512x32xf32, #tpu.memory_space<vmem>> -> memref<512x32xf32, #tpu.memory_space<vmem>>
      %dma_start3A_154 = arith.constant 0 : i32
      %dma_start3A_155 = tpu.memref_slice %arg8[%dma_start3A_149, %dma_start3A_154] : memref<40x512xi32, #tpu.memory_space<vmem>> -> memref<1x512xi32, #tpu.memory_space<vmem>>
      %dma_start3A_156 = tpu.memref_squeeze %dma_start3A_155 : memref<1x512xi32, #tpu.memory_space<vmem>> -> memref<512xi32, #tpu.memory_space<vmem>>
      %dma_start3A_157 = arith.constant 0 : i32
      %dma_start3A_158 = arith.constant 0 : i32
      %dma_start3A_159 = tpu.memref_slice %arg10[%dma_start3A_157, %dma_start3A_158] : memref<10240x32xf32, #tpu.memory_space<vmem_shared>> -> memref<10240x32xf32, #tpu.memory_space<vmem_shared>>
      tpu.enqueue_indirect_dma source(%dma_start3A_153 : memref<512x32xf32, #tpu.memory_space<vmem>>) target(%dma_start3A_159 : memref<10240x32xf32, #tpu.memory_space<vmem_shared>>) offsets(%dma_start3A_156 : memref<512xi32, #tpu.memory_space<vmem>>) semaphore(%arg17 : memref<!tpu.dma_semaphore, #tpu.memory_space<semaphore_mem>>) {add = true}
      %dma_wait3A_160 = arith.constant 3 : i32
      %dma_wait3A_161 = arith.constant 35 : i32
      %dma_wait3A_162 = arith.constant 0 : i32
      %dma_wait3A_163 = arith.constant 0 : i32
      %dma_wait3A_164 = tpu.memref_slice %arg9[%dma_wait3A_160, %dma_wait3A_162, %dma_wait3A_163] : memref<4x512x32xf32, #tpu.memory_space<vmem>> -> memref<1x512x32xf32, #tpu.memory_space<vmem>>
      %dma_wait3A_165 = tpu.memref_squeeze %dma_wait3A_164 : memref<1x512x32xf32, #tpu.memory_space<vmem>> -> memref<512x32xf32, #tpu.memory_space<vmem>>
      %dma_wait3A_166 = arith.constant 0 : i32
      %dma_wait3A_167 = tpu.memref_slice %arg8[%dma_wait3A_161, %dma_wait3A_166] : memref<40x512xi32, #tpu.memory_space<vmem>> -> memref<1x512xi32, #tpu.memory_space<vmem>>
      %dma_wait3A_168 = tpu.memref_squeeze %dma_wait3A_167 : memref<1x512xi32, #tpu.memory_space<vmem>> -> memref<512xi32, #tpu.memory_space<vmem>>
      %dma_wait3A_169 = arith.constant 0 : i32
      %dma_wait3A_170 = arith.constant 0 : i32
      %dma_wait3A_171 = tpu.memref_slice %arg10[%dma_wait3A_169, %dma_wait3A_170] : memref<10240x32xf32, #tpu.memory_space<vmem_shared>> -> memref<10240x32xf32, #tpu.memory_space<vmem_shared>>
      tpu.wait_indirect_dma semaphore(%arg18 : memref<!tpu.dma_semaphore, #tpu.memory_space<semaphore_mem>>) src(%dma_wait3A_165 : memref<512x32xf32, #tpu.memory_space<vmem>>) dst(%dma_wait3A_171 : memref<10240x32xf32, #tpu.memory_space<vmem_shared>>)
      %dma_wait3A_172 = arith.constant 0 : i32
      %dma_wait3A_173 = arith.constant 36 : i32
      %dma_wait3A_174 = arith.constant 0 : i32
      %dma_wait3A_175 = arith.constant 0 : i32
      %dma_wait3A_176 = tpu.memref_slice %arg9[%dma_wait3A_172, %dma_wait3A_174, %dma_wait3A_175] : memref<4x512x32xf32, #tpu.memory_space<vmem>> -> memref<1x512x32xf32, #tpu.memory_space<vmem>>
      %dma_wait3A_177 = tpu.memref_squeeze %dma_wait3A_176 : memref<1x512x32xf32, #tpu.memory_space<vmem>> -> memref<512x32xf32, #tpu.memory_space<vmem>>
      %dma_wait3A_178 = arith.constant 0 : i32
      %dma_wait3A_179 = tpu.memref_slice %arg8[%dma_wait3A_173, %dma_wait3A_178] : memref<40x512xi32, #tpu.memory_space<vmem>> -> memref<1x512xi32, #tpu.memory_space<vmem>>
      %dma_wait3A_180 = tpu.memref_squeeze %dma_wait3A_179 : memref<1x512xi32, #tpu.memory_space<vmem>> -> memref<512xi32, #tpu.memory_space<vmem>>
      %dma_wait3A_181 = arith.constant 0 : i32
      %dma_wait3A_182 = arith.constant 0 : i32
      %dma_wait3A_183 = tpu.memref_slice %arg10[%dma_wait3A_181, %dma_wait3A_182] : memref<10240x32xf32, #tpu.memory_space<vmem_shared>> -> memref<10240x32xf32, #tpu.memory_space<vmem_shared>>
      tpu.wait_indirect_dma semaphore(%arg15 : memref<!tpu.dma_semaphore, #tpu.memory_space<semaphore_mem>>) src(%dma_wait3A_177 : memref<512x32xf32, #tpu.memory_space<vmem>>) dst(%dma_wait3A_183 : memref<10240x32xf32, #tpu.memory_space<vmem_shared>>)
      %dma_wait3A_184 = arith.constant 1 : i32
      %dma_wait3A_185 = arith.constant 37 : i32
      %dma_wait3A_186 = arith.constant 0 : i32
      %dma_wait3A_187 = arith.constant 0 : i32
      %dma_wait3A_188 = tpu.memref_slice %arg9[%dma_wait3A_184, %dma_wait3A_186, %dma_wait3A_187] : memref<4x512x32xf32, #tpu.memory_space<vmem>> -> memref<1x512x32xf32, #tpu.memory_space<vmem>>
      %dma_wait3A_189 = tpu.memref_squeeze %dma_wait3A_188 : memref<1x512x32xf32, #tpu.memory_space<vmem>> -> memref<512x32xf32, #tpu.memory_space<vmem>>
      %dma_wait3A_190 = arith.constant 0 : i32
      %dma_wait3A_191 = tpu.memref_slice %arg8[%dma_wait3A_185, %dma_wait3A_190] : memref<40x512xi32, #tpu.memory_space<vmem>> -> memref<1x512xi32, #tpu.memory_space<vmem>>
      %dma_wait3A_192 = tpu.memref_squeeze %dma_wait3A_191 : memref<1x512xi32, #tpu.memory_space<vmem>> -> memref<512xi32, #tpu.memory_space<vmem>>
      %dma_wait3A_193 = arith.constant 0 : i32
      %dma_wait3A_194 = arith.constant 0 : i32
      %dma_wait3A_195 = tpu.memref_slice %arg10[%dma_wait3A_193, %dma_wait3A_194] : memref<10240x32xf32, #tpu.memory_space<vmem_shared>> -> memref<10240x32xf32, #tpu.memory_space<vmem_shared>>
      tpu.wait_indirect_dma semaphore(%arg16 : memref<!tpu.dma_semaphore, #tpu.memory_space<semaphore_mem>>) src(%dma_wait3A_189 : memref<512x32xf32, #tpu.memory_space<vmem>>) dst(%dma_wait3A_195 : memref<10240x32xf32, #tpu.memory_space<vmem_shared>>)
      %dma_wait3A_196 = arith.constant 2 : i32
      %dma_wait3A_197 = arith.constant 38 : i32
      %dma_wait3A_198 = arith.constant 0 : i32
      %dma_wait3A_199 = arith.constant 0 : i32
      %dma_wait3A_200 = tpu.memref_slice %arg9[%dma_wait3A_196, %dma_wait3A_198, %dma_wait3A_199] : memref<4x512x32xf32, #tpu.memory_space<vmem>> -> memref<1x512x32xf32, #tpu.memory_space<vmem>>
      %dma_wait3A_201 = tpu.memref_squeeze %dma_wait3A_200 : memref<1x512x32xf32, #tpu.memory_space<vmem>> -> memref<512x32xf32, #tpu.memory_space<vmem>>
      %dma_wait3A_202 = arith.constant 0 : i32
      %dma_wait3A_203 = tpu.memref_slice %arg8[%dma_wait3A_197, %dma_wait3A_202] : memref<40x512xi32, #tpu.memory_space<vmem>> -> memref<1x512xi32, #tpu.memory_space<vmem>>
      %dma_wait3A_204 = tpu.memref_squeeze %dma_wait3A_203 : memref<1x512xi32, #tpu.memory_space<vmem>> -> memref<512xi32, #tpu.memory_space<vmem>>
      %dma_wait3A_205 = arith.constant 0 : i32
      %dma_wait3A_206 = arith.constant 0 : i32
      %dma_wait3A_207 = tpu.memref_slice %arg10[%dma_wait3A_205, %dma_wait3A_206] : memref<10240x32xf32, #tpu.memory_space<vmem_shared>> -> memref<10240x32xf32, #tpu.memory_space<vmem_shared>>
      tpu.wait_indirect_dma semaphore(%arg17 : memref<!tpu.dma_semaphore, #tpu.memory_space<semaphore_mem>>) src(%dma_wait3A_201 : memref<512x32xf32, #tpu.memory_space<vmem>>) dst(%dma_wait3A_207 : memref<10240x32xf32, #tpu.memory_space<vmem_shared>>)
      %eq3A_208 = arith.constant 0 : i32
      %eq3A_209 = arith.cmpi eq, %arg1, %eq3A_208 : i32
      %convert_element_type3A_210 = arith.extui %eq3A_209 : i1 to i32
      %cond3A_211 = arith.constant 0 : i32
      %cond3A_212 = arith.cmpi ne, %convert_element_type3A_210, %cond3A_211 : i32
      scf.if %cond3A_212 {
        %dma_start3A_213 = arith.constant 39 : i32
        %dma_start3A_214 = arith.constant 3 : i32
        %dma_start3A_215 = arith.constant 0 : i32
        %dma_start3A_216 = arith.constant 0 : i32
        %dma_start3A_217 = tpu.memref_slice %arg9[%dma_start3A_214, %dma_start3A_215, %dma_start3A_216] : memref<4x512x32xf32, #tpu.memory_space<vmem>> -> memref<1x512x32xf32, #tpu.memory_space<vmem>>
        %dma_start3A_218 = tpu.memref_squeeze %dma_start3A_217 : memref<1x512x32xf32, #tpu.memory_space<vmem>> -> memref<512x32xf32, #tpu.memory_space<vmem>>
        %dma_start3A_219 = arith.constant 0 : i32
        %dma_start3A_220 = tpu.memref_slice %arg7[%dma_start3A_213, %dma_start3A_219] : memref<40x512xi32, #tpu.memory_space<vmem>> -> memref<1x512xi32, #tpu.memory_space<vmem>>
        %dma_start3A_221 = tpu.memref_squeeze %dma_start3A_220 : memref<1x512xi32, #tpu.memory_space<vmem>> -> memref<512xi32, #tpu.memory_space<vmem>>
        %dma_start3A_222 = arith.constant 0 : i32
        %dma_start3A_223 = arith.constant 0 : i32
        %dma_start3A_224 = tpu.memref_slice %arg3[%dma_start3A_222, %dma_start3A_223] : memref<10240x32xf32, #tpu.memory_space<hbm>> -> memref<10240x32xf32, #tpu.memory_space<hbm>>
        tpu.enqueue_indirect_dma source(%dma_start3A_224 : memref<10240x32xf32, #tpu.memory_space<hbm>>) target(%dma_start3A_218 : memref<512x32xf32, #tpu.memory_space<vmem>>) offsets(%dma_start3A_221 : memref<512xi32, #tpu.memory_space<vmem>>) semaphore(%arg14 : memref<!tpu.dma_semaphore, #tpu.memory_space<semaphore_mem>>)
        %dma_wait3A_225 = arith.constant 39 : i32
        %dma_wait3A_226 = arith.constant 3 : i32
        %dma_wait3A_227 = arith.constant 0 : i32
        %dma_wait3A_228 = arith.constant 0 : i32
        %dma_wait3A_229 = tpu.memref_slice %arg9[%dma_wait3A_226, %dma_wait3A_227, %dma_wait3A_228] : memref<4x512x32xf32, #tpu.memory_space<vmem>> -> memref<1x512x32xf32, #tpu.memory_space<vmem>>
        %dma_wait3A_230 = tpu.memref_squeeze %dma_wait3A_229 : memref<1x512x32xf32, #tpu.memory_space<vmem>> -> memref<512x32xf32, #tpu.memory_space<vmem>>
        %dma_wait3A_231 = arith.constant 0 : i32
        %dma_wait3A_232 = tpu.memref_slice %arg7[%dma_wait3A_225, %dma_wait3A_231] : memref<40x512xi32, #tpu.memory_space<vmem>> -> memref<1x512xi32, #tpu.memory_space<vmem>>
        %dma_wait3A_233 = tpu.memref_squeeze %dma_wait3A_232 : memref<1x512xi32, #tpu.memory_space<vmem>> -> memref<512xi32, #tpu.memory_space<vmem>>
        %dma_wait3A_234 = arith.constant 0 : i32
        %dma_wait3A_235 = arith.constant 0 : i32
        %dma_wait3A_236 = tpu.memref_slice %arg3[%dma_wait3A_234, %dma_wait3A_235] : memref<10240x32xf32, #tpu.memory_space<hbm>> -> memref<10240x32xf32, #tpu.memory_space<hbm>>
        tpu.wait_indirect_dma semaphore(%arg14 : memref<!tpu.dma_semaphore, #tpu.memory_space<semaphore_mem>>) src(%dma_wait3A_236 : memref<10240x32xf32, #tpu.memory_space<hbm>>) dst(%dma_wait3A_230 : memref<512x32xf32, #tpu.memory_space<vmem>>)
        %dma_start3A_237 = arith.constant 3 : i32
        %dma_start3A_238 = arith.constant 39 : i32
        %dma_start3A_239 = arith.constant 0 : i32
        %dma_start3A_240 = arith.constant 0 : i32
        %dma_start3A_241 = tpu.memref_slice %arg9[%dma_start3A_237, %dma_start3A_239, %dma_start3A_240] : memref<4x512x32xf32, #tpu.memory_space<vmem>> -> memref<1x512x32xf32, #tpu.memory_space<vmem>>
        %dma_start3A_242 = tpu.memref_squeeze %dma_start3A_241 : memref<1x512x32xf32, #tpu.memory_space<vmem>> -> memref<512x32xf32, #tpu.memory_space<vmem>>
        %dma_start3A_243 = arith.constant 0 : i32
        %dma_start3A_244 = tpu.memref_slice %arg8[%dma_start3A_238, %dma_start3A_243] : memref<40x512xi32, #tpu.memory_space<vmem>> -> memref<1x512xi32, #tpu.memory_space<vmem>>
        %dma_start3A_245 = tpu.memref_squeeze %dma_start3A_244 : memref<1x512xi32, #tpu.memory_space<vmem>> -> memref<512xi32, #tpu.memory_space<vmem>>
        %dma_start3A_246 = arith.constant 0 : i32
        %dma_start3A_247 = arith.constant 0 : i32
        %dma_start3A_248 = tpu.memref_slice %arg10[%dma_start3A_246, %dma_start3A_247] : memref<10240x32xf32, #tpu.memory_space<vmem_shared>> -> memref<10240x32xf32, #tpu.memory_space<vmem_shared>>
        tpu.enqueue_indirect_dma source(%dma_start3A_242 : memref<512x32xf32, #tpu.memory_space<vmem>>) target(%dma_start3A_248 : memref<10240x32xf32, #tpu.memory_space<vmem_shared>>) offsets(%dma_start3A_245 : memref<512xi32, #tpu.memory_space<vmem>>) semaphore(%arg18 : memref<!tpu.dma_semaphore, #tpu.memory_space<semaphore_mem>>) {add = true}
        %dma_wait3A_249 = arith.constant 3 : i32
        %dma_wait3A_250 = arith.constant 39 : i32
        %dma_wait3A_251 = arith.constant 0 : i32
        %dma_wait3A_252 = arith.constant 0 : i32
        %dma_wait3A_253 = tpu.memref_slice %arg9[%dma_wait3A_249, %dma_wait3A_251, %dma_wait3A_252] : memref<4x512x32xf32, #tpu.memory_space<vmem>> -> memref<1x512x32xf32, #tpu.memory_space<vmem>>
        %dma_wait3A_254 = tpu.memref_squeeze %dma_wait3A_253 : memref<1x512x32xf32, #tpu.memory_space<vmem>> -> memref<512x32xf32, #tpu.memory_space<vmem>>
        %dma_wait3A_255 = arith.constant 0 : i32
        %dma_wait3A_256 = tpu.memref_slice %arg8[%dma_wait3A_250, %dma_wait3A_255] : memref<40x512xi32, #tpu.memory_space<vmem>> -> memref<1x512xi32, #tpu.memory_space<vmem>>
        %dma_wait3A_257 = tpu.memref_squeeze %dma_wait3A_256 : memref<1x512xi32, #tpu.memory_space<vmem>> -> memref<512xi32, #tpu.memory_space<vmem>>
        %dma_wait3A_258 = arith.constant 0 : i32
        %dma_wait3A_259 = arith.constant 0 : i32
        %dma_wait3A_260 = tpu.memref_slice %arg10[%dma_wait3A_258, %dma_wait3A_259] : memref<10240x32xf32, #tpu.memory_space<vmem_shared>> -> memref<10240x32xf32, #tpu.memory_space<vmem_shared>>
        tpu.wait_indirect_dma semaphore(%arg18 : memref<!tpu.dma_semaphore, #tpu.memory_space<semaphore_mem>>) src(%dma_wait3A_254 : memref<512x32xf32, #tpu.memory_space<vmem>>) dst(%dma_wait3A_260 : memref<10240x32xf32, #tpu.memory_space<vmem_shared>>)
      } else {
      }
    } else {
    }
    %barrier3A_28 = arith.constant 0 : index
    tpu.barrier barrier_id(%barrier3A_28)
    %mul3A_29 = arith.constant 640 : i32
    %mul3A_30 = arith.muli %arg1, %mul3A_29 : i32
    %mul3A_31 = arith.constant 10240 : i32
    %mul3A_32 = arith.muli %arg0, %mul3A_31 : i32
    %mul3A_33 = arith.constant 640 : i32
    %mul3A_34 = arith.muli %arg1, %mul3A_33 : i32
    %add3A_35 = arith.addi %mul3A_32, %mul3A_34 : i32
    "tpu.region"() ({
      %run_scoped3A_36 = tpu.sem_alloc : memref<!tpu.dma_semaphore, #tpu.memory_space<semaphore_mem>>
      %dma_start3A = arith.constant 0 : i32
      %dma_start3A_37 = tpu.memref_slice %arg6[%add3A_35, %dma_start3A] : memref<20480x32xf32, #tpu.memory_space<hbm>> -> memref<640x32xf32, #tpu.memory_space<hbm>>
      %dma_start3A_38 = arith.constant 0 : i32
      %dma_start3A_39 = tpu.memref_slice %arg10[%mul3A_30, %dma_start3A_38] : memref<10240x32xf32, #tpu.memory_space<vmem_shared>> -> memref<640x32xf32, #tpu.memory_space<vmem_shared>>
      tpu.enqueue_dma source(%dma_start3A_39 : memref<640x32xf32, #tpu.memory_space<vmem_shared>>) target(%dma_start3A_37 : memref<640x32xf32, #tpu.memory_space<hbm>>) target_semaphore(%run_scoped3A_36 : memref<!tpu.dma_semaphore, #tpu.memory_space<semaphore_mem>>)
      %dma_wait3A = arith.constant 0 : i32
      %dma_wait3A_40 = tpu.memref_slice %arg6[%add3A_35, %dma_wait3A] : memref<20480x32xf32, #tpu.memory_space<hbm>> -> memref<640x32xf32, #tpu.memory_space<hbm>>
      %dma_wait3A_41 = arith.constant 0 : i32
      %dma_wait3A_42 = tpu.memref_slice %arg10[%mul3A_30, %dma_wait3A_41] : memref<10240x32xf32, #tpu.memory_space<vmem_shared>> -> memref<640x32xf32, #tpu.memory_space<vmem_shared>>
      tpu.wait_dma2 semaphore(%run_scoped3A_36 : memref<!tpu.dma_semaphore, #tpu.memory_space<semaphore_mem>>) src(%dma_wait3A_42 : memref<640x32xf32, #tpu.memory_space<vmem_shared>>) dst(%dma_wait3A_40 : memref<640x32xf32, #tpu.memory_space<hbm>>)
      tpu.yield
    }) : () -> ()
    return
  }
}

module attributes {stable_mosaic.version = 14 : i64} {
  func.func @_mm_in_body(%arg0: i32, %arg1: memref<1000x128xf32, #tpu.memory_space<vmem>>, %arg2: memref<128x64xf32, #tpu.memory_space<vmem>>, %arg3: memref<1000x32xf32, #tpu.memory_space<vmem>>, %arg4: memref<1000x32xf32, #tpu.memory_space<vmem>>) attributes {dimension_semantics = [#tpu.dimension_semantics<arbitrary>], iteration_bounds = array<i64: 10>, scalar_prefetch = 0 : i64, scratch_operands = 0 : i64, tpu.core_type = #tpu.core_type<tc>, window_params = [{transform_indices = @transform_0, window_bounds = array<i64: 1000, 128>}, {pipeline_mode = #tpu.pipeline_mode<synchronous>, transform_indices = @transform_1, window_bounds = array<i64: 128, 64>}, {transform_indices = @transform_2, window_bounds = array<i64: 1000, 32>}, {transform_indices = @transform_3, window_bounds = array<i64: 1000, 32>}]} {
    %get3A = arith.constant 0 : index
    %get3A_0 = arith.constant 0 : index
    %get3A_1 = vector.load %arg1[%get3A, %get3A_0] : memref<1000x128xf32, #tpu.memory_space<vmem>>, vector<1000x128xf32>
    %get3A_2 = arith.constant 0 : index
    %get3A_3 = arith.constant 0 : index
    %get3A_4 = vector.load %arg2[%get3A_2, %get3A_3] : memref<128x64xf32, #tpu.memory_space<vmem>>, vector<128x64xf32>
    %dot_general3A = arith.constant dense<0.000000e+00> : vector<1000x64xf32>
    %dot_general3A_5 = tpu.matmul %get3A_1, %get3A_4, %dot_general3A {dimension_numbers = #tpu.dot_dimension_numbers<[1], [0], [0], [1], [0, 0, 1, 1], [], []>, transpose_lhs_hint = false} : vector<1000x128xf32>, vector<128x64xf32>, vector<1000x64xf32> -> vector<1000x64xf32>
    %slice3A = vector.extract_strided_slice %dot_general3A_5 {offsets = [0, 0], sizes = [1000, 32], strides = [1, 1]} : vector<1000x64xf32> to vector<1000x32xf32>
    %swap3A = arith.constant 0 : index
    %swap3A_6 = arith.constant 0 : index
    %swap3A_7 = vector.load %arg3[%swap3A, %swap3A_6] : memref<1000x32xf32, #tpu.memory_space<vmem>>, vector<1000x32xf32>
    tpu.vector_store %arg3[%swap3A, %swap3A_6], %slice3A {strides = array<i32>} : memref<1000x32xf32, #tpu.memory_space<vmem>>, vector<1000x32xf32>,
    %slice3A_8 = vector.extract_strided_slice %dot_general3A_5 {offsets = [0, 32], sizes = [1000, 32], strides = [1, 1]} : vector<1000x64xf32> to vector<1000x32xf32>
    %swap3A_9 = arith.constant 0 : index
    %swap3A_10 = arith.constant 0 : index
    %swap3A_11 = vector.load %arg4[%swap3A_9, %swap3A_10] : memref<1000x32xf32, #tpu.memory_space<vmem>>, vector<1000x32xf32>
    tpu.vector_store %arg4[%swap3A_9, %swap3A_10], %slice3A_8 {strides = array<i32>} : memref<1000x32xf32, #tpu.memory_space<vmem>>, vector<1000x32xf32>,
    return
  }
  func.func @transform_0(%arg0: i32) -> (i32, i32) {
    %c0_i32 = arith.constant 0 : i32
    %c0_i32_0 = arith.constant 0 : i32
    return %arg0, %c0_i32 : i32, i32
  }
  func.func @transform_1(%arg0: i32) -> (i32, i32) {
    %c0_i32 = arith.constant 0 : i32
    %c0_i32_0 = arith.constant 0 : i32
    %c0_i32_1 = arith.constant 0 : i32
    return %c0_i32, %c0_i32_0 : i32, i32
  }
  func.func @transform_2(%arg0: i32) -> (i32, i32) {
    %c0_i32 = arith.constant 0 : i32
    %c0_i32_0 = arith.constant 0 : i32
    return %arg0, %c0_i32 : i32, i32
  }
  func.func @transform_3(%arg0: i32) -> (i32, i32) {
    %c0_i32 = arith.constant 0 : i32
    %c0_i32_0 = arith.constant 0 : i32
    return %arg0, %c0_i32 : i32, i32
  }
}

module attributes {stable_mosaic.version = 14 : i64} {
  func.func @_mid_body(%arg0: i32, %arg1: memref<2x1000x32xf32, #tpu.memory_space<vmem>>, %arg2: memref<1x32xf32, #tpu.memory_space<vmem>>, %arg3: memref<1x32xf32, #tpu.memory_space<vmem>>, %arg4: memref<64x32xf32, #tpu.memory_space<vmem>>, %arg5: memref<64x32xf32, #tpu.memory_space<vmem>>, %arg6: memref<1000x64xf32, #tpu.memory_space<vmem>>, %arg7: memref<1000x32xf32, #tpu.memory_space<vmem>>, %arg8: memref<1000x32xf32, #tpu.memory_space<vmem>>) attributes {dimension_semantics = [#tpu.dimension_semantics<arbitrary>], iteration_bounds = array<i64: 10>, scalar_prefetch = 0 : i64, scratch_operands = 0 : i64, tpu.core_type = #tpu.core_type<tc>, window_params = [{transform_indices = @transform_0, window_bounds = array<i64: 2, 1000, 32>}, {pipeline_mode = #tpu.pipeline_mode<synchronous>, transform_indices = @transform_1, window_bounds = array<i64: 1, 32>}, {pipeline_mode = #tpu.pipeline_mode<synchronous>, transform_indices = @transform_2, window_bounds = array<i64: 1, 32>}, {pipeline_mode = #tpu.pipeline_mode<synchronous>, transform_indices = @transform_3, window_bounds = array<i64: 64, 32>}, {pipeline_mode = #tpu.pipeline_mode<synchronous>, transform_indices = @transform_4, window_bounds = array<i64: 64, 32>}, {transform_indices = @transform_5, window_bounds = array<i64: 1000, 64>}, {transform_indices = @transform_6, window_bounds = array<i64: 1000, 32>}, {transform_indices = @transform_7, window_bounds = array<i64: 1000, 32>}]} {
    %get3A = arith.constant 0 : index
    %get3A_0 = arith.constant 0 : index
    %get3A_1 = arith.constant 0 : index
    %get3A_2 = vector.load %arg1[%get3A, %get3A_0, %get3A_1] : memref<2x1000x32xf32, #tpu.memory_space<vmem>>, vector<1x1000x32xf32>
    %get3A_3 = vector.shape_cast %get3A_2 : vector<1x1000x32xf32> to vector<1000x32xf32>
    %get3A_4 = arith.constant 0 : index
    %get3A_5 = arith.constant 0 : index
    %get3A_6 = vector.load %arg2[%get3A_4, %get3A_5] : memref<1x32xf32, #tpu.memory_space<vmem>>, vector<1x32xf32>
    %add3A = vector.broadcast %get3A_6 : vector<1x32xf32> to vector<1000x32xf32>
    %add3A_7 = arith.addf %get3A_3, %add3A : vector<1000x32xf32>
    %max3A = arith.constant 0.000000e+00 : f32
    %max3A_8 = vector.broadcast %max3A : f32 to vector<1000x32xf32>
    %max3A_9 = arith.maximumf %add3A_7, %max3A_8 : vector<1000x32xf32>
    %get3A_10 = arith.constant 1 : index
    %get3A_11 = arith.constant 0 : index
    %get3A_12 = arith.constant 0 : index
    %get3A_13 = vector.load %arg1[%get3A_10, %get3A_11, %get3A_12] : memref<2x1000x32xf32, #tpu.memory_space<vmem>>, vector<1x1000x32xf32>
    %get3A_14 = vector.shape_cast %get3A_13 : vector<1x1000x32xf32> to vector<1000x32xf32>
    %get3A_15 = arith.constant 0 : index
    %get3A_16 = arith.constant 0 : index
    %get3A_17 = vector.load %arg3[%get3A_15, %get3A_16] : memref<1x32xf32, #tpu.memory_space<vmem>>, vector<1x32xf32>
    %add3A_18 = vector.broadcast %get3A_17 : vector<1x32xf32> to vector<1000x32xf32>
    %add3A_19 = arith.addf %get3A_14, %add3A_18 : vector<1000x32xf32>
    %max3A_20 = arith.constant 0.000000e+00 : f32
    %max3A_21 = vector.broadcast %max3A_20 : f32 to vector<1000x32xf32>
    %max3A_22 = arith.maximumf %add3A_19, %max3A_21 : vector<1000x32xf32>
    %concatenate3A = tpu.concatenate %max3A_9, %max3A_22 in 1 : vector<1000x32xf32>, vector<1000x32xf32> -> vector<1000x64xf32>
    %swap3A = arith.constant 0 : index
    %swap3A_23 = arith.constant 0 : index
    %swap3A_24 = vector.load %arg6[%swap3A, %swap3A_23] : memref<1000x64xf32, #tpu.memory_space<vmem>>, vector<1000x64xf32>
    tpu.vector_store %arg6[%swap3A, %swap3A_23], %concatenate3A {strides = array<i32>} : memref<1000x64xf32, #tpu.memory_space<vmem>>, vector<1000x64xf32>,
    %get3A_25 = arith.constant 0 : index
    %get3A_26 = arith.constant 0 : index
    %get3A_27 = vector.load %arg4[%get3A_25, %get3A_26] : memref<64x32xf32, #tpu.memory_space<vmem>>, vector<64x32xf32>
    %dot_general3A = arith.constant dense<0.000000e+00> : vector<1000x32xf32>
    %dot_general3A_28 = tpu.matmul %concatenate3A, %get3A_27, %dot_general3A {dimension_numbers = #tpu.dot_dimension_numbers<[1], [0], [0], [1], [0, 0, 1, 1], [], []>, transpose_lhs_hint = false} : vector<1000x64xf32>, vector<64x32xf32>, vector<1000x32xf32> -> vector<1000x32xf32>
    %swap3A_29 = arith.constant 0 : index
    %swap3A_30 = arith.constant 0 : index
    %swap3A_31 = vector.load %arg7[%swap3A_29, %swap3A_30] : memref<1000x32xf32, #tpu.memory_space<vmem>>, vector<1000x32xf32>
    tpu.vector_store %arg7[%swap3A_29, %swap3A_30], %dot_general3A_28 {strides = array<i32>} : memref<1000x32xf32, #tpu.memory_space<vmem>>, vector<1000x32xf32>,
    %get3A_32 = arith.constant 0 : index
    %get3A_33 = arith.constant 0 : index
    %get3A_34 = vector.load %arg5[%get3A_32, %get3A_33] : memref<64x32xf32, #tpu.memory_space<vmem>>, vector<64x32xf32>
    %dot_general3A_35 = arith.constant dense<0.000000e+00> : vector<1000x32xf32>
    %dot_general3A_36 = tpu.matmul %concatenate3A, %get3A_34, %dot_general3A_35 {dimension_numbers = #tpu.dot_dimension_numbers<[1], [0], [0], [1], [0, 0, 1, 1], [], []>, transpose_lhs_hint = false} : vector<1000x64xf32>, vector<64x32xf32>, vector<1000x32xf32> -> vector<1000x32xf32>
    %swap3A_37 = arith.constant 0 : index
    %swap3A_38 = arith.constant 0 : index
    %swap3A_39 = vector.load %arg8[%swap3A_37, %swap3A_38] : memref<1000x32xf32, #tpu.memory_space<vmem>>, vector<1000x32xf32>
    tpu.vector_store %arg8[%swap3A_37, %swap3A_38], %dot_general3A_36 {strides = array<i32>} : memref<1000x32xf32, #tpu.memory_space<vmem>>, vector<1000x32xf32>,
    return
  }
  func.func @transform_0(%arg0: i32) -> (i32, i32, i32) {
    %c0_i32 = arith.constant 0 : i32
    %c0_i32_0 = arith.constant 0 : i32
    %c0_i32_1 = arith.constant 0 : i32
    return %c0_i32, %arg0, %c0_i32_0 : i32, i32, i32
  }
  func.func @transform_1(%arg0: i32) -> (i32, i32) {
    %c0_i32 = arith.constant 0 : i32
    %c0_i32_0 = arith.constant 0 : i32
    %c0_i32_1 = arith.constant 0 : i32
    return %c0_i32, %c0_i32_0 : i32, i32
  }
  func.func @transform_2(%arg0: i32) -> (i32, i32) {
    %c0_i32 = arith.constant 0 : i32
    %c0_i32_0 = arith.constant 0 : i32
    %c0_i32_1 = arith.constant 0 : i32
    return %c0_i32, %c0_i32_0 : i32, i32
  }
  func.func @transform_3(%arg0: i32) -> (i32, i32) {
    %c0_i32 = arith.constant 0 : i32
    %c0_i32_0 = arith.constant 0 : i32
    %c0_i32_1 = arith.constant 0 : i32
    return %c0_i32, %c0_i32_0 : i32, i32
  }
  func.func @transform_4(%arg0: i32) -> (i32, i32) {
    %c0_i32 = arith.constant 0 : i32
    %c0_i32_0 = arith.constant 0 : i32
    %c0_i32_1 = arith.constant 0 : i32
    return %c0_i32, %c0_i32_0 : i32, i32
  }
  func.func @transform_5(%arg0: i32) -> (i32, i32) {
    %c0_i32 = arith.constant 0 : i32
    %c0_i32_0 = arith.constant 0 : i32
    return %arg0, %c0_i32 : i32, i32
  }
  func.func @transform_6(%arg0: i32) -> (i32, i32) {
    %c0_i32 = arith.constant 0 : i32
    %c0_i32_0 = arith.constant 0 : i32
    return %arg0, %c0_i32 : i32, i32
  }
  func.func @transform_7(%arg0: i32) -> (i32, i32) {
    %c0_i32 = arith.constant 0 : i32
    %c0_i32_0 = arith.constant 0 : i32
    return %arg0, %c0_i32 : i32, i32
  }
}

module attributes {stable_mosaic.version = 14 : i64} {
  func.func @_final_body(%arg0: i32, %arg1: memref<2x1000x32xf32, #tpu.memory_space<vmem>>, %arg2: memref<1000x64xf32, #tpu.memory_space<vmem>>, %arg3: memref<1x32xf32, #tpu.memory_space<vmem>>, %arg4: memref<1x32xf32, #tpu.memory_space<vmem>>, %arg5: memref<1000x128xf32, #tpu.memory_space<vmem>>) attributes {dimension_semantics = [#tpu.dimension_semantics<arbitrary>], iteration_bounds = array<i64: 10>, scalar_prefetch = 0 : i64, scratch_operands = 0 : i64, tpu.core_type = #tpu.core_type<tc>, window_params = [{transform_indices = @transform_0, window_bounds = array<i64: 2, 1000, 32>}, {transform_indices = @transform_1, window_bounds = array<i64: 1000, 64>}, {pipeline_mode = #tpu.pipeline_mode<synchronous>, transform_indices = @transform_2, window_bounds = array<i64: 1, 32>}, {pipeline_mode = #tpu.pipeline_mode<synchronous>, transform_indices = @transform_3, window_bounds = array<i64: 1, 32>}, {transform_indices = @transform_4, window_bounds = array<i64: 1000, 128>}]} {
    %get3A = arith.constant 0 : index
    %get3A_0 = arith.constant 0 : index
    %get3A_1 = arith.constant 0 : index
    %get3A_2 = vector.load %arg1[%get3A, %get3A_0, %get3A_1] : memref<2x1000x32xf32, #tpu.memory_space<vmem>>, vector<1x1000x32xf32>
    %get3A_3 = vector.shape_cast %get3A_2 : vector<1x1000x32xf32> to vector<1000x32xf32>
    %get3A_4 = arith.constant 0 : index
    %get3A_5 = arith.constant 0 : index
    %get3A_6 = vector.load %arg3[%get3A_4, %get3A_5] : memref<1x32xf32, #tpu.memory_space<vmem>>, vector<1x32xf32>
    %add3A = vector.broadcast %get3A_6 : vector<1x32xf32> to vector<1000x32xf32>
    %add3A_7 = arith.addf %get3A_3, %add3A : vector<1000x32xf32>
    %max3A = arith.constant 0.000000e+00 : f32
    %max3A_8 = vector.broadcast %max3A : f32 to vector<1000x32xf32>
    %max3A_9 = arith.maximumf %add3A_7, %max3A_8 : vector<1000x32xf32>
    %get3A_10 = arith.constant 1 : index
    %get3A_11 = arith.constant 0 : index
    %get3A_12 = arith.constant 0 : index
    %get3A_13 = vector.load %arg1[%get3A_10, %get3A_11, %get3A_12] : memref<2x1000x32xf32, #tpu.memory_space<vmem>>, vector<1x1000x32xf32>
    %get3A_14 = vector.shape_cast %get3A_13 : vector<1x1000x32xf32> to vector<1000x32xf32>
    %get3A_15 = arith.constant 0 : index
    %get3A_16 = arith.constant 0 : index
    %get3A_17 = vector.load %arg4[%get3A_15, %get3A_16] : memref<1x32xf32, #tpu.memory_space<vmem>>, vector<1x32xf32>
    %add3A_18 = vector.broadcast %get3A_17 : vector<1x32xf32> to vector<1000x32xf32>
    %add3A_19 = arith.addf %get3A_14, %add3A_18 : vector<1000x32xf32>
    %max3A_20 = arith.constant 0.000000e+00 : f32
    %max3A_21 = vector.broadcast %max3A_20 : f32 to vector<1000x32xf32>
    %max3A_22 = arith.maximumf %add3A_19, %max3A_21 : vector<1000x32xf32>
    %get3A_23 = arith.constant 0 : index
    %get3A_24 = arith.constant 0 : index
    %get3A_25 = vector.load %arg2[%get3A_23, %get3A_24] : memref<1000x64xf32, #tpu.memory_space<vmem>>, vector<1000x64xf32>
    %concatenate3A = tpu.concatenate %get3A_25, %max3A_9, %max3A_22 in 1 : vector<1000x64xf32>, vector<1000x32xf32>, vector<1000x32xf32> -> vector<1000x128xf32>
    %swap3A = arith.constant 0 : index
    %swap3A_26 = arith.constant 0 : index
    %swap3A_27 = vector.load %arg5[%swap3A, %swap3A_26] : memref<1000x128xf32, #tpu.memory_space<vmem>>, vector<1000x128xf32>
    tpu.vector_store %arg5[%swap3A, %swap3A_26], %concatenate3A {strides = array<i32>} : memref<1000x128xf32, #tpu.memory_space<vmem>>, vector<1000x128xf32>,
    return
  }
  func.func @transform_0(%arg0: i32) -> (i32, i32, i32) {
    %c0_i32 = arith.constant 0 : i32
    %c0_i32_0 = arith.constant 0 : i32
    %c0_i32_1 = arith.constant 0 : i32
    return %c0_i32, %arg0, %c0_i32_0 : i32, i32, i32
  }
  func.func @transform_1(%arg0: i32) -> (i32, i32) {
    %c0_i32 = arith.constant 0 : i32
    %c0_i32_0 = arith.constant 0 : i32
    return %arg0, %c0_i32 : i32, i32
  }
  func.func @transform_2(%arg0: i32) -> (i32, i32) {
    %c0_i32 = arith.constant 0 : i32
    %c0_i32_0 = arith.constant 0 : i32
    %c0_i32_1 = arith.constant 0 : i32
    return %c0_i32, %c0_i32_0 : i32, i32
  }
  func.func @transform_3(%arg0: i32) -> (i32, i32) {
    %c0_i32 = arith.constant 0 : i32
    %c0_i32_0 = arith.constant 0 : i32
    %c0_i32_1 = arith.constant 0 : i32
    return %c0_i32, %c0_i32_0 : i32, i32
  }
  func.func @transform_4(%arg0: i32) -> (i32, i32) {
    %c0_i32 = arith.constant 0 : i32
    %c0_i32_0 = arith.constant 0 : i32
    return %arg0, %c0_i32 : i32, i32
  }
}

</mosaic_0001>

<sc_bundles>
// kernel: kernel.10.cloned.1.call-start
scs
__scs_entry_jumppad:
0x0: {  	(pc) =	sbr.rel $0x88, $3  }
0x1: {  	(tag) =	ssettag $0x0;
	lr =	simm.s32 $0x1  }
0x2: {  	[smem:$0x3F96] =	sst lr;
	_ =	strace $0xD0000000  }
0x3: {  	_ = 	snop  }
0x4: {  	_ = 	snop  }
0x5: {  	_ = 	snop  }
0x6: {  	_ = 	snop  }
0x7: {  	_ = 	snop  }
__scs_overlays_trampoline_lowered:
0x8: {  	[smem:$0x3FA5] =	sst s0  }
0x9: {  	[smem:$0x3FA6] =	sst s1  }
0xa: {  	[smem:$0x3FA7] =	sst s2  }
0xb: {  	[smem:$0x3FA8] =	sst s3  }
0xc: {  	[smem:$0x3FA9] =	sst s4  }
0xd: {  	[smem:$0x3FAA] =	sst s5  }
0xe: {  	[smem:$0x3FAB] =	sst s6  }
0xf: {  	[smem:$0x3FAC] =	sst s7  }
0x10: {  	[smem:$0x3FAD] =	sst s8  }
0x11: {  	[smem:$0x3FAE] =	sst s9;
	s0 =	simm.s32 @!p0 $0x0  }
0x12: {  	s1 =	sld [smem:$0x3F94];
	s0 =	simm.s32 @p0 $0x1  }
0x13: {  	[smem:$0x3FAF] =	sst s0;
	s0 =	simm.s32 @!p1 $0x0  }
0x14: {  	s2 =	sld [smem:$0x3F93];
	s0 =	simm.s32 @p1 $0x1  }
0x15: {  	[smem:$0x3FB0] =	sst s0;
	s0 =	simm.s32 @!p2 $0x0  }
0x16: {  	s3 =	sld [smem:$0x3FDB];
	s0 =	simm.s32 @p2 $0x1  }
0x17: {  	s4 =	simm.s32 $0x1BF5;
	[smem:$0x3FB2] =	sst s0  }
0x18: {  	s0 =	sld [smem:$0x3F95];
	_ =	swait.ge [sflag:s4], $0x0  }
0x19: {  	s7 =	sld [smem:$0x3F96]  }
0x1a: {  	s8 =	sadd.s32 $0xFFFFE003, lr  }
0x1b: {  	s9 =	sadd.s32 $0xFFFFFEF7, lr;
	s5 =	simm.s32 $0xFFFFFFFF;
	p2 =	slt.u32 s8, $0xFFFFF086  }
0x1c: {  	p1 =	slt.u32 s9, $0xF7A;
	s5 =	simm.s32 @!p2 $0x0  }
0x1d: {  	s5 =	simm.s32 @p1 $0x1;
	p0 =	seq.s32 s7, s2  }
0x1e: {  	s7 =	smul.u32 @!p0 $0xF7A, s2;
	p2 =	seq.s32 @!p0 s5, $0x0  }
0x1f: {  	s9 =	smul.u32 $0xF7A, s1;
	s8 =	simm.s32 @!p0 $0x1BF5;
	p2 =	por !p2, p0  }
0x20: {  	[sflag:s8] =	ssyncset.s32 @!p0 $0xFFFFF086;
	s6 =	sadd.s32 @!p0 s3, s7;
	s7 =	simm.s32 @!p0 $0x108  }
0x21: {  	s3 =	sadd.s32 s3, s9;
	s6 =	sadd.s32 @!p0 $0x88, s6;
	s7 =	simm.s32 @p2 $0x1082  }
0x22: {  	[simem:s7], [sflag:s8] =	dma.local @!p0 [hbm:s6], $0xF7A  }
0x23: {  	s9 =	sor.u32 $0xD0000000, s2;
	s6 =	simm.s32 $0x108;
	_ =	swait.ge @!p0 [sflag:s8], $0x0  }
0x24: {  	s3 =	sadd.s32 $0x88, s3;
	s6 =	simm.s32 @!p1 $0x1082;
	[sflag:s4] =	ssyncset.s32 $0xFFFFF086  }
0x25: {  	[simem:s6], [sflag:s4] =	dma.local [hbm:s3], $0xF7A  }
0x26: {  	[smem:$0x3F96] =	sst s1;
	(tag) =	ssettag s2;
	_ =	strace s9  }
0x27: {  	s1 =	sld [smem:$0x3FA6]  }
0x28: {  	s2 =	sld [smem:$0x3FA7]  }
0x29: {  	s4 =	sld [smem:$0x3FA9]  }
0x2a: {  	p0 =	seq.s32 s5, $0x0;
	s5 =	sld [smem:$0x3FAA]  }
0x2b: {  	s6 =	sld [smem:$0x3FAB]  }
0x2c: {  	s7 =	sld [smem:$0x3FAC]  }
0x2d: {  	s3 =	simm.s32 $0x108;
	s8 =	sld [smem:$0x3FAD]  }
0x2e: {  	s3 =	simm.s32 @!p0 $0x1082;
	s9 =	sld [smem:$0x3FAE]  }
0x2f: {  	lr =	sadd.s32 s0, s3;
	s0 =	sld [smem:$0x3FA5]  }
0x30: {  	s3 =	sld [smem:$0x3FA8]  }
0x31: {  	[smem:$0x3FB1] =	sst s10  }
0x32: {  	s10 =	sld [smem:$0x3FAF];
	_ =	sdelay $0x3  }
0x33: {  	p0 =	seq.s32 s10, $0x1;
	s10 =	sld [smem:$0x3FB1];
	_ =	sdelay $0x3  }
0x34: {  	[smem:$0x3FB1] =	sst s10  }
0x35: {  	s10 =	sld [smem:$0x3FB0];
	_ =	sdelay $0x3  }
0x36: {  	p1 =	seq.s32 s10, $0x1;
	s10 =	sld [smem:$0x3FB1];
	_ =	sdelay $0x3  }
0x37: {  	[smem:$0x3FB1] =	sst s10  }
0x38: {  	s10 =	sld [smem:$0x3FB2]  }
0x39: {  	_ = 	snop;
	(pc) =	sbr.ind lr, $3  }
0x3a: {  	_ = 	snop  }
0x3b: {  	_ = 	snop  }
0x3c: {  	p2 =	seq.s32 s10, $0x1;
	s10 =	sld [smem:$0x3FB1]  }
0x3d: {  	_ =	shalt  }
0x3e: {  	_ =	shalt  }
0x3f: {  	_ =	shalt  }
0x40: {  	_ =	shalt  }
0x41: {  	_ =	shalt  }
0x42: {  	_ =	shalt  }
0x43: {  	_ =	shalt  }
0x44: {  	_ =	shalt  }
0x45: {  	_ =	shalt  }
0x46: {  	_ =	shalt  }
0x47: {  	_ =	shalt  }
0x48: {  	_ =	shalt  }
0x49: {  	_ =	shalt  }
0x4a: {  	_ =	shalt  }
0x4b: {  	_ =	shalt  }
0x4c: {  	_ =	shalt  }
0x4d: {  	_ =	shalt  }
0x4e: {  	_ =	shalt  }
0x4f: {  	_ =	shalt  }
0x50: {  	_ =	shalt  }
0x51: {  	_ =	shalt  }
0x52: {  	_ =	shalt  }
0x53: {  	_ =	shalt  }
0x54: {  	_ =	shalt  }
0x55: {  	_ =	shalt  }
0x56: {  	_ =	shalt  }
0x57: {  	_ =	shalt  }
0x58: {  	_ =	shalt  }
0x59: {  	_ =	shalt  }
0x5a: {  	_ =	shalt  }
0x5b: {  	_ =	shalt  }
0x5c: {  	_ =	shalt  }
0x5d: {  	_ =	shalt  }
0x5e: {  	_ =	shalt  }
0x5f: {  	_ =	shalt  }
0x60: {  	_ =	shalt  }
0x61: {  	_ =	shalt  }
0x62: {  	_ =	shalt  }
0x63: {  	_ =	shalt  }
0x64: {  	_ =	shalt  }
0x65: {  	_ =	shalt  }
0x66: {  	_ =	shalt  }
0x67: {  	_ =	shalt  }
0x68: {  	_ =	shalt  }
0x69: {  	_ =	shalt  }
0x6a: {  	_ =	shalt  }
0x6b: {  	_ =	shalt  }
0x6c: {  	_ =	shalt  }
0x6d: {  	_ =	shalt  }
0x6e: {  	_ =	shalt  }
0x6f: {  	_ =	shalt  }
0x70: {  	_ =	shalt  }
0x71: {  	_ =	shalt  }
0x72: {  	_ =	shalt  }
0x73: {  	_ =	shalt  }
0x74: {  	_ =	shalt  }
0x75: {  	_ =	shalt  }
0x76: {  	_ =	shalt  }
0x77: {  	_ =	shalt  }
0x78: {  	_ =	shalt  }
0x79: {  	_ =	shalt  }
0x7a: {  	_ =	shalt  }
0x7b: {  	_ =	shalt  }
0x7c: {  	_ =	shalt  }
0x7d: {  	_ =	shalt  }
0x7e: {  	_ =	shalt  }
0x7f: {  	_ =	shalt  }
0x80: {  	_ =	shalt  }
0x81: {  	_ =	shalt  }
0x82: {  	_ =	shalt  }
0x83: {  	_ =	shalt  }
0x84: {  	_ =	shalt  }
0x85: {  	_ =	shalt  }
0x86: {  	_ =	shalt  }
0x87: {  	_ =	shalt  }
.Lfunc_end0:
.L_simem_size_0:
called_computation.1_lowered:
.L_overlay_start_0:
0x88: {  	s2 =	sld [smem:$0x3FD9]  }
0x89: {  	s3 =	sld [smem:$0x3FFE];
	_ =	sdelay $0x1  }
0x8a: {  	s1 =	srdreg.scid  }
0x8b: {  	s0 =	sand.u32 $0x1, s1  }
0x8c: {  	s17 =	sshll.u32 s0, $0xA;
	s2 =	sadd.s32 s3, s2  }
0x8d: {  	s2 =	sadd.s32 s2, s17  }
0x8e: {  	[smem:$0x3FBD] =	sst s2  }
0x8f: {  	_ = 	snop  }
0x90: {  	s2 =	sld [smem:$0x3FD0];
	(tm) =	ssettm $0x1  }
0x91: {  	s18 =	sld [smem:$0x3FFB];
	_ =	sdelay $0x3  }
0x92: {  	_ =	strace s18  }
0x93: {  	s3 =	sld [smem:$0x3FFC];
	_ =	sdelay $0x3  }
0x94: {  	_ =	strace s3  }
0x95: {  	s3 =	sld [smem:$0x3FFD];
	_ =	sdelay $0x3  }
0x96: {  	_ =	strace s3  }
0x97: {  	_ =	strace $0x8FFFFFFF  }
0x98: {  	s19 =	sld [smem:$0x3FDB];
	_ =	sdelay $0x1  }
0x99: {  	s4 =	simm.s32 $_scs_section_size  }
0x9a: {  	s5 =	simm.s32 $_size__tile_overlayer_lowered;
	s6 =	simm.s32 $_tile_overlayer_lowered  }
0x9b: {  	s22 =	simm.s32 $0x1BFF;
	s21 =	sshll.u32 s6, $0x1;
	s3 =	sadd.s32 s4, s19  }
0x9c: {  	s7 =	simm.s32 $0x0;
	s20 =	sshll.u32 s5, $0x1;
	s5 =	sadd.s32 s21, s3  }
0x9d: {  	[timem:s7], [sflag:s22] =	dma.local [hbm:s5], s20  }
0x9e: {  	_ =	swait.ge [sflag:s22], s20  }
0x9f: {  	s4 =	ssub.s32 $0x0, s20;
	[sflag:s22] =	ssyncset.done $0x0  }
0xa0: {  	[sflag:s22] =	ssyncadd.s32 s4;
	_ =	sdelay $0x1  }
0xa1: {  	s23 =	simm.s32 $0x1B8B  }
0xa2: {  	_ =	swait.ge [sflag:s23], $0x1  }
0xa3: {  	[sflag:s23] =	ssyncset.done $0x0  }
0xa4: {  	s25 =	simm.s32 $0x1B8E;
	s24 =	sld [smem:$0x3FFE];
	[sflag:s23] =	ssyncadd.s32 $0xFFFFFFFF  }
0xa5: {  	s26 =	simm.s32 $execute0_lowered;
	[smem:$0x3FD2] =	sst s25  }
0xa6: {  	s5 =	sshll.u32 s26, $0x1;
	_ =	strace $0x80000049;
	[dreg:$0x1] =	wrdreg $0xFFFFFFFF  }
0xa7: {  	s28 =	simm.s32 $_size_execute0_lowered;
	s3 =	sadd.s32 s3, s5;
	[dreg:$0x0] =	wrdreg $0x0  }
0xa8: {  	s5 =	sshll.u32 s28, $0x1;
	[dreg:$0x2] =	wrdreg s3  }
0xa9: {  	[dreg:$0x3] =	wrdreg s5  }
0xaa: {  	[dreg:$0x4] =	wrdreg $0xC0  }
0xab: {  	_ =	task [dreg:s7], $0x5FFFF  }
0xac: {  	[dreg:$0x1] =	wrdreg $0xFFFFFFFF  }
0xad: {  	[dreg:$0x0] =	wrdreg $0x60  }
0xae: {  	[dreg:$0x2] =	wrdreg s24  }
0xaf: {  	[dreg:$0x3] =	wrdreg s2  }
0xb0: {  	[dreg:$0x4] =	wrdreg $0x1A0000  }
0xb1: {  	[dreg:$0x5] =	wrdreg $0x9  }
0xb2: {  	_ =	task.clear_ibuf [dreg:s7], $0x6FFFF;
	_ =	strace $0x90000049  }
0xb3: {  	s29 =	simm.s32 $0x9;
	_ =	strace $0x8000004B  }
0xb4: {  	_ =	swait.ge [sflag:s29], $0x1  }
0xb5: {  	[sflag:s29] =	ssyncadd.s32 $0xFFFFFFFF  }
0xb6: {  	_ =	strace $0x9000004B  }
0xb7: {  	_ =	sfence  }
0xb8: {  	s30 =	sld [smem:$0x0];
	_ =	sdelay $0x2  }
0xb9: {  	s31 =	sshll.u32 s1, $0xD;
	s1 =	sshrl.u32 s1, $0x2  }
0xba: {  	s3 =	sand.u32 $0x4000, s31;
	s1 =	sadd.s32 s1, s30  }
0xbb: {  	s0 =	sor.u32 s3, s0;
	s1 =	sshll.u32 s1, $0x11  }
0xbc: {  	s0 =	sor.u32 s1, s0  }
0xbd: {  	s0 =	sadd.s32 $0x8F2B, s0  }
0xbe: {  	[sflag:s0] =	ssyncadd.remote.s32 $0x1  }
0xbf: {  	_ =	sfence.sel $0xFFFF  }
0xc0: {  	[dreg:$0x0] =	wrdreg $0xFFFFFFFF;
	(pc) =	sbr.abs _section_cstart, $3  }
0xc1: {  	[dreg:$0x1] =	wrdreg $0xFFFFFFFF  }
0xc2: {  	_ =	task.clear_ibuf [dreg:s7], $0x2FFFF;
	_ =	strace $0x9FFFFFFF  }
0xc3: {  	(tm) =	ssettm $0x7FFFFFFF  }
tec
execute0_lowered:
.L_overlay_start_1:
0x0: {  	(tag) =	ssettag $0x1  }
0x1: {  	s0 =	rddreg [dreg:$0x0]  }
0x2: {  	s8 =	rddreg [dreg:$0x1]  }
0x3: {  	s1 =	rddreg [dreg:$0x2]  }
0x4: {  	s2 =	simm.s32 $0x0;
	s6 =	srdreg.scid;
	s4 =	stileid.u32  }
0x5: {  	s18 =	simm.s32 $0xA000;
	s19 =	simm.s32 $0x9;
	s28 =	simm.s32 $0x1  }
0x6: {  	s29 =	simm.s32 $0x2;
	s30 =	simm.s32 $0x3;
	s31 =	simm.s32 $0x4  }
0x7: {  	s20 =	simm.s32 $0x7;
	[smem:$0x7FF] =	sst s2;
	s3 =	sadd.s32 $0x29000, s0  }
0x8: {  	s5 =	sadd.s32 $0x33000, s0;
	s9 =	sand.u32 $0x1, s6;
	s21 =	smul.u32 $0x14000, s4  }
0x9: {  	s10 =	sadd.s32 $0x1C00, s0;
	s11 =	smul.u32 $0x4E00, s4;
	s12 =	sadd.s32 $0x15600, s0  }
0xa: {  	s14 =	smul.u32 $0xA00, s4;
	s23 =	sadd.s32 $0x1F200, s0;
	s24 =	sadd.s32 $0x28E40, s0  }
0xb: {  	s25 =	sadd.s32 $0xB800, s0;
	_ =	strace $0x8000004A;
	[dreg:$0x6] =	wrdreg s23  }
0xc: {  	s0 =	sadd.s32 $0x15440, s0;
	p0 =	sne.s32 s4, $0x0;
	[dreg:$0x7] =	wrdreg s24  }
0xd: {  	p2 =	seq.s32 s4, $0x0;
	s7 =	ssub.s32 $0x2, s9;
	[dreg:$0xa] =	wrdreg s25  }
0xe: {  	s22 =	smul.u32 $0xA000, s9;
	[dreg:$0xb] =	wrdreg s0;
	p1 =	sne.s32 s9, $0x0  }
0xf: {  	s24 =	simm.s32 $0x12000;
	s0 =	simm.s32 $0x5;
	s9 =	simm.s32 $0x8  }
0x10: {  	s23 =	simm.s32 $0x9C00;
	s13 =	sshrl.u32 s7, $0x1;
	s6 =	sshrl.u32 s21, $0x2  }
0x11: {  	s11 =	sshrl.u32 s11, $0x3;
	s21 =	simm.s32 $0x200;
	s13 =	ssub.s32 s7, s13  }
0x12: {  	s6 =	sadd.s32 s6, s1;
	s15 =	sadd.s32 $0x9C40, s11;
	s16 =	sadd.s32 s12, s11  }
0x13: {  	s11 =	sadd.s32 s10, s11;
	s26 =	sadd.s32 s14, s22;
	s22 =	simm.s32 $0xE000  }
.Ltmp0:
0x14: {  	s7 =	sadd.s32 $0x4000, s6;
	[dreg:$0x4] =	wrdreg s16;
	(pc) =	sbr.rel .LBB2_1-.Ltmp0, $4  }
0x15: {  	s12 =	sadd.s32 s12, s15;
	[dreg:$0x8] =	wrdreg s11;
	s10 =	sadd.s32 s10, s15  }
0x16: {  	s16 =	sadd.s32 s8, s26;
	s17 =	smax.u32 s13, $0x1;
	s26 =	simm.s32 $0x16000  }
0x17: {  	s8 =	simm.s32 $0x6;
	s15 =	simm.s32 $0x9800;
	[dreg:$0x5] =	wrdreg s12  }
0x18: {  	v0 =	vimm.f32 $0.0e+00;
	s11 =	simm.s32 $0x0;
	[dreg:$0x9] =	wrdreg s10;
	s10 =	simm.s32 $0x9A00  }
.LBB2_10:
0x19: {  	s13 =	simm.s32 $0x4E00  }
0x1a: {  	[tilespmem:s26], [sflag:$0x4] =	stream.indirect.gather [hbm4b:s12+s21], $0x20, s13, s21, $0xb8;
	[tilespmem:$0x1F000] =	vst v63  }
0x1b: {  	_ =	swait.ge [sflag:s31], $0x4000  }
0x1c: {  	[sflag:s31] =	ssyncset.done $0x0  }
0x1d: {  	s25 =	simm.s32 $0x9E00;
	[sflag:s31] =	ssyncadd.s32 $0xFFFFC000  }
0x1e: {  	[spmem:s1] =	stream.indirect.scatter.add.f32 [tilespmem:s26], [sflag:$0x8], $0x20, s25, s21, $0xb8;
	[tilespmem:$0x1F000] =	vst v63  }
0x1f: {  	_ =	swait.ge [sflag:s9], $0x4000  }
0x20: {  	[sflag:s9] =	ssyncset.done $0x0  }
0x21: {  	[sflag:s9] =	ssyncadd.s32 $0xFFFFC000  }
.LBB2_11:
0x22: {  	s11 =	sadd.s32 $0x1, s11  }
0x23: {  	s12 =	sshll.u32 s4, $0x6;
	[bflag:$0x0] =	sbarrier.arrive $0xFFFF;
	p3 =	sne.s32 s11, s17  }
.Ltmp1:
0x24: {  	s13 =	sshrl.u32 s6, $0x3;
	s12 =	sor.u32 $0x1C09, s12;
	(pc) =	sbr.rel @!p3 .LBB2_12-.Ltmp1, $4  }
0x25: {  	[hbm:s16], [sflag:s12] =	dma.local [spmem:s13], $0xA00  }
0x26: {  	_ =	swait.ge [sflag:s19], $0xA00  }
0x27: {  	[sflag:s19] =	ssyncset.done $0x0  }
0x28: {  	[sflag:s19] =	ssyncadd.s32 $0xFFFFF600  }
.LBB2_1:
0x29: {  	s12 =	simm.s32 $0x80;
	s25 =	simm.s32 $0x0  }
.LBB2_2:
0x2a: {  	p3 =	sne.s32 s12, $0xFF80;
	[tilespmem:s25+$0xA000] =	vst v0;
	s13 =	smov.u32 s12;
	s12 =	sadd.s32 $0x80, s12  }
.Ltmp2:
0x2b: {  	[tilespmem:s25+$0xA010] =	vst v0;
	(pc) =	sbr.rel @p3 .LBB2_2-.Ltmp2, $2  }
0x2c: {  	_ =	sdelay $0x2  }
0x2d: {  	s25 =	sshra.s32 s13, $0x2  }
0x2e: {  	[tilespmem:s25+$0xA000] =	vst v0  }
0x2f: {  	[tilespmem:s25+$0xA010] =	vst v0  }
0x30: {  	[spmem:s6] =	stream.linear.scatter [tilespmem:s18], [sflag:$0x9], $0x4000, $0x38;
	[tilespmem:$0x1F000] =	vst v63  }
0x31: {  	_ =	swait.ge [sflag:s19], $0x4000  }
0x32: {  	[sflag:s19] =	ssyncset.done $0x0  }
.Ltmp3:
0x33: {  	[sflag:s19] =	ssyncadd.s32 $0xFFFFC000;
	(pc) =	sbr.rel @p1 .LBB2_7-.Ltmp3, $4  }
0x34: {  	[spmem:s7] =	stream.linear.scatter [tilespmem:s18], [sflag:$0x9], $0x1000, $0x38;
	[tilespmem:$0x1F000] =	vst v63  }
0x35: {  	_ =	swait.ge [sflag:s19], $0x1000  }
0x36: {  	[sflag:s19] =	ssyncset.done $0x0  }
0x37: {  	[sflag:s19] =	ssyncadd.s32 $0xFFFFF000  }
0x38: {  	s12 =	rddreg [dreg:$0x8]  }
0x39: {  	[tilespmem:s2], [sflag:$0x9] =	stream.linear.gather [hbm4b:s12+s2], $0x4E00, $0x38;
	[tilespmem:$0x1F000] =	vst v63  }
0x3a: {  	_ =	swait.ge [sflag:s19], $0x4E00  }
0x3b: {  	[sflag:s19] =	ssyncset.done $0x0  }
0x3c: {  	s13 =	simm.s32 $0x5000;
	s14 =	rddreg [dreg:$0x9];
	[sflag:s19] =	ssyncadd.s32 $0xFFFFB200  }
0x3d: {  	[tilespmem:s13], [sflag:$0x9] =	stream.linear.gather [hbm4b:s14+s2], $0x4E00, $0x38;
	[tilespmem:$0x1F000] =	vst v63  }
0x3e: {  	_ =	swait.ge [sflag:s19], $0x4E00  }
0x3f: {  	s12 =	simm.s32 @!p0 $0x0;
	[sflag:s19] =	ssyncset.done $0x0  }
0x40: {  	s13 =	simm.s32 @!p0 $0x4E00;
	s14 =	rddreg [dreg:$0xa];
	[sflag:s19] =	ssyncadd.s32 $0xFFFFB200  }
0x41: {  	[tilespmem:s13], [sflag:$0x9] =	stream.linear.gather @!p0 [hbm4b:s14+s12], $0x200, $0x38;
	[tilespmem:$0x1F000] =	vst v63  }
0x42: {  	s13 =	simm.s32 @!p0 $0x9  }
0x43: {  	_ =	swait.ge @!p0 [sflag:s13], $0x200  }
0x44: {  	[sflag:s13] =	ssyncset.done @!p0 $0x0  }
0x45: {  	s25 =	simm.s32 @!p0 $0x9E00;
	s14 =	rddreg [dreg:$0xb];
	[sflag:s13] =	ssyncadd.s32 @!p0 $0xFFFFFE00  }
0x46: {  	[tilespmem:s25], [sflag:$0x9] =	stream.linear.gather @!p0 [hbm4b:s14+s12], $0x200, $0x38;
	[tilespmem:$0x1F000] =	vst v63  }
0x47: {  	_ =	swait.ge @!p0 [sflag:s13], $0x200  }
0x48: {  	[sflag:s13] =	ssyncset.done @!p0 $0x0  }
0x49: {  	[sflag:s13] =	ssyncadd.s32 @!p0 $0xFFFFFE00  }
0x4a: {  	s25 =	simm.s32 $0x0;
	[bflag:$0x0] =	sbarrier.arrive $0xFFFF  }
0x4b: {  	[tilespmem:s18], [sflag:$0x1] =	stream.indirect.gather [hbm4b:s3+s21], $0x20, s25, s21, $0xb8;
	[tilespmem:$0x1F000] =	vst v63  }
0x4c: {  	_ = 	snop  }
0x4d: {  	[tilespmem:s22], [sflag:$0x2] =	stream.indirect.gather [hbm4b:s3+s21], $0x20, s21, s21, $0xb8;
	[tilespmem:$0x1F000] =	vst v63  }
0x4e: {  	s13 =	simm.s32 $0x400  }
0x4f: {  	[tilespmem:s24], [sflag:$0x3] =	stream.indirect.gather [hbm4b:s3+s21], $0x20, s13, s21, $0xb8;
	[tilespmem:$0x1F000] =	vst v63  }
0x50: {  	s14 =	simm.s32 $0x600  }
0x51: {  	[tilespmem:s26], [sflag:$0x4] =	stream.indirect.gather [hbm4b:s3+s21], $0x20, s14, s21, $0xb8;
	[tilespmem:$0x1F000] =	vst v63  }
0x52: {  	_ =	swait.ge [sflag:s28], $0x4000  }
0x53: {  	[sflag:s28] =	ssyncset.done $0x0  }
0x54: {  	s25 =	simm.s32 $0x5000;
	[sflag:s28] =	ssyncadd.s32 $0xFFFFC000  }
0x55: {  	[spmem:s1] =	stream.indirect.scatter.add.f32 [tilespmem:s18], [sflag:$0x5], $0x20, s25, s21, $0xb8;
	[tilespmem:$0x1F000] =	vst v63  }
0x56: {  	_ =	swait.ge [sflag:s29], $0x4000  }
0x57: {  	[sflag:s29] =	ssyncset.done $0x0  }
0x58: {  	s13 =	simm.s32 $0x5200;
	[sflag:s29] =	ssyncadd.s32 $0xFFFFC000  }
0x59: {  	[spmem:s1] =	stream.indirect.scatter.add.f32 [tilespmem:s22], [sflag:$0x6], $0x20, s13, s21, $0xb8;
	[tilespmem:$0x1F000] =	vst v63  }
0x5a: {  	_ =	swait.ge [sflag:s30], $0x4000  }
0x5b: {  	[sflag:s30] =	ssyncset.done $0x0  }
0x5c: {  	s14 =	simm.s32 $0x5400;
	[sflag:s30] =	ssyncadd.s32 $0xFFFFC000  }
0x5d: {  	[spmem:s1] =	stream.indirect.scatter.add.f32 [tilespmem:s24], [sflag:$0x7], $0x20, s14, s21, $0xb8;
	[tilespmem:$0x1F000] =	vst v63  }
0x5e: {  	_ =	swait.ge [sflag:s31], $0x4000  }
0x5f: {  	[sflag:s31] =	ssyncset.done $0x0  }
0x60: {  	s25 =	simm.s32 $0x5600;
	[sflag:s31] =	ssyncadd.s32 $0xFFFFC000  }
0x61: {  	[spmem:s1] =	stream.indirect.scatter.add.f32 [tilespmem:s26], [sflag:$0x8], $0x20, s25, s21, $0xb8;
	[tilespmem:$0x1F000] =	vst v63  }
0x62: {  	_ =	swait.ge [sflag:s0], $0x4000  }
0x63: {  	[sflag:s0] =	ssyncset.done $0x0  }
0x64: {  	s13 =	simm.s32 $0x800;
	[sflag:s0] =	ssyncadd.s32 $0xFFFFC000  }
0x65: {  	[tilespmem:s18], [sflag:$0x1] =	stream.indirect.gather [hbm4b:s3+s21], $0x20, s13, s21, $0xb8;
	[tilespmem:$0x1F000] =	vst v63  }
0x66: {  	_ =	swait.ge [sflag:s8], $0x4000  }
0x67: {  	[sflag:s8] =	ssyncset.done $0x0  }
0x68: {  	s14 =	simm.s32 $0xA00;
	[sflag:s8] =	ssyncadd.s32 $0xFFFFC000  }
0x69: {  	[tilespmem:s22], [sflag:$0x2] =	stream.indirect.gather [hbm4b:s3+s21], $0x20, s14, s21, $0xb8;
	[tilespmem:$0x1F000] =	vst v63  }
0x6a: {  	_ =	swait.ge [sflag:s20], $0x4000  }
0x6b: {  	[sflag:s20] =	ssyncset.done $0x0  }
0x6c: {  	s25 =	simm.s32 $0xC00;
	[sflag:s20] =	ssyncadd.s32 $0xFFFFC000  }
0x6d: {  	[tilespmem:s24], [sflag:$0x3] =	stream.indirect.gather [hbm4b:s3+s21], $0x20, s25, s21, $0xb8;
	[tilespmem:$0x1F000] =	vst v63  }
0x6e: {  	_ =	swait.ge [sflag:s9], $0x4000  }
0x6f: {  	[sflag:s9] =	ssyncset.done $0x0  }
0x70: {  	s12 =	simm.s32 $0x2000;
	s25 =	simm.s32 $0xE00;
	[sflag:s9] =	ssyncadd.s32 $0xFFFFC000  }
.LBB2_5:
0x71: {  	[tilespmem:s26], [sflag:$0x4] =	stream.indirect.gather [hbm4b:s3+s21], $0x20, s25, s21, $0xb8;
	[tilespmem:$0x1F000] =	vst v63  }
0x72: {  	s13 =	smov.u32 s12  }
0x73: {  	p3 =	sne.s32 s12, $0xE000;
	s12 =	sadd.s32 $0x2000, s12;
	_ =	swait.ge [sflag:s28], $0x4000  }
0x74: {  	s25 =	sshra.s32 s13, $0x2;
	[sflag:s28] =	ssyncset.done $0x0  }
0x75: {  	s13 =	sadd.s32 $0x5000, s25;
	[sflag:s28] =	ssyncadd.s32 $0xFFFFC000  }
0x76: {  	[spmem:s1] =	stream.indirect.scatter.add.f32 [tilespmem:s18], [sflag:$0x5], $0x20, s13, s21, $0xb8;
	[tilespmem:$0x1F000] =	vst v63  }
0x77: {  	_ =	swait.ge [sflag:s29], $0x4000  }
0x78: {  	[sflag:s29] =	ssyncset.done $0x0  }
0x79: {  	s13 =	sadd.s32 $0x5200, s25;
	[sflag:s29] =	ssyncadd.s32 $0xFFFFC000  }
0x7a: {  	[spmem:s1] =	stream.indirect.scatter.add.f32 [tilespmem:s22], [sflag:$0x6], $0x20, s13, s21, $0xb8;
	[tilespmem:$0x1F000] =	vst v63  }
0x7b: {  	_ =	swait.ge [sflag:s30], $0x4000  }
0x7c: {  	[sflag:s30] =	ssyncset.done $0x0  }
0x7d: {  	s13 =	sadd.s32 $0x5400, s25;
	[sflag:s30] =	ssyncadd.s32 $0xFFFFC000  }
0x7e: {  	[spmem:s1] =	stream.indirect.scatter.add.f32 [tilespmem:s24], [sflag:$0x7], $0x20, s13, s21, $0xb8;
	[tilespmem:$0x1F000] =	vst v63  }
0x7f: {  	_ =	swait.ge [sflag:s31], $0x4000  }
0x80: {  	[sflag:s31] =	ssyncset.done $0x0  }
0x81: {  	s13 =	sadd.s32 $0x5600, s25;
	[sflag:s31] =	ssyncadd.s32 $0xFFFFC000  }
0x82: {  	[spmem:s1] =	stream.indirect.scatter.add.f32 [tilespmem:s26], [sflag:$0x8], $0x20, s13, s21, $0xb8;
	[tilespmem:$0x1F000] =	vst v63  }
0x83: {  	_ =	swait.ge [sflag:s0], $0x4000  }
0x84: {  	[sflag:s0] =	ssyncset.done $0x0  }
0x85: {  	s13 =	sadd.s32 $0x800, s25;
	[sflag:s0] =	ssyncadd.s32 $0xFFFFC000  }
0x86: {  	[tilespmem:s18], [sflag:$0x1] =	stream.indirect.gather [hbm4b:s3+s21], $0x20, s13, s21, $0xb8;
	[tilespmem:$0x1F000] =	vst v63  }
0x87: {  	_ =	swait.ge [sflag:s8], $0x4000  }
0x88: {  	[sflag:s8] =	ssyncset.done $0x0  }
0x89: {  	s13 =	sadd.s32 $0xA00, s25;
	[sflag:s8] =	ssyncadd.s32 $0xFFFFC000  }
0x8a: {  	[tilespmem:s22], [sflag:$0x2] =	stream.indirect.gather [hbm4b:s3+s21], $0x20, s13, s21, $0xb8;
	[tilespmem:$0x1F000] =	vst v63  }
0x8b: {  	_ =	swait.ge [sflag:s20], $0x4000  }
0x8c: {  	[sflag:s20] =	ssyncset.done $0x0  }
.Ltmp4:
0x8d: {  	s13 =	sadd.s32 $0xC00, s25;
	[sflag:s20] =	ssyncadd.s32 $0xFFFFC000;
	(pc) =	sbr.rel @p3 .LBB2_5-.Ltmp4, $4  }
0x8e: {  	[tilespmem:s24], [sflag:$0x3] =	stream.indirect.gather [hbm4b:s3+s21], $0x20, s13, s21, $0xb8;
	[tilespmem:$0x1F000] =	vst v63  }
0x8f: {  	_ =	swait.ge [sflag:s9], $0x4000  }
0x90: {  	[sflag:s9] =	ssyncset.done $0x0  }
0x91: {  	s25 =	sadd.s32 $0xE00, s25;
	[sflag:s9] =	ssyncadd.s32 $0xFFFFC000  }
0x92: {  	[tilespmem:s26], [sflag:$0x4] =	stream.indirect.gather [hbm4b:s3+s21], $0x20, s25, s21, $0xb8;
	[tilespmem:$0x1F000] =	vst v63  }
0x93: {  	_ =	swait.ge [sflag:s28], $0x4000  }
0x94: {  	[sflag:s28] =	ssyncset.done $0x0  }
0x95: {  	s12 =	simm.s32 $0x9000;
	[sflag:s28] =	ssyncadd.s32 $0xFFFFC000  }
0x96: {  	[spmem:s1] =	stream.indirect.scatter.add.f32 [tilespmem:s18], [sflag:$0x5], $0x20, s12, s21, $0xb8;
	[tilespmem:$0x1F000] =	vst v63  }
0x97: {  	_ =	swait.ge [sflag:s29], $0x4000  }
0x98: {  	[sflag:s29] =	ssyncset.done $0x0  }
0x99: {  	s13 =	simm.s32 $0x9200;
	[sflag:s29] =	ssyncadd.s32 $0xFFFFC000  }
0x9a: {  	[spmem:s1] =	stream.indirect.scatter.add.f32 [tilespmem:s22], [sflag:$0x6], $0x20, s13, s21, $0xb8;
	[tilespmem:$0x1F000] =	vst v63  }
0x9b: {  	_ =	swait.ge [sflag:s30], $0x4000  }
0x9c: {  	[sflag:s30] =	ssyncset.done $0x0  }
0x9d: {  	s14 =	simm.s32 $0x9400;
	[sflag:s30] =	ssyncadd.s32 $0xFFFFC000  }
0x9e: {  	[spmem:s1] =	stream.indirect.scatter.add.f32 [tilespmem:s24], [sflag:$0x7], $0x20, s14, s21, $0xb8;
	[tilespmem:$0x1F000] =	vst v63  }
0x9f: {  	_ =	swait.ge [sflag:s31], $0x4000  }
0xa0: {  	[sflag:s31] =	ssyncset.done $0x0  }
0xa1: {  	s25 =	simm.s32 $0x9600;
	[sflag:s31] =	ssyncadd.s32 $0xFFFFC000  }
0xa2: {  	[spmem:s1] =	stream.indirect.scatter.add.f32 [tilespmem:s26], [sflag:$0x8], $0x20, s25, s21, $0xb8;
	[tilespmem:$0x1F000] =	vst v63  }
0xa3: {  	_ =	swait.ge [sflag:s0], $0x4000  }
0xa4: {  	[sflag:s0] =	ssyncset.done $0x0  }
0xa5: {  	s13 =	simm.s32 $0x4800;
	[sflag:s0] =	ssyncadd.s32 $0xFFFFC000  }
0xa6: {  	[tilespmem:s18], [sflag:$0x1] =	stream.indirect.gather [hbm4b:s3+s21], $0x20, s13, s21, $0xb8;
	[tilespmem:$0x1F000] =	vst v63  }
0xa7: {  	_ =	swait.ge [sflag:s8], $0x4000  }
0xa8: {  	[sflag:s8] =	ssyncset.done $0x0  }
0xa9: {  	s14 =	simm.s32 $0x4A00;
	[sflag:s8] =	ssyncadd.s32 $0xFFFFC000  }
0xaa: {  	[tilespmem:s22], [sflag:$0x2] =	stream.indirect.gather [hbm4b:s3+s21], $0x20, s14, s21, $0xb8;
	[tilespmem:$0x1F000] =	vst v63  }
0xab: {  	_ =	swait.ge [sflag:s20], $0x4000  }
0xac: {  	[sflag:s20] =	ssyncset.done $0x0  }
0xad: {  	s25 =	simm.s32 $0x4C00;
	[sflag:s20] =	ssyncadd.s32 $0xFFFFC000  }
0xae: {  	[tilespmem:s24], [sflag:$0x3] =	stream.indirect.gather [hbm4b:s3+s21], $0x20, s25, s21, $0xb8;
	[tilespmem:$0x1F000] =	vst v63  }
0xaf: {  	_ =	swait.ge [sflag:s28], $0x4000  }
0xb0: {  	[sflag:s28] =	ssyncset.done $0x0  }
0xb1: {  	[sflag:s28] =	ssyncadd.s32 $0xFFFFC000  }
0xb2: {  	[spmem:s1] =	stream.indirect.scatter.add.f32 [tilespmem:s18], [sflag:$0x5], $0x20, s15, s21, $0xb8;
	[tilespmem:$0x1F000] =	vst v63  }
0xb3: {  	_ =	swait.ge [sflag:s29], $0x4000  }
0xb4: {  	[sflag:s29] =	ssyncset.done $0x0  }
0xb5: {  	[sflag:s29] =	ssyncadd.s32 $0xFFFFC000  }
0xb6: {  	[spmem:s1] =	stream.indirect.scatter.add.f32 [tilespmem:s22], [sflag:$0x6], $0x20, s10, s21, $0xb8;
	[tilespmem:$0x1F000] =	vst v63  }
0xb7: {  	_ =	swait.ge [sflag:s30], $0x4000  }
0xb8: {  	[sflag:s30] =	ssyncset.done $0x0  }
0xb9: {  	[sflag:s30] =	ssyncadd.s32 $0xFFFFC000  }
0xba: {  	[spmem:s1] =	stream.indirect.scatter.add.f32 [tilespmem:s24], [sflag:$0x7], $0x20, s23, s21, $0xb8;
	[tilespmem:$0x1F000] =	vst v63  }
0xbb: {  	_ =	swait.ge [sflag:s9], $0x4000  }
0xbc: {  	[sflag:s9] =	ssyncset.done $0x0  }
0xbd: {  	[sflag:s9] =	ssyncadd.s32 $0xFFFFC000  }
0xbe: {  	_ =	swait.ge [sflag:s0], $0x4000  }
0xbf: {  	[sflag:s0] =	ssyncset.done $0x0  }
0xc0: {  	[sflag:s0] =	ssyncadd.s32 $0xFFFFC000  }
0xc1: {  	_ =	swait.ge [sflag:s8], $0x4000  }
.Ltmp5:
0xc2: {  	[sflag:s8] =	ssyncset.done $0x0;
	(pc) =	sbr.rel @!p2 .LBB2_11-.Ltmp5, $4  }
.Ltmp6:
0xc3: {  	[sflag:s8] =	ssyncadd.s32 $0xFFFFC000;
	(pc) =	sbr.rel @p2 .LBB2_10-.Ltmp6, $4  }
0xc4: {  	_ =	swait.ge [sflag:s20], $0x4000  }
0xc5: {  	[sflag:s20] =	ssyncset.done $0x0  }
0xc6: {  	s12 =	smov.u32 s3;
	[sflag:s20] =	ssyncadd.s32 $0xFFFFC000  }
0xc7: {  	_ = 	snop  }
.LBB2_7:
0xc8: {  	s12 =	rddreg [dreg:$0x4]  }
0xc9: {  	[tilespmem:s2], [sflag:$0x9] =	stream.linear.gather [hbm4b:s12+s2], $0x4E00, $0x38;
	[tilespmem:$0x1F000] =	vst v63  }
0xca: {  	_ =	swait.ge [sflag:s19], $0x4E00  }
0xcb: {  	[sflag:s19] =	ssyncset.done $0x0  }
0xcc: {  	s13 =	simm.s32 $0x5000;
	s14 =	rddreg [dreg:$0x5];
	[sflag:s19] =	ssyncadd.s32 $0xFFFFB200  }
0xcd: {  	[tilespmem:s13], [sflag:$0x9] =	stream.linear.gather [hbm4b:s14+s2], $0x4E00, $0x38;
	[tilespmem:$0x1F000] =	vst v63  }
0xce: {  	_ =	swait.ge [sflag:s19], $0x4E00  }
0xcf: {  	s12 =	simm.s32 @!p0 $0x0;
	[sflag:s19] =	ssyncset.done $0x0  }
0xd0: {  	s13 =	simm.s32 @!p0 $0x4E00;
	s25 =	rddreg [dreg:$0x6];
	[sflag:s19] =	ssyncadd.s32 $0xFFFFB200  }
0xd1: {  	[tilespmem:s13], [sflag:$0x9] =	stream.linear.gather @!p0 [hbm4b:s25+s12], $0x200, $0x38;
	[tilespmem:$0x1F000] =	vst v63  }
0xd2: {  	s13 =	simm.s32 @!p0 $0x9  }
0xd3: {  	_ =	swait.ge @!p0 [sflag:s13], $0x200  }
0xd4: {  	[sflag:s13] =	ssyncset.done @!p0 $0x0  }
0xd5: {  	s25 =	simm.s32 @!p0 $0x9E00;
	s14 =	rddreg [dreg:$0x7];
	[sflag:s13] =	ssyncadd.s32 @!p0 $0xFFFFFE00  }
0xd6: {  	[tilespmem:s25], [sflag:$0x9] =	stream.linear.gather @!p0 [hbm4b:s14+s12], $0x200, $0x38;
	[tilespmem:$0x1F000] =	vst v63  }
0xd7: {  	_ =	swait.ge @!p0 [sflag:s13], $0x200  }
0xd8: {  	[sflag:s13] =	ssyncset.done @!p0 $0x0  }
0xd9: {  	[sflag:s13] =	ssyncadd.s32 @!p0 $0xFFFFFE00  }
0xda: {  	s25 =	simm.s32 $0x0;
	[bflag:$0x0] =	sbarrier.arrive $0xFFFF  }
0xdb: {  	[tilespmem:s18], [sflag:$0x1] =	stream.indirect.gather [hbm4b:s5+s21], $0x20, s25, s21, $0xb8;
	[tilespmem:$0x1F000] =	vst v63  }
0xdc: {  	_ = 	snop  }
0xdd: {  	[tilespmem:s22], [sflag:$0x2] =	stream.indirect.gather [hbm4b:s5+s21], $0x20, s21, s21, $0xb8;
	[tilespmem:$0x1F000] =	vst v63  }
0xde: {  	s13 =	simm.s32 $0x400  }
0xdf: {  	[tilespmem:s24], [sflag:$0x3] =	stream.indirect.gather [hbm4b:s5+s21], $0x20, s13, s21, $0xb8;
	[tilespmem:$0x1F000] =	vst v63  }
0xe0: {  	s14 =	simm.s32 $0x600  }
0xe1: {  	[tilespmem:s26], [sflag:$0x4] =	stream.indirect.gather [hbm4b:s5+s21], $0x20, s14, s21, $0xb8;
	[tilespmem:$0x1F000] =	vst v63  }
0xe2: {  	_ =	swait.ge [sflag:s28], $0x4000  }
0xe3: {  	[sflag:s28] =	ssyncset.done $0x0  }
0xe4: {  	s25 =	simm.s32 $0x5000;
	[sflag:s28] =	ssyncadd.s32 $0xFFFFC000  }
0xe5: {  	[spmem:s1] =	stream.indirect.scatter.add.f32 [tilespmem:s18], [sflag:$0x5], $0x20, s25, s21, $0xb8;
	[tilespmem:$0x1F000] =	vst v63  }
0xe6: {  	_ =	swait.ge [sflag:s29], $0x4000  }
0xe7: {  	[sflag:s29] =	ssyncset.done $0x0  }
0xe8: {  	s13 =	simm.s32 $0x5200;
	[sflag:s29] =	ssyncadd.s32 $0xFFFFC000  }
0xe9: {  	[spmem:s1] =	stream.indirect.scatter.add.f32 [tilespmem:s22], [sflag:$0x6], $0x20, s13, s21, $0xb8;
	[tilespmem:$0x1F000] =	vst v63  }
0xea: {  	_ =	swait.ge [sflag:s30], $0x4000  }
0xeb: {  	[sflag:s30] =	ssyncset.done $0x0  }
0xec: {  	s14 =	simm.s32 $0x5400;
	[sflag:s30] =	ssyncadd.s32 $0xFFFFC000  }
0xed: {  	[spmem:s1] =	stream.indirect.scatter.add.f32 [tilespmem:s24], [sflag:$0x7], $0x20, s14, s21, $0xb8;
	[tilespmem:$0x1F000] =	vst v63  }
0xee: {  	_ =	swait.ge [sflag:s31], $0x4000  }
0xef: {  	[sflag:s31] =	ssyncset.done $0x0  }
0xf0: {  	s25 =	simm.s32 $0x5600;
	[sflag:s31] =	ssyncadd.s32 $0xFFFFC000  }
0xf1: {  	[spmem:s1] =	stream.indirect.scatter.add.f32 [tilespmem:s26], [sflag:$0x8], $0x20, s25, s21, $0xb8;
	[tilespmem:$0x1F000] =	vst v63  }
0xf2: {  	_ =	swait.ge [sflag:s0], $0x4000  }
0xf3: {  	[sflag:s0] =	ssyncset.done $0x0  }
0xf4: {  	s13 =	simm.s32 $0x800;
	[sflag:s0] =	ssyncadd.s32 $0xFFFFC000  }
0xf5: {  	[tilespmem:s18], [sflag:$0x1] =	stream.indirect.gather [hbm4b:s5+s21], $0x20, s13, s21, $0xb8;
	[tilespmem:$0x1F000] =	vst v63  }
0xf6: {  	_ =	swait.ge [sflag:s8], $0x4000  }
0xf7: {  	[sflag:s8] =	ssyncset.done $0x0  }
0xf8: {  	s14 =	simm.s32 $0xA00;
	[sflag:s8] =	ssyncadd.s32 $0xFFFFC000  }
0xf9: {  	[tilespmem:s22], [sflag:$0x2] =	stream.indirect.gather [hbm4b:s5+s21], $0x20, s14, s21, $0xb8;
	[tilespmem:$0x1F000] =	vst v63  }
0xfa: {  	_ =	swait.ge [sflag:s20], $0x4000  }
0xfb: {  	[sflag:s20] =	ssyncset.done $0x0  }
0xfc: {  	s25 =	simm.s32 $0xC00;
	[sflag:s20] =	ssyncadd.s32 $0xFFFFC000  }
0xfd: {  	[tilespmem:s24], [sflag:$0x3] =	stream.indirect.gather [hbm4b:s5+s21], $0x20, s25, s21, $0xb8;
	[tilespmem:$0x1F000] =	vst v63  }
0xfe: {  	_ =	swait.ge [sflag:s9], $0x4000  }
0xff: {  	[sflag:s9] =	ssyncset.done $0x0  }
0x100: {  	s12 =	simm.s32 $0x2000;
	s25 =	simm.s32 $0xE00;
	[sflag:s9] =	ssyncadd.s32 $0xFFFFC000  }
.LBB2_8:
0x101: {  	[tilespmem:s26], [sflag:$0x4] =	stream.indirect.gather [hbm4b:s5+s21], $0x20, s25, s21, $0xb8;
	[tilespmem:$0x1F000] =	vst v63  }
0x102: {  	s13 =	smov.u32 s12  }
0x103: {  	p3 =	sne.s32 s12, $0xE000;
	s12 =	sadd.s32 $0x2000, s12;
	_ =	swait.ge [sflag:s28], $0x4000  }
0x104: {  	s25 =	sshra.s32 s13, $0x2;
	[sflag:s28] =	ssyncset.done $0x0  }
0x105: {  	s13 =	sadd.s32 $0x5000, s25;
	[sflag:s28] =	ssyncadd.s32 $0xFFFFC000  }
0x106: {  	[spmem:s1] =	stream.indirect.scatter.add.f32 [tilespmem:s18], [sflag:$0x5], $0x20, s13, s21, $0xb8;
	[tilespmem:$0x1F000] =	vst v63  }
0x107: {  	_ =	swait.ge [sflag:s29], $0x4000  }
0x108: {  	[sflag:s29] =	ssyncset.done $0x0  }
0x109: {  	s13 =	sadd.s32 $0x5200, s25;
	[sflag:s29] =	ssyncadd.s32 $0xFFFFC000  }
0x10a: {  	[spmem:s1] =	stream.indirect.scatter.add.f32 [tilespmem:s22], [sflag:$0x6], $0x20, s13, s21, $0xb8;
	[tilespmem:$0x1F000] =	vst v63  }
0x10b: {  	_ =	swait.ge [sflag:s30], $0x4000  }
0x10c: {  	[sflag:s30] =	ssyncset.done $0x0  }
0x10d: {  	s13 =	sadd.s32 $0x5400, s25;
	[sflag:s30] =	ssyncadd.s32 $0xFFFFC000  }
0x10e: {  	[spmem:s1] =	stream.indirect.scatter.add.f32 [tilespmem:s24], [sflag:$0x7], $0x20, s13, s21, $0xb8;
	[tilespmem:$0x1F000] =	vst v63  }
0x10f: {  	_ =	swait.ge [sflag:s31], $0x4000  }
0x110: {  	[sflag:s31] =	ssyncset.done $0x0  }
0x111: {  	s13 =	sadd.s32 $0x5600, s25;
	[sflag:s31] =	ssyncadd.s32 $0xFFFFC000  }
0x112: {  	[spmem:s1] =	stream.indirect.scatter.add.f32 [tilespmem:s26], [sflag:$0x8], $0x20, s13, s21, $0xb8;
	[tilespmem:$0x1F000] =	vst v63  }
0x113: {  	_ =	swait.ge [sflag:s0], $0x4000  }
0x114: {  	[sflag:s0] =	ssyncset.done $0x0  }
0x115: {  	s13 =	sadd.s32 $0x800, s25;
	[sflag:s0] =	ssyncadd.s32 $0xFFFFC000  }
0x116: {  	[tilespmem:s18], [sflag:$0x1] =	stream.indirect.gather [hbm4b:s5+s21], $0x20, s13, s21, $0xb8;
	[tilespmem:$0x1F000] =	vst v63  }
0x117: {  	_ =	swait.ge [sflag:s8], $0x4000  }
0x118: {  	[sflag:s8] =	ssyncset.done $0x0  }
0x119: {  	s13 =	sadd.s32 $0xA00, s25;
	[sflag:s8] =	ssyncadd.s32 $0xFFFFC000  }
0x11a: {  	[tilespmem:s22], [sflag:$0x2] =	stream.indirect.gather [hbm4b:s5+s21], $0x20, s13, s21, $0xb8;
	[tilespmem:$0x1F000] =	vst v63  }
0x11b: {  	_ =	swait.ge [sflag:s20], $0x4000  }
0x11c: {  	[sflag:s20] =	ssyncset.done $0x0  }
.Ltmp7:
0x11d: {  	s13 =	sadd.s32 $0xC00, s25;
	[sflag:s20] =	ssyncadd.s32 $0xFFFFC000;
	(pc) =	sbr.rel @p3 .LBB2_8-.Ltmp7, $4  }
0x11e: {  	[tilespmem:s24], [sflag:$0x3] =	stream.indirect.gather [hbm4b:s5+s21], $0x20, s13, s21, $0xb8;
	[tilespmem:$0x1F000] =	vst v63  }
0x11f: {  	_ =	swait.ge [sflag:s9], $0x4000  }
0x120: {  	[sflag:s9] =	ssyncset.done $0x0  }
0x121: {  	s25 =	sadd.s32 $0xE00, s25;
	[sflag:s9] =	ssyncadd.s32 $0xFFFFC000  }
0x122: {  	[tilespmem:s26], [sflag:$0x4] =	stream.indirect.gather [hbm4b:s5+s21], $0x20, s25, s21, $0xb8;
	[tilespmem:$0x1F000] =	vst v63  }
0x123: {  	_ =	swait.ge [sflag:s28], $0x4000  }
0x124: {  	[sflag:s28] =	ssyncset.done $0x0  }
0x125: {  	s12 =	simm.s32 $0x9000;
	[sflag:s28] =	ssyncadd.s32 $0xFFFFC000  }
0x126: {  	[spmem:s1] =	stream.indirect.scatter.add.f32 [tilespmem:s18], [sflag:$0x5], $0x20, s12, s21, $0xb8;
	[tilespmem:$0x1F000] =	vst v63  }
0x127: {  	_ =	swait.ge [sflag:s29], $0x4000  }
0x128: {  	[sflag:s29] =	ssyncset.done $0x0  }
0x129: {  	s13 =	simm.s32 $0x9200;
	[sflag:s29] =	ssyncadd.s32 $0xFFFFC000  }
0x12a: {  	[spmem:s1] =	stream.indirect.scatter.add.f32 [tilespmem:s22], [sflag:$0x6], $0x20, s13, s21, $0xb8;
	[tilespmem:$0x1F000] =	vst v63  }
0x12b: {  	_ =	swait.ge [sflag:s30], $0x4000  }
0x12c: {  	[sflag:s30] =	ssyncset.done $0x0  }
0x12d: {  	s14 =	simm.s32 $0x9400;
	[sflag:s30] =	ssyncadd.s32 $0xFFFFC000  }
0x12e: {  	[spmem:s1] =	stream.indirect.scatter.add.f32 [tilespmem:s24], [sflag:$0x7], $0x20, s14, s21, $0xb8;
	[tilespmem:$0x1F000] =	vst v63  }
0x12f: {  	_ =	swait.ge [sflag:s31], $0x4000  }
0x130: {  	[sflag:s31] =	ssyncset.done $0x0  }
0x131: {  	s25 =	simm.s32 $0x9600;
	[sflag:s31] =	ssyncadd.s32 $0xFFFFC000  }
0x132: {  	[spmem:s1] =	stream.indirect.scatter.add.f32 [tilespmem:s26], [sflag:$0x8], $0x20, s25, s21, $0xb8;
	[tilespmem:$0x1F000] =	vst v63  }
0x133: {  	_ =	swait.ge [sflag:s0], $0x4000  }
0x134: {  	[sflag:s0] =	ssyncset.done $0x0  }
0x135: {  	s13 =	simm.s32 $0x4800;
	[sflag:s0] =	ssyncadd.s32 $0xFFFFC000  }
0x136: {  	[tilespmem:s18], [sflag:$0x1] =	stream.indirect.gather [hbm4b:s5+s21], $0x20, s13, s21, $0xb8;
	[tilespmem:$0x1F000] =	vst v63  }
0x137: {  	_ =	swait.ge [sflag:s8], $0x4000  }
0x138: {  	[sflag:s8] =	ssyncset.done $0x0  }
0x139: {  	s14 =	simm.s32 $0x4A00;
	[sflag:s8] =	ssyncadd.s32 $0xFFFFC000  }
0x13a: {  	[tilespmem:s22], [sflag:$0x2] =	stream.indirect.gather [hbm4b:s5+s21], $0x20, s14, s21, $0xb8;
	[tilespmem:$0x1F000] =	vst v63  }
0x13b: {  	_ =	swait.ge [sflag:s20], $0x4000  }
0x13c: {  	[sflag:s20] =	ssyncset.done $0x0  }
0x13d: {  	s25 =	simm.s32 $0x4C00;
	[sflag:s20] =	ssyncadd.s32 $0xFFFFC000  }
0x13e: {  	[tilespmem:s24], [sflag:$0x3] =	stream.indirect.gather [hbm4b:s5+s21], $0x20, s25, s21, $0xb8;
	[tilespmem:$0x1F000] =	vst v63  }
0x13f: {  	_ =	swait.ge [sflag:s28], $0x4000  }
0x140: {  	[sflag:s28] =	ssyncset.done $0x0  }
0x141: {  	[sflag:s28] =	ssyncadd.s32 $0xFFFFC000  }
0x142: {  	[spmem:s1] =	stream.indirect.scatter.add.f32 [tilespmem:s18], [sflag:$0x5], $0x20, s15, s21, $0xb8;
	[tilespmem:$0x1F000] =	vst v63  }
0x143: {  	_ =	swait.ge [sflag:s29], $0x4000  }
0x144: {  	[sflag:s29] =	ssyncset.done $0x0  }
0x145: {  	[sflag:s29] =	ssyncadd.s32 $0xFFFFC000  }
0x146: {  	[spmem:s1] =	stream.indirect.scatter.add.f32 [tilespmem:s22], [sflag:$0x6], $0x20, s10, s21, $0xb8;
	[tilespmem:$0x1F000] =	vst v63  }
0x147: {  	_ =	swait.ge [sflag:s30], $0x4000  }
0x148: {  	[sflag:s30] =	ssyncset.done $0x0  }
0x149: {  	[sflag:s30] =	ssyncadd.s32 $0xFFFFC000  }
0x14a: {  	[spmem:s1] =	stream.indirect.scatter.add.f32 [tilespmem:s24], [sflag:$0x7], $0x20, s23, s21, $0xb8;
	[tilespmem:$0x1F000] =	vst v63  }
0x14b: {  	_ =	swait.ge [sflag:s9], $0x4000  }
0x14c: {  	[sflag:s9] =	ssyncset.done $0x0  }
0x14d: {  	[sflag:s9] =	ssyncadd.s32 $0xFFFFC000  }
0x14e: {  	_ =	swait.ge [sflag:s0], $0x4000  }
0x14f: {  	[sflag:s0] =	ssyncset.done $0x0  }
0x150: {  	[sflag:s0] =	ssyncadd.s32 $0xFFFFC000  }
0x151: {  	_ =	swait.ge [sflag:s8], $0x4000  }
.Ltmp8:
0x152: {  	[sflag:s8] =	ssyncset.done $0x0;
	(pc) =	sbr.rel @p0 .LBB2_11-.Ltmp8, $4  }
.Ltmp9:
0x153: {  	[sflag:s8] =	ssyncadd.s32 $0xFFFFC000;
	(pc) =	sbr.rel @!p0 .LBB2_10-.Ltmp9, $4  }
0x154: {  	_ =	swait.ge [sflag:s20], $0x4000  }
0x155: {  	[sflag:s20] =	ssyncset.done $0x0  }
0x156: {  	s12 =	smov.u32 s5;
	[sflag:s20] =	ssyncadd.s32 $0xFFFFC000  }
0x157: {  	_ = 	snop  }
.LBB2_12:
0x158: {  	_ =	sfence.sel $0x180000  }
0x159: {  	[bflag:$0x0] =	sbarrier.arrive $0xFFFF  }
0x15a: {  	_ =	strace $0x9000004A  }
0x15b: {  	[bflag:$0x2] =	sbarrier.arrive $0xFFFF  }
0x15c: {  	s0 =	rddreg [dreg:$0x3]  }
0x15d: {  	s0 =	sadd.s32 @!p0 $0x100000, s0  }
0x15e: {  	[sflag:s0] =	ssyncadd.tile.s32 @!p0 $0x1;
	_ =	shalt  }
.Lfunc_end2:
_tile_overlayer_lowered:
.L_overlay_start_2:
0x15f: {  	(tag) =	ssettag $0x2  }
0x160: {  	s0 =	rddreg [dreg:$0x0];
	s2 =	stileid.u32  }
0x161: {  	s1 =	rddreg [dreg:$0x1];
	p0 =	sne.s32 s2, $0x0  }
0x162: {  	s3 =	rddreg [dreg:$0x2];
	[bflag:$0x3] =	sbarrier.arrive $0xFFFF;
	s2 =	simm.s32 @!p0 $0x1C09  }
0x163: {  	[timem:s3], [sflag:s2] =	dma.local @!p0 [hbm:s0], s1  }
0x164: {  	s0 =	simm.s32 @!p0 $0x9  }
0x165: {  	_ =	swait.ge @!p0 [sflag:s0], s1  }
0x166: {  	s1 =	ssub.s32 @!p0 $0x0, s1;
	[sflag:s0] =	ssyncset.done @!p0 $0x0  }
0x167: {  	[sflag:s0] =	ssyncadd.s32 @!p0 s1  }
0x168: {  	[bflag:$0x3] =	sbarrier.arrive $0xFFFF  }
0x169: {  	_ =	shalt  }

// kernel: kernel.7.cloned.1.call-start
scs
__scs_entry_jumppad:
0x0: {  	(pc) =	sbr.rel $0x88, $3  }
0x1: {  	(tag) =	ssettag $0x0;
	lr =	simm.s32 $0x1  }
0x2: {  	[smem:$0x3F96] =	sst lr;
	_ =	strace $0xD0000000  }
0x3: {  	_ = 	snop  }
0x4: {  	_ = 	snop  }
0x5: {  	_ = 	snop  }
0x6: {  	_ = 	snop  }
0x7: {  	_ = 	snop  }
__scs_overlays_trampoline_lowered:
0x8: {  	[smem:$0x3FA5] =	sst s0  }
0x9: {  	[smem:$0x3FA6] =	sst s1  }
0xa: {  	[smem:$0x3FA7] =	sst s2  }
0xb: {  	[smem:$0x3FA8] =	sst s3  }
0xc: {  	[smem:$0x3FA9] =	sst s4  }
0xd: {  	[smem:$0x3FAA] =	sst s5  }
0xe: {  	[smem:$0x3FAB] =	sst s6  }
0xf: {  	[smem:$0x3FAC] =	sst s7  }
0x10: {  	[smem:$0x3FAD] =	sst s8  }
0x11: {  	[smem:$0x3FAE] =	sst s9;
	s0 =	simm.s32 @!p0 $0x0  }
0x12: {  	s1 =	sld [smem:$0x3F94];
	s0 =	simm.s32 @p0 $0x1  }
0x13: {  	[smem:$0x3FAF] =	sst s0;
	s0 =	simm.s32 @!p1 $0x0  }
0x14: {  	s2 =	sld [smem:$0x3F93];
	s0 =	simm.s32 @p1 $0x1  }
0x15: {  	[smem:$0x3FB0] =	sst s0;
	s0 =	simm.s32 @!p2 $0x0  }
0x16: {  	s3 =	sld [smem:$0x3FDB];
	s0 =	simm.s32 @p2 $0x1  }
0x17: {  	s4 =	simm.s32 $0x1BF5;
	[smem:$0x3FB2] =	sst s0  }
0x18: {  	s0 =	sld [smem:$0x3F95];
	_ =	swait.ge [sflag:s4], $0x0  }
0x19: {  	s7 =	sld [smem:$0x3F96]  }
0x1a: {  	s8 =	sadd.s32 $0xFFFFE003, lr  }
0x1b: {  	s9 =	sadd.s32 $0xFFFFFEF7, lr;
	s5 =	simm.s32 $0xFFFFFFFF;
	p2 =	slt.u32 s8, $0xFFFFF086  }
0x1c: {  	p1 =	slt.u32 s9, $0xF7A;
	s5 =	simm.s32 @!p2 $0x0  }
0x1d: {  	s5 =	simm.s32 @p1 $0x1;
	p0 =	seq.s32 s7, s2  }
0x1e: {  	s7 =	smul.u32 @!p0 $0xF7A, s2;
	p2 =	seq.s32 @!p0 s5, $0x0  }
0x1f: {  	s9 =	smul.u32 $0xF7A, s1;
	s8 =	simm.s32 @!p0 $0x1BF5;
	p2 =	por !p2, p0  }
0x20: {  	[sflag:s8] =	ssyncset.s32 @!p0 $0xFFFFF086;
	s6 =	sadd.s32 @!p0 s3, s7;
	s7 =	simm.s32 @!p0 $0x108  }
0x21: {  	s3 =	sadd.s32 s3, s9;
	s6 =	sadd.s32 @!p0 $0x88, s6;
	s7 =	simm.s32 @p2 $0x1082  }
0x22: {  	[simem:s7], [sflag:s8] =	dma.local @!p0 [hbm:s6], $0xF7A  }
0x23: {  	s9 =	sor.u32 $0xD0000000, s2;
	s6 =	simm.s32 $0x108;
	_ =	swait.ge @!p0 [sflag:s8], $0x0  }
0x24: {  	s3 =	sadd.s32 $0x88, s3;
	s6 =	simm.s32 @!p1 $0x1082;
	[sflag:s4] =	ssyncset.s32 $0xFFFFF086  }
0x25: {  	[simem:s6], [sflag:s4] =	dma.local [hbm:s3], $0xF7A  }
0x26: {  	[smem:$0x3F96] =	sst s1;
	(tag) =	ssettag s2;
	_ =	strace s9  }
0x27: {  	s1 =	sld [smem:$0x3FA6]  }
0x28: {  	s2 =	sld [smem:$0x3FA7]  }
0x29: {  	s4 =	sld [smem:$0x3FA9]  }
0x2a: {  	p0 =	seq.s32 s5, $0x0;
	s5 =	sld [smem:$0x3FAA]  }
0x2b: {  	s6 =	sld [smem:$0x3FAB]  }
0x2c: {  	s7 =	sld [smem:$0x3FAC]  }
0x2d: {  	s3 =	simm.s32 $0x108;
	s8 =	sld [smem:$0x3FAD]  }
0x2e: {  	s3 =	simm.s32 @!p0 $0x1082;
	s9 =	sld [smem:$0x3FAE]  }
0x2f: {  	lr =	sadd.s32 s0, s3;
	s0 =	sld [smem:$0x3FA5]  }
0x30: {  	s3 =	sld [smem:$0x3FA8]  }
0x31: {  	[smem:$0x3FB1] =	sst s10  }
0x32: {  	s10 =	sld [smem:$0x3FAF];
	_ =	sdelay $0x3  }
0x33: {  	p0 =	seq.s32 s10, $0x1;
	s10 =	sld [smem:$0x3FB1];
	_ =	sdelay $0x3  }
0x34: {  	[smem:$0x3FB1] =	sst s10  }
0x35: {  	s10 =	sld [smem:$0x3FB0];
	_ =	sdelay $0x3  }
0x36: {  	p1 =	seq.s32 s10, $0x1;
	s10 =	sld [smem:$0x3FB1];
	_ =	sdelay $0x3  }
0x37: {  	[smem:$0x3FB1] =	sst s10  }
0x38: {  	s10 =	sld [smem:$0x3FB2]  }
0x39: {  	_ = 	snop;
	(pc) =	sbr.ind lr, $3  }
0x3a: {  	_ = 	snop  }
0x3b: {  	_ = 	snop  }
0x3c: {  	p2 =	seq.s32 s10, $0x1;
	s10 =	sld [smem:$0x3FB1]  }
0x3d: {  	_ =	shalt  }
0x3e: {  	_ =	shalt  }
0x3f: {  	_ =	shalt  }
0x40: {  	_ =	shalt  }
0x41: {  	_ =	shalt  }
0x42: {  	_ =	shalt  }
0x43: {  	_ =	shalt  }
0x44: {  	_ =	shalt  }
0x45: {  	_ =	shalt  }
0x46: {  	_ =	shalt  }
0x47: {  	_ =	shalt  }
0x48: {  	_ =	shalt  }
0x49: {  	_ =	shalt  }
0x4a: {  	_ =	shalt  }
0x4b: {  	_ =	shalt  }
0x4c: {  	_ =	shalt  }
0x4d: {  	_ =	shalt  }
0x4e: {  	_ =	shalt  }
0x4f: {  	_ =	shalt  }
0x50: {  	_ =	shalt  }
0x51: {  	_ =	shalt  }
0x52: {  	_ =	shalt  }
0x53: {  	_ =	shalt  }
0x54: {  	_ =	shalt  }
0x55: {  	_ =	shalt  }
0x56: {  	_ =	shalt  }
0x57: {  	_ =	shalt  }
0x58: {  	_ =	shalt  }
0x59: {  	_ =	shalt  }
0x5a: {  	_ =	shalt  }
0x5b: {  	_ =	shalt  }
0x5c: {  	_ =	shalt  }
0x5d: {  	_ =	shalt  }
0x5e: {  	_ =	shalt  }
0x5f: {  	_ =	shalt  }
0x60: {  	_ =	shalt  }
0x61: {  	_ =	shalt  }
0x62: {  	_ =	shalt  }
0x63: {  	_ =	shalt  }
0x64: {  	_ =	shalt  }
0x65: {  	_ =	shalt  }
0x66: {  	_ =	shalt  }
0x67: {  	_ =	shalt  }
0x68: {  	_ =	shalt  }
0x69: {  	_ =	shalt  }
0x6a: {  	_ =	shalt  }
0x6b: {  	_ =	shalt  }
0x6c: {  	_ =	shalt  }
0x6d: {  	_ =	shalt  }
0x6e: {  	_ =	shalt  }
0x6f: {  	_ =	shalt  }
0x70: {  	_ =	shalt  }
0x71: {  	_ =	shalt  }
0x72: {  	_ =	shalt  }
0x73: {  	_ =	shalt  }
0x74: {  	_ =	shalt  }
0x75: {  	_ =	shalt  }
0x76: {  	_ =	shalt  }
0x77: {  	_ =	shalt  }
0x78: {  	_ =	shalt  }
0x79: {  	_ =	shalt  }
0x7a: {  	_ =	shalt  }
0x7b: {  	_ =	shalt  }
0x7c: {  	_ =	shalt  }
0x7d: {  	_ =	shalt  }
0x7e: {  	_ =	shalt  }
0x7f: {  	_ =	shalt  }
0x80: {  	_ =	shalt  }
0x81: {  	_ =	shalt  }
0x82: {  	_ =	shalt  }
0x83: {  	_ =	shalt  }
0x84: {  	_ =	shalt  }
0x85: {  	_ =	shalt  }
0x86: {  	_ =	shalt  }
0x87: {  	_ =	shalt  }
.Lfunc_end0:
.L_simem_size_0:
called_computation_lowered:
.L_overlay_start_0:
0x88: {  	s2 =	sld [smem:$0x3FD9]  }
0x89: {  	s3 =	sld [smem:$0x3FFE];
	_ =	sdelay $0x1  }
0x8a: {  	s1 =	srdreg.scid  }
0x8b: {  	s0 =	sand.u32 $0x1, s1  }
0x8c: {  	s17 =	sshll.u32 s0, $0xA;
	s2 =	sadd.s32 s3, s2  }
0x8d: {  	s2 =	sadd.s32 s2, s17  }
0x8e: {  	[smem:$0x3FBD] =	sst s2  }
0x8f: {  	_ = 	snop  }
0x90: {  	s2 =	sld [smem:$0x3FD0];
	(tm) =	ssettm $0x1  }
0x91: {  	s18 =	sld [smem:$0x3FFB];
	_ =	sdelay $0x3  }
0x92: {  	_ =	strace s18  }
0x93: {  	s3 =	sld [smem:$0x3FFC];
	_ =	sdelay $0x3  }
0x94: {  	_ =	strace s3  }
0x95: {  	s3 =	sld [smem:$0x3FFD];
	_ =	sdelay $0x3  }
0x96: {  	_ =	strace s3  }
0x97: {  	_ =	strace $0x8FFFFFFF  }
0x98: {  	s19 =	sld [smem:$0x3FDB];
	_ =	sdelay $0x1  }
0x99: {  	s4 =	simm.s32 $_scs_section_size  }
0x9a: {  	s5 =	simm.s32 $_size__tile_overlayer_lowered;
	s6 =	simm.s32 $_tile_overlayer_lowered  }
0x9b: {  	s22 =	simm.s32 $0x1BFF;
	s21 =	sshll.u32 s6, $0x1;
	s3 =	sadd.s32 s4, s19  }
0x9c: {  	s7 =	simm.s32 $0x0;
	s20 =	sshll.u32 s5, $0x1;
	s5 =	sadd.s32 s21, s3  }
0x9d: {  	[timem:s7], [sflag:s22] =	dma.local [hbm:s5], s20  }
0x9e: {  	_ =	swait.ge [sflag:s22], s20  }
0x9f: {  	s4 =	ssub.s32 $0x0, s20;
	[sflag:s22] =	ssyncset.done $0x0  }
0xa0: {  	[sflag:s22] =	ssyncadd.s32 s4;
	_ =	sdelay $0x1  }
0xa1: {  	s23 =	simm.s32 $0x1B8B  }
0xa2: {  	_ =	swait.ge [sflag:s23], $0x1  }
0xa3: {  	[sflag:s23] =	ssyncset.done $0x0  }
0xa4: {  	s25 =	simm.s32 $0x1B8E;
	s24 =	sld [smem:$0x3FFE];
	[sflag:s23] =	ssyncadd.s32 $0xFFFFFFFF  }
0xa5: {  	s26 =	simm.s32 $execute0_lowered;
	[smem:$0x3FD2] =	sst s25  }
0xa6: {  	s5 =	sshll.u32 s26, $0x1;
	_ =	strace $0x80000046;
	[dreg:$0x1] =	wrdreg $0xFFFFFFFF  }
0xa7: {  	s28 =	simm.s32 $_size_execute0_lowered;
	s3 =	sadd.s32 s3, s5;
	[dreg:$0x0] =	wrdreg $0x0  }
0xa8: {  	s5 =	sshll.u32 s28, $0x1;
	[dreg:$0x2] =	wrdreg s3  }
0xa9: {  	[dreg:$0x3] =	wrdreg s5  }
0xaa: {  	[dreg:$0x4] =	wrdreg $0xC0  }
0xab: {  	_ =	task [dreg:s7], $0x5FFFF  }
0xac: {  	[dreg:$0x1] =	wrdreg $0xFFFFFFFF  }
0xad: {  	[dreg:$0x0] =	wrdreg $0x60  }
0xae: {  	[dreg:$0x2] =	wrdreg s24  }
0xaf: {  	[dreg:$0x3] =	wrdreg s2  }
0xb0: {  	[dreg:$0x4] =	wrdreg $0x1A0000  }
0xb1: {  	[dreg:$0x5] =	wrdreg $0x9  }
0xb2: {  	_ =	task.clear_ibuf [dreg:s7], $0x6FFFF;
	_ =	strace $0x90000046  }
0xb3: {  	s29 =	simm.s32 $0x9;
	_ =	strace $0x80000048  }
0xb4: {  	_ =	swait.ge [sflag:s29], $0x1  }
0xb5: {  	[sflag:s29] =	ssyncadd.s32 $0xFFFFFFFF  }
0xb6: {  	_ =	strace $0x90000048  }
0xb7: {  	_ =	sfence  }
0xb8: {  	s30 =	sld [smem:$0x0];
	_ =	sdelay $0x2  }
0xb9: {  	s31 =	sshll.u32 s1, $0xD;
	s1 =	sshrl.u32 s1, $0x2  }
0xba: {  	s3 =	sand.u32 $0x4000, s31;
	s1 =	sadd.s32 s1, s30  }
0xbb: {  	s0 =	sor.u32 s3, s0;
	s1 =	sshll.u32 s1, $0x11  }
0xbc: {  	s0 =	sor.u32 s1, s0  }
0xbd: {  	s0 =	sadd.s32 $0x8F2B, s0  }
0xbe: {  	[sflag:s0] =	ssyncadd.remote.s32 $0x1  }
0xbf: {  	_ =	sfence.sel $0xFFFF  }
0xc0: {  	[dreg:$0x0] =	wrdreg $0xFFFFFFFF;
	(pc) =	sbr.abs _section_cstart, $3  }
0xc1: {  	[dreg:$0x1] =	wrdreg $0xFFFFFFFF  }
0xc2: {  	_ =	task.clear_ibuf [dreg:s7], $0x2FFFF;
	_ =	strace $0x9FFFFFFF  }
0xc3: {  	(tm) =	ssettm $0x7FFFFFFF  }
tec
execute0_lowered:
.L_overlay_start_1:
0x0: {  	(tag) =	ssettag $0x1  }
0x1: {  	s0 =	rddreg [dreg:$0x0]  }
0x2: {  	s8 =	rddreg [dreg:$0x1]  }
0x3: {  	s1 =	rddreg [dreg:$0x2]  }
0x4: {  	s2 =	simm.s32 $0x0;
	s6 =	srdreg.scid;
	s4 =	stileid.u32  }
0x5: {  	s18 =	simm.s32 $0xA000;
	s19 =	simm.s32 $0x9;
	s28 =	simm.s32 $0x1  }
0x6: {  	s29 =	simm.s32 $0x2;
	s30 =	simm.s32 $0x3;
	s31 =	simm.s32 $0x4  }
0x7: {  	s20 =	simm.s32 $0x7;
	[smem:$0x7FF] =	sst s2;
	s3 =	sadd.s32 $0x29000, s0  }
0x8: {  	s5 =	sadd.s32 $0x33000, s0;
	s9 =	sand.u32 $0x1, s6;
	s21 =	smul.u32 $0x14000, s4  }
0x9: {  	s10 =	sadd.s32 $0x1C00, s0;
	s11 =	smul.u32 $0x4E00, s4;
	s12 =	sadd.s32 $0x15600, s0  }
0xa: {  	s14 =	smul.u32 $0xA00, s4;
	s23 =	sadd.s32 $0x1F200, s0;
	s24 =	sadd.s32 $0x28E40, s0  }
0xb: {  	s25 =	sadd.s32 $0xB800, s0;
	_ =	strace $0x80000047;
	[dreg:$0x6] =	wrdreg s23  }
0xc: {  	s0 =	sadd.s32 $0x15440, s0;
	p0 =	sne.s32 s4, $0x0;
	[dreg:$0x7] =	wrdreg s24  }
0xd: {  	p2 =	seq.s32 s4, $0x0;
	s7 =	ssub.s32 $0x2, s9;
	[dreg:$0xa] =	wrdreg s25  }
0xe: {  	s22 =	smul.u32 $0xA000, s9;
	[dreg:$0xb] =	wrdreg s0;
	p1 =	sne.s32 s9, $0x0  }
0xf: {  	s24 =	simm.s32 $0x12000;
	s0 =	simm.s32 $0x5;
	s9 =	simm.s32 $0x8  }
0x10: {  	s23 =	simm.s32 $0x9C00;
	s13 =	sshrl.u32 s7, $0x1;
	s6 =	sshrl.u32 s21, $0x2  }
0x11: {  	s11 =	sshrl.u32 s11, $0x3;
	s21 =	simm.s32 $0x200;
	s13 =	ssub.s32 s7, s13  }
0x12: {  	s6 =	sadd.s32 s6, s1;
	s15 =	sadd.s32 $0x9C40, s11;
	s16 =	sadd.s32 s12, s11  }
0x13: {  	s11 =	sadd.s32 s10, s11;
	s26 =	sadd.s32 s14, s22;
	s22 =	simm.s32 $0xE000  }
.Ltmp0:
0x14: {  	s7 =	sadd.s32 $0x4000, s6;
	[dreg:$0x4] =	wrdreg s16;
	(pc) =	sbr.rel .LBB2_1-.Ltmp0, $4  }
0x15: {  	s12 =	sadd.s32 s12, s15;
	[dreg:$0x8] =	wrdreg s11;
	s10 =	sadd.s32 s10, s15  }
0x16: {  	s16 =	sadd.s32 s8, s26;
	s17 =	smax.u32 s13, $0x1;
	s26 =	simm.s32 $0x16000  }
0x17: {  	s8 =	simm.s32 $0x6;
	s15 =	simm.s32 $0x9800;
	[dreg:$0x5] =	wrdreg s12  }
0x18: {  	v0 =	vimm.f32 $0.0e+00;
	s11 =	simm.s32 $0x0;
	[dreg:$0x9] =	wrdreg s10;
	s10 =	simm.s32 $0x9A00  }
.LBB2_10:
0x19: {  	s13 =	simm.s32 $0x4E00  }
0x1a: {  	[tilespmem:s26], [sflag:$0x4] =	stream.indirect.gather [hbm4b:s12+s21], $0x20, s13, s21, $0xb8;
	[tilespmem:$0x1F000] =	vst v63  }
0x1b: {  	_ =	swait.ge [sflag:s31], $0x4000  }
0x1c: {  	[sflag:s31] =	ssyncset.done $0x0  }
0x1d: {  	s25 =	simm.s32 $0x9E00;
	[sflag:s31] =	ssyncadd.s32 $0xFFFFC000  }
0x1e: {  	[spmem:s1] =	stream.indirect.scatter.add.f32 [tilespmem:s26], [sflag:$0x8], $0x20, s25, s21, $0xb8;
	[tilespmem:$0x1F000] =	vst v63  }
0x1f: {  	_ =	swait.ge [sflag:s9], $0x4000  }
0x20: {  	[sflag:s9] =	ssyncset.done $0x0  }
0x21: {  	[sflag:s9] =	ssyncadd.s32 $0xFFFFC000  }
.LBB2_11:
0x22: {  	s11 =	sadd.s32 $0x1, s11  }
0x23: {  	s12 =	sshll.u32 s4, $0x6;
	[bflag:$0x0] =	sbarrier.arrive $0xFFFF;
	p3 =	sne.s32 s11, s17  }
.Ltmp1:
0x24: {  	s13 =	sshrl.u32 s6, $0x3;
	s12 =	sor.u32 $0x1C09, s12;
	(pc) =	sbr.rel @!p3 .LBB2_12-.Ltmp1, $4  }
0x25: {  	[hbm:s16], [sflag:s12] =	dma.local [spmem:s13], $0xA00  }
0x26: {  	_ =	swait.ge [sflag:s19], $0xA00  }
0x27: {  	[sflag:s19] =	ssyncset.done $0x0  }
0x28: {  	[sflag:s19] =	ssyncadd.s32 $0xFFFFF600  }
.LBB2_1:
0x29: {  	s12 =	simm.s32 $0x80;
	s25 =	simm.s32 $0x0  }
.LBB2_2:
0x2a: {  	p3 =	sne.s32 s12, $0xFF80;
	[tilespmem:s25+$0xA000] =	vst v0;
	s13 =	smov.u32 s12;
	s12 =	sadd.s32 $0x80, s12  }
.Ltmp2:
0x2b: {  	[tilespmem:s25+$0xA010] =	vst v0;
	(pc) =	sbr.rel @p3 .LBB2_2-.Ltmp2, $2  }
0x2c: {  	_ =	sdelay $0x2  }
0x2d: {  	s25 =	sshra.s32 s13, $0x2  }
0x2e: {  	[tilespmem:s25+$0xA000] =	vst v0  }
0x2f: {  	[tilespmem:s25+$0xA010] =	vst v0  }
0x30: {  	[spmem:s6] =	stream.linear.scatter [tilespmem:s18], [sflag:$0x9], $0x4000, $0x38;
	[tilespmem:$0x1F000] =	vst v63  }
0x31: {  	_ =	swait.ge [sflag:s19], $0x4000  }
0x32: {  	[sflag:s19] =	ssyncset.done $0x0  }
.Ltmp3:
0x33: {  	[sflag:s19] =	ssyncadd.s32 $0xFFFFC000;
	(pc) =	sbr.rel @p1 .LBB2_7-.Ltmp3, $4  }
0x34: {  	[spmem:s7] =	stream.linear.scatter [tilespmem:s18], [sflag:$0x9], $0x1000, $0x38;
	[tilespmem:$0x1F000] =	vst v63  }
0x35: {  	_ =	swait.ge [sflag:s19], $0x1000  }
0x36: {  	[sflag:s19] =	ssyncset.done $0x0  }
0x37: {  	[sflag:s19] =	ssyncadd.s32 $0xFFFFF000  }
0x38: {  	s12 =	rddreg [dreg:$0x8]  }
0x39: {  	[tilespmem:s2], [sflag:$0x9] =	stream.linear.gather [hbm4b:s12+s2], $0x4E00, $0x38;
	[tilespmem:$0x1F000] =	vst v63  }
0x3a: {  	_ =	swait.ge [sflag:s19], $0x4E00  }
0x3b: {  	[sflag:s19] =	ssyncset.done $0x0  }
0x3c: {  	s13 =	simm.s32 $0x5000;
	s14 =	rddreg [dreg:$0x9];
	[sflag:s19] =	ssyncadd.s32 $0xFFFFB200  }
0x3d: {  	[tilespmem:s13], [sflag:$0x9] =	stream.linear.gather [hbm4b:s14+s2], $0x4E00, $0x38;
	[tilespmem:$0x1F000] =	vst v63  }
0x3e: {  	_ =	swait.ge [sflag:s19], $0x4E00  }
0x3f: {  	s12 =	simm.s32 @!p0 $0x0;
	[sflag:s19] =	ssyncset.done $0x0  }
0x40: {  	s13 =	simm.s32 @!p0 $0x4E00;
	s14 =	rddreg [dreg:$0xa];
	[sflag:s19] =	ssyncadd.s32 $0xFFFFB200  }
0x41: {  	[tilespmem:s13], [sflag:$0x9] =	stream.linear.gather @!p0 [hbm4b:s14+s12], $0x200, $0x38;
	[tilespmem:$0x1F000] =	vst v63  }
0x42: {  	s13 =	simm.s32 @!p0 $0x9  }
0x43: {  	_ =	swait.ge @!p0 [sflag:s13], $0x200  }
0x44: {  	[sflag:s13] =	ssyncset.done @!p0 $0x0  }
0x45: {  	s25 =	simm.s32 @!p0 $0x9E00;
	s14 =	rddreg [dreg:$0xb];
	[sflag:s13] =	ssyncadd.s32 @!p0 $0xFFFFFE00  }
0x46: {  	[tilespmem:s25], [sflag:$0x9] =	stream.linear.gather @!p0 [hbm4b:s14+s12], $0x200, $0x38;
	[tilespmem:$0x1F000] =	vst v63  }
0x47: {  	_ =	swait.ge @!p0 [sflag:s13], $0x200  }
0x48: {  	[sflag:s13] =	ssyncset.done @!p0 $0x0  }
0x49: {  	[sflag:s13] =	ssyncadd.s32 @!p0 $0xFFFFFE00  }
0x4a: {  	s25 =	simm.s32 $0x0;
	[bflag:$0x0] =	sbarrier.arrive $0xFFFF  }
0x4b: {  	[tilespmem:s18], [sflag:$0x1] =	stream.indirect.gather [hbm4b:s3+s21], $0x20, s25, s21, $0xb8;
	[tilespmem:$0x1F000] =	vst v63  }
0x4c: {  	_ = 	snop  }
0x4d: {  	[tilespmem:s22], [sflag:$0x2] =	stream.indirect.gather [hbm4b:s3+s21], $0x20, s21, s21, $0xb8;
	[tilespmem:$0x1F000] =	vst v63  }
0x4e: {  	s13 =	simm.s32 $0x400  }
0x4f: {  	[tilespmem:s24], [sflag:$0x3] =	stream.indirect.gather [hbm4b:s3+s21], $0x20, s13, s21, $0xb8;
	[tilespmem:$0x1F000] =	vst v63  }
0x50: {  	s14 =	simm.s32 $0x600  }
0x51: {  	[tilespmem:s26], [sflag:$0x4] =	stream.indirect.gather [hbm4b:s3+s21], $0x20, s14, s21, $0xb8;
	[tilespmem:$0x1F000] =	vst v63  }
0x52: {  	_ =	swait.ge [sflag:s28], $0x4000  }
0x53: {  	[sflag:s28] =	ssyncset.done $0x0  }
0x54: {  	s25 =	simm.s32 $0x5000;
	[sflag:s28] =	ssyncadd.s32 $0xFFFFC000  }
0x55: {  	[spmem:s1] =	stream.indirect.scatter.add.f32 [tilespmem:s18], [sflag:$0x5], $0x20, s25, s21, $0xb8;
	[tilespmem:$0x1F000] =	vst v63  }
0x56: {  	_ =	swait.ge [sflag:s29], $0x4000  }
0x57: {  	[sflag:s29] =	ssyncset.done $0x0  }
0x58: {  	s13 =	simm.s32 $0x5200;
	[sflag:s29] =	ssyncadd.s32 $0xFFFFC000  }
0x59: {  	[spmem:s1] =	stream.indirect.scatter.add.f32 [tilespmem:s22], [sflag:$0x6], $0x20, s13, s21, $0xb8;
	[tilespmem:$0x1F000] =	vst v63  }
0x5a: {  	_ =	swait.ge [sflag:s30], $0x4000  }
0x5b: {  	[sflag:s30] =	ssyncset.done $0x0  }
0x5c: {  	s14 =	simm.s32 $0x5400;
	[sflag:s30] =	ssyncadd.s32 $0xFFFFC000  }
0x5d: {  	[spmem:s1] =	stream.indirect.scatter.add.f32 [tilespmem:s24], [sflag:$0x7], $0x20, s14, s21, $0xb8;
	[tilespmem:$0x1F000] =	vst v63  }
0x5e: {  	_ =	swait.ge [sflag:s31], $0x4000  }
0x5f: {  	[sflag:s31] =	ssyncset.done $0x0  }
0x60: {  	s25 =	simm.s32 $0x5600;
	[sflag:s31] =	ssyncadd.s32 $0xFFFFC000  }
0x61: {  	[spmem:s1] =	stream.indirect.scatter.add.f32 [tilespmem:s26], [sflag:$0x8], $0x20, s25, s21, $0xb8;
	[tilespmem:$0x1F000] =	vst v63  }
0x62: {  	_ =	swait.ge [sflag:s0], $0x4000  }
0x63: {  	[sflag:s0] =	ssyncset.done $0x0  }
0x64: {  	s13 =	simm.s32 $0x800;
	[sflag:s0] =	ssyncadd.s32 $0xFFFFC000  }
0x65: {  	[tilespmem:s18], [sflag:$0x1] =	stream.indirect.gather [hbm4b:s3+s21], $0x20, s13, s21, $0xb8;
	[tilespmem:$0x1F000] =	vst v63  }
0x66: {  	_ =	swait.ge [sflag:s8], $0x4000  }
0x67: {  	[sflag:s8] =	ssyncset.done $0x0  }
0x68: {  	s14 =	simm.s32 $0xA00;
	[sflag:s8] =	ssyncadd.s32 $0xFFFFC000  }
0x69: {  	[tilespmem:s22], [sflag:$0x2] =	stream.indirect.gather [hbm4b:s3+s21], $0x20, s14, s21, $0xb8;
	[tilespmem:$0x1F000] =	vst v63  }
0x6a: {  	_ =	swait.ge [sflag:s20], $0x4000  }
0x6b: {  	[sflag:s20] =	ssyncset.done $0x0  }
0x6c: {  	s25 =	simm.s32 $0xC00;
	[sflag:s20] =	ssyncadd.s32 $0xFFFFC000  }
0x6d: {  	[tilespmem:s24], [sflag:$0x3] =	stream.indirect.gather [hbm4b:s3+s21], $0x20, s25, s21, $0xb8;
	[tilespmem:$0x1F000] =	vst v63  }
0x6e: {  	_ =	swait.ge [sflag:s9], $0x4000  }
0x6f: {  	[sflag:s9] =	ssyncset.done $0x0  }
0x70: {  	s12 =	simm.s32 $0x2000;
	s25 =	simm.s32 $0xE00;
	[sflag:s9] =	ssyncadd.s32 $0xFFFFC000  }
.LBB2_5:
0x71: {  	[tilespmem:s26], [sflag:$0x4] =	stream.indirect.gather [hbm4b:s3+s21], $0x20, s25, s21, $0xb8;
	[tilespmem:$0x1F000] =	vst v63  }
0x72: {  	s13 =	smov.u32 s12  }
0x73: {  	p3 =	sne.s32 s12, $0xE000;
	s12 =	sadd.s32 $0x2000, s12;
	_ =	swait.ge [sflag:s28], $0x4000  }
0x74: {  	s25 =	sshra.s32 s13, $0x2;
	[sflag:s28] =	ssyncset.done $0x0  }
0x75: {  	s13 =	sadd.s32 $0x5000, s25;
	[sflag:s28] =	ssyncadd.s32 $0xFFFFC000  }
0x76: {  	[spmem:s1] =	stream.indirect.scatter.add.f32 [tilespmem:s18], [sflag:$0x5], $0x20, s13, s21, $0xb8;
	[tilespmem:$0x1F000] =	vst v63  }
0x77: {  	_ =	swait.ge [sflag:s29], $0x4000  }
0x78: {  	[sflag:s29] =	ssyncset.done $0x0  }
0x79: {  	s13 =	sadd.s32 $0x5200, s25;
	[sflag:s29] =	ssyncadd.s32 $0xFFFFC000  }
0x7a: {  	[spmem:s1] =	stream.indirect.scatter.add.f32 [tilespmem:s22], [sflag:$0x6], $0x20, s13, s21, $0xb8;
	[tilespmem:$0x1F000] =	vst v63  }
0x7b: {  	_ =	swait.ge [sflag:s30], $0x4000  }
0x7c: {  	[sflag:s30] =	ssyncset.done $0x0  }
0x7d: {  	s13 =	sadd.s32 $0x5400, s25;
	[sflag:s30] =	ssyncadd.s32 $0xFFFFC000  }
0x7e: {  	[spmem:s1] =	stream.indirect.scatter.add.f32 [tilespmem:s24], [sflag:$0x7], $0x20, s13, s21, $0xb8;
	[tilespmem:$0x1F000] =	vst v63  }
0x7f: {  	_ =	swait.ge [sflag:s31], $0x4000  }
0x80: {  	[sflag:s31] =	ssyncset.done $0x0  }
0x81: {  	s13 =	sadd.s32 $0x5600, s25;
	[sflag:s31] =	ssyncadd.s32 $0xFFFFC000  }
0x82: {  	[spmem:s1] =	stream.indirect.scatter.add.f32 [tilespmem:s26], [sflag:$0x8], $0x20, s13, s21, $0xb8;
	[tilespmem:$0x1F000] =	vst v63  }
0x83: {  	_ =	swait.ge [sflag:s0], $0x4000  }
0x84: {  	[sflag:s0] =	ssyncset.done $0x0  }
0x85: {  	s13 =	sadd.s32 $0x800, s25;
	[sflag:s0] =	ssyncadd.s32 $0xFFFFC000  }
0x86: {  	[tilespmem:s18], [sflag:$0x1] =	stream.indirect.gather [hbm4b:s3+s21], $0x20, s13, s21, $0xb8;
	[tilespmem:$0x1F000] =	vst v63  }
0x87: {  	_ =	swait.ge [sflag:s8], $0x4000  }
0x88: {  	[sflag:s8] =	ssyncset.done $0x0  }
0x89: {  	s13 =	sadd.s32 $0xA00, s25;
	[sflag:s8] =	ssyncadd.s32 $0xFFFFC000  }
0x8a: {  	[tilespmem:s22], [sflag:$0x2] =	stream.indirect.gather [hbm4b:s3+s21], $0x20, s13, s21, $0xb8;
	[tilespmem:$0x1F000] =	vst v63  }
0x8b: {  	_ =	swait.ge [sflag:s20], $0x4000  }
0x8c: {  	[sflag:s20] =	ssyncset.done $0x0  }
.Ltmp4:
0x8d: {  	s13 =	sadd.s32 $0xC00, s25;
	[sflag:s20] =	ssyncadd.s32 $0xFFFFC000;
	(pc) =	sbr.rel @p3 .LBB2_5-.Ltmp4, $4  }
0x8e: {  	[tilespmem:s24], [sflag:$0x3] =	stream.indirect.gather [hbm4b:s3+s21], $0x20, s13, s21, $0xb8;
	[tilespmem:$0x1F000] =	vst v63  }
0x8f: {  	_ =	swait.ge [sflag:s9], $0x4000  }
0x90: {  	[sflag:s9] =	ssyncset.done $0x0  }
0x91: {  	s25 =	sadd.s32 $0xE00, s25;
	[sflag:s9] =	ssyncadd.s32 $0xFFFFC000  }
0x92: {  	[tilespmem:s26], [sflag:$0x4] =	stream.indirect.gather [hbm4b:s3+s21], $0x20, s25, s21, $0xb8;
	[tilespmem:$0x1F000] =	vst v63  }
0x93: {  	_ =	swait.ge [sflag:s28], $0x4000  }
0x94: {  	[sflag:s28] =	ssyncset.done $0x0  }
0x95: {  	s12 =	simm.s32 $0x9000;
	[sflag:s28] =	ssyncadd.s32 $0xFFFFC000  }
0x96: {  	[spmem:s1] =	stream.indirect.scatter.add.f32 [tilespmem:s18], [sflag:$0x5], $0x20, s12, s21, $0xb8;
	[tilespmem:$0x1F000] =	vst v63  }
0x97: {  	_ =	swait.ge [sflag:s29], $0x4000  }
0x98: {  	[sflag:s29] =	ssyncset.done $0x0  }
0x99: {  	s13 =	simm.s32 $0x9200;
	[sflag:s29] =	ssyncadd.s32 $0xFFFFC000  }
0x9a: {  	[spmem:s1] =	stream.indirect.scatter.add.f32 [tilespmem:s22], [sflag:$0x6], $0x20, s13, s21, $0xb8;
	[tilespmem:$0x1F000] =	vst v63  }
0x9b: {  	_ =	swait.ge [sflag:s30], $0x4000  }
0x9c: {  	[sflag:s30] =	ssyncset.done $0x0  }
0x9d: {  	s14 =	simm.s32 $0x9400;
	[sflag:s30] =	ssyncadd.s32 $0xFFFFC000  }
0x9e: {  	[spmem:s1] =	stream.indirect.scatter.add.f32 [tilespmem:s24], [sflag:$0x7], $0x20, s14, s21, $0xb8;
	[tilespmem:$0x1F000] =	vst v63  }
0x9f: {  	_ =	swait.ge [sflag:s31], $0x4000  }
0xa0: {  	[sflag:s31] =	ssyncset.done $0x0  }
0xa1: {  	s25 =	simm.s32 $0x9600;
	[sflag:s31] =	ssyncadd.s32 $0xFFFFC000  }
0xa2: {  	[spmem:s1] =	stream.indirect.scatter.add.f32 [tilespmem:s26], [sflag:$0x8], $0x20, s25, s21, $0xb8;
	[tilespmem:$0x1F000] =	vst v63  }
0xa3: {  	_ =	swait.ge [sflag:s0], $0x4000  }
0xa4: {  	[sflag:s0] =	ssyncset.done $0x0  }
0xa5: {  	s13 =	simm.s32 $0x4800;
	[sflag:s0] =	ssyncadd.s32 $0xFFFFC000  }
0xa6: {  	[tilespmem:s18], [sflag:$0x1] =	stream.indirect.gather [hbm4b:s3+s21], $0x20, s13, s21, $0xb8;
	[tilespmem:$0x1F000] =	vst v63  }
0xa7: {  	_ =	swait.ge [sflag:s8], $0x4000  }
0xa8: {  	[sflag:s8] =	ssyncset.done $0x0  }
0xa9: {  	s14 =	simm.s32 $0x4A00;
	[sflag:s8] =	ssyncadd.s32 $0xFFFFC000  }
0xaa: {  	[tilespmem:s22], [sflag:$0x2] =	stream.indirect.gather [hbm4b:s3+s21], $0x20, s14, s21, $0xb8;
	[tilespmem:$0x1F000] =	vst v63  }
0xab: {  	_ =	swait.ge [sflag:s20], $0x4000  }
0xac: {  	[sflag:s20] =	ssyncset.done $0x0  }
0xad: {  	s25 =	simm.s32 $0x4C00;
	[sflag:s20] =	ssyncadd.s32 $0xFFFFC000  }
0xae: {  	[tilespmem:s24], [sflag:$0x3] =	stream.indirect.gather [hbm4b:s3+s21], $0x20, s25, s21, $0xb8;
	[tilespmem:$0x1F000] =	vst v63  }
0xaf: {  	_ =	swait.ge [sflag:s28], $0x4000  }
0xb0: {  	[sflag:s28] =	ssyncset.done $0x0  }
0xb1: {  	[sflag:s28] =	ssyncadd.s32 $0xFFFFC000  }
0xb2: {  	[spmem:s1] =	stream.indirect.scatter.add.f32 [tilespmem:s18], [sflag:$0x5], $0x20, s15, s21, $0xb8;
	[tilespmem:$0x1F000] =	vst v63  }
0xb3: {  	_ =	swait.ge [sflag:s29], $0x4000  }
0xb4: {  	[sflag:s29] =	ssyncset.done $0x0  }
0xb5: {  	[sflag:s29] =	ssyncadd.s32 $0xFFFFC000  }
0xb6: {  	[spmem:s1] =	stream.indirect.scatter.add.f32 [tilespmem:s22], [sflag:$0x6], $0x20, s10, s21, $0xb8;
	[tilespmem:$0x1F000] =	vst v63  }
0xb7: {  	_ =	swait.ge [sflag:s30], $0x4000  }
0xb8: {  	[sflag:s30] =	ssyncset.done $0x0  }
0xb9: {  	[sflag:s30] =	ssyncadd.s32 $0xFFFFC000  }
0xba: {  	[spmem:s1] =	stream.indirect.scatter.add.f32 [tilespmem:s24], [sflag:$0x7], $0x20, s23, s21, $0xb8;
	[tilespmem:$0x1F000] =	vst v63  }
0xbb: {  	_ =	swait.ge [sflag:s9], $0x4000  }
0xbc: {  	[sflag:s9] =	ssyncset.done $0x0  }
0xbd: {  	[sflag:s9] =	ssyncadd.s32 $0xFFFFC000  }
0xbe: {  	_ =	swait.ge [sflag:s0], $0x4000  }
0xbf: {  	[sflag:s0] =	ssyncset.done $0x0  }
0xc0: {  	[sflag:s0] =	ssyncadd.s32 $0xFFFFC000  }
0xc1: {  	_ =	swait.ge [sflag:s8], $0x4000  }
.Ltmp5:
0xc2: {  	[sflag:s8] =	ssyncset.done $0x0;
	(pc) =	sbr.rel @!p2 .LBB2_11-.Ltmp5, $4  }
.Ltmp6:
0xc3: {  	[sflag:s8] =	ssyncadd.s32 $0xFFFFC000;
	(pc) =	sbr.rel @p2 .LBB2_10-.Ltmp6, $4  }
0xc4: {  	_ =	swait.ge [sflag:s20], $0x4000  }
0xc5: {  	[sflag:s20] =	ssyncset.done $0x0  }
0xc6: {  	s12 =	smov.u32 s3;
	[sflag:s20] =	ssyncadd.s32 $0xFFFFC000  }
0xc7: {  	_ = 	snop  }
.LBB2_7:
0xc8: {  	s12 =	rddreg [dreg:$0x4]  }
0xc9: {  	[tilespmem:s2], [sflag:$0x9] =	stream.linear.gather [hbm4b:s12+s2], $0x4E00, $0x38;
	[tilespmem:$0x1F000] =	vst v63  }
0xca: {  	_ =	swait.ge [sflag:s19], $0x4E00  }
0xcb: {  	[sflag:s19] =	ssyncset.done $0x0  }
0xcc: {  	s13 =	simm.s32 $0x5000;
	s14 =	rddreg [dreg:$0x5];
	[sflag:s19] =	ssyncadd.s32 $0xFFFFB200  }
0xcd: {  	[tilespmem:s13], [sflag:$0x9] =	stream.linear.gather [hbm4b:s14+s2], $0x4E00, $0x38;
	[tilespmem:$0x1F000] =	vst v63  }
0xce: {  	_ =	swait.ge [sflag:s19], $0x4E00  }
0xcf: {  	s12 =	simm.s32 @!p0 $0x0;
	[sflag:s19] =	ssyncset.done $0x0  }
0xd0: {  	s13 =	simm.s32 @!p0 $0x4E00;
	s25 =	rddreg [dreg:$0x6];
	[sflag:s19] =	ssyncadd.s32 $0xFFFFB200  }
0xd1: {  	[tilespmem:s13], [sflag:$0x9] =	stream.linear.gather @!p0 [hbm4b:s25+s12], $0x200, $0x38;
	[tilespmem:$0x1F000] =	vst v63  }
0xd2: {  	s13 =	simm.s32 @!p0 $0x9  }
0xd3: {  	_ =	swait.ge @!p0 [sflag:s13], $0x200  }
0xd4: {  	[sflag:s13] =	ssyncset.done @!p0 $0x0  }
0xd5: {  	s25 =	simm.s32 @!p0 $0x9E00;
	s14 =	rddreg [dreg:$0x7];
	[sflag:s13] =	ssyncadd.s32 @!p0 $0xFFFFFE00  }
0xd6: {  	[tilespmem:s25], [sflag:$0x9] =	stream.linear.gather @!p0 [hbm4b:s14+s12], $0x200, $0x38;
	[tilespmem:$0x1F000] =	vst v63  }
0xd7: {  	_ =	swait.ge @!p0 [sflag:s13], $0x200  }
0xd8: {  	[sflag:s13] =	ssyncset.done @!p0 $0x0  }
0xd9: {  	[sflag:s13] =	ssyncadd.s32 @!p0 $0xFFFFFE00  }
0xda: {  	s25 =	simm.s32 $0x0;
	[bflag:$0x0] =	sbarrier.arrive $0xFFFF  }
0xdb: {  	[tilespmem:s18], [sflag:$0x1] =	stream.indirect.gather [hbm4b:s5+s21], $0x20, s25, s21, $0xb8;
	[tilespmem:$0x1F000] =	vst v63  }
0xdc: {  	_ = 	snop  }
0xdd: {  	[tilespmem:s22], [sflag:$0x2] =	stream.indirect.gather [hbm4b:s5+s21], $0x20, s21, s21, $0xb8;
	[tilespmem:$0x1F000] =	vst v63  }
0xde: {  	s13 =	simm.s32 $0x400  }
0xdf: {  	[tilespmem:s24], [sflag:$0x3] =	stream.indirect.gather [hbm4b:s5+s21], $0x20, s13, s21, $0xb8;
	[tilespmem:$0x1F000] =	vst v63  }
0xe0: {  	s14 =	simm.s32 $0x600  }
0xe1: {  	[tilespmem:s26], [sflag:$0x4] =	stream.indirect.gather [hbm4b:s5+s21], $0x20, s14, s21, $0xb8;
	[tilespmem:$0x1F000] =	vst v63  }
0xe2: {  	_ =	swait.ge [sflag:s28], $0x4000  }
0xe3: {  	[sflag:s28] =	ssyncset.done $0x0  }
0xe4: {  	s25 =	simm.s32 $0x5000;
	[sflag:s28] =	ssyncadd.s32 $0xFFFFC000  }
0xe5: {  	[spmem:s1] =	stream.indirect.scatter.add.f32 [tilespmem:s18], [sflag:$0x5], $0x20, s25, s21, $0xb8;
	[tilespmem:$0x1F000] =	vst v63  }
0xe6: {  	_ =	swait.ge [sflag:s29], $0x4000  }
0xe7: {  	[sflag:s29] =	ssyncset.done $0x0  }
0xe8: {  	s13 =	simm.s32 $0x5200;
	[sflag:s29] =	ssyncadd.s32 $0xFFFFC000  }
0xe9: {  	[spmem:s1] =	stream.indirect.scatter.add.f32 [tilespmem:s22], [sflag:$0x6], $0x20, s13, s21, $0xb8;
	[tilespmem:$0x1F000] =	vst v63  }
0xea: {  	_ =	swait.ge [sflag:s30], $0x4000  }
0xeb: {  	[sflag:s30] =	ssyncset.done $0x0  }
0xec: {  	s14 =	simm.s32 $0x5400;
	[sflag:s30] =	ssyncadd.s32 $0xFFFFC000  }
0xed: {  	[spmem:s1] =	stream.indirect.scatter.add.f32 [tilespmem:s24], [sflag:$0x7], $0x20, s14, s21, $0xb8;
	[tilespmem:$0x1F000] =	vst v63  }
0xee: {  	_ =	swait.ge [sflag:s31], $0x4000  }
0xef: {  	[sflag:s31] =	ssyncset.done $0x0  }
0xf0: {  	s25 =	simm.s32 $0x5600;
	[sflag:s31] =	ssyncadd.s32 $0xFFFFC000  }
0xf1: {  	[spmem:s1] =	stream.indirect.scatter.add.f32 [tilespmem:s26], [sflag:$0x8], $0x20, s25, s21, $0xb8;
	[tilespmem:$0x1F000] =	vst v63  }
0xf2: {  	_ =	swait.ge [sflag:s0], $0x4000  }
0xf3: {  	[sflag:s0] =	ssyncset.done $0x0  }
0xf4: {  	s13 =	simm.s32 $0x800;
	[sflag:s0] =	ssyncadd.s32 $0xFFFFC000  }
0xf5: {  	[tilespmem:s18], [sflag:$0x1] =	stream.indirect.gather [hbm4b:s5+s21], $0x20, s13, s21, $0xb8;
	[tilespmem:$0x1F000] =	vst v63  }
0xf6: {  	_ =	swait.ge [sflag:s8], $0x4000  }
0xf7: {  	[sflag:s8] =	ssyncset.done $0x0  }
0xf8: {  	s14 =	simm.s32 $0xA00;
	[sflag:s8] =	ssyncadd.s32 $0xFFFFC000  }
0xf9: {  	[tilespmem:s22], [sflag:$0x2] =	stream.indirect.gather [hbm4b:s5+s21], $0x20, s14, s21, $0xb8;
	[tilespmem:$0x1F000] =	vst v63  }
0xfa: {  	_ =	swait.ge [sflag:s20], $0x4000  }
0xfb: {  	[sflag:s20] =	ssyncset.done $0x0  }
0xfc: {  	s25 =	simm.s32 $0xC00;
	[sflag:s20] =	ssyncadd.s32 $0xFFFFC000  }
0xfd: {  	[tilespmem:s24], [sflag:$0x3] =	stream.indirect.gather [hbm4b:s5+s21], $0x20, s25, s21, $0xb8;
	[tilespmem:$0x1F000] =	vst v63  }
0xfe: {  	_ =	swait.ge [sflag:s9], $0x4000  }
0xff: {  	[sflag:s9] =	ssyncset.done $0x0  }
0x100: {  	s12 =	simm.s32 $0x2000;
	s25 =	simm.s32 $0xE00;
	[sflag:s9] =	ssyncadd.s32 $0xFFFFC000  }
.LBB2_8:
0x101: {  	[tilespmem:s26], [sflag:$0x4] =	stream.indirect.gather [hbm4b:s5+s21], $0x20, s25, s21, $0xb8;
	[tilespmem:$0x1F000] =	vst v63  }
0x102: {  	s13 =	smov.u32 s12  }
0x103: {  	p3 =	sne.s32 s12, $0xE000;
	s12 =	sadd.s32 $0x2000, s12;
	_ =	swait.ge [sflag:s28], $0x4000  }
0x104: {  	s25 =	sshra.s32 s13, $0x2;
	[sflag:s28] =	ssyncset.done $0x0  }
0x105: {  	s13 =	sadd.s32 $0x5000, s25;
	[sflag:s28] =	ssyncadd.s32 $0xFFFFC000  }
0x106: {  	[spmem:s1] =	stream.indirect.scatter.add.f32 [tilespmem:s18], [sflag:$0x5], $0x20, s13, s21, $0xb8;
	[tilespmem:$0x1F000] =	vst v63  }
0x107: {  	_ =	swait.ge [sflag:s29], $0x4000  }
0x108: {  	[sflag:s29] =	ssyncset.done $0x0  }
0x109: {  	s13 =	sadd.s32 $0x5200, s25;
	[sflag:s29] =	ssyncadd.s32 $0xFFFFC000  }
0x10a: {  	[spmem:s1] =	stream.indirect.scatter.add.f32 [tilespmem:s22], [sflag:$0x6], $0x20, s13, s21, $0xb8;
	[tilespmem:$0x1F000] =	vst v63  }
0x10b: {  	_ =	swait.ge [sflag:s30], $0x4000  }
0x10c: {  	[sflag:s30] =	ssyncset.done $0x0  }
0x10d: {  	s13 =	sadd.s32 $0x5400, s25;
	[sflag:s30] =	ssyncadd.s32 $0xFFFFC000  }
0x10e: {  	[spmem:s1] =	stream.indirect.scatter.add.f32 [tilespmem:s24], [sflag:$0x7], $0x20, s13, s21, $0xb8;
	[tilespmem:$0x1F000] =	vst v63  }
0x10f: {  	_ =	swait.ge [sflag:s31], $0x4000  }
0x110: {  	[sflag:s31] =	ssyncset.done $0x0  }
0x111: {  	s13 =	sadd.s32 $0x5600, s25;
	[sflag:s31] =	ssyncadd.s32 $0xFFFFC000  }
0x112: {  	[spmem:s1] =	stream.indirect.scatter.add.f32 [tilespmem:s26], [sflag:$0x8], $0x20, s13, s21, $0xb8;
	[tilespmem:$0x1F000] =	vst v63  }
0x113: {  	_ =	swait.ge [sflag:s0], $0x4000  }
0x114: {  	[sflag:s0] =	ssyncset.done $0x0  }
0x115: {  	s13 =	sadd.s32 $0x800, s25;
	[sflag:s0] =	ssyncadd.s32 $0xFFFFC000  }
0x116: {  	[tilespmem:s18], [sflag:$0x1] =	stream.indirect.gather [hbm4b:s5+s21], $0x20, s13, s21, $0xb8;
	[tilespmem:$0x1F000] =	vst v63  }
0x117: {  	_ =	swait.ge [sflag:s8], $0x4000  }
0x118: {  	[sflag:s8] =	ssyncset.done $0x0  }
0x119: {  	s13 =	sadd.s32 $0xA00, s25;
	[sflag:s8] =	ssyncadd.s32 $0xFFFFC000  }
0x11a: {  	[tilespmem:s22], [sflag:$0x2] =	stream.indirect.gather [hbm4b:s5+s21], $0x20, s13, s21, $0xb8;
	[tilespmem:$0x1F000] =	vst v63  }
0x11b: {  	_ =	swait.ge [sflag:s20], $0x4000  }
0x11c: {  	[sflag:s20] =	ssyncset.done $0x0  }
.Ltmp7:
0x11d: {  	s13 =	sadd.s32 $0xC00, s25;
	[sflag:s20] =	ssyncadd.s32 $0xFFFFC000;
	(pc) =	sbr.rel @p3 .LBB2_8-.Ltmp7, $4  }
0x11e: {  	[tilespmem:s24], [sflag:$0x3] =	stream.indirect.gather [hbm4b:s5+s21], $0x20, s13, s21, $0xb8;
	[tilespmem:$0x1F000] =	vst v63  }
0x11f: {  	_ =	swait.ge [sflag:s9], $0x4000  }
0x120: {  	[sflag:s9] =	ssyncset.done $0x0  }
0x121: {  	s25 =	sadd.s32 $0xE00, s25;
	[sflag:s9] =	ssyncadd.s32 $0xFFFFC000  }
0x122: {  	[tilespmem:s26], [sflag:$0x4] =	stream.indirect.gather [hbm4b:s5+s21], $0x20, s25, s21, $0xb8;
	[tilespmem:$0x1F000] =	vst v63  }
0x123: {  	_ =	swait.ge [sflag:s28], $0x4000  }
0x124: {  	[sflag:s28] =	ssyncset.done $0x0  }
0x125: {  	s12 =	simm.s32 $0x9000;
	[sflag:s28] =	ssyncadd.s32 $0xFFFFC000  }
0x126: {  	[spmem:s1] =	stream.indirect.scatter.add.f32 [tilespmem:s18], [sflag:$0x5], $0x20, s12, s21, $0xb8;
	[tilespmem:$0x1F000] =	vst v63  }
0x127: {  	_ =	swait.ge [sflag:s29], $0x4000  }
0x128: {  	[sflag:s29] =	ssyncset.done $0x0  }
0x129: {  	s13 =	simm.s32 $0x9200;
	[sflag:s29] =	ssyncadd.s32 $0xFFFFC000  }
0x12a: {  	[spmem:s1] =	stream.indirect.scatter.add.f32 [tilespmem:s22], [sflag:$0x6], $0x20, s13, s21, $0xb8;
	[tilespmem:$0x1F000] =	vst v63  }
0x12b: {  	_ =	swait.ge [sflag:s30], $0x4000  }
0x12c: {  	[sflag:s30] =	ssyncset.done $0x0  }
0x12d: {  	s14 =	simm.s32 $0x9400;
	[sflag:s30] =	ssyncadd.s32 $0xFFFFC000  }
0x12e: {  	[spmem:s1] =	stream.indirect.scatter.add.f32 [tilespmem:s24], [sflag:$0x7], $0x20, s14, s21, $0xb8;
	[tilespmem:$0x1F000] =	vst v63  }
0x12f: {  	_ =	swait.ge [sflag:s31], $0x4000  }
0x130: {  	[sflag:s31] =	ssyncset.done $0x0  }
0x131: {  	s25 =	simm.s32 $0x9600;
	[sflag:s31] =	ssyncadd.s32 $0xFFFFC000  }
0x132: {  	[spmem:s1] =	stream.indirect.scatter.add.f32 [tilespmem:s26], [sflag:$0x8], $0x20, s25, s21, $0xb8;
	[tilespmem:$0x1F000] =	vst v63  }
0x133: {  	_ =	swait.ge [sflag:s0], $0x4000  }
0x134: {  	[sflag:s0] =	ssyncset.done $0x0  }
0x135: {  	s13 =	simm.s32 $0x4800;
	[sflag:s0] =	ssyncadd.s32 $0xFFFFC000  }
0x136: {  	[tilespmem:s18], [sflag:$0x1] =	stream.indirect.gather [hbm4b:s5+s21], $0x20, s13, s21, $0xb8;
	[tilespmem:$0x1F000] =	vst v63  }
0x137: {  	_ =	swait.ge [sflag:s8], $0x4000  }
0x138: {  	[sflag:s8] =	ssyncset.done $0x0  }
0x139: {  	s14 =	simm.s32 $0x4A00;
	[sflag:s8] =	ssyncadd.s32 $0xFFFFC000  }
0x13a: {  	[tilespmem:s22], [sflag:$0x2] =	stream.indirect.gather [hbm4b:s5+s21], $0x20, s14, s21, $0xb8;
	[tilespmem:$0x1F000] =	vst v63  }
0x13b: {  	_ =	swait.ge [sflag:s20], $0x4000  }
0x13c: {  	[sflag:s20] =	ssyncset.done $0x0  }
0x13d: {  	s25 =	simm.s32 $0x4C00;
	[sflag:s20] =	ssyncadd.s32 $0xFFFFC000  }
0x13e: {  	[tilespmem:s24], [sflag:$0x3] =	stream.indirect.gather [hbm4b:s5+s21], $0x20, s25, s21, $0xb8;
	[tilespmem:$0x1F000] =	vst v63  }
0x13f: {  	_ =	swait.ge [sflag:s28], $0x4000  }
0x140: {  	[sflag:s28] =	ssyncset.done $0x0  }
0x141: {  	[sflag:s28] =	ssyncadd.s32 $0xFFFFC000  }
0x142: {  	[spmem:s1] =	stream.indirect.scatter.add.f32 [tilespmem:s18], [sflag:$0x5], $0x20, s15, s21, $0xb8;
	[tilespmem:$0x1F000] =	vst v63  }
0x143: {  	_ =	swait.ge [sflag:s29], $0x4000  }
0x144: {  	[sflag:s29] =	ssyncset.done $0x0  }
0x145: {  	[sflag:s29] =	ssyncadd.s32 $0xFFFFC000  }
0x146: {  	[spmem:s1] =	stream.indirect.scatter.add.f32 [tilespmem:s22], [sflag:$0x6], $0x20, s10, s21, $0xb8;
	[tilespmem:$0x1F000] =	vst v63  }
0x147: {  	_ =	swait.ge [sflag:s30], $0x4000  }
0x148: {  	[sflag:s30] =	ssyncset.done $0x0  }
0x149: {  	[sflag:s30] =	ssyncadd.s32 $0xFFFFC000  }
0x14a: {  	[spmem:s1] =	stream.indirect.scatter.add.f32 [tilespmem:s24], [sflag:$0x7], $0x20, s23, s21, $0xb8;
	[tilespmem:$0x1F000] =	vst v63  }
0x14b: {  	_ =	swait.ge [sflag:s9], $0x4000  }
0x14c: {  	[sflag:s9] =	ssyncset.done $0x0  }
0x14d: {  	[sflag:s9] =	ssyncadd.s32 $0xFFFFC000  }
0x14e: {  	_ =	swait.ge [sflag:s0], $0x4000  }
0x14f: {  	[sflag:s0] =	ssyncset.done $0x0  }
0x150: {  	[sflag:s0] =	ssyncadd.s32 $0xFFFFC000  }
0x151: {  	_ =	swait.ge [sflag:s8], $0x4000  }
.Ltmp8:
0x152: {  	[sflag:s8] =	ssyncset.done $0x0;
	(pc) =	sbr.rel @p0 .LBB2_11-.Ltmp8, $4  }
.Ltmp9:
0x153: {  	[sflag:s8] =	ssyncadd.s32 $0xFFFFC000;
	(pc) =	sbr.rel @!p0 .LBB2_10-.Ltmp9, $4  }
0x154: {  	_ =	swait.ge [sflag:s20], $0x4000  }
0x155: {  	[sflag:s20] =	ssyncset.done $0x0  }
0x156: {  	s12 =	smov.u32 s5;
	[sflag:s20] =	ssyncadd.s32 $0xFFFFC000  }
0x157: {  	_ = 	snop  }
.LBB2_12:
0x158: {  	_ =	sfence.sel $0x180000  }
0x159: {  	[bflag:$0x0] =	sbarrier.arrive $0xFFFF  }
0x15a: {  	_ =	strace $0x90000047  }
0x15b: {  	[bflag:$0x2] =	sbarrier.arrive $0xFFFF  }
0x15c: {  	s0 =	rddreg [dreg:$0x3]  }
0x15d: {  	s0 =	sadd.s32 @!p0 $0x100000, s0  }
0x15e: {  	[sflag:s0] =	ssyncadd.tile.s32 @!p0 $0x1;
	_ =	shalt  }
.Lfunc_end2:
_tile_overlayer_lowered:
.L_overlay_start_2:
0x15f: {  	(tag) =	ssettag $0x2  }
0x160: {  	s0 =	rddreg [dreg:$0x0];
	s2 =	stileid.u32  }
0x161: {  	s1 =	rddreg [dreg:$0x1];
	p0 =	sne.s32 s2, $0x0  }
0x162: {  	s3 =	rddreg [dreg:$0x2];
	[bflag:$0x3] =	sbarrier.arrive $0xFFFF;
	s2 =	simm.s32 @!p0 $0x1C09  }
0x163: {  	[timem:s3], [sflag:s2] =	dma.local @!p0 [hbm:s0], s1  }
0x164: {  	s0 =	simm.s32 @!p0 $0x9  }
0x165: {  	_ =	swait.ge @!p0 [sflag:s0], s1  }
0x166: {  	s1 =	ssub.s32 @!p0 $0x0, s1;
	[sflag:s0] =	ssyncset.done @!p0 $0x0  }
0x167: {  	[sflag:s0] =	ssyncadd.s32 @!p0 s1  }
0x168: {  	[bflag:$0x3] =	sbarrier.arrive $0xFFFF  }
0x169: {  	_ =	shalt  }

</sc_bundles>
